<compile_context>
chip_gen: v7x
topology: tpu7x:2x2x1
jax: 0.10.2.dev20260603
libtpu: 0.0.44.dev20260713+nightly
codegen_flags: <defaults>
</compile_context>

<pallas_src>
import functools

import jax
import jax.numpy as jnp
from jax import lax
from jax.experimental import pallas as pl
from jax.experimental.pallas import tpu as pltpu
from jax.experimental.pallas import tpu_sc as plsc

EMB_DIM = 64
BATCH = 16384
LANE = 128
NUM_SC = 2
NUM_SUBCORES = 16
NW = NUM_SC * NUM_SUBCORES
B_PER_W = BATCH // NW
GRP = 32
NBUF = 5
VEC = 16
ROW_CHUNK = 128

_sc_mesh = plsc.VectorSubcoreMesh(
    core_axis_name="c", subcore_axis_name="s",
    num_cores=NUM_SC, num_subcores=NUM_SUBCORES,
)


@functools.partial(
    pl.kernel,
    out_type=(
        jax.ShapeDtypeStruct((BATCH, EMB_DIM), jnp.float32),
        jax.ShapeDtypeStruct((BATCH, EMB_DIM), jnp.float32),
    ),
    mesh=_sc_mesh,
    scratch_types=[
        pltpu.VMEM((B_PER_W,), jnp.int32),
        pltpu.VMEM((B_PER_W,), jnp.int32),
    ] + [pltpu.VMEM((EMB_DIM, LANE), jnp.float32) for _ in range(2 * NBUF)] + [
        pltpu.VMEM((ROW_CHUNK, EMB_DIM), jnp.float32),
        pltpu.VMEM((ROW_CHUNK, EMB_DIM), jnp.float32),
        pltpu.SemaphoreType.DMA,
    ],
    compiler_params=pltpu.CompilerParams(needs_layout_passes=False),
)
def _sc_gather(targ_t, cont_t, targ_idx, cont_idx, t_out, c_out,
               ti_v, ci_v, blk_t0, blk_t1, blk_t2, blk_t3, blk_t4,
               blk_c0, blk_c1, blk_c2, blk_c3, blk_c4,
               t_rows, c_rows, sem):
    wid = lax.axis_index("s") * NUM_SC + lax.axis_index("c")
    base = wid * B_PER_W
    pltpu.sync_copy(targ_idx.at[pl.ds(base, B_PER_W)], ti_v)
    pltpu.sync_copy(cont_idx.at[pl.ds(base, B_PER_W)], ci_v)
    iota16 = lax.iota(jnp.int32, VEC)
    bufs_t = (blk_t0, blk_t1, blk_t2, blk_t3, blk_t4)
    bufs_c = (blk_c0, blk_c1, blk_c2, blk_c3, blk_c4)
    depth = NBUF - 1

    def fetch(table, idx_scalar, blk):
        tb = pl.multiple_of((idx_scalar >> 7) << 7, LANE)
        return pltpu.async_copy(table.at[:, pl.ds(tb, LANE)], blk, sem)

    def extract(blk, idx_scalar, rows, rel):
        col = jnp.broadcast_to(idx_scalar & (LANE - 1), (VEC,))
        for d16 in range(EMB_DIM // VEC):
            dv = iota16 + (d16 * VEC)
            vals = plsc.load_gather(blk, [dv, col])
            rows[rel, pl.ds(d16 * VEC, VEC)] = vals

    def chunk(cc, carry):
        def group(g, carry2):
            r0 = cc * ROW_CHUNK + g * GRP
            tvs = [ti_v[pl.ds(r0 + v * VEC, VEC)] for v in range(GRP // VEC)]
            cvs = [ci_v[pl.ds(r0 + v * VEC, VEC)] for v in range(GRP // VEC)]

            def idx_t(k):
                return tvs[k // VEC][k % VEC]

            def idx_c(k):
                return cvs[k // VEC][k % VEC]

            cps = []
            for k in range(depth):
                cps.append(fetch(targ_t, idx_t(k), bufs_t[k % NBUF]))
                cps.append(fetch(cont_t, idx_c(k), bufs_c[k % NBUF]))
            for k in range(GRP):
                rel = g * GRP + k
                if k + depth < GRP:
                    cps.append(
                        fetch(targ_t, idx_t(k + depth), bufs_t[(k + depth) % NBUF]))
                    cps.append(
                        fetch(cont_t, idx_c(k + depth), bufs_c[(k + depth) % NBUF]))
                cps.pop(0).wait()
                extract(bufs_t[k % NBUF], idx_t(k), t_rows, rel)
                cps.pop(0).wait()
                extract(bufs_c[k % NBUF], idx_c(k), c_rows, rel)
            return carry2

        lax.fori_loop(0, ROW_CHUNK // GRP, group, 0, unroll=False)
        pltpu.sync_copy(t_rows, t_out.at[pl.ds(base + cc * ROW_CHUNK, ROW_CHUNK)])
        pltpu.sync_copy(c_rows, c_out.at[pl.ds(base + cc * ROW_CHUNK, ROW_CHUNK)])
        return carry

    lax.fori_loop(0, B_PER_W // ROW_CHUNK, chunk, 0, unroll=False)


def _loss_body(t_ref, c_ref, out_ref):
    prod = t_ref[...] * c_ref[...]
    score = jnp.sum(prod, axis=1)
    out_ref[...] = jnp.full((1, 1), -jnp.sum(jax.nn.log_sigmoid(score)),
                            dtype=jnp.float32)


_loss_call = pl.pallas_call(
    _loss_body,
    out_shape=jax.ShapeDtypeStruct((1, 1), jnp.float32),
)


@jax.jit
def kernel(targ, cont, targ_table, cont_table):
    ti = targ.astype(jnp.int32)
    ci = cont.astype(jnp.int32)
    t_ems, c_ems = _sc_gather(targ_table.T, cont_table.T, ti, ci)
    return _loss_call(t_ems, c_ems)[0, 0]

# --- scband reference (transcript-rebuilt; emitter-appended) ---
"""Pipeline reference for scband-skipgram-model-80479097192820 (READ-ONLY COPY).

The authoritative reference and input builder live on the scoring server;
editing this copy changes nothing except your own understanding.
"""

import jax, jax.numpy as jnp
import numpy as np

EMB_SIZE = 1000000
EMB_DIM = 64
BATCH = 16384

def setup_inputs(seed: int = 0) -> dict:
    key = jax.random.key(seed)
    k1, k2, k3, k4 = jax.random.split(key, 4)
    targ = jax.random.randint(k1, (BATCH,), 0, EMB_SIZE, dtype=jnp.int64) if jax.config.jax_enable_x64 else jax.random.randint(k1, (BATCH,), 0, EMB_SIZE, dtype=jnp.int32)
    cont = jax.random.randint(k2, (BATCH,), 0, EMB_SIZE, dtype=jnp.int64) if jax.config.jax_enable_x64 else jax.random.randint(k2, (BATCH,), 0, EMB_SIZE, dtype=jnp.int32)
    init_range = 0.5 / EMB_SIZE
    targ_table = jax.random.uniform(k3, (EMB_SIZE, EMB_DIM), dtype=jnp.float32, minval=-init_range, maxval=init_range)
    cont_table = jax.random.normal(k4, (EMB_SIZE, EMB_DIM), dtype=jnp.float32) * 0.01
    return {"targ": targ, "cont": cont, "targ_table": targ_table, "cont_table": cont_table}

def reference(targ, cont, targ_table, cont_table):
    # targ_ems = self.targ_embeddings(targ)
    targ_ems = jnp.take(targ_table, targ, axis=0)
    # cont_ems = self.cont_embeddings(cont)
    cont_ems = jnp.take(cont_table, cont, axis=0)
    # score = mul then sum over dim=1, logsigmoid, negative sum
    score = jnp.multiply(targ_ems, cont_ems)
    score = jnp.sum(score, axis=1)
    score = jax.nn.log_sigmoid(score)
    return -1.0 * jnp.sum(score)

if False:  # reference __main__ guard neutralized (emitter)
    inp = setup_inputs()
    out = reference(**inp)
    print(out)

if __name__ == "__main__":
    import jax
    _d = setup_inputs()
    print(jax.jit(kernel)(*tuple(_d.values())))

</pallas_src>

<mosaic_0001>
#map = affine_map<(d0, d1) -> (0, 0)>
#map1 = affine_map<(d0, d1) -> (0)>
module attributes {stable_mosaic.version = 14 : i64} {
  func.func @_sc_gather(%arg0: i32, %arg1: i32, %arg2: memref<64x1000000xf32, #tpu.memory_space<hbm>>, %arg3: memref<64x1000000xf32, #tpu.memory_space<hbm>>, %arg4: memref<16384xi32, #tpu.memory_space<hbm>>, %arg5: memref<16384xi32, #tpu.memory_space<hbm>>, %arg6: memref<16384x64xf32, #tpu.memory_space<hbm>>, %arg7: memref<16384x64xf32, #tpu.memory_space<hbm>>, %arg8: memref<512xi32, #tpu.memory_space<vmem>>, %arg9: memref<512xi32, #tpu.memory_space<vmem>>, %arg10: memref<64x128xf32, #tpu.memory_space<vmem>>, %arg11: memref<64x128xf32, #tpu.memory_space<vmem>>, %arg12: memref<64x128xf32, #tpu.memory_space<vmem>>, %arg13: memref<64x128xf32, #tpu.memory_space<vmem>>, %arg14: memref<64x128xf32, #tpu.memory_space<vmem>>, %arg15: memref<64x128xf32, #tpu.memory_space<vmem>>, %arg16: memref<64x128xf32, #tpu.memory_space<vmem>>, %arg17: memref<64x128xf32, #tpu.memory_space<vmem>>, %arg18: memref<64x128xf32, #tpu.memory_space<vmem>>, %arg19: memref<64x128xf32, #tpu.memory_space<vmem>>, %arg20: memref<128x64xf32, #tpu.memory_space<vmem>>, %arg21: memref<128x64xf32, #tpu.memory_space<vmem>>, %arg22: memref<!tpu.dma_semaphore, #tpu.memory_space<semaphore_mem>>) attributes {dimension_semantics = [#tpu.dimension_semantics<core_parallel>, #tpu.dimension_semantics<subcore_parallel>], iteration_bounds = array<i64: 2, 16>, scalar_prefetch = 0 : i64, scratch_operands = 15 : i64, tpu.core_type = #tpu.core_type<sc_vector_subcore>, window_params = [{transform_indices = #map}, {transform_indices = #map}, {transform_indices = #map1}, {transform_indices = #map1}, {transform_indices = #map}, {transform_indices = #map}]} {
    %mul3A = arith.constant 2 : i32
    %mul3A_0 = arith.muli %arg1, %mul3A : i32
    %add3A = arith.addi %mul3A_0, %arg0 : i32
    %mul3A_1 = arith.constant 512 : i32
    %mul3A_2 = arith.muli %add3A, %mul3A_1 : i32
    "tpu.region"() ({
      %run_scoped3A = tpu.sem_alloc : memref<!tpu.dma_semaphore, #tpu.memory_space<semaphore_mem>>
      %dma_start3A = tpu.memref_slice %arg4[%mul3A_2] : memref<16384xi32, #tpu.memory_space<hbm>> -> memref<512xi32, #tpu.memory_space<hbm>>
      %dma_start3A_8 = tpu.memref_slice %arg4[%mul3A_2] : memref<16384xi32, #tpu.memory_space<hbm>> -> memref<512xi32, #tpu.memory_space<hbm>>
      tpu.enqueue_dma source(%dma_start3A_8 : memref<512xi32, #tpu.memory_space<hbm>>) target(%arg8 : memref<512xi32, #tpu.memory_space<vmem>>) target_semaphore(%run_scoped3A : memref<!tpu.dma_semaphore, #tpu.memory_space<semaphore_mem>>)
      %dma_wait3A = tpu.memref_slice %arg4[%mul3A_2] : memref<16384xi32, #tpu.memory_space<hbm>> -> memref<512xi32, #tpu.memory_space<hbm>>
      %dma_wait3A_9 = tpu.memref_slice %arg4[%mul3A_2] : memref<16384xi32, #tpu.memory_space<hbm>> -> memref<512xi32, #tpu.memory_space<hbm>>
      tpu.wait_dma2 semaphore(%run_scoped3A : memref<!tpu.dma_semaphore, #tpu.memory_space<semaphore_mem>>) src(%dma_wait3A_9 : memref<512xi32, #tpu.memory_space<hbm>>) dst(%arg8 : memref<512xi32, #tpu.memory_space<vmem>>)
      tpu.yield
    }) : () -> ()
    "tpu.region"() ({
      %run_scoped3A = tpu.sem_alloc : memref<!tpu.dma_semaphore, #tpu.memory_space<semaphore_mem>>
      %dma_start3A = tpu.memref_slice %arg5[%mul3A_2] : memref<16384xi32, #tpu.memory_space<hbm>> -> memref<512xi32, #tpu.memory_space<hbm>>
      %dma_start3A_8 = tpu.memref_slice %arg5[%mul3A_2] : memref<16384xi32, #tpu.memory_space<hbm>> -> memref<512xi32, #tpu.memory_space<hbm>>
      tpu.enqueue_dma source(%dma_start3A_8 : memref<512xi32, #tpu.memory_space<hbm>>) target(%arg9 : memref<512xi32, #tpu.memory_space<vmem>>) target_semaphore(%run_scoped3A : memref<!tpu.dma_semaphore, #tpu.memory_space<semaphore_mem>>)
      %dma_wait3A = tpu.memref_slice %arg5[%mul3A_2] : memref<16384xi32, #tpu.memory_space<hbm>> -> memref<512xi32, #tpu.memory_space<hbm>>
      %dma_wait3A_9 = tpu.memref_slice %arg5[%mul3A_2] : memref<16384xi32, #tpu.memory_space<hbm>> -> memref<512xi32, #tpu.memory_space<hbm>>
      tpu.wait_dma2 semaphore(%run_scoped3A : memref<!tpu.dma_semaphore, #tpu.memory_space<semaphore_mem>>) src(%dma_wait3A_9 : memref<512xi32, #tpu.memory_space<hbm>>) dst(%arg9 : memref<512xi32, #tpu.memory_space<vmem>>)
      tpu.yield
    }) : () -> ()
    %iota3A = tpu.iota {dimensions = array<i32: 0>} : vector<16xi32>
    %scan3A = arith.constant 0 : i32
    %scan3A_3 = arith.constant 0 : i32
    %scan3A_4 = arith.constant 4 : i32
    %scan3A_5 = arith.addi %scan3A_3, %scan3A_4 : i32
    %scan3A_6 = arith.constant 1 : i32
    scf.for %scan3A_8 = %scan3A_3 to %scan3A_5 step %scan3A_6  : i32 {
      %scan3A_9 = arith.constant 0 : i32
      %scan3A_10 = arith.constant 0 : i32
      %scan3A_11 = arith.constant 4 : i32
      %scan3A_12 = arith.addi %scan3A_10, %scan3A_11 : i32
      %scan3A_13 = arith.constant 1 : i32
      scf.for %scan3A_21 = %scan3A_10 to %scan3A_12 step %scan3A_13  : i32 {
        %mul3A_22 = arith.constant 128 : i32
        %mul3A_23 = arith.muli %scan3A_8, %mul3A_22 : i32
        %mul3A_24 = arith.constant 32 : i32
        %mul3A_25 = arith.muli %scan3A_21, %mul3A_24 : i32
        %add3A_26 = arith.addi %mul3A_23, %mul3A_25 : i32
        %add3A_27 = arith.constant 0 : i32
        %add3A_28 = arith.addi %add3A_26, %add3A_27 : i32
        %get3A = arith.index_cast %add3A_28 : i32 to index
        %get3A_29 = tpu.vector_load %arg8[%get3A] {strides = array<i32>} : memref<512xi32, #tpu.memory_space<vmem>>, vector<16xi32>,
        %add3A_30 = arith.constant 16 : i32
        %add3A_31 = arith.addi %add3A_26, %add3A_30 : i32
        %get3A_32 = arith.index_cast %add3A_31 : i32 to index
        %get3A_33 = tpu.vector_load %arg8[%get3A_32] {strides = array<i32>} : memref<512xi32, #tpu.memory_space<vmem>>, vector<16xi32>,
        %add3A_34 = arith.constant 0 : i32
        %add3A_35 = arith.addi %add3A_26, %add3A_34 : i32
        %get3A_36 = arith.index_cast %add3A_35 : i32 to index
        %get3A_37 = tpu.vector_load %arg9[%get3A_36] {strides = array<i32>} : memref<512xi32, #tpu.memory_space<vmem>>, vector<16xi32>,
        %add3A_38 = arith.constant 16 : i32
        %add3A_39 = arith.addi %add3A_26, %add3A_38 : i32
        %get3A_40 = arith.index_cast %add3A_39 : i32 to index
        %get3A_41 = tpu.vector_load %arg9[%get3A_40] {strides = array<i32>} : memref<512xi32, #tpu.memory_space<vmem>>, vector<16xi32>,
        %slice3A = vector.extract_strided_slice %get3A_29 {offsets = [0], sizes = [1], strides = [1]} : vector<16xi32> to vector<1xi32>
        %squeeze3A = vector.extract %slice3A[0] : i32 from vector<1xi32>
        %shift_right_arithmetic3A = arith.constant 7 : i32
        %shift_right_arithmetic3A_42 = arith.shrsi %squeeze3A, %shift_right_arithmetic3A : i32
        %shift_left3A = arith.constant 7 : i32
        %shift_left3A_43 = arith.shli %shift_right_arithmetic3A_42, %shift_left3A : i32
        %multiple_of3A = tpu.assume_multiple %shift_left3A_43, 128 : i32
        %dma_start3A = arith.constant 0 : i32
        %dma_start3A_44 = tpu.memref_slice %arg2[%dma_start3A, %multiple_of3A] : memref<64x1000000xf32, #tpu.memory_space<hbm>> -> memref<64x128xf32, #tpu.memory_space<hbm>>
        %dma_start3A_45 = arith.constant 0 : i32
        %dma_start3A_46 = tpu.memref_slice %arg2[%dma_start3A_45, %multiple_of3A] : memref<64x1000000xf32, #tpu.memory_space<hbm>> -> memref<64x128xf32, #tpu.memory_space<hbm>>
        tpu.enqueue_dma source(%dma_start3A_46 : memref<64x128xf32, #tpu.memory_space<hbm>>) target(%arg10 : memref<64x128xf32, #tpu.memory_space<vmem>>) target_semaphore(%arg22 : memref<!tpu.dma_semaphore, #tpu.memory_space<semaphore_mem>>)
        %slice3A_47 = vector.extract_strided_slice %get3A_37 {offsets = [0], sizes = [1], strides = [1]} : vector<16xi32> to vector<1xi32>
        %squeeze3A_48 = vector.extract %slice3A_47[0] : i32 from vector<1xi32>
        %shift_right_arithmetic3A_49 = arith.constant 7 : i32
        %shift_right_arithmetic3A_50 = arith.shrsi %squeeze3A_48, %shift_right_arithmetic3A_49 : i32
        %shift_left3A_51 = arith.constant 7 : i32
        %shift_left3A_52 = arith.shli %shift_right_arithmetic3A_50, %shift_left3A_51 : i32
        %multiple_of3A_53 = tpu.assume_multiple %shift_left3A_52, 128 : i32
        %dma_start3A_54 = arith.constant 0 : i32
        %dma_start3A_55 = tpu.memref_slice %arg3[%dma_start3A_54, %multiple_of3A_53] : memref<64x1000000xf32, #tpu.memory_space<hbm>> -> memref<64x128xf32, #tpu.memory_space<hbm>>
        %dma_start3A_56 = arith.constant 0 : i32
        %dma_start3A_57 = tpu.memref_slice %arg3[%dma_start3A_56, %multiple_of3A_53] : memref<64x1000000xf32, #tpu.memory_space<hbm>> -> memref<64x128xf32, #tpu.memory_space<hbm>>
        tpu.enqueue_dma source(%dma_start3A_57 : memref<64x128xf32, #tpu.memory_space<hbm>>) target(%arg15 : memref<64x128xf32, #tpu.memory_space<vmem>>) target_semaphore(%arg22 : memref<!tpu.dma_semaphore, #tpu.memory_space<semaphore_mem>>)
        %slice3A_58 = vector.extract_strided_slice %get3A_29 {offsets = [1], sizes = [1], strides = [1]} : vector<16xi32> to vector<1xi32>
        %squeeze3A_59 = vector.extract %slice3A_58[0] : i32 from vector<1xi32>
        %shift_right_arithmetic3A_60 = arith.constant 7 : i32
        %shift_right_arithmetic3A_61 = arith.shrsi %squeeze3A_59, %shift_right_arithmetic3A_60 : i32
        %shift_left3A_62 = arith.constant 7 : i32
        %shift_left3A_63 = arith.shli %shift_right_arithmetic3A_61, %shift_left3A_62 : i32
        %multiple_of3A_64 = tpu.assume_multiple %shift_left3A_63, 128 : i32
        %dma_start3A_65 = arith.constant 0 : i32
        %dma_start3A_66 = tpu.memref_slice %arg2[%dma_start3A_65, %multiple_of3A_64] : memref<64x1000000xf32, #tpu.memory_space<hbm>> -> memref<64x128xf32, #tpu.memory_space<hbm>>
        %dma_start3A_67 = arith.constant 0 : i32
        %dma_start3A_68 = tpu.memref_slice %arg2[%dma_start3A_67, %multiple_of3A_64] : memref<64x1000000xf32, #tpu.memory_space<hbm>> -> memref<64x128xf32, #tpu.memory_space<hbm>>
        tpu.enqueue_dma source(%dma_start3A_68 : memref<64x128xf32, #tpu.memory_space<hbm>>) target(%arg11 : memref<64x128xf32, #tpu.memory_space<vmem>>) target_semaphore(%arg22 : memref<!tpu.dma_semaphore, #tpu.memory_space<semaphore_mem>>)
        %slice3A_69 = vector.extract_strided_slice %get3A_37 {offsets = [1], sizes = [1], strides = [1]} : vector<16xi32> to vector<1xi32>
        %squeeze3A_70 = vector.extract %slice3A_69[0] : i32 from vector<1xi32>
        %shift_right_arithmetic3A_71 = arith.constant 7 : i32
        %shift_right_arithmetic3A_72 = arith.shrsi %squeeze3A_70, %shift_right_arithmetic3A_71 : i32
        %shift_left3A_73 = arith.constant 7 : i32
        %shift_left3A_74 = arith.shli %shift_right_arithmetic3A_72, %shift_left3A_73 : i32
        %multiple_of3A_75 = tpu.assume_multiple %shift_left3A_74, 128 : i32
        %dma_start3A_76 = arith.constant 0 : i32
        %dma_start3A_77 = tpu.memref_slice %arg3[%dma_start3A_76, %multiple_of3A_75] : memref<64x1000000xf32, #tpu.memory_space<hbm>> -> memref<64x128xf32, #tpu.memory_space<hbm>>
        %dma_start3A_78 = arith.constant 0 : i32
        %dma_start3A_79 = tpu.memref_slice %arg3[%dma_start3A_78, %multiple_of3A_75] : memref<64x1000000xf32, #tpu.memory_space<hbm>> -> memref<64x128xf32, #tpu.memory_space<hbm>>
        tpu.enqueue_dma source(%dma_start3A_79 : memref<64x128xf32, #tpu.memory_space<hbm>>) target(%arg16 : memref<64x128xf32, #tpu.memory_space<vmem>>) target_semaphore(%arg22 : memref<!tpu.dma_semaphore, #tpu.memory_space<semaphore_mem>>)
        %slice3A_80 = vector.extract_strided_slice %get3A_29 {offsets = [2], sizes = [1], strides = [1]} : vector<16xi32> to vector<1xi32>
        %squeeze3A_81 = vector.extract %slice3A_80[0] : i32 from vector<1xi32>
        %shift_right_arithmetic3A_82 = arith.constant 7 : i32
        %shift_right_arithmetic3A_83 = arith.shrsi %squeeze3A_81, %shift_right_arithmetic3A_82 : i32
        %shift_left3A_84 = arith.constant 7 : i32
        %shift_left3A_85 = arith.shli %shift_right_arithmetic3A_83, %shift_left3A_84 : i32
        %multiple_of3A_86 = tpu.assume_multiple %shift_left3A_85, 128 : i32
        %dma_start3A_87 = arith.constant 0 : i32
        %dma_start3A_88 = tpu.memref_slice %arg2[%dma_start3A_87, %multiple_of3A_86] : memref<64x1000000xf32, #tpu.memory_space<hbm>> -> memref<64x128xf32, #tpu.memory_space<hbm>>
        %dma_start3A_89 = arith.constant 0 : i32
        %dma_start3A_90 = tpu.memref_slice %arg2[%dma_start3A_89, %multiple_of3A_86] : memref<64x1000000xf32, #tpu.memory_space<hbm>> -> memref<64x128xf32, #tpu.memory_space<hbm>>
        tpu.enqueue_dma source(%dma_start3A_90 : memref<64x128xf32, #tpu.memory_space<hbm>>) target(%arg12 : memref<64x128xf32, #tpu.memory_space<vmem>>) target_semaphore(%arg22 : memref<!tpu.dma_semaphore, #tpu.memory_space<semaphore_mem>>)
        %slice3A_91 = vector.extract_strided_slice %get3A_37 {offsets = [2], sizes = [1], strides = [1]} : vector<16xi32> to vector<1xi32>
        %squeeze3A_92 = vector.extract %slice3A_91[0] : i32 from vector<1xi32>
        %shift_right_arithmetic3A_93 = arith.constant 7 : i32
        %shift_right_arithmetic3A_94 = arith.shrsi %squeeze3A_92, %shift_right_arithmetic3A_93 : i32
        %shift_left3A_95 = arith.constant 7 : i32
        %shift_left3A_96 = arith.shli %shift_right_arithmetic3A_94, %shift_left3A_95 : i32
        %multiple_of3A_97 = tpu.assume_multiple %shift_left3A_96, 128 : i32
        %dma_start3A_98 = arith.constant 0 : i32
        %dma_start3A_99 = tpu.memref_slice %arg3[%dma_start3A_98, %multiple_of3A_97] : memref<64x1000000xf32, #tpu.memory_space<hbm>> -> memref<64x128xf32, #tpu.memory_space<hbm>>
        %dma_start3A_100 = arith.constant 0 : i32
        %dma_start3A_101 = tpu.memref_slice %arg3[%dma_start3A_100, %multiple_of3A_97] : memref<64x1000000xf32, #tpu.memory_space<hbm>> -> memref<64x128xf32, #tpu.memory_space<hbm>>
        tpu.enqueue_dma source(%dma_start3A_101 : memref<64x128xf32, #tpu.memory_space<hbm>>) target(%arg17 : memref<64x128xf32, #tpu.memory_space<vmem>>) target_semaphore(%arg22 : memref<!tpu.dma_semaphore, #tpu.memory_space<semaphore_mem>>)
        %slice3A_102 = vector.extract_strided_slice %get3A_29 {offsets = [3], sizes = [1], strides = [1]} : vector<16xi32> to vector<1xi32>
        %squeeze3A_103 = vector.extract %slice3A_102[0] : i32 from vector<1xi32>
        %shift_right_arithmetic3A_104 = arith.constant 7 : i32
        %shift_right_arithmetic3A_105 = arith.shrsi %squeeze3A_103, %shift_right_arithmetic3A_104 : i32
        %shift_left3A_106 = arith.constant 7 : i32
        %shift_left3A_107 = arith.shli %shift_right_arithmetic3A_105, %shift_left3A_106 : i32
        %multiple_of3A_108 = tpu.assume_multiple %shift_left3A_107, 128 : i32
        %dma_start3A_109 = arith.constant 0 : i32
        %dma_start3A_110 = tpu.memref_slice %arg2[%dma_start3A_109, %multiple_of3A_108] : memref<64x1000000xf32, #tpu.memory_space<hbm>> -> memref<64x128xf32, #tpu.memory_space<hbm>>
        %dma_start3A_111 = arith.constant 0 : i32
        %dma_start3A_112 = tpu.memref_slice %arg2[%dma_start3A_111, %multiple_of3A_108] : memref<64x1000000xf32, #tpu.memory_space<hbm>> -> memref<64x128xf32, #tpu.memory_space<hbm>>
        tpu.enqueue_dma source(%dma_start3A_112 : memref<64x128xf32, #tpu.memory_space<hbm>>) target(%arg13 : memref<64x128xf32, #tpu.memory_space<vmem>>) target_semaphore(%arg22 : memref<!tpu.dma_semaphore, #tpu.memory_space<semaphore_mem>>)
        %slice3A_113 = vector.extract_strided_slice %get3A_37 {offsets = [3], sizes = [1], strides = [1]} : vector<16xi32> to vector<1xi32>
        %squeeze3A_114 = vector.extract %slice3A_113[0] : i32 from vector<1xi32>
        %shift_right_arithmetic3A_115 = arith.constant 7 : i32
        %shift_right_arithmetic3A_116 = arith.shrsi %squeeze3A_114, %shift_right_arithmetic3A_115 : i32
        %shift_left3A_117 = arith.constant 7 : i32
        %shift_left3A_118 = arith.shli %shift_right_arithmetic3A_116, %shift_left3A_117 : i32
        %multiple_of3A_119 = tpu.assume_multiple %shift_left3A_118, 128 : i32
        %dma_start3A_120 = arith.constant 0 : i32
        %dma_start3A_121 = tpu.memref_slice %arg3[%dma_start3A_120, %multiple_of3A_119] : memref<64x1000000xf32, #tpu.memory_space<hbm>> -> memref<64x128xf32, #tpu.memory_space<hbm>>
        %dma_start3A_122 = arith.constant 0 : i32
        %dma_start3A_123 = tpu.memref_slice %arg3[%dma_start3A_122, %multiple_of3A_119] : memref<64x1000000xf32, #tpu.memory_space<hbm>> -> memref<64x128xf32, #tpu.memory_space<hbm>>
        tpu.enqueue_dma source(%dma_start3A_123 : memref<64x128xf32, #tpu.memory_space<hbm>>) target(%arg18 : memref<64x128xf32, #tpu.memory_space<vmem>>) target_semaphore(%arg22 : memref<!tpu.dma_semaphore, #tpu.memory_space<semaphore_mem>>)
        %mul3A_124 = arith.constant 32 : i32
        %mul3A_125 = arith.muli %scan3A_21, %mul3A_124 : i32
        %add3A_126 = arith.constant 0 : i32
        %add3A_127 = arith.addi %mul3A_125, %add3A_126 : i32
        %slice3A_128 = vector.extract_strided_slice %get3A_29 {offsets = [4], sizes = [1], strides = [1]} : vector<16xi32> to vector<1xi32>
        %squeeze3A_129 = vector.extract %slice3A_128[0] : i32 from vector<1xi32>
        %shift_right_arithmetic3A_130 = arith.constant 7 : i32
        %shift_right_arithmetic3A_131 = arith.shrsi %squeeze3A_129, %shift_right_arithmetic3A_130 : i32
        %shift_left3A_132 = arith.constant 7 : i32
        %shift_left3A_133 = arith.shli %shift_right_arithmetic3A_131, %shift_left3A_132 : i32
        %multiple_of3A_134 = tpu.assume_multiple %shift_left3A_133, 128 : i32
        %dma_start3A_135 = arith.constant 0 : i32
        %dma_start3A_136 = tpu.memref_slice %arg2[%dma_start3A_135, %multiple_of3A_134] : memref<64x1000000xf32, #tpu.memory_space<hbm>> -> memref<64x128xf32, #tpu.memory_space<hbm>>
        %dma_start3A_137 = arith.constant 0 : i32
        %dma_start3A_138 = tpu.memref_slice %arg2[%dma_start3A_137, %multiple_of3A_134] : memref<64x1000000xf32, #tpu.memory_space<hbm>> -> memref<64x128xf32, #tpu.memory_space<hbm>>
        tpu.enqueue_dma source(%dma_start3A_138 : memref<64x128xf32, #tpu.memory_space<hbm>>) target(%arg14 : memref<64x128xf32, #tpu.memory_space<vmem>>) target_semaphore(%arg22 : memref<!tpu.dma_semaphore, #tpu.memory_space<semaphore_mem>>)
        %slice3A_139 = vector.extract_strided_slice %get3A_37 {offsets = [4], sizes = [1], strides = [1]} : vector<16xi32> to vector<1xi32>
        %squeeze3A_140 = vector.extract %slice3A_139[0] : i32 from vector<1xi32>
        %shift_right_arithmetic3A_141 = arith.constant 7 : i32
        %shift_right_arithmetic3A_142 = arith.shrsi %squeeze3A_140, %shift_right_arithmetic3A_141 : i32
        %shift_left3A_143 = arith.constant 7 : i32
        %shift_left3A_144 = arith.shli %shift_right_arithmetic3A_142, %shift_left3A_143 : i32
        %multiple_of3A_145 = tpu.assume_multiple %shift_left3A_144, 128 : i32
        %dma_start3A_146 = arith.constant 0 : i32
        %dma_start3A_147 = tpu.memref_slice %arg3[%dma_start3A_146, %multiple_of3A_145] : memref<64x1000000xf32, #tpu.memory_space<hbm>> -> memref<64x128xf32, #tpu.memory_space<hbm>>
        %dma_start3A_148 = arith.constant 0 : i32
        %dma_start3A_149 = tpu.memref_slice %arg3[%dma_start3A_148, %multiple_of3A_145] : memref<64x1000000xf32, #tpu.memory_space<hbm>> -> memref<64x128xf32, #tpu.memory_space<hbm>>
        tpu.enqueue_dma source(%dma_start3A_149 : memref<64x128xf32, #tpu.memory_space<hbm>>) target(%arg19 : memref<64x128xf32, #tpu.memory_space<vmem>>) target_semaphore(%arg22 : memref<!tpu.dma_semaphore, #tpu.memory_space<semaphore_mem>>)
        %dma_wait3A = arith.constant 0 : i32
        %dma_wait3A_150 = tpu.memref_slice %arg2[%dma_wait3A, %multiple_of3A] : memref<64x1000000xf32, #tpu.memory_space<hbm>> -> memref<64x128xf32, #tpu.memory_space<hbm>>
        %dma_wait3A_151 = arith.constant 0 : i32
        %dma_wait3A_152 = tpu.memref_slice %arg2[%dma_wait3A_151, %multiple_of3A] : memref<64x1000000xf32, #tpu.memory_space<hbm>> -> memref<64x128xf32, #tpu.memory_space<hbm>>
        tpu.wait_dma2 semaphore(%arg22 : memref<!tpu.dma_semaphore, #tpu.memory_space<semaphore_mem>>) src(%dma_wait3A_152 : memref<64x128xf32, #tpu.memory_space<hbm>>) dst(%arg10 : memref<64x128xf32, #tpu.memory_space<vmem>>)
        %slice3A_153 = vector.extract_strided_slice %get3A_29 {offsets = [0], sizes = [1], strides = [1]} : vector<16xi32> to vector<1xi32>
        %squeeze3A_154 = vector.extract %slice3A_153[0] : i32 from vector<1xi32>
        %and3A = arith.constant 127 : i32
        %and3A_155 = arith.andi %squeeze3A_154, %and3A : i32
        %broadcast_in_dim3A = vector.broadcast %and3A_155 : i32 to vector<16xi32>
        %add3A_156 = arith.constant 0 : i32
        %add3A_157 = vector.broadcast %add3A_156 : i32 to vector<16xi32>
        %add3A_158 = arith.addi %iota3A, %add3A_157 : vector<16xi32>
        %gather3A = tpu.vector_load_idx %arg10[%add3A_158, %broadcast_in_dim3A] : memref<64x128xf32, #tpu.memory_space<vmem>>[vector<16xi32>, vector<16xi32>], vector<16xf32>,
        %swap3A = arith.index_cast %add3A_127 : i32 to index
        %swap3A_159 = arith.constant 0 : index
        %swap3A_160 = tpu.vector_load %arg20[%swap3A, %swap3A_159] {strides = array<i32>} : memref<128x64xf32, #tpu.memory_space<vmem>>, vector<16xf32>,
        tpu.vector_store %arg20[%swap3A, %swap3A_159], %gather3A {strides = array<i32>} : memref<128x64xf32, #tpu.memory_space<vmem>>, vector<16xf32>,
        %add3A_161 = arith.constant 16 : i32
        %add3A_162 = vector.broadcast %add3A_161 : i32 to vector<16xi32>
        %add3A_163 = arith.addi %iota3A, %add3A_162 : vector<16xi32>
        %gather3A_164 = tpu.vector_load_idx %arg10[%add3A_163, %broadcast_in_dim3A] : memref<64x128xf32, #tpu.memory_space<vmem>>[vector<16xi32>, vector<16xi32>], vector<16xf32>,
        %swap3A_165 = arith.index_cast %add3A_127 : i32 to index
        %swap3A_166 = arith.constant 16 : index
        %swap3A_167 = tpu.vector_load %arg20[%swap3A_165, %swap3A_166] {strides = array<i32>} : memref<128x64xf32, #tpu.memory_space<vmem>>, vector<16xf32>,
        tpu.vector_store %arg20[%swap3A_165, %swap3A_166], %gather3A_164 {strides = array<i32>} : memref<128x64xf32, #tpu.memory_space<vmem>>, vector<16xf32>,
        %add3A_168 = arith.constant 32 : i32
        %add3A_169 = vector.broadcast %add3A_168 : i32 to vector<16xi32>
        %add3A_170 = arith.addi %iota3A, %add3A_169 : vector<16xi32>
        %gather3A_171 = tpu.vector_load_idx %arg10[%add3A_170, %broadcast_in_dim3A] : memref<64x128xf32, #tpu.memory_space<vmem>>[vector<16xi32>, vector<16xi32>], vector<16xf32>,
        %swap3A_172 = arith.index_cast %add3A_127 : i32 to index
        %swap3A_173 = arith.constant 32 : index
        %swap3A_174 = tpu.vector_load %arg20[%swap3A_172, %swap3A_173] {strides = array<i32>} : memref<128x64xf32, #tpu.memory_space<vmem>>, vector<16xf32>,
        tpu.vector_store %arg20[%swap3A_172, %swap3A_173], %gather3A_171 {strides = array<i32>} : memref<128x64xf32, #tpu.memory_space<vmem>>, vector<16xf32>,
        %add3A_175 = arith.constant 48 : i32
        %add3A_176 = vector.broadcast %add3A_175 : i32 to vector<16xi32>
        %add3A_177 = arith.addi %iota3A, %add3A_176 : vector<16xi32>
        %gather3A_178 = tpu.vector_load_idx %arg10[%add3A_177, %broadcast_in_dim3A] : memref<64x128xf32, #tpu.memory_space<vmem>>[vector<16xi32>, vector<16xi32>], vector<16xf32>,
        %swap3A_179 = arith.index_cast %add3A_127 : i32 to index
        %swap3A_180 = arith.constant 48 : index
        %swap3A_181 = tpu.vector_load %arg20[%swap3A_179, %swap3A_180] {strides = array<i32>} : memref<128x64xf32, #tpu.memory_space<vmem>>, vector<16xf32>,
        tpu.vector_store %arg20[%swap3A_179, %swap3A_180], %gather3A_178 {strides = array<i32>} : memref<128x64xf32, #tpu.memory_space<vmem>>, vector<16xf32>,
        %dma_wait3A_182 = arith.constant 0 : i32
        %dma_wait3A_183 = tpu.memref_slice %arg3[%dma_wait3A_182, %multiple_of3A_53] : memref<64x1000000xf32, #tpu.memory_space<hbm>> -> memref<64x128xf32, #tpu.memory_space<hbm>>
        %dma_wait3A_184 = arith.constant 0 : i32
        %dma_wait3A_185 = tpu.memref_slice %arg3[%dma_wait3A_184, %multiple_of3A_53] : memref<64x1000000xf32, #tpu.memory_space<hbm>> -> memref<64x128xf32, #tpu.memory_space<hbm>>
        tpu.wait_dma2 semaphore(%arg22 : memref<!tpu.dma_semaphore, #tpu.memory_space<semaphore_mem>>) src(%dma_wait3A_185 : memref<64x128xf32, #tpu.memory_space<hbm>>) dst(%arg15 : memref<64x128xf32, #tpu.memory_space<vmem>>)
        %slice3A_186 = vector.extract_strided_slice %get3A_37 {offsets = [0], sizes = [1], strides = [1]} : vector<16xi32> to vector<1xi32>
        %squeeze3A_187 = vector.extract %slice3A_186[0] : i32 from vector<1xi32>
        %and3A_188 = arith.constant 127 : i32
        %and3A_189 = arith.andi %squeeze3A_187, %and3A_188 : i32
        %broadcast_in_dim3A_190 = vector.broadcast %and3A_189 : i32 to vector<16xi32>
        %add3A_191 = arith.constant 0 : i32
        %add3A_192 = vector.broadcast %add3A_191 : i32 to vector<16xi32>
        %add3A_193 = arith.addi %iota3A, %add3A_192 : vector<16xi32>
        %gather3A_194 = tpu.vector_load_idx %arg15[%add3A_193, %broadcast_in_dim3A_190] : memref<64x128xf32, #tpu.memory_space<vmem>>[vector<16xi32>, vector<16xi32>], vector<16xf32>,
        %swap3A_195 = arith.index_cast %add3A_127 : i32 to index
        %swap3A_196 = arith.constant 0 : index
        %swap3A_197 = tpu.vector_load %arg21[%swap3A_195, %swap3A_196] {strides = array<i32>} : memref<128x64xf32, #tpu.memory_space<vmem>>, vector<16xf32>,
        tpu.vector_store %arg21[%swap3A_195, %swap3A_196], %gather3A_194 {strides = array<i32>} : memref<128x64xf32, #tpu.memory_space<vmem>>, vector<16xf32>,
        %add3A_198 = arith.constant 16 : i32
        %add3A_199 = vector.broadcast %add3A_198 : i32 to vector<16xi32>
        %add3A_200 = arith.addi %iota3A, %add3A_199 : vector<16xi32>
        %gather3A_201 = tpu.vector_load_idx %arg15[%add3A_200, %broadcast_in_dim3A_190] : memref<64x128xf32, #tpu.memory_space<vmem>>[vector<16xi32>, vector<16xi32>], vector<16xf32>,
        %swap3A_202 = arith.index_cast %add3A_127 : i32 to index
        %swap3A_203 = arith.constant 16 : index
        %swap3A_204 = tpu.vector_load %arg21[%swap3A_202, %swap3A_203] {strides = array<i32>} : memref<128x64xf32, #tpu.memory_space<vmem>>, vector<16xf32>,
        tpu.vector_store %arg21[%swap3A_202, %swap3A_203], %gather3A_201 {strides = array<i32>} : memref<128x64xf32, #tpu.memory_space<vmem>>, vector<16xf32>,
        %add3A_205 = arith.constant 32 : i32
        %add3A_206 = vector.broadcast %add3A_205 : i32 to vector<16xi32>
        %add3A_207 = arith.addi %iota3A, %add3A_206 : vector<16xi32>
        %gather3A_208 = tpu.vector_load_idx %arg15[%add3A_207, %broadcast_in_dim3A_190] : memref<64x128xf32, #tpu.memory_space<vmem>>[vector<16xi32>, vector<16xi32>], vector<16xf32>,
        %swap3A_209 = arith.index_cast %add3A_127 : i32 to index
        %swap3A_210 = arith.constant 32 : index
        %swap3A_211 = tpu.vector_load %arg21[%swap3A_209, %swap3A_210] {strides = array<i32>} : memref<128x64xf32, #tpu.memory_space<vmem>>, vector<16xf32>,
        tpu.vector_store %arg21[%swap3A_209, %swap3A_210], %gather3A_208 {strides = array<i32>} : memref<128x64xf32, #tpu.memory_space<vmem>>, vector<16xf32>,
        %add3A_212 = arith.constant 48 : i32
        %add3A_213 = vector.broadcast %add3A_212 : i32 to vector<16xi32>
        %add3A_214 = arith.addi %iota3A, %add3A_213 : vector<16xi32>
        %gather3A_215 = tpu.vector_load_idx %arg15[%add3A_214, %broadcast_in_dim3A_190] : memref<64x128xf32, #tpu.memory_space<vmem>>[vector<16xi32>, vector<16xi32>], vector<16xf32>,
        %swap3A_216 = arith.index_cast %add3A_127 : i32 to index
        %swap3A_217 = arith.constant 48 : index
        %swap3A_218 = tpu.vector_load %arg21[%swap3A_216, %swap3A_217] {strides = array<i32>} : memref<128x64xf32, #tpu.memory_space<vmem>>, vector<16xf32>,
        tpu.vector_store %arg21[%swap3A_216, %swap3A_217], %gather3A_215 {strides = array<i32>} : memref<128x64xf32, #tpu.memory_space<vmem>>, vector<16xf32>,
        %mul3A_219 = arith.constant 32 : i32
        %mul3A_220 = arith.muli %scan3A_21, %mul3A_219 : i32
        %add3A_221 = arith.constant 1 : i32
        %add3A_222 = arith.addi %mul3A_220, %add3A_221 : i32
        %slice3A_223 = vector.extract_strided_slice %get3A_29 {offsets = [5], sizes = [1], strides = [1]} : vector<16xi32> to vector<1xi32>
        %squeeze3A_224 = vector.extract %slice3A_223[0] : i32 from vector<1xi32>
        %shift_right_arithmetic3A_225 = arith.constant 7 : i32
        %shift_right_arithmetic3A_226 = arith.shrsi %squeeze3A_224, %shift_right_arithmetic3A_225 : i32
        %shift_left3A_227 = arith.constant 7 : i32
        %shift_left3A_228 = arith.shli %shift_right_arithmetic3A_226, %shift_left3A_227 : i32
        %multiple_of3A_229 = tpu.assume_multiple %shift_left3A_228, 128 : i32
        %dma_start3A_230 = arith.constant 0 : i32
        %dma_start3A_231 = tpu.memref_slice %arg2[%dma_start3A_230, %multiple_of3A_229] : memref<64x1000000xf32, #tpu.memory_space<hbm>> -> memref<64x128xf32, #tpu.memory_space<hbm>>
        %dma_start3A_232 = arith.constant 0 : i32
        %dma_start3A_233 = tpu.memref_slice %arg2[%dma_start3A_232, %multiple_of3A_229] : memref<64x1000000xf32, #tpu.memory_space<hbm>> -> memref<64x128xf32, #tpu.memory_space<hbm>>
        tpu.enqueue_dma source(%dma_start3A_233 : memref<64x128xf32, #tpu.memory_space<hbm>>) target(%arg10 : memref<64x128xf32, #tpu.memory_space<vmem>>) target_semaphore(%arg22 : memref<!tpu.dma_semaphore, #tpu.memory_space<semaphore_mem>>)
        %slice3A_234 = vector.extract_strided_slice %get3A_37 {offsets = [5], sizes = [1], strides = [1]} : vector<16xi32> to vector<1xi32>
        %squeeze3A_235 = vector.extract %slice3A_234[0] : i32 from vector<1xi32>
        %shift_right_arithmetic3A_236 = arith.constant 7 : i32
        %shift_right_arithmetic3A_237 = arith.shrsi %squeeze3A_235, %shift_right_arithmetic3A_236 : i32
        %shift_left3A_238 = arith.constant 7 : i32
        %shift_left3A_239 = arith.shli %shift_right_arithmetic3A_237, %shift_left3A_238 : i32
        %multiple_of3A_240 = tpu.assume_multiple %shift_left3A_239, 128 : i32
        %dma_start3A_241 = arith.constant 0 : i32
        %dma_start3A_242 = tpu.memref_slice %arg3[%dma_start3A_241, %multiple_of3A_240] : memref<64x1000000xf32, #tpu.memory_space<hbm>> -> memref<64x128xf32, #tpu.memory_space<hbm>>
        %dma_start3A_243 = arith.constant 0 : i32
        %dma_start3A_244 = tpu.memref_slice %arg3[%dma_start3A_243, %multiple_of3A_240] : memref<64x1000000xf32, #tpu.memory_space<hbm>> -> memref<64x128xf32, #tpu.memory_space<hbm>>
        tpu.enqueue_dma source(%dma_start3A_244 : memref<64x128xf32, #tpu.memory_space<hbm>>) target(%arg15 : memref<64x128xf32, #tpu.memory_space<vmem>>) target_semaphore(%arg22 : memref<!tpu.dma_semaphore, #tpu.memory_space<semaphore_mem>>)
        %dma_wait3A_245 = arith.constant 0 : i32
        %dma_wait3A_246 = tpu.memref_slice %arg2[%dma_wait3A_245, %multiple_of3A_64] : memref<64x1000000xf32, #tpu.memory_space<hbm>> -> memref<64x128xf32, #tpu.memory_space<hbm>>
        %dma_wait3A_247 = arith.constant 0 : i32
        %dma_wait3A_248 = tpu.memref_slice %arg2[%dma_wait3A_247, %multiple_of3A_64] : memref<64x1000000xf32, #tpu.memory_space<hbm>> -> memref<64x128xf32, #tpu.memory_space<hbm>>
        tpu.wait_dma2 semaphore(%arg22 : memref<!tpu.dma_semaphore, #tpu.memory_space<semaphore_mem>>) src(%dma_wait3A_248 : memref<64x128xf32, #tpu.memory_space<hbm>>) dst(%arg11 : memref<64x128xf32, #tpu.memory_space<vmem>>)
        %slice3A_249 = vector.extract_strided_slice %get3A_29 {offsets = [1], sizes = [1], strides = [1]} : vector<16xi32> to vector<1xi32>
        %squeeze3A_250 = vector.extract %slice3A_249[0] : i32 from vector<1xi32>
        %and3A_251 = arith.constant 127 : i32
        %and3A_252 = arith.andi %squeeze3A_250, %and3A_251 : i32
        %broadcast_in_dim3A_253 = vector.broadcast %and3A_252 : i32 to vector<16xi32>
        %add3A_254 = arith.constant 0 : i32
        %add3A_255 = vector.broadcast %add3A_254 : i32 to vector<16xi32>
        %add3A_256 = arith.addi %iota3A, %add3A_255 : vector<16xi32>
        %gather3A_257 = tpu.vector_load_idx %arg11[%add3A_256, %broadcast_in_dim3A_253] : memref<64x128xf32, #tpu.memory_space<vmem>>[vector<16xi32>, vector<16xi32>], vector<16xf32>,
        %swap3A_258 = arith.index_cast %add3A_222 : i32 to index
        %swap3A_259 = arith.constant 0 : index
        %swap3A_260 = tpu.vector_load %arg20[%swap3A_258, %swap3A_259] {strides = array<i32>} : memref<128x64xf32, #tpu.memory_space<vmem>>, vector<16xf32>,
        tpu.vector_store %arg20[%swap3A_258, %swap3A_259], %gather3A_257 {strides = array<i32>} : memref<128x64xf32, #tpu.memory_space<vmem>>, vector<16xf32>,
        %add3A_261 = arith.constant 16 : i32
        %add3A_262 = vector.broadcast %add3A_261 : i32 to vector<16xi32>
        %add3A_263 = arith.addi %iota3A, %add3A_262 : vector<16xi32>
        %gather3A_264 = tpu.vector_load_idx %arg11[%add3A_263, %broadcast_in_dim3A_253] : memref<64x128xf32, #tpu.memory_space<vmem>>[vector<16xi32>, vector<16xi32>], vector<16xf32>,
        %swap3A_265 = arith.index_cast %add3A_222 : i32 to index
        %swap3A_266 = arith.constant 16 : index
        %swap3A_267 = tpu.vector_load %arg20[%swap3A_265, %swap3A_266] {strides = array<i32>} : memref<128x64xf32, #tpu.memory_space<vmem>>, vector<16xf32>,
        tpu.vector_store %arg20[%swap3A_265, %swap3A_266], %gather3A_264 {strides = array<i32>} : memref<128x64xf32, #tpu.memory_space<vmem>>, vector<16xf32>,
        %add3A_268 = arith.constant 32 : i32
        %add3A_269 = vector.broadcast %add3A_268 : i32 to vector<16xi32>
        %add3A_270 = arith.addi %iota3A, %add3A_269 : vector<16xi32>
        %gather3A_271 = tpu.vector_load_idx %arg11[%add3A_270, %broadcast_in_dim3A_253] : memref<64x128xf32, #tpu.memory_space<vmem>>[vector<16xi32>, vector<16xi32>], vector<16xf32>,
        %swap3A_272 = arith.index_cast %add3A_222 : i32 to index
        %swap3A_273 = arith.constant 32 : index
        %swap3A_274 = tpu.vector_load %arg20[%swap3A_272, %swap3A_273] {strides = array<i32>} : memref<128x64xf32, #tpu.memory_space<vmem>>, vector<16xf32>,
        tpu.vector_store %arg20[%swap3A_272, %swap3A_273], %gather3A_271 {strides = array<i32>} : memref<128x64xf32, #tpu.memory_space<vmem>>, vector<16xf32>,
        %add3A_275 = arith.constant 48 : i32
        %add3A_276 = vector.broadcast %add3A_275 : i32 to vector<16xi32>
        %add3A_277 = arith.addi %iota3A, %add3A_276 : vector<16xi32>
        %gather3A_278 = tpu.vector_load_idx %arg11[%add3A_277, %broadcast_in_dim3A_253] : memref<64x128xf32, #tpu.memory_space<vmem>>[vector<16xi32>, vector<16xi32>], vector<16xf32>,
        %swap3A_279 = arith.index_cast %add3A_222 : i32 to index
        %swap3A_280 = arith.constant 48 : index
        %swap3A_281 = tpu.vector_load %arg20[%swap3A_279, %swap3A_280] {strides = array<i32>} : memref<128x64xf32, #tpu.memory_space<vmem>>, vector<16xf32>,
        tpu.vector_store %arg20[%swap3A_279, %swap3A_280], %gather3A_278 {strides = array<i32>} : memref<128x64xf32, #tpu.memory_space<vmem>>, vector<16xf32>,
        %dma_wait3A_282 = arith.constant 0 : i32
        %dma_wait3A_283 = tpu.memref_slice %arg3[%dma_wait3A_282, %multiple_of3A_75] : memref<64x1000000xf32, #tpu.memory_space<hbm>> -> memref<64x128xf32, #tpu.memory_space<hbm>>
        %dma_wait3A_284 = arith.constant 0 : i32
        %dma_wait3A_285 = tpu.memref_slice %arg3[%dma_wait3A_284, %multiple_of3A_75] : memref<64x1000000xf32, #tpu.memory_space<hbm>> -> memref<64x128xf32, #tpu.memory_space<hbm>>
        tpu.wait_dma2 semaphore(%arg22 : memref<!tpu.dma_semaphore, #tpu.memory_space<semaphore_mem>>) src(%dma_wait3A_285 : memref<64x128xf32, #tpu.memory_space<hbm>>) dst(%arg16 : memref<64x128xf32, #tpu.memory_space<vmem>>)
        %slice3A_286 = vector.extract_strided_slice %get3A_37 {offsets = [1], sizes = [1], strides = [1]} : vector<16xi32> to vector<1xi32>
        %squeeze3A_287 = vector.extract %slice3A_286[0] : i32 from vector<1xi32>
        %and3A_288 = arith.constant 127 : i32
        %and3A_289 = arith.andi %squeeze3A_287, %and3A_288 : i32
        %broadcast_in_dim3A_290 = vector.broadcast %and3A_289 : i32 to vector<16xi32>
        %add3A_291 = arith.constant 0 : i32
        %add3A_292 = vector.broadcast %add3A_291 : i32 to vector<16xi32>
        %add3A_293 = arith.addi %iota3A, %add3A_292 : vector<16xi32>
        %gather3A_294 = tpu.vector_load_idx %arg16[%add3A_293, %broadcast_in_dim3A_290] : memref<64x128xf32, #tpu.memory_space<vmem>>[vector<16xi32>, vector<16xi32>], vector<16xf32>,
        %swap3A_295 = arith.index_cast %add3A_222 : i32 to index
        %swap3A_296 = arith.constant 0 : index
        %swap3A_297 = tpu.vector_load %arg21[%swap3A_295, %swap3A_296] {strides = array<i32>} : memref<128x64xf32, #tpu.memory_space<vmem>>, vector<16xf32>,
        tpu.vector_store %arg21[%swap3A_295, %swap3A_296], %gather3A_294 {strides = array<i32>} : memref<128x64xf32, #tpu.memory_space<vmem>>, vector<16xf32>,
        %add3A_298 = arith.constant 16 : i32
        %add3A_299 = vector.broadcast %add3A_298 : i32 to vector<16xi32>
        %add3A_300 = arith.addi %iota3A, %add3A_299 : vector<16xi32>
        %gather3A_301 = tpu.vector_load_idx %arg16[%add3A_300, %broadcast_in_dim3A_290] : memref<64x128xf32, #tpu.memory_space<vmem>>[vector<16xi32>, vector<16xi32>], vector<16xf32>,
        %swap3A_302 = arith.index_cast %add3A_222 : i32 to index
        %swap3A_303 = arith.constant 16 : index
        %swap3A_304 = tpu.vector_load %arg21[%swap3A_302, %swap3A_303] {strides = array<i32>} : memref<128x64xf32, #tpu.memory_space<vmem>>, vector<16xf32>,
        tpu.vector_store %arg21[%swap3A_302, %swap3A_303], %gather3A_301 {strides = array<i32>} : memref<128x64xf32, #tpu.memory_space<vmem>>, vector<16xf32>,
        %add3A_305 = arith.constant 32 : i32
        %add3A_306 = vector.broadcast %add3A_305 : i32 to vector<16xi32>
        %add3A_307 = arith.addi %iota3A, %add3A_306 : vector<16xi32>
        %gather3A_308 = tpu.vector_load_idx %arg16[%add3A_307, %broadcast_in_dim3A_290] : memref<64x128xf32, #tpu.memory_space<vmem>>[vector<16xi32>, vector<16xi32>], vector<16xf32>,
        %swap3A_309 = arith.index_cast %add3A_222 : i32 to index
        %swap3A_310 = arith.constant 32 : index
        %swap3A_311 = tpu.vector_load %arg21[%swap3A_309, %swap3A_310] {strides = array<i32>} : memref<128x64xf32, #tpu.memory_space<vmem>>, vector<16xf32>,
        tpu.vector_store %arg21[%swap3A_309, %swap3A_310], %gather3A_308 {strides = array<i32>} : memref<128x64xf32, #tpu.memory_space<vmem>>, vector<16xf32>,
        %add3A_312 = arith.constant 48 : i32
        %add3A_313 = vector.broadcast %add3A_312 : i32 to vector<16xi32>
        %add3A_314 = arith.addi %iota3A, %add3A_313 : vector<16xi32>
        %gather3A_315 = tpu.vector_load_idx %arg16[%add3A_314, %broadcast_in_dim3A_290] : memref<64x128xf32, #tpu.memory_space<vmem>>[vector<16xi32>, vector<16xi32>], vector<16xf32>,
        %swap3A_316 = arith.index_cast %add3A_222 : i32 to index
        %swap3A_317 = arith.constant 48 : index
        %swap3A_318 = tpu.vector_load %arg21[%swap3A_316, %swap3A_317] {strides = array<i32>} : memref<128x64xf32, #tpu.memory_space<vmem>>, vector<16xf32>,
        tpu.vector_store %arg21[%swap3A_316, %swap3A_317], %gather3A_315 {strides = array<i32>} : memref<128x64xf32, #tpu.memory_space<vmem>>, vector<16xf32>,
        %mul3A_319 = arith.constant 32 : i32
        %mul3A_320 = arith.muli %scan3A_21, %mul3A_319 : i32
        %add3A_321 = arith.constant 2 : i32
        %add3A_322 = arith.addi %mul3A_320, %add3A_321 : i32
        %slice3A_323 = vector.extract_strided_slice %get3A_29 {offsets = [6], sizes = [1], strides = [1]} : vector<16xi32> to vector<1xi32>
        %squeeze3A_324 = vector.extract %slice3A_323[0] : i32 from vector<1xi32>
        %shift_right_arithmetic3A_325 = arith.constant 7 : i32
        %shift_right_arithmetic3A_326 = arith.shrsi %squeeze3A_324, %shift_right_arithmetic3A_325 : i32
        %shift_left3A_327 = arith.constant 7 : i32
        %shift_left3A_328 = arith.shli %shift_right_arithmetic3A_326, %shift_left3A_327 : i32
        %multiple_of3A_329 = tpu.assume_multiple %shift_left3A_328, 128 : i32
        %dma_start3A_330 = arith.constant 0 : i32
        %dma_start3A_331 = tpu.memref_slice %arg2[%dma_start3A_330, %multiple_of3A_329] : memref<64x1000000xf32, #tpu.memory_space<hbm>> -> memref<64x128xf32, #tpu.memory_space<hbm>>
        %dma_start3A_332 = arith.constant 0 : i32
        %dma_start3A_333 = tpu.memref_slice %arg2[%dma_start3A_332, %multiple_of3A_329] : memref<64x1000000xf32, #tpu.memory_space<hbm>> -> memref<64x128xf32, #tpu.memory_space<hbm>>
        tpu.enqueue_dma source(%dma_start3A_333 : memref<64x128xf32, #tpu.memory_space<hbm>>) target(%arg11 : memref<64x128xf32, #tpu.memory_space<vmem>>) target_semaphore(%arg22 : memref<!tpu.dma_semaphore, #tpu.memory_space<semaphore_mem>>)
        %slice3A_334 = vector.extract_strided_slice %get3A_37 {offsets = [6], sizes = [1], strides = [1]} : vector<16xi32> to vector<1xi32>
        %squeeze3A_335 = vector.extract %slice3A_334[0] : i32 from vector<1xi32>
        %shift_right_arithmetic3A_336 = arith.constant 7 : i32
        %shift_right_arithmetic3A_337 = arith.shrsi %squeeze3A_335, %shift_right_arithmetic3A_336 : i32
        %shift_left3A_338 = arith.constant 7 : i32
        %shift_left3A_339 = arith.shli %shift_right_arithmetic3A_337, %shift_left3A_338 : i32
        %multiple_of3A_340 = tpu.assume_multiple %shift_left3A_339, 128 : i32
        %dma_start3A_341 = arith.constant 0 : i32
        %dma_start3A_342 = tpu.memref_slice %arg3[%dma_start3A_341, %multiple_of3A_340] : memref<64x1000000xf32, #tpu.memory_space<hbm>> -> memref<64x128xf32, #tpu.memory_space<hbm>>
        %dma_start3A_343 = arith.constant 0 : i32
        %dma_start3A_344 = tpu.memref_slice %arg3[%dma_start3A_343, %multiple_of3A_340] : memref<64x1000000xf32, #tpu.memory_space<hbm>> -> memref<64x128xf32, #tpu.memory_space<hbm>>
        tpu.enqueue_dma source(%dma_start3A_344 : memref<64x128xf32, #tpu.memory_space<hbm>>) target(%arg16 : memref<64x128xf32, #tpu.memory_space<vmem>>) target_semaphore(%arg22 : memref<!tpu.dma_semaphore, #tpu.memory_space<semaphore_mem>>)
        %dma_wait3A_345 = arith.constant 0 : i32
        %dma_wait3A_346 = tpu.memref_slice %arg2[%dma_wait3A_345, %multiple_of3A_86] : memref<64x1000000xf32, #tpu.memory_space<hbm>> -> memref<64x128xf32, #tpu.memory_space<hbm>>
        %dma_wait3A_347 = arith.constant 0 : i32
        %dma_wait3A_348 = tpu.memref_slice %arg2[%dma_wait3A_347, %multiple_of3A_86] : memref<64x1000000xf32, #tpu.memory_space<hbm>> -> memref<64x128xf32, #tpu.memory_space<hbm>>
        tpu.wait_dma2 semaphore(%arg22 : memref<!tpu.dma_semaphore, #tpu.memory_space<semaphore_mem>>) src(%dma_wait3A_348 : memref<64x128xf32, #tpu.memory_space<hbm>>) dst(%arg12 : memref<64x128xf32, #tpu.memory_space<vmem>>)
        %slice3A_349 = vector.extract_strided_slice %get3A_29 {offsets = [2], sizes = [1], strides = [1]} : vector<16xi32> to vector<1xi32>
        %squeeze3A_350 = vector.extract %slice3A_349[0] : i32 from vector<1xi32>
        %and3A_351 = arith.constant 127 : i32
        %and3A_352 = arith.andi %squeeze3A_350, %and3A_351 : i32
        %broadcast_in_dim3A_353 = vector.broadcast %and3A_352 : i32 to vector<16xi32>
        %add3A_354 = arith.constant 0 : i32
        %add3A_355 = vector.broadcast %add3A_354 : i32 to vector<16xi32>
        %add3A_356 = arith.addi %iota3A, %add3A_355 : vector<16xi32>
        %gather3A_357 = tpu.vector_load_idx %arg12[%add3A_356, %broadcast_in_dim3A_353] : memref<64x128xf32, #tpu.memory_space<vmem>>[vector<16xi32>, vector<16xi32>], vector<16xf32>,
        %swap3A_358 = arith.index_cast %add3A_322 : i32 to index
        %swap3A_359 = arith.constant 0 : index
        %swap3A_360 = tpu.vector_load %arg20[%swap3A_358, %swap3A_359] {strides = array<i32>} : memref<128x64xf32, #tpu.memory_space<vmem>>, vector<16xf32>,
        tpu.vector_store %arg20[%swap3A_358, %swap3A_359], %gather3A_357 {strides = array<i32>} : memref<128x64xf32, #tpu.memory_space<vmem>>, vector<16xf32>,
        %add3A_361 = arith.constant 16 : i32
        %add3A_362 = vector.broadcast %add3A_361 : i32 to vector<16xi32>
        %add3A_363 = arith.addi %iota3A, %add3A_362 : vector<16xi32>
        %gather3A_364 = tpu.vector_load_idx %arg12[%add3A_363, %broadcast_in_dim3A_353] : memref<64x128xf32, #tpu.memory_space<vmem>>[vector<16xi32>, vector<16xi32>], vector<16xf32>,
        %swap3A_365 = arith.index_cast %add3A_322 : i32 to index
        %swap3A_366 = arith.constant 16 : index
        %swap3A_367 = tpu.vector_load %arg20[%swap3A_365, %swap3A_366] {strides = array<i32>} : memref<128x64xf32, #tpu.memory_space<vmem>>, vector<16xf32>,
        tpu.vector_store %arg20[%swap3A_365, %swap3A_366], %gather3A_364 {strides = array<i32>} : memref<128x64xf32, #tpu.memory_space<vmem>>, vector<16xf32>,
        %add3A_368 = arith.constant 32 : i32
        %add3A_369 = vector.broadcast %add3A_368 : i32 to vector<16xi32>
        %add3A_370 = arith.addi %iota3A, %add3A_369 : vector<16xi32>
        %gather3A_371 = tpu.vector_load_idx %arg12[%add3A_370, %broadcast_in_dim3A_353] : memref<64x128xf32, #tpu.memory_space<vmem>>[vector<16xi32>, vector<16xi32>], vector<16xf32>,
        %swap3A_372 = arith.index_cast %add3A_322 : i32 to index
        %swap3A_373 = arith.constant 32 : index
        %swap3A_374 = tpu.vector_load %arg20[%swap3A_372, %swap3A_373] {strides = array<i32>} : memref<128x64xf32, #tpu.memory_space<vmem>>, vector<16xf32>,
        tpu.vector_store %arg20[%swap3A_372, %swap3A_373], %gather3A_371 {strides = array<i32>} : memref<128x64xf32, #tpu.memory_space<vmem>>, vector<16xf32>,
        %add3A_375 = arith.constant 48 : i32
        %add3A_376 = vector.broadcast %add3A_375 : i32 to vector<16xi32>
        %add3A_377 = arith.addi %iota3A, %add3A_376 : vector<16xi32>
        %gather3A_378 = tpu.vector_load_idx %arg12[%add3A_377, %broadcast_in_dim3A_353] : memref<64x128xf32, #tpu.memory_space<vmem>>[vector<16xi32>, vector<16xi32>], vector<16xf32>,
        %swap3A_379 = arith.index_cast %add3A_322 : i32 to index
        %swap3A_380 = arith.constant 48 : index
        %swap3A_381 = tpu.vector_load %arg20[%swap3A_379, %swap3A_380] {strides = array<i32>} : memref<128x64xf32, #tpu.memory_space<vmem>>, vector<16xf32>,
        tpu.vector_store %arg20[%swap3A_379, %swap3A_380], %gather3A_378 {strides = array<i32>} : memref<128x64xf32, #tpu.memory_space<vmem>>, vector<16xf32>,
        %dma_wait3A_382 = arith.constant 0 : i32
        %dma_wait3A_383 = tpu.memref_slice %arg3[%dma_wait3A_382, %multiple_of3A_97] : memref<64x1000000xf32, #tpu.memory_space<hbm>> -> memref<64x128xf32, #tpu.memory_space<hbm>>
        %dma_wait3A_384 = arith.constant 0 : i32
        %dma_wait3A_385 = tpu.memref_slice %arg3[%dma_wait3A_384, %multiple_of3A_97] : memref<64x1000000xf32, #tpu.memory_space<hbm>> -> memref<64x128xf32, #tpu.memory_space<hbm>>
        tpu.wait_dma2 semaphore(%arg22 : memref<!tpu.dma_semaphore, #tpu.memory_space<semaphore_mem>>) src(%dma_wait3A_385 : memref<64x128xf32, #tpu.memory_space<hbm>>) dst(%arg17 : memref<64x128xf32, #tpu.memory_space<vmem>>)
        %slice3A_386 = vector.extract_strided_slice %get3A_37 {offsets = [2], sizes = [1], strides = [1]} : vector<16xi32> to vector<1xi32>
        %squeeze3A_387 = vector.extract %slice3A_386[0] : i32 from vector<1xi32>
        %and3A_388 = arith.constant 127 : i32
        %and3A_389 = arith.andi %squeeze3A_387, %and3A_388 : i32
        %broadcast_in_dim3A_390 = vector.broadcast %and3A_389 : i32 to vector<16xi32>
        %add3A_391 = arith.constant 0 : i32
        %add3A_392 = vector.broadcast %add3A_391 : i32 to vector<16xi32>
        %add3A_393 = arith.addi %iota3A, %add3A_392 : vector<16xi32>
        %gather3A_394 = tpu.vector_load_idx %arg17[%add3A_393, %broadcast_in_dim3A_390] : memref<64x128xf32, #tpu.memory_space<vmem>>[vector<16xi32>, vector<16xi32>], vector<16xf32>,
        %swap3A_395 = arith.index_cast %add3A_322 : i32 to index
        %swap3A_396 = arith.constant 0 : index
        %swap3A_397 = tpu.vector_load %arg21[%swap3A_395, %swap3A_396] {strides = array<i32>} : memref<128x64xf32, #tpu.memory_space<vmem>>, vector<16xf32>,
        tpu.vector_store %arg21[%swap3A_395, %swap3A_396], %gather3A_394 {strides = array<i32>} : memref<128x64xf32, #tpu.memory_space<vmem>>, vector<16xf32>,
        %add3A_398 = arith.constant 16 : i32
        %add3A_399 = vector.broadcast %add3A_398 : i32 to vector<16xi32>
        %add3A_400 = arith.addi %iota3A, %add3A_399 : vector<16xi32>
        %gather3A_401 = tpu.vector_load_idx %arg17[%add3A_400, %broadcast_in_dim3A_390] : memref<64x128xf32, #tpu.memory_space<vmem>>[vector<16xi32>, vector<16xi32>], vector<16xf32>,
        %swap3A_402 = arith.index_cast %add3A_322 : i32 to index
        %swap3A_403 = arith.constant 16 : index
        %swap3A_404 = tpu.vector_load %arg21[%swap3A_402, %swap3A_403] {strides = array<i32>} : memref<128x64xf32, #tpu.memory_space<vmem>>, vector<16xf32>,
        tpu.vector_store %arg21[%swap3A_402, %swap3A_403], %gather3A_401 {strides = array<i32>} : memref<128x64xf32, #tpu.memory_space<vmem>>, vector<16xf32>,
        %add3A_405 = arith.constant 32 : i32
        %add3A_406 = vector.broadcast %add3A_405 : i32 to vector<16xi32>
        %add3A_407 = arith.addi %iota3A, %add3A_406 : vector<16xi32>
        %gather3A_408 = tpu.vector_load_idx %arg17[%add3A_407, %broadcast_in_dim3A_390] : memref<64x128xf32, #tpu.memory_space<vmem>>[vector<16xi32>, vector<16xi32>], vector<16xf32>,
        %swap3A_409 = arith.index_cast %add3A_322 : i32 to index
        %swap3A_410 = arith.constant 32 : index
        %swap3A_411 = tpu.vector_load %arg21[%swap3A_409, %swap3A_410] {strides = array<i32>} : memref<128x64xf32, #tpu.memory_space<vmem>>, vector<16xf32>,
        tpu.vector_store %arg21[%swap3A_409, %swap3A_410], %gather3A_408 {strides = array<i32>} : memref<128x64xf32, #tpu.memory_space<vmem>>, vector<16xf32>,
        %add3A_412 = arith.constant 48 : i32
        %add3A_413 = vector.broadcast %add3A_412 : i32 to vector<16xi32>
        %add3A_414 = arith.addi %iota3A, %add3A_413 : vector<16xi32>
        %gather3A_415 = tpu.vector_load_idx %arg17[%add3A_414, %broadcast_in_dim3A_390] : memref<64x128xf32, #tpu.memory_space<vmem>>[vector<16xi32>, vector<16xi32>], vector<16xf32>,
        %swap3A_416 = arith.index_cast %add3A_322 : i32 to index
        %swap3A_417 = arith.constant 48 : index
        %swap3A_418 = tpu.vector_load %arg21[%swap3A_416, %swap3A_417] {strides = array<i32>} : memref<128x64xf32, #tpu.memory_space<vmem>>, vector<16xf32>,
        tpu.vector_store %arg21[%swap3A_416, %swap3A_417], %gather3A_415 {strides = array<i32>} : memref<128x64xf32, #tpu.memory_space<vmem>>, vector<16xf32>,
        %mul3A_419 = arith.constant 32 : i32
        %mul3A_420 = arith.muli %scan3A_21, %mul3A_419 : i32
        %add3A_421 = arith.constant 3 : i32
        %add3A_422 = arith.addi %mul3A_420, %add3A_421 : i32
        %slice3A_423 = vector.extract_strided_slice %get3A_29 {offsets = [7], sizes = [1], strides = [1]} : vector<16xi32> to vector<1xi32>
        %squeeze3A_424 = vector.extract %slice3A_423[0] : i32 from vector<1xi32>
        %shift_right_arithmetic3A_425 = arith.constant 7 : i32
        %shift_right_arithmetic3A_426 = arith.shrsi %squeeze3A_424, %shift_right_arithmetic3A_425 : i32
        %shift_left3A_427 = arith.constant 7 : i32
        %shift_left3A_428 = arith.shli %shift_right_arithmetic3A_426, %shift_left3A_427 : i32
        %multiple_of3A_429 = tpu.assume_multiple %shift_left3A_428, 128 : i32
        %dma_start3A_430 = arith.constant 0 : i32
        %dma_start3A_431 = tpu.memref_slice %arg2[%dma_start3A_430, %multiple_of3A_429] : memref<64x1000000xf32, #tpu.memory_space<hbm>> -> memref<64x128xf32, #tpu.memory_space<hbm>>
        %dma_start3A_432 = arith.constant 0 : i32
        %dma_start3A_433 = tpu.memref_slice %arg2[%dma_start3A_432, %multiple_of3A_429] : memref<64x1000000xf32, #tpu.memory_space<hbm>> -> memref<64x128xf32, #tpu.memory_space<hbm>>
        tpu.enqueue_dma source(%dma_start3A_433 : memref<64x128xf32, #tpu.memory_space<hbm>>) target(%arg12 : memref<64x128xf32, #tpu.memory_space<vmem>>) target_semaphore(%arg22 : memref<!tpu.dma_semaphore, #tpu.memory_space<semaphore_mem>>)
        %slice3A_434 = vector.extract_strided_slice %get3A_37 {offsets = [7], sizes = [1], strides = [1]} : vector<16xi32> to vector<1xi32>
        %squeeze3A_435 = vector.extract %slice3A_434[0] : i32 from vector<1xi32>
        %shift_right_arithmetic3A_436 = arith.constant 7 : i32
        %shift_right_arithmetic3A_437 = arith.shrsi %squeeze3A_435, %shift_right_arithmetic3A_436 : i32
        %shift_left3A_438 = arith.constant 7 : i32
        %shift_left3A_439 = arith.shli %shift_right_arithmetic3A_437, %shift_left3A_438 : i32
        %multiple_of3A_440 = tpu.assume_multiple %shift_left3A_439, 128 : i32
        %dma_start3A_441 = arith.constant 0 : i32
        %dma_start3A_442 = tpu.memref_slice %arg3[%dma_start3A_441, %multiple_of3A_440] : memref<64x1000000xf32, #tpu.memory_space<hbm>> -> memref<64x128xf32, #tpu.memory_space<hbm>>
        %dma_start3A_443 = arith.constant 0 : i32
        %dma_start3A_444 = tpu.memref_slice %arg3[%dma_start3A_443, %multiple_of3A_440] : memref<64x1000000xf32, #tpu.memory_space<hbm>> -> memref<64x128xf32, #tpu.memory_space<hbm>>
        tpu.enqueue_dma source(%dma_start3A_444 : memref<64x128xf32, #tpu.memory_space<hbm>>) target(%arg17 : memref<64x128xf32, #tpu.memory_space<vmem>>) target_semaphore(%arg22 : memref<!tpu.dma_semaphore, #tpu.memory_space<semaphore_mem>>)
        %dma_wait3A_445 = arith.constant 0 : i32
        %dma_wait3A_446 = tpu.memref_slice %arg2[%dma_wait3A_445, %multiple_of3A_108] : memref<64x1000000xf32, #tpu.memory_space<hbm>> -> memref<64x128xf32, #tpu.memory_space<hbm>>
        %dma_wait3A_447 = arith.constant 0 : i32
        %dma_wait3A_448 = tpu.memref_slice %arg2[%dma_wait3A_447, %multiple_of3A_108] : memref<64x1000000xf32, #tpu.memory_space<hbm>> -> memref<64x128xf32, #tpu.memory_space<hbm>>
        tpu.wait_dma2 semaphore(%arg22 : memref<!tpu.dma_semaphore, #tpu.memory_space<semaphore_mem>>) src(%dma_wait3A_448 : memref<64x128xf32, #tpu.memory_space<hbm>>) dst(%arg13 : memref<64x128xf32, #tpu.memory_space<vmem>>)
        %slice3A_449 = vector.extract_strided_slice %get3A_29 {offsets = [3], sizes = [1], strides = [1]} : vector<16xi32> to vector<1xi32>
        %squeeze3A_450 = vector.extract %slice3A_449[0] : i32 from vector<1xi32>
        %and3A_451 = arith.constant 127 : i32
        %and3A_452 = arith.andi %squeeze3A_450, %and3A_451 : i32
        %broadcast_in_dim3A_453 = vector.broadcast %and3A_452 : i32 to vector<16xi32>
        %add3A_454 = arith.constant 0 : i32
        %add3A_455 = vector.broadcast %add3A_454 : i32 to vector<16xi32>
        %add3A_456 = arith.addi %iota3A, %add3A_455 : vector<16xi32>
        %gather3A_457 = tpu.vector_load_idx %arg13[%add3A_456, %broadcast_in_dim3A_453] : memref<64x128xf32, #tpu.memory_space<vmem>>[vector<16xi32>, vector<16xi32>], vector<16xf32>,
        %swap3A_458 = arith.index_cast %add3A_422 : i32 to index
        %swap3A_459 = arith.constant 0 : index
        %swap3A_460 = tpu.vector_load %arg20[%swap3A_458, %swap3A_459] {strides = array<i32>} : memref<128x64xf32, #tpu.memory_space<vmem>>, vector<16xf32>,
        tpu.vector_store %arg20[%swap3A_458, %swap3A_459], %gather3A_457 {strides = array<i32>} : memref<128x64xf32, #tpu.memory_space<vmem>>, vector<16xf32>,
        %add3A_461 = arith.constant 16 : i32
        %add3A_462 = vector.broadcast %add3A_461 : i32 to vector<16xi32>
        %add3A_463 = arith.addi %iota3A, %add3A_462 : vector<16xi32>
        %gather3A_464 = tpu.vector_load_idx %arg13[%add3A_463, %broadcast_in_dim3A_453] : memref<64x128xf32, #tpu.memory_space<vmem>>[vector<16xi32>, vector<16xi32>], vector<16xf32>,
        %swap3A_465 = arith.index_cast %add3A_422 : i32 to index
        %swap3A_466 = arith.constant 16 : index
        %swap3A_467 = tpu.vector_load %arg20[%swap3A_465, %swap3A_466] {strides = array<i32>} : memref<128x64xf32, #tpu.memory_space<vmem>>, vector<16xf32>,
        tpu.vector_store %arg20[%swap3A_465, %swap3A_466], %gather3A_464 {strides = array<i32>} : memref<128x64xf32, #tpu.memory_space<vmem>>, vector<16xf32>,
        %add3A_468 = arith.constant 32 : i32
        %add3A_469 = vector.broadcast %add3A_468 : i32 to vector<16xi32>
        %add3A_470 = arith.addi %iota3A, %add3A_469 : vector<16xi32>
        %gather3A_471 = tpu.vector_load_idx %arg13[%add3A_470, %broadcast_in_dim3A_453] : memref<64x128xf32, #tpu.memory_space<vmem>>[vector<16xi32>, vector<16xi32>], vector<16xf32>,
        %swap3A_472 = arith.index_cast %add3A_422 : i32 to index
        %swap3A_473 = arith.constant 32 : index
        %swap3A_474 = tpu.vector_load %arg20[%swap3A_472, %swap3A_473] {strides = array<i32>} : memref<128x64xf32, #tpu.memory_space<vmem>>, vector<16xf32>,
        tpu.vector_store %arg20[%swap3A_472, %swap3A_473], %gather3A_471 {strides = array<i32>} : memref<128x64xf32, #tpu.memory_space<vmem>>, vector<16xf32>,
        %add3A_475 = arith.constant 48 : i32
        %add3A_476 = vector.broadcast %add3A_475 : i32 to vector<16xi32>
        %add3A_477 = arith.addi %iota3A, %add3A_476 : vector<16xi32>
        %gather3A_478 = tpu.vector_load_idx %arg13[%add3A_477, %broadcast_in_dim3A_453] : memref<64x128xf32, #tpu.memory_space<vmem>>[vector<16xi32>, vector<16xi32>], vector<16xf32>,
        %swap3A_479 = arith.index_cast %add3A_422 : i32 to index
        %swap3A_480 = arith.constant 48 : index
        %swap3A_481 = tpu.vector_load %arg20[%swap3A_479, %swap3A_480] {strides = array<i32>} : memref<128x64xf32, #tpu.memory_space<vmem>>, vector<16xf32>,
        tpu.vector_store %arg20[%swap3A_479, %swap3A_480], %gather3A_478 {strides = array<i32>} : memref<128x64xf32, #tpu.memory_space<vmem>>, vector<16xf32>,
        %dma_wait3A_482 = arith.constant 0 : i32
        %dma_wait3A_483 = tpu.memref_slice %arg3[%dma_wait3A_482, %multiple_of3A_119] : memref<64x1000000xf32, #tpu.memory_space<hbm>> -> memref<64x128xf32, #tpu.memory_space<hbm>>
        %dma_wait3A_484 = arith.constant 0 : i32
        %dma_wait3A_485 = tpu.memref_slice %arg3[%dma_wait3A_484, %multiple_of3A_119] : memref<64x1000000xf32, #tpu.memory_space<hbm>> -> memref<64x128xf32, #tpu.memory_space<hbm>>
        tpu.wait_dma2 semaphore(%arg22 : memref<!tpu.dma_semaphore, #tpu.memory_space<semaphore_mem>>) src(%dma_wait3A_485 : memref<64x128xf32, #tpu.memory_space<hbm>>) dst(%arg18 : memref<64x128xf32, #tpu.memory_space<vmem>>)
        %slice3A_486 = vector.extract_strided_slice %get3A_37 {offsets = [3], sizes = [1], strides = [1]} : vector<16xi32> to vector<1xi32>
        %squeeze3A_487 = vector.extract %slice3A_486[0] : i32 from vector<1xi32>
        %and3A_488 = arith.constant 127 : i32
        %and3A_489 = arith.andi %squeeze3A_487, %and3A_488 : i32
        %broadcast_in_dim3A_490 = vector.broadcast %and3A_489 : i32 to vector<16xi32>
        %add3A_491 = arith.constant 0 : i32
        %add3A_492 = vector.broadcast %add3A_491 : i32 to vector<16xi32>
        %add3A_493 = arith.addi %iota3A, %add3A_492 : vector<16xi32>
        %gather3A_494 = tpu.vector_load_idx %arg18[%add3A_493, %broadcast_in_dim3A_490] : memref<64x128xf32, #tpu.memory_space<vmem>>[vector<16xi32>, vector<16xi32>], vector<16xf32>,
        %swap3A_495 = arith.index_cast %add3A_422 : i32 to index
        %swap3A_496 = arith.constant 0 : index
        %swap3A_497 = tpu.vector_load %arg21[%swap3A_495, %swap3A_496] {strides = array<i32>} : memref<128x64xf32, #tpu.memory_space<vmem>>, vector<16xf32>,
        tpu.vector_store %arg21[%swap3A_495, %swap3A_496], %gather3A_494 {strides = array<i32>} : memref<128x64xf32, #tpu.memory_space<vmem>>, vector<16xf32>,
        %add3A_498 = arith.constant 16 : i32
        %add3A_499 = vector.broadcast %add3A_498 : i32 to vector<16xi32>
        %add3A_500 = arith.addi %iota3A, %add3A_499 : vector<16xi32>
        %gather3A_501 = tpu.vector_load_idx %arg18[%add3A_500, %broadcast_in_dim3A_490] : memref<64x128xf32, #tpu.memory_space<vmem>>[vector<16xi32>, vector<16xi32>], vector<16xf32>,
        %swap3A_502 = arith.index_cast %add3A_422 : i32 to index
        %swap3A_503 = arith.constant 16 : index
        %swap3A_504 = tpu.vector_load %arg21[%swap3A_502, %swap3A_503] {strides = array<i32>} : memref<128x64xf32, #tpu.memory_space<vmem>>, vector<16xf32>,
        tpu.vector_store %arg21[%swap3A_502, %swap3A_503], %gather3A_501 {strides = array<i32>} : memref<128x64xf32, #tpu.memory_space<vmem>>, vector<16xf32>,
        %add3A_505 = arith.constant 32 : i32
        %add3A_506 = vector.broadcast %add3A_505 : i32 to vector<16xi32>
        %add3A_507 = arith.addi %iota3A, %add3A_506 : vector<16xi32>
        %gather3A_508 = tpu.vector_load_idx %arg18[%add3A_507, %broadcast_in_dim3A_490] : memref<64x128xf32, #tpu.memory_space<vmem>>[vector<16xi32>, vector<16xi32>], vector<16xf32>,
        %swap3A_509 = arith.index_cast %add3A_422 : i32 to index
        %swap3A_510 = arith.constant 32 : index
        %swap3A_511 = tpu.vector_load %arg21[%swap3A_509, %swap3A_510] {strides = array<i32>} : memref<128x64xf32, #tpu.memory_space<vmem>>, vector<16xf32>,
        tpu.vector_store %arg21[%swap3A_509, %swap3A_510], %gather3A_508 {strides = array<i32>} : memref<128x64xf32, #tpu.memory_space<vmem>>, vector<16xf32>,
        %add3A_512 = arith.constant 48 : i32
        %add3A_513 = vector.broadcast %add3A_512 : i32 to vector<16xi32>
        %add3A_514 = arith.addi %iota3A, %add3A_513 : vector<16xi32>
        %gather3A_515 = tpu.vector_load_idx %arg18[%add3A_514, %broadcast_in_dim3A_490] : memref<64x128xf32, #tpu.memory_space<vmem>>[vector<16xi32>, vector<16xi32>], vector<16xf32>,
        %swap3A_516 = arith.index_cast %add3A_422 : i32 to index
        %swap3A_517 = arith.constant 48 : index
        %swap3A_518 = tpu.vector_load %arg21[%swap3A_516, %swap3A_517] {strides = array<i32>} : memref<128x64xf32, #tpu.memory_space<vmem>>, vector<16xf32>,
        tpu.vector_store %arg21[%swap3A_516, %swap3A_517], %gather3A_515 {strides = array<i32>} : memref<128x64xf32, #tpu.memory_space<vmem>>, vector<16xf32>,
        %mul3A_519 = arith.constant 32 : i32
        %mul3A_520 = arith.muli %scan3A_21, %mul3A_519 : i32
        %add3A_521 = arith.constant 4 : i32
        %add3A_522 = arith.addi %mul3A_520, %add3A_521 : i32
        %slice3A_523 = vector.extract_strided_slice %get3A_29 {offsets = [8], sizes = [1], strides = [1]} : vector<16xi32> to vector<1xi32>
        %squeeze3A_524 = vector.extract %slice3A_523[0] : i32 from vector<1xi32>
        %shift_right_arithmetic3A_525 = arith.constant 7 : i32
        %shift_right_arithmetic3A_526 = arith.shrsi %squeeze3A_524, %shift_right_arithmetic3A_525 : i32
        %shift_left3A_527 = arith.constant 7 : i32
        %shift_left3A_528 = arith.shli %shift_right_arithmetic3A_526, %shift_left3A_527 : i32
        %multiple_of3A_529 = tpu.assume_multiple %shift_left3A_528, 128 : i32
        %dma_start3A_530 = arith.constant 0 : i32
        %dma_start3A_531 = tpu.memref_slice %arg2[%dma_start3A_530, %multiple_of3A_529] : memref<64x1000000xf32, #tpu.memory_space<hbm>> -> memref<64x128xf32, #tpu.memory_space<hbm>>
        %dma_start3A_532 = arith.constant 0 : i32
        %dma_start3A_533 = tpu.memref_slice %arg2[%dma_start3A_532, %multiple_of3A_529] : memref<64x1000000xf32, #tpu.memory_space<hbm>> -> memref<64x128xf32, #tpu.memory_space<hbm>>
        tpu.enqueue_dma source(%dma_start3A_533 : memref<64x128xf32, #tpu.memory_space<hbm>>) target(%arg13 : memref<64x128xf32, #tpu.memory_space<vmem>>) target_semaphore(%arg22 : memref<!tpu.dma_semaphore, #tpu.memory_space<semaphore_mem>>)
        %slice3A_534 = vector.extract_strided_slice %get3A_37 {offsets = [8], sizes = [1], strides = [1]} : vector<16xi32> to vector<1xi32>
        %squeeze3A_535 = vector.extract %slice3A_534[0] : i32 from vector<1xi32>
        %shift_right_arithmetic3A_536 = arith.constant 7 : i32
        %shift_right_arithmetic3A_537 = arith.shrsi %squeeze3A_535, %shift_right_arithmetic3A_536 : i32
        %shift_left3A_538 = arith.constant 7 : i32
        %shift_left3A_539 = arith.shli %shift_right_arithmetic3A_537, %shift_left3A_538 : i32
        %multiple_of3A_540 = tpu.assume_multiple %shift_left3A_539, 128 : i32
        %dma_start3A_541 = arith.constant 0 : i32
        %dma_start3A_542 = tpu.memref_slice %arg3[%dma_start3A_541, %multiple_of3A_540] : memref<64x1000000xf32, #tpu.memory_space<hbm>> -> memref<64x128xf32, #tpu.memory_space<hbm>>
        %dma_start3A_543 = arith.constant 0 : i32
        %dma_start3A_544 = tpu.memref_slice %arg3[%dma_start3A_543, %multiple_of3A_540] : memref<64x1000000xf32, #tpu.memory_space<hbm>> -> memref<64x128xf32, #tpu.memory_space<hbm>>
        tpu.enqueue_dma source(%dma_start3A_544 : memref<64x128xf32, #tpu.memory_space<hbm>>) target(%arg18 : memref<64x128xf32, #tpu.memory_space<vmem>>) target_semaphore(%arg22 : memref<!tpu.dma_semaphore, #tpu.memory_space<semaphore_mem>>)
        %dma_wait3A_545 = arith.constant 0 : i32
        %dma_wait3A_546 = tpu.memref_slice %arg2[%dma_wait3A_545, %multiple_of3A_134] : memref<64x1000000xf32, #tpu.memory_space<hbm>> -> memref<64x128xf32, #tpu.memory_space<hbm>>
        %dma_wait3A_547 = arith.constant 0 : i32
        %dma_wait3A_548 = tpu.memref_slice %arg2[%dma_wait3A_547, %multiple_of3A_134] : memref<64x1000000xf32, #tpu.memory_space<hbm>> -> memref<64x128xf32, #tpu.memory_space<hbm>>
        tpu.wait_dma2 semaphore(%arg22 : memref<!tpu.dma_semaphore, #tpu.memory_space<semaphore_mem>>) src(%dma_wait3A_548 : memref<64x128xf32, #tpu.memory_space<hbm>>) dst(%arg14 : memref<64x128xf32, #tpu.memory_space<vmem>>)
        %slice3A_549 = vector.extract_strided_slice %get3A_29 {offsets = [4], sizes = [1], strides = [1]} : vector<16xi32> to vector<1xi32>
        %squeeze3A_550 = vector.extract %slice3A_549[0] : i32 from vector<1xi32>
        %and3A_551 = arith.constant 127 : i32
        %and3A_552 = arith.andi %squeeze3A_550, %and3A_551 : i32
        %broadcast_in_dim3A_553 = vector.broadcast %and3A_552 : i32 to vector<16xi32>
        %add3A_554 = arith.constant 0 : i32
        %add3A_555 = vector.broadcast %add3A_554 : i32 to vector<16xi32>
        %add3A_556 = arith.addi %iota3A, %add3A_555 : vector<16xi32>
        %gather3A_557 = tpu.vector_load_idx %arg14[%add3A_556, %broadcast_in_dim3A_553] : memref<64x128xf32, #tpu.memory_space<vmem>>[vector<16xi32>, vector<16xi32>], vector<16xf32>,
        %swap3A_558 = arith.index_cast %add3A_522 : i32 to index
        %swap3A_559 = arith.constant 0 : index
        %swap3A_560 = tpu.vector_load %arg20[%swap3A_558, %swap3A_559] {strides = array<i32>} : memref<128x64xf32, #tpu.memory_space<vmem>>, vector<16xf32>,
        tpu.vector_store %arg20[%swap3A_558, %swap3A_559], %gather3A_557 {strides = array<i32>} : memref<128x64xf32, #tpu.memory_space<vmem>>, vector<16xf32>,
        %add3A_561 = arith.constant 16 : i32
        %add3A_562 = vector.broadcast %add3A_561 : i32 to vector<16xi32>
        %add3A_563 = arith.addi %iota3A, %add3A_562 : vector<16xi32>
        %gather3A_564 = tpu.vector_load_idx %arg14[%add3A_563, %broadcast_in_dim3A_553] : memref<64x128xf32, #tpu.memory_space<vmem>>[vector<16xi32>, vector<16xi32>], vector<16xf32>,
        %swap3A_565 = arith.index_cast %add3A_522 : i32 to index
        %swap3A_566 = arith.constant 16 : index
        %swap3A_567 = tpu.vector_load %arg20[%swap3A_565, %swap3A_566] {strides = array<i32>} : memref<128x64xf32, #tpu.memory_space<vmem>>, vector<16xf32>,
        tpu.vector_store %arg20[%swap3A_565, %swap3A_566], %gather3A_564 {strides = array<i32>} : memref<128x64xf32, #tpu.memory_space<vmem>>, vector<16xf32>,
        %add3A_568 = arith.constant 32 : i32
        %add3A_569 = vector.broadcast %add3A_568 : i32 to vector<16xi32>
        %add3A_570 = arith.addi %iota3A, %add3A_569 : vector<16xi32>
        %gather3A_571 = tpu.vector_load_idx %arg14[%add3A_570, %broadcast_in_dim3A_553] : memref<64x128xf32, #tpu.memory_space<vmem>>[vector<16xi32>, vector<16xi32>], vector<16xf32>,
        %swap3A_572 = arith.index_cast %add3A_522 : i32 to index
        %swap3A_573 = arith.constant 32 : index
        %swap3A_574 = tpu.vector_load %arg20[%swap3A_572, %swap3A_573] {strides = array<i32>} : memref<128x64xf32, #tpu.memory_space<vmem>>, vector<16xf32>,
        tpu.vector_store %arg20[%swap3A_572, %swap3A_573], %gather3A_571 {strides = array<i32>} : memref<128x64xf32, #tpu.memory_space<vmem>>, vector<16xf32>,
        %add3A_575 = arith.constant 48 : i32
        %add3A_576 = vector.broadcast %add3A_575 : i32 to vector<16xi32>
        %add3A_577 = arith.addi %iota3A, %add3A_576 : vector<16xi32>
        %gather3A_578 = tpu.vector_load_idx %arg14[%add3A_577, %broadcast_in_dim3A_553] : memref<64x128xf32, #tpu.memory_space<vmem>>[vector<16xi32>, vector<16xi32>], vector<16xf32>,
        %swap3A_579 = arith.index_cast %add3A_522 : i32 to index
        %swap3A_580 = arith.constant 48 : index
        %swap3A_581 = tpu.vector_load %arg20[%swap3A_579, %swap3A_580] {strides = array<i32>} : memref<128x64xf32, #tpu.memory_space<vmem>>, vector<16xf32>,
        tpu.vector_store %arg20[%swap3A_579, %swap3A_580], %gather3A_578 {strides = array<i32>} : memref<128x64xf32, #tpu.memory_space<vmem>>, vector<16xf32>,
        %dma_wait3A_582 = arith.constant 0 : i32
        %dma_wait3A_583 = tpu.memref_slice %arg3[%dma_wait3A_582, %multiple_of3A_145] : memref<64x1000000xf32, #tpu.memory_space<hbm>> -> memref<64x128xf32, #tpu.memory_space<hbm>>
        %dma_wait3A_584 = arith.constant 0 : i32
        %dma_wait3A_585 = tpu.memref_slice %arg3[%dma_wait3A_584, %multiple_of3A_145] : memref<64x1000000xf32, #tpu.memory_space<hbm>> -> memref<64x128xf32, #tpu.memory_space<hbm>>
        tpu.wait_dma2 semaphore(%arg22 : memref<!tpu.dma_semaphore, #tpu.memory_space<semaphore_mem>>) src(%dma_wait3A_585 : memref<64x128xf32, #tpu.memory_space<hbm>>) dst(%arg19 : memref<64x128xf32, #tpu.memory_space<vmem>>)
        %slice3A_586 = vector.extract_strided_slice %get3A_37 {offsets = [4], sizes = [1], strides = [1]} : vector<16xi32> to vector<1xi32>
        %squeeze3A_587 = vector.extract %slice3A_586[0] : i32 from vector<1xi32>
        %and3A_588 = arith.constant 127 : i32
        %and3A_589 = arith.andi %squeeze3A_587, %and3A_588 : i32
        %broadcast_in_dim3A_590 = vector.broadcast %and3A_589 : i32 to vector<16xi32>
        %add3A_591 = arith.constant 0 : i32
        %add3A_592 = vector.broadcast %add3A_591 : i32 to vector<16xi32>
        %add3A_593 = arith.addi %iota3A, %add3A_592 : vector<16xi32>
        %gather3A_594 = tpu.vector_load_idx %arg19[%add3A_593, %broadcast_in_dim3A_590] : memref<64x128xf32, #tpu.memory_space<vmem>>[vector<16xi32>, vector<16xi32>], vector<16xf32>,
        %swap3A_595 = arith.index_cast %add3A_522 : i32 to index
        %swap3A_596 = arith.constant 0 : index
        %swap3A_597 = tpu.vector_load %arg21[%swap3A_595, %swap3A_596] {strides = array<i32>} : memref<128x64xf32, #tpu.memory_space<vmem>>, vector<16xf32>,
        tpu.vector_store %arg21[%swap3A_595, %swap3A_596], %gather3A_594 {strides = array<i32>} : memref<128x64xf32, #tpu.memory_space<vmem>>, vector<16xf32>,
        %add3A_598 = arith.constant 16 : i32
        %add3A_599 = vector.broadcast %add3A_598 : i32 to vector<16xi32>
        %add3A_600 = arith.addi %iota3A, %add3A_599 : vector<16xi32>
        %gather3A_601 = tpu.vector_load_idx %arg19[%add3A_600, %broadcast_in_dim3A_590] : memref<64x128xf32, #tpu.memory_space<vmem>>[vector<16xi32>, vector<16xi32>], vector<16xf32>,
        %swap3A_602 = arith.index_cast %add3A_522 : i32 to index
        %swap3A_603 = arith.constant 16 : index
        %swap3A_604 = tpu.vector_load %arg21[%swap3A_602, %swap3A_603] {strides = array<i32>} : memref<128x64xf32, #tpu.memory_space<vmem>>, vector<16xf32>,
        tpu.vector_store %arg21[%swap3A_602, %swap3A_603], %gather3A_601 {strides = array<i32>} : memref<128x64xf32, #tpu.memory_space<vmem>>, vector<16xf32>,
        %add3A_605 = arith.constant 32 : i32
        %add3A_606 = vector.broadcast %add3A_605 : i32 to vector<16xi32>
        %add3A_607 = arith.addi %iota3A, %add3A_606 : vector<16xi32>
        %gather3A_608 = tpu.vector_load_idx %arg19[%add3A_607, %broadcast_in_dim3A_590] : memref<64x128xf32, #tpu.memory_space<vmem>>[vector<16xi32>, vector<16xi32>], vector<16xf32>,
        %swap3A_609 = arith.index_cast %add3A_522 : i32 to index
        %swap3A_610 = arith.constant 32 : index
        %swap3A_611 = tpu.vector_load %arg21[%swap3A_609, %swap3A_610] {strides = array<i32>} : memref<128x64xf32, #tpu.memory_space<vmem>>, vector<16xf32>,
        tpu.vector_store %arg21[%swap3A_609, %swap3A_610], %gather3A_608 {strides = array<i32>} : memref<128x64xf32, #tpu.memory_space<vmem>>, vector<16xf32>,
        %add3A_612 = arith.constant 48 : i32
        %add3A_613 = vector.broadcast %add3A_612 : i32 to vector<16xi32>
        %add3A_614 = arith.addi %iota3A, %add3A_613 : vector<16xi32>
        %gather3A_615 = tpu.vector_load_idx %arg19[%add3A_614, %broadcast_in_dim3A_590] : memref<64x128xf32, #tpu.memory_space<vmem>>[vector<16xi32>, vector<16xi32>], vector<16xf32>,
        %swap3A_616 = arith.index_cast %add3A_522 : i32 to index
        %swap3A_617 = arith.constant 48 : index
        %swap3A_618 = tpu.vector_load %arg21[%swap3A_616, %swap3A_617] {strides = array<i32>} : memref<128x64xf32, #tpu.memory_space<vmem>>, vector<16xf32>,
        tpu.vector_store %arg21[%swap3A_616, %swap3A_617], %gather3A_615 {strides = array<i32>} : memref<128x64xf32, #tpu.memory_space<vmem>>, vector<16xf32>,
        %mul3A_619 = arith.constant 32 : i32
        %mul3A_620 = arith.muli %scan3A_21, %mul3A_619 : i32
        %add3A_621 = arith.constant 5 : i32
        %add3A_622 = arith.addi %mul3A_620, %add3A_621 : i32
        %slice3A_623 = vector.extract_strided_slice %get3A_29 {offsets = [9], sizes = [1], strides = [1]} : vector<16xi32> to vector<1xi32>
        %squeeze3A_624 = vector.extract %slice3A_623[0] : i32 from vector<1xi32>
        %shift_right_arithmetic3A_625 = arith.constant 7 : i32
        %shift_right_arithmetic3A_626 = arith.shrsi %squeeze3A_624, %shift_right_arithmetic3A_625 : i32
        %shift_left3A_627 = arith.constant 7 : i32
        %shift_left3A_628 = arith.shli %shift_right_arithmetic3A_626, %shift_left3A_627 : i32
        %multiple_of3A_629 = tpu.assume_multiple %shift_left3A_628, 128 : i32
        %dma_start3A_630 = arith.constant 0 : i32
        %dma_start3A_631 = tpu.memref_slice %arg2[%dma_start3A_630, %multiple_of3A_629] : memref<64x1000000xf32, #tpu.memory_space<hbm>> -> memref<64x128xf32, #tpu.memory_space<hbm>>
        %dma_start3A_632 = arith.constant 0 : i32
        %dma_start3A_633 = tpu.memref_slice %arg2[%dma_start3A_632, %multiple_of3A_629] : memref<64x1000000xf32, #tpu.memory_space<hbm>> -> memref<64x128xf32, #tpu.memory_space<hbm>>
        tpu.enqueue_dma source(%dma_start3A_633 : memref<64x128xf32, #tpu.memory_space<hbm>>) target(%arg14 : memref<64x128xf32, #tpu.memory_space<vmem>>) target_semaphore(%arg22 : memref<!tpu.dma_semaphore, #tpu.memory_space<semaphore_mem>>)
        %slice3A_634 = vector.extract_strided_slice %get3A_37 {offsets = [9], sizes = [1], strides = [1]} : vector<16xi32> to vector<1xi32>
        %squeeze3A_635 = vector.extract %slice3A_634[0] : i32 from vector<1xi32>
        %shift_right_arithmetic3A_636 = arith.constant 7 : i32
        %shift_right_arithmetic3A_637 = arith.shrsi %squeeze3A_635, %shift_right_arithmetic3A_636 : i32
        %shift_left3A_638 = arith.constant 7 : i32
        %shift_left3A_639 = arith.shli %shift_right_arithmetic3A_637, %shift_left3A_638 : i32
        %multiple_of3A_640 = tpu.assume_multiple %shift_left3A_639, 128 : i32
        %dma_start3A_641 = arith.constant 0 : i32
        %dma_start3A_642 = tpu.memref_slice %arg3[%dma_start3A_641, %multiple_of3A_640] : memref<64x1000000xf32, #tpu.memory_space<hbm>> -> memref<64x128xf32, #tpu.memory_space<hbm>>
        %dma_start3A_643 = arith.constant 0 : i32
        %dma_start3A_644 = tpu.memref_slice %arg3[%dma_start3A_643, %multiple_of3A_640] : memref<64x1000000xf32, #tpu.memory_space<hbm>> -> memref<64x128xf32, #tpu.memory_space<hbm>>
        tpu.enqueue_dma source(%dma_start3A_644 : memref<64x128xf32, #tpu.memory_space<hbm>>) target(%arg19 : memref<64x128xf32, #tpu.memory_space<vmem>>) target_semaphore(%arg22 : memref<!tpu.dma_semaphore, #tpu.memory_space<semaphore_mem>>)
        %dma_wait3A_645 = arith.constant 0 : i32
        %dma_wait3A_646 = tpu.memref_slice %arg2[%dma_wait3A_645, %multiple_of3A_229] : memref<64x1000000xf32, #tpu.memory_space<hbm>> -> memref<64x128xf32, #tpu.memory_space<hbm>>
        %dma_wait3A_647 = arith.constant 0 : i32
        %dma_wait3A_648 = tpu.memref_slice %arg2[%dma_wait3A_647, %multiple_of3A_229] : memref<64x1000000xf32, #tpu.memory_space<hbm>> -> memref<64x128xf32, #tpu.memory_space<hbm>>
        tpu.wait_dma2 semaphore(%arg22 : memref<!tpu.dma_semaphore, #tpu.memory_space<semaphore_mem>>) src(%dma_wait3A_648 : memref<64x128xf32, #tpu.memory_space<hbm>>) dst(%arg10 : memref<64x128xf32, #tpu.memory_space<vmem>>)
        %slice3A_649 = vector.extract_strided_slice %get3A_29 {offsets = [5], sizes = [1], strides = [1]} : vector<16xi32> to vector<1xi32>
        %squeeze3A_650 = vector.extract %slice3A_649[0] : i32 from vector<1xi32>
        %and3A_651 = arith.constant 127 : i32
        %and3A_652 = arith.andi %squeeze3A_650, %and3A_651 : i32
        %broadcast_in_dim3A_653 = vector.broadcast %and3A_652 : i32 to vector<16xi32>
        %add3A_654 = arith.constant 0 : i32
        %add3A_655 = vector.broadcast %add3A_654 : i32 to vector<16xi32>
        %add3A_656 = arith.addi %iota3A, %add3A_655 : vector<16xi32>
        %gather3A_657 = tpu.vector_load_idx %arg10[%add3A_656, %broadcast_in_dim3A_653] : memref<64x128xf32, #tpu.memory_space<vmem>>[vector<16xi32>, vector<16xi32>], vector<16xf32>,
        %swap3A_658 = arith.index_cast %add3A_622 : i32 to index
        %swap3A_659 = arith.constant 0 : index
        %swap3A_660 = tpu.vector_load %arg20[%swap3A_658, %swap3A_659] {strides = array<i32>} : memref<128x64xf32, #tpu.memory_space<vmem>>, vector<16xf32>,
        tpu.vector_store %arg20[%swap3A_658, %swap3A_659], %gather3A_657 {strides = array<i32>} : memref<128x64xf32, #tpu.memory_space<vmem>>, vector<16xf32>,
        %add3A_661 = arith.constant 16 : i32
        %add3A_662 = vector.broadcast %add3A_661 : i32 to vector<16xi32>
        %add3A_663 = arith.addi %iota3A, %add3A_662 : vector<16xi32>
        %gather3A_664 = tpu.vector_load_idx %arg10[%add3A_663, %broadcast_in_dim3A_653] : memref<64x128xf32, #tpu.memory_space<vmem>>[vector<16xi32>, vector<16xi32>], vector<16xf32>,
        %swap3A_665 = arith.index_cast %add3A_622 : i32 to index
        %swap3A_666 = arith.constant 16 : index
        %swap3A_667 = tpu.vector_load %arg20[%swap3A_665, %swap3A_666] {strides = array<i32>} : memref<128x64xf32, #tpu.memory_space<vmem>>, vector<16xf32>,
        tpu.vector_store %arg20[%swap3A_665, %swap3A_666], %gather3A_664 {strides = array<i32>} : memref<128x64xf32, #tpu.memory_space<vmem>>, vector<16xf32>,
        %add3A_668 = arith.constant 32 : i32
        %add3A_669 = vector.broadcast %add3A_668 : i32 to vector<16xi32>
        %add3A_670 = arith.addi %iota3A, %add3A_669 : vector<16xi32>
        %gather3A_671 = tpu.vector_load_idx %arg10[%add3A_670, %broadcast_in_dim3A_653] : memref<64x128xf32, #tpu.memory_space<vmem>>[vector<16xi32>, vector<16xi32>], vector<16xf32>,
        %swap3A_672 = arith.index_cast %add3A_622 : i32 to index
        %swap3A_673 = arith.constant 32 : index
        %swap3A_674 = tpu.vector_load %arg20[%swap3A_672, %swap3A_673] {strides = array<i32>} : memref<128x64xf32, #tpu.memory_space<vmem>>, vector<16xf32>,
        tpu.vector_store %arg20[%swap3A_672, %swap3A_673], %gather3A_671 {strides = array<i32>} : memref<128x64xf32, #tpu.memory_space<vmem>>, vector<16xf32>,
        %add3A_675 = arith.constant 48 : i32
        %add3A_676 = vector.broadcast %add3A_675 : i32 to vector<16xi32>
        %add3A_677 = arith.addi %iota3A, %add3A_676 : vector<16xi32>
        %gather3A_678 = tpu.vector_load_idx %arg10[%add3A_677, %broadcast_in_dim3A_653] : memref<64x128xf32, #tpu.memory_space<vmem>>[vector<16xi32>, vector<16xi32>], vector<16xf32>,
        %swap3A_679 = arith.index_cast %add3A_622 : i32 to index
        %swap3A_680 = arith.constant 48 : index
        %swap3A_681 = tpu.vector_load %arg20[%swap3A_679, %swap3A_680] {strides = array<i32>} : memref<128x64xf32, #tpu.memory_space<vmem>>, vector<16xf32>,
        tpu.vector_store %arg20[%swap3A_679, %swap3A_680], %gather3A_678 {strides = array<i32>} : memref<128x64xf32, #tpu.memory_space<vmem>>, vector<16xf32>,
        %dma_wait3A_682 = arith.constant 0 : i32
        %dma_wait3A_683 = tpu.memref_slice %arg3[%dma_wait3A_682, %multiple_of3A_240] : memref<64x1000000xf32, #tpu.memory_space<hbm>> -> memref<64x128xf32, #tpu.memory_space<hbm>>
        %dma_wait3A_684 = arith.constant 0 : i32
        %dma_wait3A_685 = tpu.memref_slice %arg3[%dma_wait3A_684, %multiple_of3A_240] : memref<64x1000000xf32, #tpu.memory_space<hbm>> -> memref<64x128xf32, #tpu.memory_space<hbm>>
        tpu.wait_dma2 semaphore(%arg22 : memref<!tpu.dma_semaphore, #tpu.memory_space<semaphore_mem>>) src(%dma_wait3A_685 : memref<64x128xf32, #tpu.memory_space<hbm>>) dst(%arg15 : memref<64x128xf32, #tpu.memory_space<vmem>>)
        %slice3A_686 = vector.extract_strided_slice %get3A_37 {offsets = [5], sizes = [1], strides = [1]} : vector<16xi32> to vector<1xi32>
        %squeeze3A_687 = vector.extract %slice3A_686[0] : i32 from vector<1xi32>
        %and3A_688 = arith.constant 127 : i32
        %and3A_689 = arith.andi %squeeze3A_687, %and3A_688 : i32
        %broadcast_in_dim3A_690 = vector.broadcast %and3A_689 : i32 to vector<16xi32>
        %add3A_691 = arith.constant 0 : i32
        %add3A_692 = vector.broadcast %add3A_691 : i32 to vector<16xi32>
        %add3A_693 = arith.addi %iota3A, %add3A_692 : vector<16xi32>
        %gather3A_694 = tpu.vector_load_idx %arg15[%add3A_693, %broadcast_in_dim3A_690] : memref<64x128xf32, #tpu.memory_space<vmem>>[vector<16xi32>, vector<16xi32>], vector<16xf32>,
        %swap3A_695 = arith.index_cast %add3A_622 : i32 to index
        %swap3A_696 = arith.constant 0 : index
        %swap3A_697 = tpu.vector_load %arg21[%swap3A_695, %swap3A_696] {strides = array<i32>} : memref<128x64xf32, #tpu.memory_space<vmem>>, vector<16xf32>,
        tpu.vector_store %arg21[%swap3A_695, %swap3A_696], %gather3A_694 {strides = array<i32>} : memref<128x64xf32, #tpu.memory_space<vmem>>, vector<16xf32>,
        %add3A_698 = arith.constant 16 : i32
        %add3A_699 = vector.broadcast %add3A_698 : i32 to vector<16xi32>
        %add3A_700 = arith.addi %iota3A, %add3A_699 : vector<16xi32>
        %gather3A_701 = tpu.vector_load_idx %arg15[%add3A_700, %broadcast_in_dim3A_690] : memref<64x128xf32, #tpu.memory_space<vmem>>[vector<16xi32>, vector<16xi32>], vector<16xf32>,
        %swap3A_702 = arith.index_cast %add3A_622 : i32 to index
        %swap3A_703 = arith.constant 16 : index
        %swap3A_704 = tpu.vector_load %arg21[%swap3A_702, %swap3A_703] {strides = array<i32>} : memref<128x64xf32, #tpu.memory_space<vmem>>, vector<16xf32>,
        tpu.vector_store %arg21[%swap3A_702, %swap3A_703], %gather3A_701 {strides = array<i32>} : memref<128x64xf32, #tpu.memory_space<vmem>>, vector<16xf32>,
        %add3A_705 = arith.constant 32 : i32
        %add3A_706 = vector.broadcast %add3A_705 : i32 to vector<16xi32>
        %add3A_707 = arith.addi %iota3A, %add3A_706 : vector<16xi32>
        %gather3A_708 = tpu.vector_load_idx %arg15[%add3A_707, %broadcast_in_dim3A_690] : memref<64x128xf32, #tpu.memory_space<vmem>>[vector<16xi32>, vector<16xi32>], vector<16xf32>,
        %swap3A_709 = arith.index_cast %add3A_622 : i32 to index
        %swap3A_710 = arith.constant 32 : index
        %swap3A_711 = tpu.vector_load %arg21[%swap3A_709, %swap3A_710] {strides = array<i32>} : memref<128x64xf32, #tpu.memory_space<vmem>>, vector<16xf32>,
        tpu.vector_store %arg21[%swap3A_709, %swap3A_710], %gather3A_708 {strides = array<i32>} : memref<128x64xf32, #tpu.memory_space<vmem>>, vector<16xf32>,
        %add3A_712 = arith.constant 48 : i32
        %add3A_713 = vector.broadcast %add3A_712 : i32 to vector<16xi32>
        %add3A_714 = arith.addi %iota3A, %add3A_713 : vector<16xi32>
        %gather3A_715 = tpu.vector_load_idx %arg15[%add3A_714, %broadcast_in_dim3A_690] : memref<64x128xf32, #tpu.memory_space<vmem>>[vector<16xi32>, vector<16xi32>], vector<16xf32>,
        %swap3A_716 = arith.index_cast %add3A_622 : i32 to index
        %swap3A_717 = arith.constant 48 : index
        %swap3A_718 = tpu.vector_load %arg21[%swap3A_716, %swap3A_717] {strides = array<i32>} : memref<128x64xf32, #tpu.memory_space<vmem>>, vector<16xf32>,
        tpu.vector_store %arg21[%swap3A_716, %swap3A_717], %gather3A_715 {strides = array<i32>} : memref<128x64xf32, #tpu.memory_space<vmem>>, vector<16xf32>,
        %mul3A_719 = arith.constant 32 : i32
        %mul3A_720 = arith.muli %scan3A_21, %mul3A_719 : i32
        %add3A_721 = arith.constant 6 : i32
        %add3A_722 = arith.addi %mul3A_720, %add3A_721 : i32
        %slice3A_723 = vector.extract_strided_slice %get3A_29 {offsets = [10], sizes = [1], strides = [1]} : vector<16xi32> to vector<1xi32>
        %squeeze3A_724 = vector.extract %slice3A_723[0] : i32 from vector<1xi32>
        %shift_right_arithmetic3A_725 = arith.constant 7 : i32
        %shift_right_arithmetic3A_726 = arith.shrsi %squeeze3A_724, %shift_right_arithmetic3A_725 : i32
        %shift_left3A_727 = arith.constant 7 : i32
        %shift_left3A_728 = arith.shli %shift_right_arithmetic3A_726, %shift_left3A_727 : i32
        %multiple_of3A_729 = tpu.assume_multiple %shift_left3A_728, 128 : i32
        %dma_start3A_730 = arith.constant 0 : i32
        %dma_start3A_731 = tpu.memref_slice %arg2[%dma_start3A_730, %multiple_of3A_729] : memref<64x1000000xf32, #tpu.memory_space<hbm>> -> memref<64x128xf32, #tpu.memory_space<hbm>>
        %dma_start3A_732 = arith.constant 0 : i32
        %dma_start3A_733 = tpu.memref_slice %arg2[%dma_start3A_732, %multiple_of3A_729] : memref<64x1000000xf32, #tpu.memory_space<hbm>> -> memref<64x128xf32, #tpu.memory_space<hbm>>
        tpu.enqueue_dma source(%dma_start3A_733 : memref<64x128xf32, #tpu.memory_space<hbm>>) target(%arg10 : memref<64x128xf32, #tpu.memory_space<vmem>>) target_semaphore(%arg22 : memref<!tpu.dma_semaphore, #tpu.memory_space<semaphore_mem>>)
        %slice3A_734 = vector.extract_strided_slice %get3A_37 {offsets = [10], sizes = [1], strides = [1]} : vector<16xi32> to vector<1xi32>
        %squeeze3A_735 = vector.extract %slice3A_734[0] : i32 from vector<1xi32>
        %shift_right_arithmetic3A_736 = arith.constant 7 : i32
        %shift_right_arithmetic3A_737 = arith.shrsi %squeeze3A_735, %shift_right_arithmetic3A_736 : i32
        %shift_left3A_738 = arith.constant 7 : i32
        %shift_left3A_739 = arith.shli %shift_right_arithmetic3A_737, %shift_left3A_738 : i32
        %multiple_of3A_740 = tpu.assume_multiple %shift_left3A_739, 128 : i32
        %dma_start3A_741 = arith.constant 0 : i32
        %dma_start3A_742 = tpu.memref_slice %arg3[%dma_start3A_741, %multiple_of3A_740] : memref<64x1000000xf32, #tpu.memory_space<hbm>> -> memref<64x128xf32, #tpu.memory_space<hbm>>
        %dma_start3A_743 = arith.constant 0 : i32
        %dma_start3A_744 = tpu.memref_slice %arg3[%dma_start3A_743, %multiple_of3A_740] : memref<64x1000000xf32, #tpu.memory_space<hbm>> -> memref<64x128xf32, #tpu.memory_space<hbm>>
        tpu.enqueue_dma source(%dma_start3A_744 : memref<64x128xf32, #tpu.memory_space<hbm>>) target(%arg15 : memref<64x128xf32, #tpu.memory_space<vmem>>) target_semaphore(%arg22 : memref<!tpu.dma_semaphore, #tpu.memory_space<semaphore_mem>>)
        %dma_wait3A_745 = arith.constant 0 : i32
        %dma_wait3A_746 = tpu.memref_slice %arg2[%dma_wait3A_745, %multiple_of3A_329] : memref<64x1000000xf32, #tpu.memory_space<hbm>> -> memref<64x128xf32, #tpu.memory_space<hbm>>
        %dma_wait3A_747 = arith.constant 0 : i32
        %dma_wait3A_748 = tpu.memref_slice %arg2[%dma_wait3A_747, %multiple_of3A_329] : memref<64x1000000xf32, #tpu.memory_space<hbm>> -> memref<64x128xf32, #tpu.memory_space<hbm>>
        tpu.wait_dma2 semaphore(%arg22 : memref<!tpu.dma_semaphore, #tpu.memory_space<semaphore_mem>>) src(%dma_wait3A_748 : memref<64x128xf32, #tpu.memory_space<hbm>>) dst(%arg11 : memref<64x128xf32, #tpu.memory_space<vmem>>)
        %slice3A_749 = vector.extract_strided_slice %get3A_29 {offsets = [6], sizes = [1], strides = [1]} : vector<16xi32> to vector<1xi32>
        %squeeze3A_750 = vector.extract %slice3A_749[0] : i32 from vector<1xi32>
        %and3A_751 = arith.constant 127 : i32
        %and3A_752 = arith.andi %squeeze3A_750, %and3A_751 : i32
        %broadcast_in_dim3A_753 = vector.broadcast %and3A_752 : i32 to vector<16xi32>
        %add3A_754 = arith.constant 0 : i32
        %add3A_755 = vector.broadcast %add3A_754 : i32 to vector<16xi32>
        %add3A_756 = arith.addi %iota3A, %add3A_755 : vector<16xi32>
        %gather3A_757 = tpu.vector_load_idx %arg11[%add3A_756, %broadcast_in_dim3A_753] : memref<64x128xf32, #tpu.memory_space<vmem>>[vector<16xi32>, vector<16xi32>], vector<16xf32>,
        %swap3A_758 = arith.index_cast %add3A_722 : i32 to index
        %swap3A_759 = arith.constant 0 : index
        %swap3A_760 = tpu.vector_load %arg20[%swap3A_758, %swap3A_759] {strides = array<i32>} : memref<128x64xf32, #tpu.memory_space<vmem>>, vector<16xf32>,
        tpu.vector_store %arg20[%swap3A_758, %swap3A_759], %gather3A_757 {strides = array<i32>} : memref<128x64xf32, #tpu.memory_space<vmem>>, vector<16xf32>,
        %add3A_761 = arith.constant 16 : i32
        %add3A_762 = vector.broadcast %add3A_761 : i32 to vector<16xi32>
        %add3A_763 = arith.addi %iota3A, %add3A_762 : vector<16xi32>
        %gather3A_764 = tpu.vector_load_idx %arg11[%add3A_763, %broadcast_in_dim3A_753] : memref<64x128xf32, #tpu.memory_space<vmem>>[vector<16xi32>, vector<16xi32>], vector<16xf32>,
        %swap3A_765 = arith.index_cast %add3A_722 : i32 to index
        %swap3A_766 = arith.constant 16 : index
        %swap3A_767 = tpu.vector_load %arg20[%swap3A_765, %swap3A_766] {strides = array<i32>} : memref<128x64xf32, #tpu.memory_space<vmem>>, vector<16xf32>,
        tpu.vector_store %arg20[%swap3A_765, %swap3A_766], %gather3A_764 {strides = array<i32>} : memref<128x64xf32, #tpu.memory_space<vmem>>, vector<16xf32>,
        %add3A_768 = arith.constant 32 : i32
        %add3A_769 = vector.broadcast %add3A_768 : i32 to vector<16xi32>
        %add3A_770 = arith.addi %iota3A, %add3A_769 : vector<16xi32>
        %gather3A_771 = tpu.vector_load_idx %arg11[%add3A_770, %broadcast_in_dim3A_753] : memref<64x128xf32, #tpu.memory_space<vmem>>[vector<16xi32>, vector<16xi32>], vector<16xf32>,
        %swap3A_772 = arith.index_cast %add3A_722 : i32 to index
        %swap3A_773 = arith.constant 32 : index
        %swap3A_774 = tpu.vector_load %arg20[%swap3A_772, %swap3A_773] {strides = array<i32>} : memref<128x64xf32, #tpu.memory_space<vmem>>, vector<16xf32>,
        tpu.vector_store %arg20[%swap3A_772, %swap3A_773], %gather3A_771 {strides = array<i32>} : memref<128x64xf32, #tpu.memory_space<vmem>>, vector<16xf32>,
        %add3A_775 = arith.constant 48 : i32
        %add3A_776 = vector.broadcast %add3A_775 : i32 to vector<16xi32>
        %add3A_777 = arith.addi %iota3A, %add3A_776 : vector<16xi32>
        %gather3A_778 = tpu.vector_load_idx %arg11[%add3A_777, %broadcast_in_dim3A_753] : memref<64x128xf32, #tpu.memory_space<vmem>>[vector<16xi32>, vector<16xi32>], vector<16xf32>,
        %swap3A_779 = arith.index_cast %add3A_722 : i32 to index
        %swap3A_780 = arith.constant 48 : index
        %swap3A_781 = tpu.vector_load %arg20[%swap3A_779, %swap3A_780] {strides = array<i32>} : memref<128x64xf32, #tpu.memory_space<vmem>>, vector<16xf32>,
        tpu.vector_store %arg20[%swap3A_779, %swap3A_780], %gather3A_778 {strides = array<i32>} : memref<128x64xf32, #tpu.memory_space<vmem>>, vector<16xf32>,
        %dma_wait3A_782 = arith.constant 0 : i32
        %dma_wait3A_783 = tpu.memref_slice %arg3[%dma_wait3A_782, %multiple_of3A_340] : memref<64x1000000xf32, #tpu.memory_space<hbm>> -> memref<64x128xf32, #tpu.memory_space<hbm>>
        %dma_wait3A_784 = arith.constant 0 : i32
        %dma_wait3A_785 = tpu.memref_slice %arg3[%dma_wait3A_784, %multiple_of3A_340] : memref<64x1000000xf32, #tpu.memory_space<hbm>> -> memref<64x128xf32, #tpu.memory_space<hbm>>
        tpu.wait_dma2 semaphore(%arg22 : memref<!tpu.dma_semaphore, #tpu.memory_space<semaphore_mem>>) src(%dma_wait3A_785 : memref<64x128xf32, #tpu.memory_space<hbm>>) dst(%arg16 : memref<64x128xf32, #tpu.memory_space<vmem>>)
        %slice3A_786 = vector.extract_strided_slice %get3A_37 {offsets = [6], sizes = [1], strides = [1]} : vector<16xi32> to vector<1xi32>
        %squeeze3A_787 = vector.extract %slice3A_786[0] : i32 from vector<1xi32>
        %and3A_788 = arith.constant 127 : i32
        %and3A_789 = arith.andi %squeeze3A_787, %and3A_788 : i32
        %broadcast_in_dim3A_790 = vector.broadcast %and3A_789 : i32 to vector<16xi32>
        %add3A_791 = arith.constant 0 : i32
        %add3A_792 = vector.broadcast %add3A_791 : i32 to vector<16xi32>
        %add3A_793 = arith.addi %iota3A, %add3A_792 : vector<16xi32>
        %gather3A_794 = tpu.vector_load_idx %arg16[%add3A_793, %broadcast_in_dim3A_790] : memref<64x128xf32, #tpu.memory_space<vmem>>[vector<16xi32>, vector<16xi32>], vector<16xf32>,
        %swap3A_795 = arith.index_cast %add3A_722 : i32 to index
        %swap3A_796 = arith.constant 0 : index
        %swap3A_797 = tpu.vector_load %arg21[%swap3A_795, %swap3A_796] {strides = array<i32>} : memref<128x64xf32, #tpu.memory_space<vmem>>, vector<16xf32>,
        tpu.vector_store %arg21[%swap3A_795, %swap3A_796], %gather3A_794 {strides = array<i32>} : memref<128x64xf32, #tpu.memory_space<vmem>>, vector<16xf32>,
        %add3A_798 = arith.constant 16 : i32
        %add3A_799 = vector.broadcast %add3A_798 : i32 to vector<16xi32>
        %add3A_800 = arith.addi %iota3A, %add3A_799 : vector<16xi32>
        %gather3A_801 = tpu.vector_load_idx %arg16[%add3A_800, %broadcast_in_dim3A_790] : memref<64x128xf32, #tpu.memory_space<vmem>>[vector<16xi32>, vector<16xi32>], vector<16xf32>,
        %swap3A_802 = arith.index_cast %add3A_722 : i32 to index
        %swap3A_803 = arith.constant 16 : index
        %swap3A_804 = tpu.vector_load %arg21[%swap3A_802, %swap3A_803] {strides = array<i32>} : memref<128x64xf32, #tpu.memory_space<vmem>>, vector<16xf32>,
        tpu.vector_store %arg21[%swap3A_802, %swap3A_803], %gather3A_801 {strides = array<i32>} : memref<128x64xf32, #tpu.memory_space<vmem>>, vector<16xf32>,
        %add3A_805 = arith.constant 32 : i32
        %add3A_806 = vector.broadcast %add3A_805 : i32 to vector<16xi32>
        %add3A_807 = arith.addi %iota3A, %add3A_806 : vector<16xi32>
        %gather3A_808 = tpu.vector_load_idx %arg16[%add3A_807, %broadcast_in_dim3A_790] : memref<64x128xf32, #tpu.memory_space<vmem>>[vector<16xi32>, vector<16xi32>], vector<16xf32>,
        %swap3A_809 = arith.index_cast %add3A_722 : i32 to index
        %swap3A_810 = arith.constant 32 : index
        %swap3A_811 = tpu.vector_load %arg21[%swap3A_809, %swap3A_810] {strides = array<i32>} : memref<128x64xf32, #tpu.memory_space<vmem>>, vector<16xf32>,
        tpu.vector_store %arg21[%swap3A_809, %swap3A_810], %gather3A_808 {strides = array<i32>} : memref<128x64xf32, #tpu.memory_space<vmem>>, vector<16xf32>,
        %add3A_812 = arith.constant 48 : i32
        %add3A_813 = vector.broadcast %add3A_812 : i32 to vector<16xi32>
        %add3A_814 = arith.addi %iota3A, %add3A_813 : vector<16xi32>
        %gather3A_815 = tpu.vector_load_idx %arg16[%add3A_814, %broadcast_in_dim3A_790] : memref<64x128xf32, #tpu.memory_space<vmem>>[vector<16xi32>, vector<16xi32>], vector<16xf32>,
        %swap3A_816 = arith.index_cast %add3A_722 : i32 to index
        %swap3A_817 = arith.constant 48 : index
        %swap3A_818 = tpu.vector_load %arg21[%swap3A_816, %swap3A_817] {strides = array<i32>} : memref<128x64xf32, #tpu.memory_space<vmem>>, vector<16xf32>,
        tpu.vector_store %arg21[%swap3A_816, %swap3A_817], %gather3A_815 {strides = array<i32>} : memref<128x64xf32, #tpu.memory_space<vmem>>, vector<16xf32>,
        %mul3A_819 = arith.constant 32 : i32
        %mul3A_820 = arith.muli %scan3A_21, %mul3A_819 : i32
        %add3A_821 = arith.constant 7 : i32
        %add3A_822 = arith.addi %mul3A_820, %add3A_821 : i32
        %slice3A_823 = vector.extract_strided_slice %get3A_29 {offsets = [11], sizes = [1], strides = [1]} : vector<16xi32> to vector<1xi32>
        %squeeze3A_824 = vector.extract %slice3A_823[0] : i32 from vector<1xi32>
        %shift_right_arithmetic3A_825 = arith.constant 7 : i32
        %shift_right_arithmetic3A_826 = arith.shrsi %squeeze3A_824, %shift_right_arithmetic3A_825 : i32
        %shift_left3A_827 = arith.constant 7 : i32
        %shift_left3A_828 = arith.shli %shift_right_arithmetic3A_826, %shift_left3A_827 : i32
        %multiple_of3A_829 = tpu.assume_multiple %shift_left3A_828, 128 : i32
        %dma_start3A_830 = arith.constant 0 : i32
        %dma_start3A_831 = tpu.memref_slice %arg2[%dma_start3A_830, %multiple_of3A_829] : memref<64x1000000xf32, #tpu.memory_space<hbm>> -> memref<64x128xf32, #tpu.memory_space<hbm>>
        %dma_start3A_832 = arith.constant 0 : i32
        %dma_start3A_833 = tpu.memref_slice %arg2[%dma_start3A_832, %multiple_of3A_829] : memref<64x1000000xf32, #tpu.memory_space<hbm>> -> memref<64x128xf32, #tpu.memory_space<hbm>>
        tpu.enqueue_dma source(%dma_start3A_833 : memref<64x128xf32, #tpu.memory_space<hbm>>) target(%arg11 : memref<64x128xf32, #tpu.memory_space<vmem>>) target_semaphore(%arg22 : memref<!tpu.dma_semaphore, #tpu.memory_space<semaphore_mem>>)
        %slice3A_834 = vector.extract_strided_slice %get3A_37 {offsets = [11], sizes = [1], strides = [1]} : vector<16xi32> to vector<1xi32>
        %squeeze3A_835 = vector.extract %slice3A_834[0] : i32 from vector<1xi32>
        %shift_right_arithmetic3A_836 = arith.constant 7 : i32
        %shift_right_arithmetic3A_837 = arith.shrsi %squeeze3A_835, %shift_right_arithmetic3A_836 : i32
        %shift_left3A_838 = arith.constant 7 : i32
        %shift_left3A_839 = arith.shli %shift_right_arithmetic3A_837, %shift_left3A_838 : i32
        %multiple_of3A_840 = tpu.assume_multiple %shift_left3A_839, 128 : i32
        %dma_start3A_841 = arith.constant 0 : i32
        %dma_start3A_842 = tpu.memref_slice %arg3[%dma_start3A_841, %multiple_of3A_840] : memref<64x1000000xf32, #tpu.memory_space<hbm>> -> memref<64x128xf32, #tpu.memory_space<hbm>>
        %dma_start3A_843 = arith.constant 0 : i32
        %dma_start3A_844 = tpu.memref_slice %arg3[%dma_start3A_843, %multiple_of3A_840] : memref<64x1000000xf32, #tpu.memory_space<hbm>> -> memref<64x128xf32, #tpu.memory_space<hbm>>
        tpu.enqueue_dma source(%dma_start3A_844 : memref<64x128xf32, #tpu.memory_space<hbm>>) target(%arg16 : memref<64x128xf32, #tpu.memory_space<vmem>>) target_semaphore(%arg22 : memref<!tpu.dma_semaphore, #tpu.memory_space<semaphore_mem>>)
        %dma_wait3A_845 = arith.constant 0 : i32
        %dma_wait3A_846 = tpu.memref_slice %arg2[%dma_wait3A_845, %multiple_of3A_429] : memref<64x1000000xf32, #tpu.memory_space<hbm>> -> memref<64x128xf32, #tpu.memory_space<hbm>>
        %dma_wait3A_847 = arith.constant 0 : i32
        %dma_wait3A_848 = tpu.memref_slice %arg2[%dma_wait3A_847, %multiple_of3A_429] : memref<64x1000000xf32, #tpu.memory_space<hbm>> -> memref<64x128xf32, #tpu.memory_space<hbm>>
        tpu.wait_dma2 semaphore(%arg22 : memref<!tpu.dma_semaphore, #tpu.memory_space<semaphore_mem>>) src(%dma_wait3A_848 : memref<64x128xf32, #tpu.memory_space<hbm>>) dst(%arg12 : memref<64x128xf32, #tpu.memory_space<vmem>>)
        %slice3A_849 = vector.extract_strided_slice %get3A_29 {offsets = [7], sizes = [1], strides = [1]} : vector<16xi32> to vector<1xi32>
        %squeeze3A_850 = vector.extract %slice3A_849[0] : i32 from vector<1xi32>
        %and3A_851 = arith.constant 127 : i32
        %and3A_852 = arith.andi %squeeze3A_850, %and3A_851 : i32
        %broadcast_in_dim3A_853 = vector.broadcast %and3A_852 : i32 to vector<16xi32>
        %add3A_854 = arith.constant 0 : i32
        %add3A_855 = vector.broadcast %add3A_854 : i32 to vector<16xi32>
        %add3A_856 = arith.addi %iota3A, %add3A_855 : vector<16xi32>
        %gather3A_857 = tpu.vector_load_idx %arg12[%add3A_856, %broadcast_in_dim3A_853] : memref<64x128xf32, #tpu.memory_space<vmem>>[vector<16xi32>, vector<16xi32>], vector<16xf32>,
        %swap3A_858 = arith.index_cast %add3A_822 : i32 to index
        %swap3A_859 = arith.constant 0 : index
        %swap3A_860 = tpu.vector_load %arg20[%swap3A_858, %swap3A_859] {strides = array<i32>} : memref<128x64xf32, #tpu.memory_space<vmem>>, vector<16xf32>,
        tpu.vector_store %arg20[%swap3A_858, %swap3A_859], %gather3A_857 {strides = array<i32>} : memref<128x64xf32, #tpu.memory_space<vmem>>, vector<16xf32>,
        %add3A_861 = arith.constant 16 : i32
        %add3A_862 = vector.broadcast %add3A_861 : i32 to vector<16xi32>
        %add3A_863 = arith.addi %iota3A, %add3A_862 : vector<16xi32>
        %gather3A_864 = tpu.vector_load_idx %arg12[%add3A_863, %broadcast_in_dim3A_853] : memref<64x128xf32, #tpu.memory_space<vmem>>[vector<16xi32>, vector<16xi32>], vector<16xf32>,
        %swap3A_865 = arith.index_cast %add3A_822 : i32 to index
        %swap3A_866 = arith.constant 16 : index
        %swap3A_867 = tpu.vector_load %arg20[%swap3A_865, %swap3A_866] {strides = array<i32>} : memref<128x64xf32, #tpu.memory_space<vmem>>, vector<16xf32>,
        tpu.vector_store %arg20[%swap3A_865, %swap3A_866], %gather3A_864 {strides = array<i32>} : memref<128x64xf32, #tpu.memory_space<vmem>>, vector<16xf32>,
        %add3A_868 = arith.constant 32 : i32
        %add3A_869 = vector.broadcast %add3A_868 : i32 to vector<16xi32>
        %add3A_870 = arith.addi %iota3A, %add3A_869 : vector<16xi32>
        %gather3A_871 = tpu.vector_load_idx %arg12[%add3A_870, %broadcast_in_dim3A_853] : memref<64x128xf32, #tpu.memory_space<vmem>>[vector<16xi32>, vector<16xi32>], vector<16xf32>,
        %swap3A_872 = arith.index_cast %add3A_822 : i32 to index
        %swap3A_873 = arith.constant 32 : index
        %swap3A_874 = tpu.vector_load %arg20[%swap3A_872, %swap3A_873] {strides = array<i32>} : memref<128x64xf32, #tpu.memory_space<vmem>>, vector<16xf32>,
        tpu.vector_store %arg20[%swap3A_872, %swap3A_873], %gather3A_871 {strides = array<i32>} : memref<128x64xf32, #tpu.memory_space<vmem>>, vector<16xf32>,
        %add3A_875 = arith.constant 48 : i32
        %add3A_876 = vector.broadcast %add3A_875 : i32 to vector<16xi32>
        %add3A_877 = arith.addi %iota3A, %add3A_876 : vector<16xi32>
        %gather3A_878 = tpu.vector_load_idx %arg12[%add3A_877, %broadcast_in_dim3A_853] : memref<64x128xf32, #tpu.memory_space<vmem>>[vector<16xi32>, vector<16xi32>], vector<16xf32>,
        %swap3A_879 = arith.index_cast %add3A_822 : i32 to index
        %swap3A_880 = arith.constant 48 : index
        %swap3A_881 = tpu.vector_load %arg20[%swap3A_879, %swap3A_880] {strides = array<i32>} : memref<128x64xf32, #tpu.memory_space<vmem>>, vector<16xf32>,
        tpu.vector_store %arg20[%swap3A_879, %swap3A_880], %gather3A_878 {strides = array<i32>} : memref<128x64xf32, #tpu.memory_space<vmem>>, vector<16xf32>,
        %dma_wait3A_882 = arith.constant 0 : i32
        %dma_wait3A_883 = tpu.memref_slice %arg3[%dma_wait3A_882, %multiple_of3A_440] : memref<64x1000000xf32, #tpu.memory_space<hbm>> -> memref<64x128xf32, #tpu.memory_space<hbm>>
        %dma_wait3A_884 = arith.constant 0 : i32
        %dma_wait3A_885 = tpu.memref_slice %arg3[%dma_wait3A_884, %multiple_of3A_440] : memref<64x1000000xf32, #tpu.memory_space<hbm>> -> memref<64x128xf32, #tpu.memory_space<hbm>>
        tpu.wait_dma2 semaphore(%arg22 : memref<!tpu.dma_semaphore, #tpu.memory_space<semaphore_mem>>) src(%dma_wait3A_885 : memref<64x128xf32, #tpu.memory_space<hbm>>) dst(%arg17 : memref<64x128xf32, #tpu.memory_space<vmem>>)
        %slice3A_886 = vector.extract_strided_slice %get3A_37 {offsets = [7], sizes = [1], strides = [1]} : vector<16xi32> to vector<1xi32>
        %squeeze3A_887 = vector.extract %slice3A_886[0] : i32 from vector<1xi32>
        %and3A_888 = arith.constant 127 : i32
        %and3A_889 = arith.andi %squeeze3A_887, %and3A_888 : i32
        %broadcast_in_dim3A_890 = vector.broadcast %and3A_889 : i32 to vector<16xi32>
        %add3A_891 = arith.constant 0 : i32
        %add3A_892 = vector.broadcast %add3A_891 : i32 to vector<16xi32>
        %add3A_893 = arith.addi %iota3A, %add3A_892 : vector<16xi32>
        %gather3A_894 = tpu.vector_load_idx %arg17[%add3A_893, %broadcast_in_dim3A_890] : memref<64x128xf32, #tpu.memory_space<vmem>>[vector<16xi32>, vector<16xi32>], vector<16xf32>,
        %swap3A_895 = arith.index_cast %add3A_822 : i32 to index
        %swap3A_896 = arith.constant 0 : index
        %swap3A_897 = tpu.vector_load %arg21[%swap3A_895, %swap3A_896] {strides = array<i32>} : memref<128x64xf32, #tpu.memory_space<vmem>>, vector<16xf32>,
        tpu.vector_store %arg21[%swap3A_895, %swap3A_896], %gather3A_894 {strides = array<i32>} : memref<128x64xf32, #tpu.memory_space<vmem>>, vector<16xf32>,
        %add3A_898 = arith.constant 16 : i32
        %add3A_899 = vector.broadcast %add3A_898 : i32 to vector<16xi32>
        %add3A_900 = arith.addi %iota3A, %add3A_899 : vector<16xi32>
        %gather3A_901 = tpu.vector_load_idx %arg17[%add3A_900, %broadcast_in_dim3A_890] : memref<64x128xf32, #tpu.memory_space<vmem>>[vector<16xi32>, vector<16xi32>], vector<16xf32>,
        %swap3A_902 = arith.index_cast %add3A_822 : i32 to index
        %swap3A_903 = arith.constant 16 : index
        %swap3A_904 = tpu.vector_load %arg21[%swap3A_902, %swap3A_903] {strides = array<i32>} : memref<128x64xf32, #tpu.memory_space<vmem>>, vector<16xf32>,
        tpu.vector_store %arg21[%swap3A_902, %swap3A_903], %gather3A_901 {strides = array<i32>} : memref<128x64xf32, #tpu.memory_space<vmem>>, vector<16xf32>,
        %add3A_905 = arith.constant 32 : i32
        %add3A_906 = vector.broadcast %add3A_905 : i32 to vector<16xi32>
        %add3A_907 = arith.addi %iota3A, %add3A_906 : vector<16xi32>
        %gather3A_908 = tpu.vector_load_idx %arg17[%add3A_907, %broadcast_in_dim3A_890] : memref<64x128xf32, #tpu.memory_space<vmem>>[vector<16xi32>, vector<16xi32>], vector<16xf32>,
        %swap3A_909 = arith.index_cast %add3A_822 : i32 to index
        %swap3A_910 = arith.constant 32 : index
        %swap3A_911 = tpu.vector_load %arg21[%swap3A_909, %swap3A_910] {strides = array<i32>} : memref<128x64xf32, #tpu.memory_space<vmem>>, vector<16xf32>,
        tpu.vector_store %arg21[%swap3A_909, %swap3A_910], %gather3A_908 {strides = array<i32>} : memref<128x64xf32, #tpu.memory_space<vmem>>, vector<16xf32>,
        %add3A_912 = arith.constant 48 : i32
        %add3A_913 = vector.broadcast %add3A_912 : i32 to vector<16xi32>
        %add3A_914 = arith.addi %iota3A, %add3A_913 : vector<16xi32>
        %gather3A_915 = tpu.vector_load_idx %arg17[%add3A_914, %broadcast_in_dim3A_890] : memref<64x128xf32, #tpu.memory_space<vmem>>[vector<16xi32>, vector<16xi32>], vector<16xf32>,
        %swap3A_916 = arith.index_cast %add3A_822 : i32 to index
        %swap3A_917 = arith.constant 48 : index
        %swap3A_918 = tpu.vector_load %arg21[%swap3A_916, %swap3A_917] {strides = array<i32>} : memref<128x64xf32, #tpu.memory_space<vmem>>, vector<16xf32>,
        tpu.vector_store %arg21[%swap3A_916, %swap3A_917], %gather3A_915 {strides = array<i32>} : memref<128x64xf32, #tpu.memory_space<vmem>>, vector<16xf32>,
        %mul3A_919 = arith.constant 32 : i32
        %mul3A_920 = arith.muli %scan3A_21, %mul3A_919 : i32
        %add3A_921 = arith.constant 8 : i32
        %add3A_922 = arith.addi %mul3A_920, %add3A_921 : i32
        %slice3A_923 = vector.extract_strided_slice %get3A_29 {offsets = [12], sizes = [1], strides = [1]} : vector<16xi32> to vector<1xi32>
        %squeeze3A_924 = vector.extract %slice3A_923[0] : i32 from vector<1xi32>
        %shift_right_arithmetic3A_925 = arith.constant 7 : i32
        %shift_right_arithmetic3A_926 = arith.shrsi %squeeze3A_924, %shift_right_arithmetic3A_925 : i32
        %shift_left3A_927 = arith.constant 7 : i32
        %shift_left3A_928 = arith.shli %shift_right_arithmetic3A_926, %shift_left3A_927 : i32
        %multiple_of3A_929 = tpu.assume_multiple %shift_left3A_928, 128 : i32
        %dma_start3A_930 = arith.constant 0 : i32
        %dma_start3A_931 = tpu.memref_slice %arg2[%dma_start3A_930, %multiple_of3A_929] : memref<64x1000000xf32, #tpu.memory_space<hbm>> -> memref<64x128xf32, #tpu.memory_space<hbm>>
        %dma_start3A_932 = arith.constant 0 : i32
        %dma_start3A_933 = tpu.memref_slice %arg2[%dma_start3A_932, %multiple_of3A_929] : memref<64x1000000xf32, #tpu.memory_space<hbm>> -> memref<64x128xf32, #tpu.memory_space<hbm>>
        tpu.enqueue_dma source(%dma_start3A_933 : memref<64x128xf32, #tpu.memory_space<hbm>>) target(%arg12 : memref<64x128xf32, #tpu.memory_space<vmem>>) target_semaphore(%arg22 : memref<!tpu.dma_semaphore, #tpu.memory_space<semaphore_mem>>)
        %slice3A_934 = vector.extract_strided_slice %get3A_37 {offsets = [12], sizes = [1], strides = [1]} : vector<16xi32> to vector<1xi32>
        %squeeze3A_935 = vector.extract %slice3A_934[0] : i32 from vector<1xi32>
        %shift_right_arithmetic3A_936 = arith.constant 7 : i32
        %shift_right_arithmetic3A_937 = arith.shrsi %squeeze3A_935, %shift_right_arithmetic3A_936 : i32
        %shift_left3A_938 = arith.constant 7 : i32
        %shift_left3A_939 = arith.shli %shift_right_arithmetic3A_937, %shift_left3A_938 : i32
        %multiple_of3A_940 = tpu.assume_multiple %shift_left3A_939, 128 : i32
        %dma_start3A_941 = arith.constant 0 : i32
        %dma_start3A_942 = tpu.memref_slice %arg3[%dma_start3A_941, %multiple_of3A_940] : memref<64x1000000xf32, #tpu.memory_space<hbm>> -> memref<64x128xf32, #tpu.memory_space<hbm>>
        %dma_start3A_943 = arith.constant 0 : i32
        %dma_start3A_944 = tpu.memref_slice %arg3[%dma_start3A_943, %multiple_of3A_940] : memref<64x1000000xf32, #tpu.memory_space<hbm>> -> memref<64x128xf32, #tpu.memory_space<hbm>>
        tpu.enqueue_dma source(%dma_start3A_944 : memref<64x128xf32, #tpu.memory_space<hbm>>) target(%arg17 : memref<64x128xf32, #tpu.memory_space<vmem>>) target_semaphore(%arg22 : memref<!tpu.dma_semaphore, #tpu.memory_space<semaphore_mem>>)
        %dma_wait3A_945 = arith.constant 0 : i32
        %dma_wait3A_946 = tpu.memref_slice %arg2[%dma_wait3A_945, %multiple_of3A_529] : memref<64x1000000xf32, #tpu.memory_space<hbm>> -> memref<64x128xf32, #tpu.memory_space<hbm>>
        %dma_wait3A_947 = arith.constant 0 : i32
        %dma_wait3A_948 = tpu.memref_slice %arg2[%dma_wait3A_947, %multiple_of3A_529] : memref<64x1000000xf32, #tpu.memory_space<hbm>> -> memref<64x128xf32, #tpu.memory_space<hbm>>
        tpu.wait_dma2 semaphore(%arg22 : memref<!tpu.dma_semaphore, #tpu.memory_space<semaphore_mem>>) src(%dma_wait3A_948 : memref<64x128xf32, #tpu.memory_space<hbm>>) dst(%arg13 : memref<64x128xf32, #tpu.memory_space<vmem>>)
        %slice3A_949 = vector.extract_strided_slice %get3A_29 {offsets = [8], sizes = [1], strides = [1]} : vector<16xi32> to vector<1xi32>
        %squeeze3A_950 = vector.extract %slice3A_949[0] : i32 from vector<1xi32>
        %and3A_951 = arith.constant 127 : i32
        %and3A_952 = arith.andi %squeeze3A_950, %and3A_951 : i32
        %broadcast_in_dim3A_953 = vector.broadcast %and3A_952 : i32 to vector<16xi32>
        %add3A_954 = arith.constant 0 : i32
        %add3A_955 = vector.broadcast %add3A_954 : i32 to vector<16xi32>
        %add3A_956 = arith.addi %iota3A, %add3A_955 : vector<16xi32>
        %gather3A_957 = tpu.vector_load_idx %arg13[%add3A_956, %broadcast_in_dim3A_953] : memref<64x128xf32, #tpu.memory_space<vmem>>[vector<16xi32>, vector<16xi32>], vector<16xf32>,
        %swap3A_958 = arith.index_cast %add3A_922 : i32 to index
        %swap3A_959 = arith.constant 0 : index
        %swap3A_960 = tpu.vector_load %arg20[%swap3A_958, %swap3A_959] {strides = array<i32>} : memref<128x64xf32, #tpu.memory_space<vmem>>, vector<16xf32>,
        tpu.vector_store %arg20[%swap3A_958, %swap3A_959], %gather3A_957 {strides = array<i32>} : memref<128x64xf32, #tpu.memory_space<vmem>>, vector<16xf32>,
        %add3A_961 = arith.constant 16 : i32
        %add3A_962 = vector.broadcast %add3A_961 : i32 to vector<16xi32>
        %add3A_963 = arith.addi %iota3A, %add3A_962 : vector<16xi32>
        %gather3A_964 = tpu.vector_load_idx %arg13[%add3A_963, %broadcast_in_dim3A_953] : memref<64x128xf32, #tpu.memory_space<vmem>>[vector<16xi32>, vector<16xi32>], vector<16xf32>,
        %swap3A_965 = arith.index_cast %add3A_922 : i32 to index
        %swap3A_966 = arith.constant 16 : index
        %swap3A_967 = tpu.vector_load %arg20[%swap3A_965, %swap3A_966] {strides = array<i32>} : memref<128x64xf32, #tpu.memory_space<vmem>>, vector<16xf32>,
        tpu.vector_store %arg20[%swap3A_965, %swap3A_966], %gather3A_964 {strides = array<i32>} : memref<128x64xf32, #tpu.memory_space<vmem>>, vector<16xf32>,
        %add3A_968 = arith.constant 32 : i32
        %add3A_969 = vector.broadcast %add3A_968 : i32 to vector<16xi32>
        %add3A_970 = arith.addi %iota3A, %add3A_969 : vector<16xi32>
        %gather3A_971 = tpu.vector_load_idx %arg13[%add3A_970, %broadcast_in_dim3A_953] : memref<64x128xf32, #tpu.memory_space<vmem>>[vector<16xi32>, vector<16xi32>], vector<16xf32>,
        %swap3A_972 = arith.index_cast %add3A_922 : i32 to index
        %swap3A_973 = arith.constant 32 : index
        %swap3A_974 = tpu.vector_load %arg20[%swap3A_972, %swap3A_973] {strides = array<i32>} : memref<128x64xf32, #tpu.memory_space<vmem>>, vector<16xf32>,
        tpu.vector_store %arg20[%swap3A_972, %swap3A_973], %gather3A_971 {strides = array<i32>} : memref<128x64xf32, #tpu.memory_space<vmem>>, vector<16xf32>,
        %add3A_975 = arith.constant 48 : i32
        %add3A_976 = vector.broadcast %add3A_975 : i32 to vector<16xi32>
        %add3A_977 = arith.addi %iota3A, %add3A_976 : vector<16xi32>
        %gather3A_978 = tpu.vector_load_idx %arg13[%add3A_977, %broadcast_in_dim3A_953] : memref<64x128xf32, #tpu.memory_space<vmem>>[vector<16xi32>, vector<16xi32>], vector<16xf32>,
        %swap3A_979 = arith.index_cast %add3A_922 : i32 to index
        %swap3A_980 = arith.constant 48 : index
        %swap3A_981 = tpu.vector_load %arg20[%swap3A_979, %swap3A_980] {strides = array<i32>} : memref<128x64xf32, #tpu.memory_space<vmem>>, vector<16xf32>,
        tpu.vector_store %arg20[%swap3A_979, %swap3A_980], %gather3A_978 {strides = array<i32>} : memref<128x64xf32, #tpu.memory_space<vmem>>, vector<16xf32>,
        %dma_wait3A_982 = arith.constant 0 : i32
        %dma_wait3A_983 = tpu.memref_slice %arg3[%dma_wait3A_982, %multiple_of3A_540] : memref<64x1000000xf32, #tpu.memory_space<hbm>> -> memref<64x128xf32, #tpu.memory_space<hbm>>
        %dma_wait3A_984 = arith.constant 0 : i32
        %dma_wait3A_985 = tpu.memref_slice %arg3[%dma_wait3A_984, %multiple_of3A_540] : memref<64x1000000xf32, #tpu.memory_space<hbm>> -> memref<64x128xf32, #tpu.memory_space<hbm>>
        tpu.wait_dma2 semaphore(%arg22 : memref<!tpu.dma_semaphore, #tpu.memory_space<semaphore_mem>>) src(%dma_wait3A_985 : memref<64x128xf32, #tpu.memory_space<hbm>>) dst(%arg18 : memref<64x128xf32, #tpu.memory_space<vmem>>)
        %slice3A_986 = vector.extract_strided_slice %get3A_37 {offsets = [8], sizes = [1], strides = [1]} : vector<16xi32> to vector<1xi32>
        %squeeze3A_987 = vector.extract %slice3A_986[0] : i32 from vector<1xi32>
        %and3A_988 = arith.constant 127 : i32
        %and3A_989 = arith.andi %squeeze3A_987, %and3A_988 : i32
        %broadcast_in_dim3A_990 = vector.broadcast %and3A_989 : i32 to vector<16xi32>
        %add3A_991 = arith.constant 0 : i32
        %add3A_992 = vector.broadcast %add3A_991 : i32 to vector<16xi32>
        %add3A_993 = arith.addi %iota3A, %add3A_992 : vector<16xi32>
        %gather3A_994 = tpu.vector_load_idx %arg18[%add3A_993, %broadcast_in_dim3A_990] : memref<64x128xf32, #tpu.memory_space<vmem>>[vector<16xi32>, vector<16xi32>], vector<16xf32>,
        %swap3A_995 = arith.index_cast %add3A_922 : i32 to index
        %swap3A_996 = arith.constant 0 : index
        %swap3A_997 = tpu.vector_load %arg21[%swap3A_995, %swap3A_996] {strides = array<i32>} : memref<128x64xf32, #tpu.memory_space<vmem>>, vector<16xf32>,
        tpu.vector_store %arg21[%swap3A_995, %swap3A_996], %gather3A_994 {strides = array<i32>} : memref<128x64xf32, #tpu.memory_space<vmem>>, vector<16xf32>,
        %add3A_998 = arith.constant 16 : i32
        %add3A_999 = vector.broadcast %add3A_998 : i32 to vector<16xi32>
        %add3A_1000 = arith.addi %iota3A, %add3A_999 : vector<16xi32>
        %gather3A_1001 = tpu.vector_load_idx %arg18[%add3A_1000, %broadcast_in_dim3A_990] : memref<64x128xf32, #tpu.memory_space<vmem>>[vector<16xi32>, vector<16xi32>], vector<16xf32>,
        %swap3A_1002 = arith.index_cast %add3A_922 : i32 to index
        %swap3A_1003 = arith.constant 16 : index
        %swap3A_1004 = tpu.vector_load %arg21[%swap3A_1002, %swap3A_1003] {strides = array<i32>} : memref<128x64xf32, #tpu.memory_space<vmem>>, vector<16xf32>,
        tpu.vector_store %arg21[%swap3A_1002, %swap3A_1003], %gather3A_1001 {strides = array<i32>} : memref<128x64xf32, #tpu.memory_space<vmem>>, vector<16xf32>,
        %add3A_1005 = arith.constant 32 : i32
        %add3A_1006 = vector.broadcast %add3A_1005 : i32 to vector<16xi32>
        %add3A_1007 = arith.addi %iota3A, %add3A_1006 : vector<16xi32>
        %gather3A_1008 = tpu.vector_load_idx %arg18[%add3A_1007, %broadcast_in_dim3A_990] : memref<64x128xf32, #tpu.memory_space<vmem>>[vector<16xi32>, vector<16xi32>], vector<16xf32>,
        %swap3A_1009 = arith.index_cast %add3A_922 : i32 to index
        %swap3A_1010 = arith.constant 32 : index
        %swap3A_1011 = tpu.vector_load %arg21[%swap3A_1009, %swap3A_1010] {strides = array<i32>} : memref<128x64xf32, #tpu.memory_space<vmem>>, vector<16xf32>,
        tpu.vector_store %arg21[%swap3A_1009, %swap3A_1010], %gather3A_1008 {strides = array<i32>} : memref<128x64xf32, #tpu.memory_space<vmem>>, vector<16xf32>,
        %add3A_1012 = arith.constant 48 : i32
        %add3A_1013 = vector.broadcast %add3A_1012 : i32 to vector<16xi32>
        %add3A_1014 = arith.addi %iota3A, %add3A_1013 : vector<16xi32>
        %gather3A_1015 = tpu.vector_load_idx %arg18[%add3A_1014, %broadcast_in_dim3A_990] : memref<64x128xf32, #tpu.memory_space<vmem>>[vector<16xi32>, vector<16xi32>], vector<16xf32>,
        %swap3A_1016 = arith.index_cast %add3A_922 : i32 to index
        %swap3A_1017 = arith.constant 48 : index
        %swap3A_1018 = tpu.vector_load %arg21[%swap3A_1016, %swap3A_1017] {strides = array<i32>} : memref<128x64xf32, #tpu.memory_space<vmem>>, vector<16xf32>,
        tpu.vector_store %arg21[%swap3A_1016, %swap3A_1017], %gather3A_1015 {strides = array<i32>} : memref<128x64xf32, #tpu.memory_space<vmem>>, vector<16xf32>,
        %mul3A_1019 = arith.constant 32 : i32
        %mul3A_1020 = arith.muli %scan3A_21, %mul3A_1019 : i32
        %add3A_1021 = arith.constant 9 : i32
        %add3A_1022 = arith.addi %mul3A_1020, %add3A_1021 : i32
        %slice3A_1023 = vector.extract_strided_slice %get3A_29 {offsets = [13], sizes = [1], strides = [1]} : vector<16xi32> to vector<1xi32>
        %squeeze3A_1024 = vector.extract %slice3A_1023[0] : i32 from vector<1xi32>
        %shift_right_arithmetic3A_1025 = arith.constant 7 : i32
        %shift_right_arithmetic3A_1026 = arith.shrsi %squeeze3A_1024, %shift_right_arithmetic3A_1025 : i32
        %shift_left3A_1027 = arith.constant 7 : i32
        %shift_left3A_1028 = arith.shli %shift_right_arithmetic3A_1026, %shift_left3A_1027 : i32
        %multiple_of3A_1029 = tpu.assume_multiple %shift_left3A_1028, 128 : i32
        %dma_start3A_1030 = arith.constant 0 : i32
        %dma_start3A_1031 = tpu.memref_slice %arg2[%dma_start3A_1030, %multiple_of3A_1029] : memref<64x1000000xf32, #tpu.memory_space<hbm>> -> memref<64x128xf32, #tpu.memory_space<hbm>>
        %dma_start3A_1032 = arith.constant 0 : i32
        %dma_start3A_1033 = tpu.memref_slice %arg2[%dma_start3A_1032, %multiple_of3A_1029] : memref<64x1000000xf32, #tpu.memory_space<hbm>> -> memref<64x128xf32, #tpu.memory_space<hbm>>
        tpu.enqueue_dma source(%dma_start3A_1033 : memref<64x128xf32, #tpu.memory_space<hbm>>) target(%arg13 : memref<64x128xf32, #tpu.memory_space<vmem>>) target_semaphore(%arg22 : memref<!tpu.dma_semaphore, #tpu.memory_space<semaphore_mem>>)
        %slice3A_1034 = vector.extract_strided_slice %get3A_37 {offsets = [13], sizes = [1], strides = [1]} : vector<16xi32> to vector<1xi32>
        %squeeze3A_1035 = vector.extract %slice3A_1034[0] : i32 from vector<1xi32>
        %shift_right_arithmetic3A_1036 = arith.constant 7 : i32
        %shift_right_arithmetic3A_1037 = arith.shrsi %squeeze3A_1035, %shift_right_arithmetic3A_1036 : i32
        %shift_left3A_1038 = arith.constant 7 : i32
        %shift_left3A_1039 = arith.shli %shift_right_arithmetic3A_1037, %shift_left3A_1038 : i32
        %multiple_of3A_1040 = tpu.assume_multiple %shift_left3A_1039, 128 : i32
        %dma_start3A_1041 = arith.constant 0 : i32
        %dma_start3A_1042 = tpu.memref_slice %arg3[%dma_start3A_1041, %multiple_of3A_1040] : memref<64x1000000xf32, #tpu.memory_space<hbm>> -> memref<64x128xf32, #tpu.memory_space<hbm>>
        %dma_start3A_1043 = arith.constant 0 : i32
        %dma_start3A_1044 = tpu.memref_slice %arg3[%dma_start3A_1043, %multiple_of3A_1040] : memref<64x1000000xf32, #tpu.memory_space<hbm>> -> memref<64x128xf32, #tpu.memory_space<hbm>>
        tpu.enqueue_dma source(%dma_start3A_1044 : memref<64x128xf32, #tpu.memory_space<hbm>>) target(%arg18 : memref<64x128xf32, #tpu.memory_space<vmem>>) target_semaphore(%arg22 : memref<!tpu.dma_semaphore, #tpu.memory_space<semaphore_mem>>)
        %dma_wait3A_1045 = arith.constant 0 : i32
        %dma_wait3A_1046 = tpu.memref_slice %arg2[%dma_wait3A_1045, %multiple_of3A_629] : memref<64x1000000xf32, #tpu.memory_space<hbm>> -> memref<64x128xf32, #tpu.memory_space<hbm>>
        %dma_wait3A_1047 = arith.constant 0 : i32
        %dma_wait3A_1048 = tpu.memref_slice %arg2[%dma_wait3A_1047, %multiple_of3A_629] : memref<64x1000000xf32, #tpu.memory_space<hbm>> -> memref<64x128xf32, #tpu.memory_space<hbm>>
        tpu.wait_dma2 semaphore(%arg22 : memref<!tpu.dma_semaphore, #tpu.memory_space<semaphore_mem>>) src(%dma_wait3A_1048 : memref<64x128xf32, #tpu.memory_space<hbm>>) dst(%arg14 : memref<64x128xf32, #tpu.memory_space<vmem>>)
        %slice3A_1049 = vector.extract_strided_slice %get3A_29 {offsets = [9], sizes = [1], strides = [1]} : vector<16xi32> to vector<1xi32>
        %squeeze3A_1050 = vector.extract %slice3A_1049[0] : i32 from vector<1xi32>
        %and3A_1051 = arith.constant 127 : i32
        %and3A_1052 = arith.andi %squeeze3A_1050, %and3A_1051 : i32
        %broadcast_in_dim3A_1053 = vector.broadcast %and3A_1052 : i32 to vector<16xi32>
        %add3A_1054 = arith.constant 0 : i32
        %add3A_1055 = vector.broadcast %add3A_1054 : i32 to vector<16xi32>
        %add3A_1056 = arith.addi %iota3A, %add3A_1055 : vector<16xi32>
        %gather3A_1057 = tpu.vector_load_idx %arg14[%add3A_1056, %broadcast_in_dim3A_1053] : memref<64x128xf32, #tpu.memory_space<vmem>>[vector<16xi32>, vector<16xi32>], vector<16xf32>,
        %swap3A_1058 = arith.index_cast %add3A_1022 : i32 to index
        %swap3A_1059 = arith.constant 0 : index
        %swap3A_1060 = tpu.vector_load %arg20[%swap3A_1058, %swap3A_1059] {strides = array<i32>} : memref<128x64xf32, #tpu.memory_space<vmem>>, vector<16xf32>,
        tpu.vector_store %arg20[%swap3A_1058, %swap3A_1059], %gather3A_1057 {strides = array<i32>} : memref<128x64xf32, #tpu.memory_space<vmem>>, vector<16xf32>,
        %add3A_1061 = arith.constant 16 : i32
        %add3A_1062 = vector.broadcast %add3A_1061 : i32 to vector<16xi32>
        %add3A_1063 = arith.addi %iota3A, %add3A_1062 : vector<16xi32>
        %gather3A_1064 = tpu.vector_load_idx %arg14[%add3A_1063, %broadcast_in_dim3A_1053] : memref<64x128xf32, #tpu.memory_space<vmem>>[vector<16xi32>, vector<16xi32>], vector<16xf32>,
        %swap3A_1065 = arith.index_cast %add3A_1022 : i32 to index
        %swap3A_1066 = arith.constant 16 : index
        %swap3A_1067 = tpu.vector_load %arg20[%swap3A_1065, %swap3A_1066] {strides = array<i32>} : memref<128x64xf32, #tpu.memory_space<vmem>>, vector<16xf32>,
        tpu.vector_store %arg20[%swap3A_1065, %swap3A_1066], %gather3A_1064 {strides = array<i32>} : memref<128x64xf32, #tpu.memory_space<vmem>>, vector<16xf32>,
        %add3A_1068 = arith.constant 32 : i32
        %add3A_1069 = vector.broadcast %add3A_1068 : i32 to vector<16xi32>
        %add3A_1070 = arith.addi %iota3A, %add3A_1069 : vector<16xi32>
        %gather3A_1071 = tpu.vector_load_idx %arg14[%add3A_1070, %broadcast_in_dim3A_1053] : memref<64x128xf32, #tpu.memory_space<vmem>>[vector<16xi32>, vector<16xi32>], vector<16xf32>,
        %swap3A_1072 = arith.index_cast %add3A_1022 : i32 to index
        %swap3A_1073 = arith.constant 32 : index
        %swap3A_1074 = tpu.vector_load %arg20[%swap3A_1072, %swap3A_1073] {strides = array<i32>} : memref<128x64xf32, #tpu.memory_space<vmem>>, vector<16xf32>,
        tpu.vector_store %arg20[%swap3A_1072, %swap3A_1073], %gather3A_1071 {strides = array<i32>} : memref<128x64xf32, #tpu.memory_space<vmem>>, vector<16xf32>,
        %add3A_1075 = arith.constant 48 : i32
        %add3A_1076 = vector.broadcast %add3A_1075 : i32 to vector<16xi32>
        %add3A_1077 = arith.addi %iota3A, %add3A_1076 : vector<16xi32>
        %gather3A_1078 = tpu.vector_load_idx %arg14[%add3A_1077, %broadcast_in_dim3A_1053] : memref<64x128xf32, #tpu.memory_space<vmem>>[vector<16xi32>, vector<16xi32>], vector<16xf32>,
        %swap3A_1079 = arith.index_cast %add3A_1022 : i32 to index
        %swap3A_1080 = arith.constant 48 : index
        %swap3A_1081 = tpu.vector_load %arg20[%swap3A_1079, %swap3A_1080] {strides = array<i32>} : memref<128x64xf32, #tpu.memory_space<vmem>>, vector<16xf32>,
        tpu.vector_store %arg20[%swap3A_1079, %swap3A_1080], %gather3A_1078 {strides = array<i32>} : memref<128x64xf32, #tpu.memory_space<vmem>>, vector<16xf32>,
        %dma_wait3A_1082 = arith.constant 0 : i32
        %dma_wait3A_1083 = tpu.memref_slice %arg3[%dma_wait3A_1082, %multiple_of3A_640] : memref<64x1000000xf32, #tpu.memory_space<hbm>> -> memref<64x128xf32, #tpu.memory_space<hbm>>
        %dma_wait3A_1084 = arith.constant 0 : i32
        %dma_wait3A_1085 = tpu.memref_slice %arg3[%dma_wait3A_1084, %multiple_of3A_640] : memref<64x1000000xf32, #tpu.memory_space<hbm>> -> memref<64x128xf32, #tpu.memory_space<hbm>>
        tpu.wait_dma2 semaphore(%arg22 : memref<!tpu.dma_semaphore, #tpu.memory_space<semaphore_mem>>) src(%dma_wait3A_1085 : memref<64x128xf32, #tpu.memory_space<hbm>>) dst(%arg19 : memref<64x128xf32, #tpu.memory_space<vmem>>)
        %slice3A_1086 = vector.extract_strided_slice %get3A_37 {offsets = [9], sizes = [1], strides = [1]} : vector<16xi32> to vector<1xi32>
        %squeeze3A_1087 = vector.extract %slice3A_1086[0] : i32 from vector<1xi32>
        %and3A_1088 = arith.constant 127 : i32
        %and3A_1089 = arith.andi %squeeze3A_1087, %and3A_1088 : i32
        %broadcast_in_dim3A_1090 = vector.broadcast %and3A_1089 : i32 to vector<16xi32>
        %add3A_1091 = arith.constant 0 : i32
        %add3A_1092 = vector.broadcast %add3A_1091 : i32 to vector<16xi32>
        %add3A_1093 = arith.addi %iota3A, %add3A_1092 : vector<16xi32>
        %gather3A_1094 = tpu.vector_load_idx %arg19[%add3A_1093, %broadcast_in_dim3A_1090] : memref<64x128xf32, #tpu.memory_space<vmem>>[vector<16xi32>, vector<16xi32>], vector<16xf32>,
        %swap3A_1095 = arith.index_cast %add3A_1022 : i32 to index
        %swap3A_1096 = arith.constant 0 : index
        %swap3A_1097 = tpu.vector_load %arg21[%swap3A_1095, %swap3A_1096] {strides = array<i32>} : memref<128x64xf32, #tpu.memory_space<vmem>>, vector<16xf32>,
        tpu.vector_store %arg21[%swap3A_1095, %swap3A_1096], %gather3A_1094 {strides = array<i32>} : memref<128x64xf32, #tpu.memory_space<vmem>>, vector<16xf32>,
        %add3A_1098 = arith.constant 16 : i32
        %add3A_1099 = vector.broadcast %add3A_1098 : i32 to vector<16xi32>
        %add3A_1100 = arith.addi %iota3A, %add3A_1099 : vector<16xi32>
        %gather3A_1101 = tpu.vector_load_idx %arg19[%add3A_1100, %broadcast_in_dim3A_1090] : memref<64x128xf32, #tpu.memory_space<vmem>>[vector<16xi32>, vector<16xi32>], vector<16xf32>,
        %swap3A_1102 = arith.index_cast %add3A_1022 : i32 to index
        %swap3A_1103 = arith.constant 16 : index
        %swap3A_1104 = tpu.vector_load %arg21[%swap3A_1102, %swap3A_1103] {strides = array<i32>} : memref<128x64xf32, #tpu.memory_space<vmem>>, vector<16xf32>,
        tpu.vector_store %arg21[%swap3A_1102, %swap3A_1103], %gather3A_1101 {strides = array<i32>} : memref<128x64xf32, #tpu.memory_space<vmem>>, vector<16xf32>,
        %add3A_1105 = arith.constant 32 : i32
        %add3A_1106 = vector.broadcast %add3A_1105 : i32 to vector<16xi32>
        %add3A_1107 = arith.addi %iota3A, %add3A_1106 : vector<16xi32>
        %gather3A_1108 = tpu.vector_load_idx %arg19[%add3A_1107, %broadcast_in_dim3A_1090] : memref<64x128xf32, #tpu.memory_space<vmem>>[vector<16xi32>, vector<16xi32>], vector<16xf32>,
        %swap3A_1109 = arith.index_cast %add3A_1022 : i32 to index
        %swap3A_1110 = arith.constant 32 : index
        %swap3A_1111 = tpu.vector_load %arg21[%swap3A_1109, %swap3A_1110] {strides = array<i32>} : memref<128x64xf32, #tpu.memory_space<vmem>>, vector<16xf32>,
        tpu.vector_store %arg21[%swap3A_1109, %swap3A_1110], %gather3A_1108 {strides = array<i32>} : memref<128x64xf32, #tpu.memory_space<vmem>>, vector<16xf32>,
        %add3A_1112 = arith.constant 48 : i32
        %add3A_1113 = vector.broadcast %add3A_1112 : i32 to vector<16xi32>
        %add3A_1114 = arith.addi %iota3A, %add3A_1113 : vector<16xi32>
        %gather3A_1115 = tpu.vector_load_idx %arg19[%add3A_1114, %broadcast_in_dim3A_1090] : memref<64x128xf32, #tpu.memory_space<vmem>>[vector<16xi32>, vector<16xi32>], vector<16xf32>,
        %swap3A_1116 = arith.index_cast %add3A_1022 : i32 to index
        %swap3A_1117 = arith.constant 48 : index
        %swap3A_1118 = tpu.vector_load %arg21[%swap3A_1116, %swap3A_1117] {strides = array<i32>} : memref<128x64xf32, #tpu.memory_space<vmem>>, vector<16xf32>,
        tpu.vector_store %arg21[%swap3A_1116, %swap3A_1117], %gather3A_1115 {strides = array<i32>} : memref<128x64xf32, #tpu.memory_space<vmem>>, vector<16xf32>,
        %mul3A_1119 = arith.constant 32 : i32
        %mul3A_1120 = arith.muli %scan3A_21, %mul3A_1119 : i32
        %add3A_1121 = arith.constant 10 : i32
        %add3A_1122 = arith.addi %mul3A_1120, %add3A_1121 : i32
        %slice3A_1123 = vector.extract_strided_slice %get3A_29 {offsets = [14], sizes = [1], strides = [1]} : vector<16xi32> to vector<1xi32>
        %squeeze3A_1124 = vector.extract %slice3A_1123[0] : i32 from vector<1xi32>
        %shift_right_arithmetic3A_1125 = arith.constant 7 : i32
        %shift_right_arithmetic3A_1126 = arith.shrsi %squeeze3A_1124, %shift_right_arithmetic3A_1125 : i32
        %shift_left3A_1127 = arith.constant 7 : i32
        %shift_left3A_1128 = arith.shli %shift_right_arithmetic3A_1126, %shift_left3A_1127 : i32
        %multiple_of3A_1129 = tpu.assume_multiple %shift_left3A_1128, 128 : i32
        %dma_start3A_1130 = arith.constant 0 : i32
        %dma_start3A_1131 = tpu.memref_slice %arg2[%dma_start3A_1130, %multiple_of3A_1129] : memref<64x1000000xf32, #tpu.memory_space<hbm>> -> memref<64x128xf32, #tpu.memory_space<hbm>>
        %dma_start3A_1132 = arith.constant 0 : i32
        %dma_start3A_1133 = tpu.memref_slice %arg2[%dma_start3A_1132, %multiple_of3A_1129] : memref<64x1000000xf32, #tpu.memory_space<hbm>> -> memref<64x128xf32, #tpu.memory_space<hbm>>
        tpu.enqueue_dma source(%dma_start3A_1133 : memref<64x128xf32, #tpu.memory_space<hbm>>) target(%arg14 : memref<64x128xf32, #tpu.memory_space<vmem>>) target_semaphore(%arg22 : memref<!tpu.dma_semaphore, #tpu.memory_space<semaphore_mem>>)
        %slice3A_1134 = vector.extract_strided_slice %get3A_37 {offsets = [14], sizes = [1], strides = [1]} : vector<16xi32> to vector<1xi32>
        %squeeze3A_1135 = vector.extract %slice3A_1134[0] : i32 from vector<1xi32>
        %shift_right_arithmetic3A_1136 = arith.constant 7 : i32
        %shift_right_arithmetic3A_1137 = arith.shrsi %squeeze3A_1135, %shift_right_arithmetic3A_1136 : i32
        %shift_left3A_1138 = arith.constant 7 : i32
        %shift_left3A_1139 = arith.shli %shift_right_arithmetic3A_1137, %shift_left3A_1138 : i32
        %multiple_of3A_1140 = tpu.assume_multiple %shift_left3A_1139, 128 : i32
        %dma_start3A_1141 = arith.constant 0 : i32
        %dma_start3A_1142 = tpu.memref_slice %arg3[%dma_start3A_1141, %multiple_of3A_1140] : memref<64x1000000xf32, #tpu.memory_space<hbm>> -> memref<64x128xf32, #tpu.memory_space<hbm>>
        %dma_start3A_1143 = arith.constant 0 : i32
        %dma_start3A_1144 = tpu.memref_slice %arg3[%dma_start3A_1143, %multiple_of3A_1140] : memref<64x1000000xf32, #tpu.memory_space<hbm>> -> memref<64x128xf32, #tpu.memory_space<hbm>>
        tpu.enqueue_dma source(%dma_start3A_1144 : memref<64x128xf32, #tpu.memory_space<hbm>>) target(%arg19 : memref<64x128xf32, #tpu.memory_space<vmem>>) target_semaphore(%arg22 : memref<!tpu.dma_semaphore, #tpu.memory_space<semaphore_mem>>)
        %dma_wait3A_1145 = arith.constant 0 : i32
        %dma_wait3A_1146 = tpu.memref_slice %arg2[%dma_wait3A_1145, %multiple_of3A_729] : memref<64x1000000xf32, #tpu.memory_space<hbm>> -> memref<64x128xf32, #tpu.memory_space<hbm>>
        %dma_wait3A_1147 = arith.constant 0 : i32
        %dma_wait3A_1148 = tpu.memref_slice %arg2[%dma_wait3A_1147, %multiple_of3A_729] : memref<64x1000000xf32, #tpu.memory_space<hbm>> -> memref<64x128xf32, #tpu.memory_space<hbm>>
        tpu.wait_dma2 semaphore(%arg22 : memref<!tpu.dma_semaphore, #tpu.memory_space<semaphore_mem>>) src(%dma_wait3A_1148 : memref<64x128xf32, #tpu.memory_space<hbm>>) dst(%arg10 : memref<64x128xf32, #tpu.memory_space<vmem>>)
        %slice3A_1149 = vector.extract_strided_slice %get3A_29 {offsets = [10], sizes = [1], strides = [1]} : vector<16xi32> to vector<1xi32>
        %squeeze3A_1150 = vector.extract %slice3A_1149[0] : i32 from vector<1xi32>
        %and3A_1151 = arith.constant 127 : i32
        %and3A_1152 = arith.andi %squeeze3A_1150, %and3A_1151 : i32
        %broadcast_in_dim3A_1153 = vector.broadcast %and3A_1152 : i32 to vector<16xi32>
        %add3A_1154 = arith.constant 0 : i32
        %add3A_1155 = vector.broadcast %add3A_1154 : i32 to vector<16xi32>
        %add3A_1156 = arith.addi %iota3A, %add3A_1155 : vector<16xi32>
        %gather3A_1157 = tpu.vector_load_idx %arg10[%add3A_1156, %broadcast_in_dim3A_1153] : memref<64x128xf32, #tpu.memory_space<vmem>>[vector<16xi32>, vector<16xi32>], vector<16xf32>,
        %swap3A_1158 = arith.index_cast %add3A_1122 : i32 to index
        %swap3A_1159 = arith.constant 0 : index
        %swap3A_1160 = tpu.vector_load %arg20[%swap3A_1158, %swap3A_1159] {strides = array<i32>} : memref<128x64xf32, #tpu.memory_space<vmem>>, vector<16xf32>,
        tpu.vector_store %arg20[%swap3A_1158, %swap3A_1159], %gather3A_1157 {strides = array<i32>} : memref<128x64xf32, #tpu.memory_space<vmem>>, vector<16xf32>,
        %add3A_1161 = arith.constant 16 : i32
        %add3A_1162 = vector.broadcast %add3A_1161 : i32 to vector<16xi32>
        %add3A_1163 = arith.addi %iota3A, %add3A_1162 : vector<16xi32>
        %gather3A_1164 = tpu.vector_load_idx %arg10[%add3A_1163, %broadcast_in_dim3A_1153] : memref<64x128xf32, #tpu.memory_space<vmem>>[vector<16xi32>, vector<16xi32>], vector<16xf32>,
        %swap3A_1165 = arith.index_cast %add3A_1122 : i32 to index
        %swap3A_1166 = arith.constant 16 : index
        %swap3A_1167 = tpu.vector_load %arg20[%swap3A_1165, %swap3A_1166] {strides = array<i32>} : memref<128x64xf32, #tpu.memory_space<vmem>>, vector<16xf32>,
        tpu.vector_store %arg20[%swap3A_1165, %swap3A_1166], %gather3A_1164 {strides = array<i32>} : memref<128x64xf32, #tpu.memory_space<vmem>>, vector<16xf32>,
        %add3A_1168 = arith.constant 32 : i32
        %add3A_1169 = vector.broadcast %add3A_1168 : i32 to vector<16xi32>
        %add3A_1170 = arith.addi %iota3A, %add3A_1169 : vector<16xi32>
        %gather3A_1171 = tpu.vector_load_idx %arg10[%add3A_1170, %broadcast_in_dim3A_1153] : memref<64x128xf32, #tpu.memory_space<vmem>>[vector<16xi32>, vector<16xi32>], vector<16xf32>,
        %swap3A_1172 = arith.index_cast %add3A_1122 : i32 to index
        %swap3A_1173 = arith.constant 32 : index
        %swap3A_1174 = tpu.vector_load %arg20[%swap3A_1172, %swap3A_1173] {strides = array<i32>} : memref<128x64xf32, #tpu.memory_space<vmem>>, vector<16xf32>,
        tpu.vector_store %arg20[%swap3A_1172, %swap3A_1173], %gather3A_1171 {strides = array<i32>} : memref<128x64xf32, #tpu.memory_space<vmem>>, vector<16xf32>,
        %add3A_1175 = arith.constant 48 : i32
        %add3A_1176 = vector.broadcast %add3A_1175 : i32 to vector<16xi32>
        %add3A_1177 = arith.addi %iota3A, %add3A_1176 : vector<16xi32>
        %gather3A_1178 = tpu.vector_load_idx %arg10[%add3A_1177, %broadcast_in_dim3A_1153] : memref<64x128xf32, #tpu.memory_space<vmem>>[vector<16xi32>, vector<16xi32>], vector<16xf32>,
        %swap3A_1179 = arith.index_cast %add3A_1122 : i32 to index
        %swap3A_1180 = arith.constant 48 : index
        %swap3A_1181 = tpu.vector_load %arg20[%swap3A_1179, %swap3A_1180] {strides = array<i32>} : memref<128x64xf32, #tpu.memory_space<vmem>>, vector<16xf32>,
        tpu.vector_store %arg20[%swap3A_1179, %swap3A_1180], %gather3A_1178 {strides = array<i32>} : memref<128x64xf32, #tpu.memory_space<vmem>>, vector<16xf32>,
        %dma_wait3A_1182 = arith.constant 0 : i32
        %dma_wait3A_1183 = tpu.memref_slice %arg3[%dma_wait3A_1182, %multiple_of3A_740] : memref<64x1000000xf32, #tpu.memory_space<hbm>> -> memref<64x128xf32, #tpu.memory_space<hbm>>
        %dma_wait3A_1184 = arith.constant 0 : i32
        %dma_wait3A_1185 = tpu.memref_slice %arg3[%dma_wait3A_1184, %multiple_of3A_740] : memref<64x1000000xf32, #tpu.memory_space<hbm>> -> memref<64x128xf32, #tpu.memory_space<hbm>>
        tpu.wait_dma2 semaphore(%arg22 : memref<!tpu.dma_semaphore, #tpu.memory_space<semaphore_mem>>) src(%dma_wait3A_1185 : memref<64x128xf32, #tpu.memory_space<hbm>>) dst(%arg15 : memref<64x128xf32, #tpu.memory_space<vmem>>)
        %slice3A_1186 = vector.extract_strided_slice %get3A_37 {offsets = [10], sizes = [1], strides = [1]} : vector<16xi32> to vector<1xi32>
        %squeeze3A_1187 = vector.extract %slice3A_1186[0] : i32 from vector<1xi32>
        %and3A_1188 = arith.constant 127 : i32
        %and3A_1189 = arith.andi %squeeze3A_1187, %and3A_1188 : i32
        %broadcast_in_dim3A_1190 = vector.broadcast %and3A_1189 : i32 to vector<16xi32>
        %add3A_1191 = arith.constant 0 : i32
        %add3A_1192 = vector.broadcast %add3A_1191 : i32 to vector<16xi32>
        %add3A_1193 = arith.addi %iota3A, %add3A_1192 : vector<16xi32>
        %gather3A_1194 = tpu.vector_load_idx %arg15[%add3A_1193, %broadcast_in_dim3A_1190] : memref<64x128xf32, #tpu.memory_space<vmem>>[vector<16xi32>, vector<16xi32>], vector<16xf32>,
        %swap3A_1195 = arith.index_cast %add3A_1122 : i32 to index
        %swap3A_1196 = arith.constant 0 : index
        %swap3A_1197 = tpu.vector_load %arg21[%swap3A_1195, %swap3A_1196] {strides = array<i32>} : memref<128x64xf32, #tpu.memory_space<vmem>>, vector<16xf32>,
        tpu.vector_store %arg21[%swap3A_1195, %swap3A_1196], %gather3A_1194 {strides = array<i32>} : memref<128x64xf32, #tpu.memory_space<vmem>>, vector<16xf32>,
        %add3A_1198 = arith.constant 16 : i32
        %add3A_1199 = vector.broadcast %add3A_1198 : i32 to vector<16xi32>
        %add3A_1200 = arith.addi %iota3A, %add3A_1199 : vector<16xi32>
        %gather3A_1201 = tpu.vector_load_idx %arg15[%add3A_1200, %broadcast_in_dim3A_1190] : memref<64x128xf32, #tpu.memory_space<vmem>>[vector<16xi32>, vector<16xi32>], vector<16xf32>,
        %swap3A_1202 = arith.index_cast %add3A_1122 : i32 to index
        %swap3A_1203 = arith.constant 16 : index
        %swap3A_1204 = tpu.vector_load %arg21[%swap3A_1202, %swap3A_1203] {strides = array<i32>} : memref<128x64xf32, #tpu.memory_space<vmem>>, vector<16xf32>,
        tpu.vector_store %arg21[%swap3A_1202, %swap3A_1203], %gather3A_1201 {strides = array<i32>} : memref<128x64xf32, #tpu.memory_space<vmem>>, vector<16xf32>,
        %add3A_1205 = arith.constant 32 : i32
        %add3A_1206 = vector.broadcast %add3A_1205 : i32 to vector<16xi32>
        %add3A_1207 = arith.addi %iota3A, %add3A_1206 : vector<16xi32>
        %gather3A_1208 = tpu.vector_load_idx %arg15[%add3A_1207, %broadcast_in_dim3A_1190] : memref<64x128xf32, #tpu.memory_space<vmem>>[vector<16xi32>, vector<16xi32>], vector<16xf32>,
        %swap3A_1209 = arith.index_cast %add3A_1122 : i32 to index
        %swap3A_1210 = arith.constant 32 : index
        %swap3A_1211 = tpu.vector_load %arg21[%swap3A_1209, %swap3A_1210] {strides = array<i32>} : memref<128x64xf32, #tpu.memory_space<vmem>>, vector<16xf32>,
        tpu.vector_store %arg21[%swap3A_1209, %swap3A_1210], %gather3A_1208 {strides = array<i32>} : memref<128x64xf32, #tpu.memory_space<vmem>>, vector<16xf32>,
        %add3A_1212 = arith.constant 48 : i32
        %add3A_1213 = vector.broadcast %add3A_1212 : i32 to vector<16xi32>
        %add3A_1214 = arith.addi %iota3A, %add3A_1213 : vector<16xi32>
        %gather3A_1215 = tpu.vector_load_idx %arg15[%add3A_1214, %broadcast_in_dim3A_1190] : memref<64x128xf32, #tpu.memory_space<vmem>>[vector<16xi32>, vector<16xi32>], vector<16xf32>,
        %swap3A_1216 = arith.index_cast %add3A_1122 : i32 to index
        %swap3A_1217 = arith.constant 48 : index
        %swap3A_1218 = tpu.vector_load %arg21[%swap3A_1216, %swap3A_1217] {strides = array<i32>} : memref<128x64xf32, #tpu.memory_space<vmem>>, vector<16xf32>,
        tpu.vector_store %arg21[%swap3A_1216, %swap3A_1217], %gather3A_1215 {strides = array<i32>} : memref<128x64xf32, #tpu.memory_space<vmem>>, vector<16xf32>,
        %mul3A_1219 = arith.constant 32 : i32
        %mul3A_1220 = arith.muli %scan3A_21, %mul3A_1219 : i32
        %add3A_1221 = arith.constant 11 : i32
        %add3A_1222 = arith.addi %mul3A_1220, %add3A_1221 : i32
        %slice3A_1223 = vector.extract_strided_slice %get3A_29 {offsets = [15], sizes = [1], strides = [1]} : vector<16xi32> to vector<1xi32>
        %squeeze3A_1224 = vector.extract %slice3A_1223[0] : i32 from vector<1xi32>
        %shift_right_arithmetic3A_1225 = arith.constant 7 : i32
        %shift_right_arithmetic3A_1226 = arith.shrsi %squeeze3A_1224, %shift_right_arithmetic3A_1225 : i32
        %shift_left3A_1227 = arith.constant 7 : i32
        %shift_left3A_1228 = arith.shli %shift_right_arithmetic3A_1226, %shift_left3A_1227 : i32
        %multiple_of3A_1229 = tpu.assume_multiple %shift_left3A_1228, 128 : i32
        %dma_start3A_1230 = arith.constant 0 : i32
        %dma_start3A_1231 = tpu.memref_slice %arg2[%dma_start3A_1230, %multiple_of3A_1229] : memref<64x1000000xf32, #tpu.memory_space<hbm>> -> memref<64x128xf32, #tpu.memory_space<hbm>>
        %dma_start3A_1232 = arith.constant 0 : i32
        %dma_start3A_1233 = tpu.memref_slice %arg2[%dma_start3A_1232, %multiple_of3A_1229] : memref<64x1000000xf32, #tpu.memory_space<hbm>> -> memref<64x128xf32, #tpu.memory_space<hbm>>
        tpu.enqueue_dma source(%dma_start3A_1233 : memref<64x128xf32, #tpu.memory_space<hbm>>) target(%arg10 : memref<64x128xf32, #tpu.memory_space<vmem>>) target_semaphore(%arg22 : memref<!tpu.dma_semaphore, #tpu.memory_space<semaphore_mem>>)
        %slice3A_1234 = vector.extract_strided_slice %get3A_37 {offsets = [15], sizes = [1], strides = [1]} : vector<16xi32> to vector<1xi32>
        %squeeze3A_1235 = vector.extract %slice3A_1234[0] : i32 from vector<1xi32>
        %shift_right_arithmetic3A_1236 = arith.constant 7 : i32
        %shift_right_arithmetic3A_1237 = arith.shrsi %squeeze3A_1235, %shift_right_arithmetic3A_1236 : i32
        %shift_left3A_1238 = arith.constant 7 : i32
        %shift_left3A_1239 = arith.shli %shift_right_arithmetic3A_1237, %shift_left3A_1238 : i32
        %multiple_of3A_1240 = tpu.assume_multiple %shift_left3A_1239, 128 : i32
        %dma_start3A_1241 = arith.constant 0 : i32
        %dma_start3A_1242 = tpu.memref_slice %arg3[%dma_start3A_1241, %multiple_of3A_1240] : memref<64x1000000xf32, #tpu.memory_space<hbm>> -> memref<64x128xf32, #tpu.memory_space<hbm>>
        %dma_start3A_1243 = arith.constant 0 : i32
        %dma_start3A_1244 = tpu.memref_slice %arg3[%dma_start3A_1243, %multiple_of3A_1240] : memref<64x1000000xf32, #tpu.memory_space<hbm>> -> memref<64x128xf32, #tpu.memory_space<hbm>>
        tpu.enqueue_dma source(%dma_start3A_1244 : memref<64x128xf32, #tpu.memory_space<hbm>>) target(%arg15 : memref<64x128xf32, #tpu.memory_space<vmem>>) target_semaphore(%arg22 : memref<!tpu.dma_semaphore, #tpu.memory_space<semaphore_mem>>)
        %dma_wait3A_1245 = arith.constant 0 : i32
        %dma_wait3A_1246 = tpu.memref_slice %arg2[%dma_wait3A_1245, %multiple_of3A_829] : memref<64x1000000xf32, #tpu.memory_space<hbm>> -> memref<64x128xf32, #tpu.memory_space<hbm>>
        %dma_wait3A_1247 = arith.constant 0 : i32
        %dma_wait3A_1248 = tpu.memref_slice %arg2[%dma_wait3A_1247, %multiple_of3A_829] : memref<64x1000000xf32, #tpu.memory_space<hbm>> -> memref<64x128xf32, #tpu.memory_space<hbm>>
        tpu.wait_dma2 semaphore(%arg22 : memref<!tpu.dma_semaphore, #tpu.memory_space<semaphore_mem>>) src(%dma_wait3A_1248 : memref<64x128xf32, #tpu.memory_space<hbm>>) dst(%arg11 : memref<64x128xf32, #tpu.memory_space<vmem>>)
        %slice3A_1249 = vector.extract_strided_slice %get3A_29 {offsets = [11], sizes = [1], strides = [1]} : vector<16xi32> to vector<1xi32>
        %squeeze3A_1250 = vector.extract %slice3A_1249[0] : i32 from vector<1xi32>
        %and3A_1251 = arith.constant 127 : i32
        %and3A_1252 = arith.andi %squeeze3A_1250, %and3A_1251 : i32
        %broadcast_in_dim3A_1253 = vector.broadcast %and3A_1252 : i32 to vector<16xi32>
        %add3A_1254 = arith.constant 0 : i32
        %add3A_1255 = vector.broadcast %add3A_1254 : i32 to vector<16xi32>
        %add3A_1256 = arith.addi %iota3A, %add3A_1255 : vector<16xi32>
        %gather3A_1257 = tpu.vector_load_idx %arg11[%add3A_1256, %broadcast_in_dim3A_1253] : memref<64x128xf32, #tpu.memory_space<vmem>>[vector<16xi32>, vector<16xi32>], vector<16xf32>,
        %swap3A_1258 = arith.index_cast %add3A_1222 : i32 to index
        %swap3A_1259 = arith.constant 0 : index
        %swap3A_1260 = tpu.vector_load %arg20[%swap3A_1258, %swap3A_1259] {strides = array<i32>} : memref<128x64xf32, #tpu.memory_space<vmem>>, vector<16xf32>,
        tpu.vector_store %arg20[%swap3A_1258, %swap3A_1259], %gather3A_1257 {strides = array<i32>} : memref<128x64xf32, #tpu.memory_space<vmem>>, vector<16xf32>,
        %add3A_1261 = arith.constant 16 : i32
        %add3A_1262 = vector.broadcast %add3A_1261 : i32 to vector<16xi32>
        %add3A_1263 = arith.addi %iota3A, %add3A_1262 : vector<16xi32>
        %gather3A_1264 = tpu.vector_load_idx %arg11[%add3A_1263, %broadcast_in_dim3A_1253] : memref<64x128xf32, #tpu.memory_space<vmem>>[vector<16xi32>, vector<16xi32>], vector<16xf32>,
        %swap3A_1265 = arith.index_cast %add3A_1222 : i32 to index
        %swap3A_1266 = arith.constant 16 : index
        %swap3A_1267 = tpu.vector_load %arg20[%swap3A_1265, %swap3A_1266] {strides = array<i32>} : memref<128x64xf32, #tpu.memory_space<vmem>>, vector<16xf32>,
        tpu.vector_store %arg20[%swap3A_1265, %swap3A_1266], %gather3A_1264 {strides = array<i32>} : memref<128x64xf32, #tpu.memory_space<vmem>>, vector<16xf32>,
        %add3A_1268 = arith.constant 32 : i32
        %add3A_1269 = vector.broadcast %add3A_1268 : i32 to vector<16xi32>
        %add3A_1270 = arith.addi %iota3A, %add3A_1269 : vector<16xi32>
        %gather3A_1271 = tpu.vector_load_idx %arg11[%add3A_1270, %broadcast_in_dim3A_1253] : memref<64x128xf32, #tpu.memory_space<vmem>>[vector<16xi32>, vector<16xi32>], vector<16xf32>,
        %swap3A_1272 = arith.index_cast %add3A_1222 : i32 to index
        %swap3A_1273 = arith.constant 32 : index
        %swap3A_1274 = tpu.vector_load %arg20[%swap3A_1272, %swap3A_1273] {strides = array<i32>} : memref<128x64xf32, #tpu.memory_space<vmem>>, vector<16xf32>,
        tpu.vector_store %arg20[%swap3A_1272, %swap3A_1273], %gather3A_1271 {strides = array<i32>} : memref<128x64xf32, #tpu.memory_space<vmem>>, vector<16xf32>,
        %add3A_1275 = arith.constant 48 : i32
        %add3A_1276 = vector.broadcast %add3A_1275 : i32 to vector<16xi32>
        %add3A_1277 = arith.addi %iota3A, %add3A_1276 : vector<16xi32>
        %gather3A_1278 = tpu.vector_load_idx %arg11[%add3A_1277, %broadcast_in_dim3A_1253] : memref<64x128xf32, #tpu.memory_space<vmem>>[vector<16xi32>, vector<16xi32>], vector<16xf32>,
        %swap3A_1279 = arith.index_cast %add3A_1222 : i32 to index
        %swap3A_1280 = arith.constant 48 : index
        %swap3A_1281 = tpu.vector_load %arg20[%swap3A_1279, %swap3A_1280] {strides = array<i32>} : memref<128x64xf32, #tpu.memory_space<vmem>>, vector<16xf32>,
        tpu.vector_store %arg20[%swap3A_1279, %swap3A_1280], %gather3A_1278 {strides = array<i32>} : memref<128x64xf32, #tpu.memory_space<vmem>>, vector<16xf32>,
        %dma_wait3A_1282 = arith.constant 0 : i32
        %dma_wait3A_1283 = tpu.memref_slice %arg3[%dma_wait3A_1282, %multiple_of3A_840] : memref<64x1000000xf32, #tpu.memory_space<hbm>> -> memref<64x128xf32, #tpu.memory_space<hbm>>
        %dma_wait3A_1284 = arith.constant 0 : i32
        %dma_wait3A_1285 = tpu.memref_slice %arg3[%dma_wait3A_1284, %multiple_of3A_840] : memref<64x1000000xf32, #tpu.memory_space<hbm>> -> memref<64x128xf32, #tpu.memory_space<hbm>>
        tpu.wait_dma2 semaphore(%arg22 : memref<!tpu.dma_semaphore, #tpu.memory_space<semaphore_mem>>) src(%dma_wait3A_1285 : memref<64x128xf32, #tpu.memory_space<hbm>>) dst(%arg16 : memref<64x128xf32, #tpu.memory_space<vmem>>)
        %slice3A_1286 = vector.extract_strided_slice %get3A_37 {offsets = [11], sizes = [1], strides = [1]} : vector<16xi32> to vector<1xi32>
        %squeeze3A_1287 = vector.extract %slice3A_1286[0] : i32 from vector<1xi32>
        %and3A_1288 = arith.constant 127 : i32
        %and3A_1289 = arith.andi %squeeze3A_1287, %and3A_1288 : i32
        %broadcast_in_dim3A_1290 = vector.broadcast %and3A_1289 : i32 to vector<16xi32>
        %add3A_1291 = arith.constant 0 : i32
        %add3A_1292 = vector.broadcast %add3A_1291 : i32 to vector<16xi32>
        %add3A_1293 = arith.addi %iota3A, %add3A_1292 : vector<16xi32>
        %gather3A_1294 = tpu.vector_load_idx %arg16[%add3A_1293, %broadcast_in_dim3A_1290] : memref<64x128xf32, #tpu.memory_space<vmem>>[vector<16xi32>, vector<16xi32>], vector<16xf32>,
        %swap3A_1295 = arith.index_cast %add3A_1222 : i32 to index
        %swap3A_1296 = arith.constant 0 : index
        %swap3A_1297 = tpu.vector_load %arg21[%swap3A_1295, %swap3A_1296] {strides = array<i32>} : memref<128x64xf32, #tpu.memory_space<vmem>>, vector<16xf32>,
        tpu.vector_store %arg21[%swap3A_1295, %swap3A_1296], %gather3A_1294 {strides = array<i32>} : memref<128x64xf32, #tpu.memory_space<vmem>>, vector<16xf32>,
        %add3A_1298 = arith.constant 16 : i32
        %add3A_1299 = vector.broadcast %add3A_1298 : i32 to vector<16xi32>
        %add3A_1300 = arith.addi %iota3A, %add3A_1299 : vector<16xi32>
        %gather3A_1301 = tpu.vector_load_idx %arg16[%add3A_1300, %broadcast_in_dim3A_1290] : memref<64x128xf32, #tpu.memory_space<vmem>>[vector<16xi32>, vector<16xi32>], vector<16xf32>,
        %swap3A_1302 = arith.index_cast %add3A_1222 : i32 to index
        %swap3A_1303 = arith.constant 16 : index
        %swap3A_1304 = tpu.vector_load %arg21[%swap3A_1302, %swap3A_1303] {strides = array<i32>} : memref<128x64xf32, #tpu.memory_space<vmem>>, vector<16xf32>,
        tpu.vector_store %arg21[%swap3A_1302, %swap3A_1303], %gather3A_1301 {strides = array<i32>} : memref<128x64xf32, #tpu.memory_space<vmem>>, vector<16xf32>,
        %add3A_1305 = arith.constant 32 : i32
        %add3A_1306 = vector.broadcast %add3A_1305 : i32 to vector<16xi32>
        %add3A_1307 = arith.addi %iota3A, %add3A_1306 : vector<16xi32>
        %gather3A_1308 = tpu.vector_load_idx %arg16[%add3A_1307, %broadcast_in_dim3A_1290] : memref<64x128xf32, #tpu.memory_space<vmem>>[vector<16xi32>, vector<16xi32>], vector<16xf32>,
        %swap3A_1309 = arith.index_cast %add3A_1222 : i32 to index
        %swap3A_1310 = arith.constant 32 : index
        %swap3A_1311 = tpu.vector_load %arg21[%swap3A_1309, %swap3A_1310] {strides = array<i32>} : memref<128x64xf32, #tpu.memory_space<vmem>>, vector<16xf32>,
        tpu.vector_store %arg21[%swap3A_1309, %swap3A_1310], %gather3A_1308 {strides = array<i32>} : memref<128x64xf32, #tpu.memory_space<vmem>>, vector<16xf32>,
        %add3A_1312 = arith.constant 48 : i32
        %add3A_1313 = vector.broadcast %add3A_1312 : i32 to vector<16xi32>
        %add3A_1314 = arith.addi %iota3A, %add3A_1313 : vector<16xi32>
        %gather3A_1315 = tpu.vector_load_idx %arg16[%add3A_1314, %broadcast_in_dim3A_1290] : memref<64x128xf32, #tpu.memory_space<vmem>>[vector<16xi32>, vector<16xi32>], vector<16xf32>,
        %swap3A_1316 = arith.index_cast %add3A_1222 : i32 to index
        %swap3A_1317 = arith.constant 48 : index
        %swap3A_1318 = tpu.vector_load %arg21[%swap3A_1316, %swap3A_1317] {strides = array<i32>} : memref<128x64xf32, #tpu.memory_space<vmem>>, vector<16xf32>,
        tpu.vector_store %arg21[%swap3A_1316, %swap3A_1317], %gather3A_1315 {strides = array<i32>} : memref<128x64xf32, #tpu.memory_space<vmem>>, vector<16xf32>,
        %mul3A_1319 = arith.constant 32 : i32
        %mul3A_1320 = arith.muli %scan3A_21, %mul3A_1319 : i32
        %add3A_1321 = arith.constant 12 : i32
        %add3A_1322 = arith.addi %mul3A_1320, %add3A_1321 : i32
        %slice3A_1323 = vector.extract_strided_slice %get3A_33 {offsets = [0], sizes = [1], strides = [1]} : vector<16xi32> to vector<1xi32>
        %squeeze3A_1324 = vector.extract %slice3A_1323[0] : i32 from vector<1xi32>
        %shift_right_arithmetic3A_1325 = arith.constant 7 : i32
        %shift_right_arithmetic3A_1326 = arith.shrsi %squeeze3A_1324, %shift_right_arithmetic3A_1325 : i32
        %shift_left3A_1327 = arith.constant 7 : i32
        %shift_left3A_1328 = arith.shli %shift_right_arithmetic3A_1326, %shift_left3A_1327 : i32
        %multiple_of3A_1329 = tpu.assume_multiple %shift_left3A_1328, 128 : i32
        %dma_start3A_1330 = arith.constant 0 : i32
        %dma_start3A_1331 = tpu.memref_slice %arg2[%dma_start3A_1330, %multiple_of3A_1329] : memref<64x1000000xf32, #tpu.memory_space<hbm>> -> memref<64x128xf32, #tpu.memory_space<hbm>>
        %dma_start3A_1332 = arith.constant 0 : i32
        %dma_start3A_1333 = tpu.memref_slice %arg2[%dma_start3A_1332, %multiple_of3A_1329] : memref<64x1000000xf32, #tpu.memory_space<hbm>> -> memref<64x128xf32, #tpu.memory_space<hbm>>
        tpu.enqueue_dma source(%dma_start3A_1333 : memref<64x128xf32, #tpu.memory_space<hbm>>) target(%arg11 : memref<64x128xf32, #tpu.memory_space<vmem>>) target_semaphore(%arg22 : memref<!tpu.dma_semaphore, #tpu.memory_space<semaphore_mem>>)
        %slice3A_1334 = vector.extract_strided_slice %get3A_41 {offsets = [0], sizes = [1], strides = [1]} : vector<16xi32> to vector<1xi32>
        %squeeze3A_1335 = vector.extract %slice3A_1334[0] : i32 from vector<1xi32>
        %shift_right_arithmetic3A_1336 = arith.constant 7 : i32
        %shift_right_arithmetic3A_1337 = arith.shrsi %squeeze3A_1335, %shift_right_arithmetic3A_1336 : i32
        %shift_left3A_1338 = arith.constant 7 : i32
        %shift_left3A_1339 = arith.shli %shift_right_arithmetic3A_1337, %shift_left3A_1338 : i32
        %multiple_of3A_1340 = tpu.assume_multiple %shift_left3A_1339, 128 : i32
        %dma_start3A_1341 = arith.constant 0 : i32
        %dma_start3A_1342 = tpu.memref_slice %arg3[%dma_start3A_1341, %multiple_of3A_1340] : memref<64x1000000xf32, #tpu.memory_space<hbm>> -> memref<64x128xf32, #tpu.memory_space<hbm>>
        %dma_start3A_1343 = arith.constant 0 : i32
        %dma_start3A_1344 = tpu.memref_slice %arg3[%dma_start3A_1343, %multiple_of3A_1340] : memref<64x1000000xf32, #tpu.memory_space<hbm>> -> memref<64x128xf32, #tpu.memory_space<hbm>>
        tpu.enqueue_dma source(%dma_start3A_1344 : memref<64x128xf32, #tpu.memory_space<hbm>>) target(%arg16 : memref<64x128xf32, #tpu.memory_space<vmem>>) target_semaphore(%arg22 : memref<!tpu.dma_semaphore, #tpu.memory_space<semaphore_mem>>)
        %dma_wait3A_1345 = arith.constant 0 : i32
        %dma_wait3A_1346 = tpu.memref_slice %arg2[%dma_wait3A_1345, %multiple_of3A_929] : memref<64x1000000xf32, #tpu.memory_space<hbm>> -> memref<64x128xf32, #tpu.memory_space<hbm>>
        %dma_wait3A_1347 = arith.constant 0 : i32
        %dma_wait3A_1348 = tpu.memref_slice %arg2[%dma_wait3A_1347, %multiple_of3A_929] : memref<64x1000000xf32, #tpu.memory_space<hbm>> -> memref<64x128xf32, #tpu.memory_space<hbm>>
        tpu.wait_dma2 semaphore(%arg22 : memref<!tpu.dma_semaphore, #tpu.memory_space<semaphore_mem>>) src(%dma_wait3A_1348 : memref<64x128xf32, #tpu.memory_space<hbm>>) dst(%arg12 : memref<64x128xf32, #tpu.memory_space<vmem>>)
        %slice3A_1349 = vector.extract_strided_slice %get3A_29 {offsets = [12], sizes = [1], strides = [1]} : vector<16xi32> to vector<1xi32>
        %squeeze3A_1350 = vector.extract %slice3A_1349[0] : i32 from vector<1xi32>
        %and3A_1351 = arith.constant 127 : i32
        %and3A_1352 = arith.andi %squeeze3A_1350, %and3A_1351 : i32
        %broadcast_in_dim3A_1353 = vector.broadcast %and3A_1352 : i32 to vector<16xi32>
        %add3A_1354 = arith.constant 0 : i32
        %add3A_1355 = vector.broadcast %add3A_1354 : i32 to vector<16xi32>
        %add3A_1356 = arith.addi %iota3A, %add3A_1355 : vector<16xi32>
        %gather3A_1357 = tpu.vector_load_idx %arg12[%add3A_1356, %broadcast_in_dim3A_1353] : memref<64x128xf32, #tpu.memory_space<vmem>>[vector<16xi32>, vector<16xi32>], vector<16xf32>,
        %swap3A_1358 = arith.index_cast %add3A_1322 : i32 to index
        %swap3A_1359 = arith.constant 0 : index
        %swap3A_1360 = tpu.vector_load %arg20[%swap3A_1358, %swap3A_1359] {strides = array<i32>} : memref<128x64xf32, #tpu.memory_space<vmem>>, vector<16xf32>,
        tpu.vector_store %arg20[%swap3A_1358, %swap3A_1359], %gather3A_1357 {strides = array<i32>} : memref<128x64xf32, #tpu.memory_space<vmem>>, vector<16xf32>,
        %add3A_1361 = arith.constant 16 : i32
        %add3A_1362 = vector.broadcast %add3A_1361 : i32 to vector<16xi32>
        %add3A_1363 = arith.addi %iota3A, %add3A_1362 : vector<16xi32>
        %gather3A_1364 = tpu.vector_load_idx %arg12[%add3A_1363, %broadcast_in_dim3A_1353] : memref<64x128xf32, #tpu.memory_space<vmem>>[vector<16xi32>, vector<16xi32>], vector<16xf32>,
        %swap3A_1365 = arith.index_cast %add3A_1322 : i32 to index
        %swap3A_1366 = arith.constant 16 : index
        %swap3A_1367 = tpu.vector_load %arg20[%swap3A_1365, %swap3A_1366] {strides = array<i32>} : memref<128x64xf32, #tpu.memory_space<vmem>>, vector<16xf32>,
        tpu.vector_store %arg20[%swap3A_1365, %swap3A_1366], %gather3A_1364 {strides = array<i32>} : memref<128x64xf32, #tpu.memory_space<vmem>>, vector<16xf32>,
        %add3A_1368 = arith.constant 32 : i32
        %add3A_1369 = vector.broadcast %add3A_1368 : i32 to vector<16xi32>
        %add3A_1370 = arith.addi %iota3A, %add3A_1369 : vector<16xi32>
        %gather3A_1371 = tpu.vector_load_idx %arg12[%add3A_1370, %broadcast_in_dim3A_1353] : memref<64x128xf32, #tpu.memory_space<vmem>>[vector<16xi32>, vector<16xi32>], vector<16xf32>,
        %swap3A_1372 = arith.index_cast %add3A_1322 : i32 to index
        %swap3A_1373 = arith.constant 32 : index
        %swap3A_1374 = tpu.vector_load %arg20[%swap3A_1372, %swap3A_1373] {strides = array<i32>} : memref<128x64xf32, #tpu.memory_space<vmem>>, vector<16xf32>,
        tpu.vector_store %arg20[%swap3A_1372, %swap3A_1373], %gather3A_1371 {strides = array<i32>} : memref<128x64xf32, #tpu.memory_space<vmem>>, vector<16xf32>,
        %add3A_1375 = arith.constant 48 : i32
        %add3A_1376 = vector.broadcast %add3A_1375 : i32 to vector<16xi32>
        %add3A_1377 = arith.addi %iota3A, %add3A_1376 : vector<16xi32>
        %gather3A_1378 = tpu.vector_load_idx %arg12[%add3A_1377, %broadcast_in_dim3A_1353] : memref<64x128xf32, #tpu.memory_space<vmem>>[vector<16xi32>, vector<16xi32>], vector<16xf32>,
        %swap3A_1379 = arith.index_cast %add3A_1322 : i32 to index
        %swap3A_1380 = arith.constant 48 : index
        %swap3A_1381 = tpu.vector_load %arg20[%swap3A_1379, %swap3A_1380] {strides = array<i32>} : memref<128x64xf32, #tpu.memory_space<vmem>>, vector<16xf32>,
        tpu.vector_store %arg20[%swap3A_1379, %swap3A_1380], %gather3A_1378 {strides = array<i32>} : memref<128x64xf32, #tpu.memory_space<vmem>>, vector<16xf32>,
        %dma_wait3A_1382 = arith.constant 0 : i32
        %dma_wait3A_1383 = tpu.memref_slice %arg3[%dma_wait3A_1382, %multiple_of3A_940] : memref<64x1000000xf32, #tpu.memory_space<hbm>> -> memref<64x128xf32, #tpu.memory_space<hbm>>
        %dma_wait3A_1384 = arith.constant 0 : i32
        %dma_wait3A_1385 = tpu.memref_slice %arg3[%dma_wait3A_1384, %multiple_of3A_940] : memref<64x1000000xf32, #tpu.memory_space<hbm>> -> memref<64x128xf32, #tpu.memory_space<hbm>>
        tpu.wait_dma2 semaphore(%arg22 : memref<!tpu.dma_semaphore, #tpu.memory_space<semaphore_mem>>) src(%dma_wait3A_1385 : memref<64x128xf32, #tpu.memory_space<hbm>>) dst(%arg17 : memref<64x128xf32, #tpu.memory_space<vmem>>)
        %slice3A_1386 = vector.extract_strided_slice %get3A_37 {offsets = [12], sizes = [1], strides = [1]} : vector<16xi32> to vector<1xi32>
        %squeeze3A_1387 = vector.extract %slice3A_1386[0] : i32 from vector<1xi32>
        %and3A_1388 = arith.constant 127 : i32
        %and3A_1389 = arith.andi %squeeze3A_1387, %and3A_1388 : i32
        %broadcast_in_dim3A_1390 = vector.broadcast %and3A_1389 : i32 to vector<16xi32>
        %add3A_1391 = arith.constant 0 : i32
        %add3A_1392 = vector.broadcast %add3A_1391 : i32 to vector<16xi32>
        %add3A_1393 = arith.addi %iota3A, %add3A_1392 : vector<16xi32>
        %gather3A_1394 = tpu.vector_load_idx %arg17[%add3A_1393, %broadcast_in_dim3A_1390] : memref<64x128xf32, #tpu.memory_space<vmem>>[vector<16xi32>, vector<16xi32>], vector<16xf32>,
        %swap3A_1395 = arith.index_cast %add3A_1322 : i32 to index
        %swap3A_1396 = arith.constant 0 : index
        %swap3A_1397 = tpu.vector_load %arg21[%swap3A_1395, %swap3A_1396] {strides = array<i32>} : memref<128x64xf32, #tpu.memory_space<vmem>>, vector<16xf32>,
        tpu.vector_store %arg21[%swap3A_1395, %swap3A_1396], %gather3A_1394 {strides = array<i32>} : memref<128x64xf32, #tpu.memory_space<vmem>>, vector<16xf32>,
        %add3A_1398 = arith.constant 16 : i32
        %add3A_1399 = vector.broadcast %add3A_1398 : i32 to vector<16xi32>
        %add3A_1400 = arith.addi %iota3A, %add3A_1399 : vector<16xi32>
        %gather3A_1401 = tpu.vector_load_idx %arg17[%add3A_1400, %broadcast_in_dim3A_1390] : memref<64x128xf32, #tpu.memory_space<vmem>>[vector<16xi32>, vector<16xi32>], vector<16xf32>,
        %swap3A_1402 = arith.index_cast %add3A_1322 : i32 to index
        %swap3A_1403 = arith.constant 16 : index
        %swap3A_1404 = tpu.vector_load %arg21[%swap3A_1402, %swap3A_1403] {strides = array<i32>} : memref<128x64xf32, #tpu.memory_space<vmem>>, vector<16xf32>,
        tpu.vector_store %arg21[%swap3A_1402, %swap3A_1403], %gather3A_1401 {strides = array<i32>} : memref<128x64xf32, #tpu.memory_space<vmem>>, vector<16xf32>,
        %add3A_1405 = arith.constant 32 : i32
        %add3A_1406 = vector.broadcast %add3A_1405 : i32 to vector<16xi32>
        %add3A_1407 = arith.addi %iota3A, %add3A_1406 : vector<16xi32>
        %gather3A_1408 = tpu.vector_load_idx %arg17[%add3A_1407, %broadcast_in_dim3A_1390] : memref<64x128xf32, #tpu.memory_space<vmem>>[vector<16xi32>, vector<16xi32>], vector<16xf32>,
        %swap3A_1409 = arith.index_cast %add3A_1322 : i32 to index
        %swap3A_1410 = arith.constant 32 : index
        %swap3A_1411 = tpu.vector_load %arg21[%swap3A_1409, %swap3A_1410] {strides = array<i32>} : memref<128x64xf32, #tpu.memory_space<vmem>>, vector<16xf32>,
        tpu.vector_store %arg21[%swap3A_1409, %swap3A_1410], %gather3A_1408 {strides = array<i32>} : memref<128x64xf32, #tpu.memory_space<vmem>>, vector<16xf32>,
        %add3A_1412 = arith.constant 48 : i32
        %add3A_1413 = vector.broadcast %add3A_1412 : i32 to vector<16xi32>
        %add3A_1414 = arith.addi %iota3A, %add3A_1413 : vector<16xi32>
        %gather3A_1415 = tpu.vector_load_idx %arg17[%add3A_1414, %broadcast_in_dim3A_1390] : memref<64x128xf32, #tpu.memory_space<vmem>>[vector<16xi32>, vector<16xi32>], vector<16xf32>,
        %swap3A_1416 = arith.index_cast %add3A_1322 : i32 to index
        %swap3A_1417 = arith.constant 48 : index
        %swap3A_1418 = tpu.vector_load %arg21[%swap3A_1416, %swap3A_1417] {strides = array<i32>} : memref<128x64xf32, #tpu.memory_space<vmem>>, vector<16xf32>,
        tpu.vector_store %arg21[%swap3A_1416, %swap3A_1417], %gather3A_1415 {strides = array<i32>} : memref<128x64xf32, #tpu.memory_space<vmem>>, vector<16xf32>,
        %mul3A_1419 = arith.constant 32 : i32
        %mul3A_1420 = arith.muli %scan3A_21, %mul3A_1419 : i32
        %add3A_1421 = arith.constant 13 : i32
        %add3A_1422 = arith.addi %mul3A_1420, %add3A_1421 : i32
        %slice3A_1423 = vector.extract_strided_slice %get3A_33 {offsets = [1], sizes = [1], strides = [1]} : vector<16xi32> to vector<1xi32>
        %squeeze3A_1424 = vector.extract %slice3A_1423[0] : i32 from vector<1xi32>
        %shift_right_arithmetic3A_1425 = arith.constant 7 : i32
        %shift_right_arithmetic3A_1426 = arith.shrsi %squeeze3A_1424, %shift_right_arithmetic3A_1425 : i32
        %shift_left3A_1427 = arith.constant 7 : i32
        %shift_left3A_1428 = arith.shli %shift_right_arithmetic3A_1426, %shift_left3A_1427 : i32
        %multiple_of3A_1429 = tpu.assume_multiple %shift_left3A_1428, 128 : i32
        %dma_start3A_1430 = arith.constant 0 : i32
        %dma_start3A_1431 = tpu.memref_slice %arg2[%dma_start3A_1430, %multiple_of3A_1429] : memref<64x1000000xf32, #tpu.memory_space<hbm>> -> memref<64x128xf32, #tpu.memory_space<hbm>>
        %dma_start3A_1432 = arith.constant 0 : i32
        %dma_start3A_1433 = tpu.memref_slice %arg2[%dma_start3A_1432, %multiple_of3A_1429] : memref<64x1000000xf32, #tpu.memory_space<hbm>> -> memref<64x128xf32, #tpu.memory_space<hbm>>
        tpu.enqueue_dma source(%dma_start3A_1433 : memref<64x128xf32, #tpu.memory_space<hbm>>) target(%arg12 : memref<64x128xf32, #tpu.memory_space<vmem>>) target_semaphore(%arg22 : memref<!tpu.dma_semaphore, #tpu.memory_space<semaphore_mem>>)
        %slice3A_1434 = vector.extract_strided_slice %get3A_41 {offsets = [1], sizes = [1], strides = [1]} : vector<16xi32> to vector<1xi32>
        %squeeze3A_1435 = vector.extract %slice3A_1434[0] : i32 from vector<1xi32>
        %shift_right_arithmetic3A_1436 = arith.constant 7 : i32
        %shift_right_arithmetic3A_1437 = arith.shrsi %squeeze3A_1435, %shift_right_arithmetic3A_1436 : i32
        %shift_left3A_1438 = arith.constant 7 : i32
        %shift_left3A_1439 = arith.shli %shift_right_arithmetic3A_1437, %shift_left3A_1438 : i32
        %multiple_of3A_1440 = tpu.assume_multiple %shift_left3A_1439, 128 : i32
        %dma_start3A_1441 = arith.constant 0 : i32
        %dma_start3A_1442 = tpu.memref_slice %arg3[%dma_start3A_1441, %multiple_of3A_1440] : memref<64x1000000xf32, #tpu.memory_space<hbm>> -> memref<64x128xf32, #tpu.memory_space<hbm>>
        %dma_start3A_1443 = arith.constant 0 : i32
        %dma_start3A_1444 = tpu.memref_slice %arg3[%dma_start3A_1443, %multiple_of3A_1440] : memref<64x1000000xf32, #tpu.memory_space<hbm>> -> memref<64x128xf32, #tpu.memory_space<hbm>>
        tpu.enqueue_dma source(%dma_start3A_1444 : memref<64x128xf32, #tpu.memory_space<hbm>>) target(%arg17 : memref<64x128xf32, #tpu.memory_space<vmem>>) target_semaphore(%arg22 : memref<!tpu.dma_semaphore, #tpu.memory_space<semaphore_mem>>)
        %dma_wait3A_1445 = arith.constant 0 : i32
        %dma_wait3A_1446 = tpu.memref_slice %arg2[%dma_wait3A_1445, %multiple_of3A_1029] : memref<64x1000000xf32, #tpu.memory_space<hbm>> -> memref<64x128xf32, #tpu.memory_space<hbm>>
        %dma_wait3A_1447 = arith.constant 0 : i32
        %dma_wait3A_1448 = tpu.memref_slice %arg2[%dma_wait3A_1447, %multiple_of3A_1029] : memref<64x1000000xf32, #tpu.memory_space<hbm>> -> memref<64x128xf32, #tpu.memory_space<hbm>>
        tpu.wait_dma2 semaphore(%arg22 : memref<!tpu.dma_semaphore, #tpu.memory_space<semaphore_mem>>) src(%dma_wait3A_1448 : memref<64x128xf32, #tpu.memory_space<hbm>>) dst(%arg13 : memref<64x128xf32, #tpu.memory_space<vmem>>)
        %slice3A_1449 = vector.extract_strided_slice %get3A_29 {offsets = [13], sizes = [1], strides = [1]} : vector<16xi32> to vector<1xi32>
        %squeeze3A_1450 = vector.extract %slice3A_1449[0] : i32 from vector<1xi32>
        %and3A_1451 = arith.constant 127 : i32
        %and3A_1452 = arith.andi %squeeze3A_1450, %and3A_1451 : i32
        %broadcast_in_dim3A_1453 = vector.broadcast %and3A_1452 : i32 to vector<16xi32>
        %add3A_1454 = arith.constant 0 : i32
        %add3A_1455 = vector.broadcast %add3A_1454 : i32 to vector<16xi32>
        %add3A_1456 = arith.addi %iota3A, %add3A_1455 : vector<16xi32>
        %gather3A_1457 = tpu.vector_load_idx %arg13[%add3A_1456, %broadcast_in_dim3A_1453] : memref<64x128xf32, #tpu.memory_space<vmem>>[vector<16xi32>, vector<16xi32>], vector<16xf32>,
        %swap3A_1458 = arith.index_cast %add3A_1422 : i32 to index
        %swap3A_1459 = arith.constant 0 : index
        %swap3A_1460 = tpu.vector_load %arg20[%swap3A_1458, %swap3A_1459] {strides = array<i32>} : memref<128x64xf32, #tpu.memory_space<vmem>>, vector<16xf32>,
        tpu.vector_store %arg20[%swap3A_1458, %swap3A_1459], %gather3A_1457 {strides = array<i32>} : memref<128x64xf32, #tpu.memory_space<vmem>>, vector<16xf32>,
        %add3A_1461 = arith.constant 16 : i32
        %add3A_1462 = vector.broadcast %add3A_1461 : i32 to vector<16xi32>
        %add3A_1463 = arith.addi %iota3A, %add3A_1462 : vector<16xi32>
        %gather3A_1464 = tpu.vector_load_idx %arg13[%add3A_1463, %broadcast_in_dim3A_1453] : memref<64x128xf32, #tpu.memory_space<vmem>>[vector<16xi32>, vector<16xi32>], vector<16xf32>,
        %swap3A_1465 = arith.index_cast %add3A_1422 : i32 to index
        %swap3A_1466 = arith.constant 16 : index
        %swap3A_1467 = tpu.vector_load %arg20[%swap3A_1465, %swap3A_1466] {strides = array<i32>} : memref<128x64xf32, #tpu.memory_space<vmem>>, vector<16xf32>,
        tpu.vector_store %arg20[%swap3A_1465, %swap3A_1466], %gather3A_1464 {strides = array<i32>} : memref<128x64xf32, #tpu.memory_space<vmem>>, vector<16xf32>,
        %add3A_1468 = arith.constant 32 : i32
        %add3A_1469 = vector.broadcast %add3A_1468 : i32 to vector<16xi32>
        %add3A_1470 = arith.addi %iota3A, %add3A_1469 : vector<16xi32>
        %gather3A_1471 = tpu.vector_load_idx %arg13[%add3A_1470, %broadcast_in_dim3A_1453] : memref<64x128xf32, #tpu.memory_space<vmem>>[vector<16xi32>, vector<16xi32>], vector<16xf32>,
        %swap3A_1472 = arith.index_cast %add3A_1422 : i32 to index
        %swap3A_1473 = arith.constant 32 : index
        %swap3A_1474 = tpu.vector_load %arg20[%swap3A_1472, %swap3A_1473] {strides = array<i32>} : memref<128x64xf32, #tpu.memory_space<vmem>>, vector<16xf32>,
        tpu.vector_store %arg20[%swap3A_1472, %swap3A_1473], %gather3A_1471 {strides = array<i32>} : memref<128x64xf32, #tpu.memory_space<vmem>>, vector<16xf32>,
        %add3A_1475 = arith.constant 48 : i32
        %add3A_1476 = vector.broadcast %add3A_1475 : i32 to vector<16xi32>
        %add3A_1477 = arith.addi %iota3A, %add3A_1476 : vector<16xi32>
        %gather3A_1478 = tpu.vector_load_idx %arg13[%add3A_1477, %broadcast_in_dim3A_1453] : memref<64x128xf32, #tpu.memory_space<vmem>>[vector<16xi32>, vector<16xi32>], vector<16xf32>,
        %swap3A_1479 = arith.index_cast %add3A_1422 : i32 to index
        %swap3A_1480 = arith.constant 48 : index
        %swap3A_1481 = tpu.vector_load %arg20[%swap3A_1479, %swap3A_1480] {strides = array<i32>} : memref<128x64xf32, #tpu.memory_space<vmem>>, vector<16xf32>,
        tpu.vector_store %arg20[%swap3A_1479, %swap3A_1480], %gather3A_1478 {strides = array<i32>} : memref<128x64xf32, #tpu.memory_space<vmem>>, vector<16xf32>,
        %dma_wait3A_1482 = arith.constant 0 : i32
        %dma_wait3A_1483 = tpu.memref_slice %arg3[%dma_wait3A_1482, %multiple_of3A_1040] : memref<64x1000000xf32, #tpu.memory_space<hbm>> -> memref<64x128xf32, #tpu.memory_space<hbm>>
        %dma_wait3A_1484 = arith.constant 0 : i32
        %dma_wait3A_1485 = tpu.memref_slice %arg3[%dma_wait3A_1484, %multiple_of3A_1040] : memref<64x1000000xf32, #tpu.memory_space<hbm>> -> memref<64x128xf32, #tpu.memory_space<hbm>>
        tpu.wait_dma2 semaphore(%arg22 : memref<!tpu.dma_semaphore, #tpu.memory_space<semaphore_mem>>) src(%dma_wait3A_1485 : memref<64x128xf32, #tpu.memory_space<hbm>>) dst(%arg18 : memref<64x128xf32, #tpu.memory_space<vmem>>)
        %slice3A_1486 = vector.extract_strided_slice %get3A_37 {offsets = [13], sizes = [1], strides = [1]} : vector<16xi32> to vector<1xi32>
        %squeeze3A_1487 = vector.extract %slice3A_1486[0] : i32 from vector<1xi32>
        %and3A_1488 = arith.constant 127 : i32
        %and3A_1489 = arith.andi %squeeze3A_1487, %and3A_1488 : i32
        %broadcast_in_dim3A_1490 = vector.broadcast %and3A_1489 : i32 to vector<16xi32>
        %add3A_1491 = arith.constant 0 : i32
        %add3A_1492 = vector.broadcast %add3A_1491 : i32 to vector<16xi32>
        %add3A_1493 = arith.addi %iota3A, %add3A_1492 : vector<16xi32>
        %gather3A_1494 = tpu.vector_load_idx %arg18[%add3A_1493, %broadcast_in_dim3A_1490] : memref<64x128xf32, #tpu.memory_space<vmem>>[vector<16xi32>, vector<16xi32>], vector<16xf32>,
        %swap3A_1495 = arith.index_cast %add3A_1422 : i32 to index
        %swap3A_1496 = arith.constant 0 : index
        %swap3A_1497 = tpu.vector_load %arg21[%swap3A_1495, %swap3A_1496] {strides = array<i32>} : memref<128x64xf32, #tpu.memory_space<vmem>>, vector<16xf32>,
        tpu.vector_store %arg21[%swap3A_1495, %swap3A_1496], %gather3A_1494 {strides = array<i32>} : memref<128x64xf32, #tpu.memory_space<vmem>>, vector<16xf32>,
        %add3A_1498 = arith.constant 16 : i32
        %add3A_1499 = vector.broadcast %add3A_1498 : i32 to vector<16xi32>
        %add3A_1500 = arith.addi %iota3A, %add3A_1499 : vector<16xi32>
        %gather3A_1501 = tpu.vector_load_idx %arg18[%add3A_1500, %broadcast_in_dim3A_1490] : memref<64x128xf32, #tpu.memory_space<vmem>>[vector<16xi32>, vector<16xi32>], vector<16xf32>,
        %swap3A_1502 = arith.index_cast %add3A_1422 : i32 to index
        %swap3A_1503 = arith.constant 16 : index
        %swap3A_1504 = tpu.vector_load %arg21[%swap3A_1502, %swap3A_1503] {strides = array<i32>} : memref<128x64xf32, #tpu.memory_space<vmem>>, vector<16xf32>,
        tpu.vector_store %arg21[%swap3A_1502, %swap3A_1503], %gather3A_1501 {strides = array<i32>} : memref<128x64xf32, #tpu.memory_space<vmem>>, vector<16xf32>,
        %add3A_1505 = arith.constant 32 : i32
        %add3A_1506 = vector.broadcast %add3A_1505 : i32 to vector<16xi32>
        %add3A_1507 = arith.addi %iota3A, %add3A_1506 : vector<16xi32>
        %gather3A_1508 = tpu.vector_load_idx %arg18[%add3A_1507, %broadcast_in_dim3A_1490] : memref<64x128xf32, #tpu.memory_space<vmem>>[vector<16xi32>, vector<16xi32>], vector<16xf32>,
        %swap3A_1509 = arith.index_cast %add3A_1422 : i32 to index
        %swap3A_1510 = arith.constant 32 : index
        %swap3A_1511 = tpu.vector_load %arg21[%swap3A_1509, %swap3A_1510] {strides = array<i32>} : memref<128x64xf32, #tpu.memory_space<vmem>>, vector<16xf32>,
        tpu.vector_store %arg21[%swap3A_1509, %swap3A_1510], %gather3A_1508 {strides = array<i32>} : memref<128x64xf32, #tpu.memory_space<vmem>>, vector<16xf32>,
        %add3A_1512 = arith.constant 48 : i32
        %add3A_1513 = vector.broadcast %add3A_1512 : i32 to vector<16xi32>
        %add3A_1514 = arith.addi %iota3A, %add3A_1513 : vector<16xi32>
        %gather3A_1515 = tpu.vector_load_idx %arg18[%add3A_1514, %broadcast_in_dim3A_1490] : memref<64x128xf32, #tpu.memory_space<vmem>>[vector<16xi32>, vector<16xi32>], vector<16xf32>,
        %swap3A_1516 = arith.index_cast %add3A_1422 : i32 to index
        %swap3A_1517 = arith.constant 48 : index
        %swap3A_1518 = tpu.vector_load %arg21[%swap3A_1516, %swap3A_1517] {strides = array<i32>} : memref<128x64xf32, #tpu.memory_space<vmem>>, vector<16xf32>,
        tpu.vector_store %arg21[%swap3A_1516, %swap3A_1517], %gather3A_1515 {strides = array<i32>} : memref<128x64xf32, #tpu.memory_space<vmem>>, vector<16xf32>,
        %mul3A_1519 = arith.constant 32 : i32
        %mul3A_1520 = arith.muli %scan3A_21, %mul3A_1519 : i32
        %add3A_1521 = arith.constant 14 : i32
        %add3A_1522 = arith.addi %mul3A_1520, %add3A_1521 : i32
        %slice3A_1523 = vector.extract_strided_slice %get3A_33 {offsets = [2], sizes = [1], strides = [1]} : vector<16xi32> to vector<1xi32>
        %squeeze3A_1524 = vector.extract %slice3A_1523[0] : i32 from vector<1xi32>
        %shift_right_arithmetic3A_1525 = arith.constant 7 : i32
        %shift_right_arithmetic3A_1526 = arith.shrsi %squeeze3A_1524, %shift_right_arithmetic3A_1525 : i32
        %shift_left3A_1527 = arith.constant 7 : i32
        %shift_left3A_1528 = arith.shli %shift_right_arithmetic3A_1526, %shift_left3A_1527 : i32
        %multiple_of3A_1529 = tpu.assume_multiple %shift_left3A_1528, 128 : i32
        %dma_start3A_1530 = arith.constant 0 : i32
        %dma_start3A_1531 = tpu.memref_slice %arg2[%dma_start3A_1530, %multiple_of3A_1529] : memref<64x1000000xf32, #tpu.memory_space<hbm>> -> memref<64x128xf32, #tpu.memory_space<hbm>>
        %dma_start3A_1532 = arith.constant 0 : i32
        %dma_start3A_1533 = tpu.memref_slice %arg2[%dma_start3A_1532, %multiple_of3A_1529] : memref<64x1000000xf32, #tpu.memory_space<hbm>> -> memref<64x128xf32, #tpu.memory_space<hbm>>
        tpu.enqueue_dma source(%dma_start3A_1533 : memref<64x128xf32, #tpu.memory_space<hbm>>) target(%arg13 : memref<64x128xf32, #tpu.memory_space<vmem>>) target_semaphore(%arg22 : memref<!tpu.dma_semaphore, #tpu.memory_space<semaphore_mem>>)
        %slice3A_1534 = vector.extract_strided_slice %get3A_41 {offsets = [2], sizes = [1], strides = [1]} : vector<16xi32> to vector<1xi32>
        %squeeze3A_1535 = vector.extract %slice3A_1534[0] : i32 from vector<1xi32>
        %shift_right_arithmetic3A_1536 = arith.constant 7 : i32
        %shift_right_arithmetic3A_1537 = arith.shrsi %squeeze3A_1535, %shift_right_arithmetic3A_1536 : i32
        %shift_left3A_1538 = arith.constant 7 : i32
        %shift_left3A_1539 = arith.shli %shift_right_arithmetic3A_1537, %shift_left3A_1538 : i32
        %multiple_of3A_1540 = tpu.assume_multiple %shift_left3A_1539, 128 : i32
        %dma_start3A_1541 = arith.constant 0 : i32
        %dma_start3A_1542 = tpu.memref_slice %arg3[%dma_start3A_1541, %multiple_of3A_1540] : memref<64x1000000xf32, #tpu.memory_space<hbm>> -> memref<64x128xf32, #tpu.memory_space<hbm>>
        %dma_start3A_1543 = arith.constant 0 : i32
        %dma_start3A_1544 = tpu.memref_slice %arg3[%dma_start3A_1543, %multiple_of3A_1540] : memref<64x1000000xf32, #tpu.memory_space<hbm>> -> memref<64x128xf32, #tpu.memory_space<hbm>>
        tpu.enqueue_dma source(%dma_start3A_1544 : memref<64x128xf32, #tpu.memory_space<hbm>>) target(%arg18 : memref<64x128xf32, #tpu.memory_space<vmem>>) target_semaphore(%arg22 : memref<!tpu.dma_semaphore, #tpu.memory_space<semaphore_mem>>)
        %dma_wait3A_1545 = arith.constant 0 : i32
        %dma_wait3A_1546 = tpu.memref_slice %arg2[%dma_wait3A_1545, %multiple_of3A_1129] : memref<64x1000000xf32, #tpu.memory_space<hbm>> -> memref<64x128xf32, #tpu.memory_space<hbm>>
        %dma_wait3A_1547 = arith.constant 0 : i32
        %dma_wait3A_1548 = tpu.memref_slice %arg2[%dma_wait3A_1547, %multiple_of3A_1129] : memref<64x1000000xf32, #tpu.memory_space<hbm>> -> memref<64x128xf32, #tpu.memory_space<hbm>>
        tpu.wait_dma2 semaphore(%arg22 : memref<!tpu.dma_semaphore, #tpu.memory_space<semaphore_mem>>) src(%dma_wait3A_1548 : memref<64x128xf32, #tpu.memory_space<hbm>>) dst(%arg14 : memref<64x128xf32, #tpu.memory_space<vmem>>)
        %slice3A_1549 = vector.extract_strided_slice %get3A_29 {offsets = [14], sizes = [1], strides = [1]} : vector<16xi32> to vector<1xi32>
        %squeeze3A_1550 = vector.extract %slice3A_1549[0] : i32 from vector<1xi32>
        %and3A_1551 = arith.constant 127 : i32
        %and3A_1552 = arith.andi %squeeze3A_1550, %and3A_1551 : i32
        %broadcast_in_dim3A_1553 = vector.broadcast %and3A_1552 : i32 to vector<16xi32>
        %add3A_1554 = arith.constant 0 : i32
        %add3A_1555 = vector.broadcast %add3A_1554 : i32 to vector<16xi32>
        %add3A_1556 = arith.addi %iota3A, %add3A_1555 : vector<16xi32>
        %gather3A_1557 = tpu.vector_load_idx %arg14[%add3A_1556, %broadcast_in_dim3A_1553] : memref<64x128xf32, #tpu.memory_space<vmem>>[vector<16xi32>, vector<16xi32>], vector<16xf32>,
        %swap3A_1558 = arith.index_cast %add3A_1522 : i32 to index
        %swap3A_1559 = arith.constant 0 : index
        %swap3A_1560 = tpu.vector_load %arg20[%swap3A_1558, %swap3A_1559] {strides = array<i32>} : memref<128x64xf32, #tpu.memory_space<vmem>>, vector<16xf32>,
        tpu.vector_store %arg20[%swap3A_1558, %swap3A_1559], %gather3A_1557 {strides = array<i32>} : memref<128x64xf32, #tpu.memory_space<vmem>>, vector<16xf32>,
        %add3A_1561 = arith.constant 16 : i32
        %add3A_1562 = vector.broadcast %add3A_1561 : i32 to vector<16xi32>
        %add3A_1563 = arith.addi %iota3A, %add3A_1562 : vector<16xi32>
        %gather3A_1564 = tpu.vector_load_idx %arg14[%add3A_1563, %broadcast_in_dim3A_1553] : memref<64x128xf32, #tpu.memory_space<vmem>>[vector<16xi32>, vector<16xi32>], vector<16xf32>,
        %swap3A_1565 = arith.index_cast %add3A_1522 : i32 to index
        %swap3A_1566 = arith.constant 16 : index
        %swap3A_1567 = tpu.vector_load %arg20[%swap3A_1565, %swap3A_1566] {strides = array<i32>} : memref<128x64xf32, #tpu.memory_space<vmem>>, vector<16xf32>,
        tpu.vector_store %arg20[%swap3A_1565, %swap3A_1566], %gather3A_1564 {strides = array<i32>} : memref<128x64xf32, #tpu.memory_space<vmem>>, vector<16xf32>,
        %add3A_1568 = arith.constant 32 : i32
        %add3A_1569 = vector.broadcast %add3A_1568 : i32 to vector<16xi32>
        %add3A_1570 = arith.addi %iota3A, %add3A_1569 : vector<16xi32>
        %gather3A_1571 = tpu.vector_load_idx %arg14[%add3A_1570, %broadcast_in_dim3A_1553] : memref<64x128xf32, #tpu.memory_space<vmem>>[vector<16xi32>, vector<16xi32>], vector<16xf32>,
        %swap3A_1572 = arith.index_cast %add3A_1522 : i32 to index
        %swap3A_1573 = arith.constant 32 : index
        %swap3A_1574 = tpu.vector_load %arg20[%swap3A_1572, %swap3A_1573] {strides = array<i32>} : memref<128x64xf32, #tpu.memory_space<vmem>>, vector<16xf32>,
        tpu.vector_store %arg20[%swap3A_1572, %swap3A_1573], %gather3A_1571 {strides = array<i32>} : memref<128x64xf32, #tpu.memory_space<vmem>>, vector<16xf32>,
        %add3A_1575 = arith.constant 48 : i32
        %add3A_1576 = vector.broadcast %add3A_1575 : i32 to vector<16xi32>
        %add3A_1577 = arith.addi %iota3A, %add3A_1576 : vector<16xi32>
        %gather3A_1578 = tpu.vector_load_idx %arg14[%add3A_1577, %broadcast_in_dim3A_1553] : memref<64x128xf32, #tpu.memory_space<vmem>>[vector<16xi32>, vector<16xi32>], vector<16xf32>,
        %swap3A_1579 = arith.index_cast %add3A_1522 : i32 to index
        %swap3A_1580 = arith.constant 48 : index
        %swap3A_1581 = tpu.vector_load %arg20[%swap3A_1579, %swap3A_1580] {strides = array<i32>} : memref<128x64xf32, #tpu.memory_space<vmem>>, vector<16xf32>,
        tpu.vector_store %arg20[%swap3A_1579, %swap3A_1580], %gather3A_1578 {strides = array<i32>} : memref<128x64xf32, #tpu.memory_space<vmem>>, vector<16xf32>,
        %dma_wait3A_1582 = arith.constant 0 : i32
        %dma_wait3A_1583 = tpu.memref_slice %arg3[%dma_wait3A_1582, %multiple_of3A_1140] : memref<64x1000000xf32, #tpu.memory_space<hbm>> -> memref<64x128xf32, #tpu.memory_space<hbm>>
        %dma_wait3A_1584 = arith.constant 0 : i32
        %dma_wait3A_1585 = tpu.memref_slice %arg3[%dma_wait3A_1584, %multiple_of3A_1140] : memref<64x1000000xf32, #tpu.memory_space<hbm>> -> memref<64x128xf32, #tpu.memory_space<hbm>>
        tpu.wait_dma2 semaphore(%arg22 : memref<!tpu.dma_semaphore, #tpu.memory_space<semaphore_mem>>) src(%dma_wait3A_1585 : memref<64x128xf32, #tpu.memory_space<hbm>>) dst(%arg19 : memref<64x128xf32, #tpu.memory_space<vmem>>)
        %slice3A_1586 = vector.extract_strided_slice %get3A_37 {offsets = [14], sizes = [1], strides = [1]} : vector<16xi32> to vector<1xi32>
        %squeeze3A_1587 = vector.extract %slice3A_1586[0] : i32 from vector<1xi32>
        %and3A_1588 = arith.constant 127 : i32
        %and3A_1589 = arith.andi %squeeze3A_1587, %and3A_1588 : i32
        %broadcast_in_dim3A_1590 = vector.broadcast %and3A_1589 : i32 to vector<16xi32>
        %add3A_1591 = arith.constant 0 : i32
        %add3A_1592 = vector.broadcast %add3A_1591 : i32 to vector<16xi32>
        %add3A_1593 = arith.addi %iota3A, %add3A_1592 : vector<16xi32>
        %gather3A_1594 = tpu.vector_load_idx %arg19[%add3A_1593, %broadcast_in_dim3A_1590] : memref<64x128xf32, #tpu.memory_space<vmem>>[vector<16xi32>, vector<16xi32>], vector<16xf32>,
        %swap3A_1595 = arith.index_cast %add3A_1522 : i32 to index
        %swap3A_1596 = arith.constant 0 : index
        %swap3A_1597 = tpu.vector_load %arg21[%swap3A_1595, %swap3A_1596] {strides = array<i32>} : memref<128x64xf32, #tpu.memory_space<vmem>>, vector<16xf32>,
        tpu.vector_store %arg21[%swap3A_1595, %swap3A_1596], %gather3A_1594 {strides = array<i32>} : memref<128x64xf32, #tpu.memory_space<vmem>>, vector<16xf32>,
        %add3A_1598 = arith.constant 16 : i32
        %add3A_1599 = vector.broadcast %add3A_1598 : i32 to vector<16xi32>
        %add3A_1600 = arith.addi %iota3A, %add3A_1599 : vector<16xi32>
        %gather3A_1601 = tpu.vector_load_idx %arg19[%add3A_1600, %broadcast_in_dim3A_1590] : memref<64x128xf32, #tpu.memory_space<vmem>>[vector<16xi32>, vector<16xi32>], vector<16xf32>,
        %swap3A_1602 = arith.index_cast %add3A_1522 : i32 to index
        %swap3A_1603 = arith.constant 16 : index
        %swap3A_1604 = tpu.vector_load %arg21[%swap3A_1602, %swap3A_1603] {strides = array<i32>} : memref<128x64xf32, #tpu.memory_space<vmem>>, vector<16xf32>,
        tpu.vector_store %arg21[%swap3A_1602, %swap3A_1603], %gather3A_1601 {strides = array<i32>} : memref<128x64xf32, #tpu.memory_space<vmem>>, vector<16xf32>,
        %add3A_1605 = arith.constant 32 : i32
        %add3A_1606 = vector.broadcast %add3A_1605 : i32 to vector<16xi32>
        %add3A_1607 = arith.addi %iota3A, %add3A_1606 : vector<16xi32>
        %gather3A_1608 = tpu.vector_load_idx %arg19[%add3A_1607, %broadcast_in_dim3A_1590] : memref<64x128xf32, #tpu.memory_space<vmem>>[vector<16xi32>, vector<16xi32>], vector<16xf32>,
        %swap3A_1609 = arith.index_cast %add3A_1522 : i32 to index
        %swap3A_1610 = arith.constant 32 : index
        %swap3A_1611 = tpu.vector_load %arg21[%swap3A_1609, %swap3A_1610] {strides = array<i32>} : memref<128x64xf32, #tpu.memory_space<vmem>>, vector<16xf32>,
        tpu.vector_store %arg21[%swap3A_1609, %swap3A_1610], %gather3A_1608 {strides = array<i32>} : memref<128x64xf32, #tpu.memory_space<vmem>>, vector<16xf32>,
        %add3A_1612 = arith.constant 48 : i32
        %add3A_1613 = vector.broadcast %add3A_1612 : i32 to vector<16xi32>
        %add3A_1614 = arith.addi %iota3A, %add3A_1613 : vector<16xi32>
        %gather3A_1615 = tpu.vector_load_idx %arg19[%add3A_1614, %broadcast_in_dim3A_1590] : memref<64x128xf32, #tpu.memory_space<vmem>>[vector<16xi32>, vector<16xi32>], vector<16xf32>,
        %swap3A_1616 = arith.index_cast %add3A_1522 : i32 to index
        %swap3A_1617 = arith.constant 48 : index
        %swap3A_1618 = tpu.vector_load %arg21[%swap3A_1616, %swap3A_1617] {strides = array<i32>} : memref<128x64xf32, #tpu.memory_space<vmem>>, vector<16xf32>,
        tpu.vector_store %arg21[%swap3A_1616, %swap3A_1617], %gather3A_1615 {strides = array<i32>} : memref<128x64xf32, #tpu.memory_space<vmem>>, vector<16xf32>,
        %mul3A_1619 = arith.constant 32 : i32
        %mul3A_1620 = arith.muli %scan3A_21, %mul3A_1619 : i32
        %add3A_1621 = arith.constant 15 : i32
        %add3A_1622 = arith.addi %mul3A_1620, %add3A_1621 : i32
        %slice3A_1623 = vector.extract_strided_slice %get3A_33 {offsets = [3], sizes = [1], strides = [1]} : vector<16xi32> to vector<1xi32>
        %squeeze3A_1624 = vector.extract %slice3A_1623[0] : i32 from vector<1xi32>
        %shift_right_arithmetic3A_1625 = arith.constant 7 : i32
        %shift_right_arithmetic3A_1626 = arith.shrsi %squeeze3A_1624, %shift_right_arithmetic3A_1625 : i32
        %shift_left3A_1627 = arith.constant 7 : i32
        %shift_left3A_1628 = arith.shli %shift_right_arithmetic3A_1626, %shift_left3A_1627 : i32
        %multiple_of3A_1629 = tpu.assume_multiple %shift_left3A_1628, 128 : i32
        %dma_start3A_1630 = arith.constant 0 : i32
        %dma_start3A_1631 = tpu.memref_slice %arg2[%dma_start3A_1630, %multiple_of3A_1629] : memref<64x1000000xf32, #tpu.memory_space<hbm>> -> memref<64x128xf32, #tpu.memory_space<hbm>>
        %dma_start3A_1632 = arith.constant 0 : i32
        %dma_start3A_1633 = tpu.memref_slice %arg2[%dma_start3A_1632, %multiple_of3A_1629] : memref<64x1000000xf32, #tpu.memory_space<hbm>> -> memref<64x128xf32, #tpu.memory_space<hbm>>
        tpu.enqueue_dma source(%dma_start3A_1633 : memref<64x128xf32, #tpu.memory_space<hbm>>) target(%arg14 : memref<64x128xf32, #tpu.memory_space<vmem>>) target_semaphore(%arg22 : memref<!tpu.dma_semaphore, #tpu.memory_space<semaphore_mem>>)
        %slice3A_1634 = vector.extract_strided_slice %get3A_41 {offsets = [3], sizes = [1], strides = [1]} : vector<16xi32> to vector<1xi32>
        %squeeze3A_1635 = vector.extract %slice3A_1634[0] : i32 from vector<1xi32>
        %shift_right_arithmetic3A_1636 = arith.constant 7 : i32
        %shift_right_arithmetic3A_1637 = arith.shrsi %squeeze3A_1635, %shift_right_arithmetic3A_1636 : i32
        %shift_left3A_1638 = arith.constant 7 : i32
        %shift_left3A_1639 = arith.shli %shift_right_arithmetic3A_1637, %shift_left3A_1638 : i32
        %multiple_of3A_1640 = tpu.assume_multiple %shift_left3A_1639, 128 : i32
        %dma_start3A_1641 = arith.constant 0 : i32
        %dma_start3A_1642 = tpu.memref_slice %arg3[%dma_start3A_1641, %multiple_of3A_1640] : memref<64x1000000xf32, #tpu.memory_space<hbm>> -> memref<64x128xf32, #tpu.memory_space<hbm>>
        %dma_start3A_1643 = arith.constant 0 : i32
        %dma_start3A_1644 = tpu.memref_slice %arg3[%dma_start3A_1643, %multiple_of3A_1640] : memref<64x1000000xf32, #tpu.memory_space<hbm>> -> memref<64x128xf32, #tpu.memory_space<hbm>>
        tpu.enqueue_dma source(%dma_start3A_1644 : memref<64x128xf32, #tpu.memory_space<hbm>>) target(%arg19 : memref<64x128xf32, #tpu.memory_space<vmem>>) target_semaphore(%arg22 : memref<!tpu.dma_semaphore, #tpu.memory_space<semaphore_mem>>)
        %dma_wait3A_1645 = arith.constant 0 : i32
        %dma_wait3A_1646 = tpu.memref_slice %arg2[%dma_wait3A_1645, %multiple_of3A_1229] : memref<64x1000000xf32, #tpu.memory_space<hbm>> -> memref<64x128xf32, #tpu.memory_space<hbm>>
        %dma_wait3A_1647 = arith.constant 0 : i32
        %dma_wait3A_1648 = tpu.memref_slice %arg2[%dma_wait3A_1647, %multiple_of3A_1229] : memref<64x1000000xf32, #tpu.memory_space<hbm>> -> memref<64x128xf32, #tpu.memory_space<hbm>>
        tpu.wait_dma2 semaphore(%arg22 : memref<!tpu.dma_semaphore, #tpu.memory_space<semaphore_mem>>) src(%dma_wait3A_1648 : memref<64x128xf32, #tpu.memory_space<hbm>>) dst(%arg10 : memref<64x128xf32, #tpu.memory_space<vmem>>)
        %slice3A_1649 = vector.extract_strided_slice %get3A_29 {offsets = [15], sizes = [1], strides = [1]} : vector<16xi32> to vector<1xi32>
        %squeeze3A_1650 = vector.extract %slice3A_1649[0] : i32 from vector<1xi32>
        %and3A_1651 = arith.constant 127 : i32
        %and3A_1652 = arith.andi %squeeze3A_1650, %and3A_1651 : i32
        %broadcast_in_dim3A_1653 = vector.broadcast %and3A_1652 : i32 to vector<16xi32>
        %add3A_1654 = arith.constant 0 : i32
        %add3A_1655 = vector.broadcast %add3A_1654 : i32 to vector<16xi32>
        %add3A_1656 = arith.addi %iota3A, %add3A_1655 : vector<16xi32>
        %gather3A_1657 = tpu.vector_load_idx %arg10[%add3A_1656, %broadcast_in_dim3A_1653] : memref<64x128xf32, #tpu.memory_space<vmem>>[vector<16xi32>, vector<16xi32>], vector<16xf32>,
        %swap3A_1658 = arith.index_cast %add3A_1622 : i32 to index
        %swap3A_1659 = arith.constant 0 : index
        %swap3A_1660 = tpu.vector_load %arg20[%swap3A_1658, %swap3A_1659] {strides = array<i32>} : memref<128x64xf32, #tpu.memory_space<vmem>>, vector<16xf32>,
        tpu.vector_store %arg20[%swap3A_1658, %swap3A_1659], %gather3A_1657 {strides = array<i32>} : memref<128x64xf32, #tpu.memory_space<vmem>>, vector<16xf32>,
        %add3A_1661 = arith.constant 16 : i32
        %add3A_1662 = vector.broadcast %add3A_1661 : i32 to vector<16xi32>
        %add3A_1663 = arith.addi %iota3A, %add3A_1662 : vector<16xi32>
        %gather3A_1664 = tpu.vector_load_idx %arg10[%add3A_1663, %broadcast_in_dim3A_1653] : memref<64x128xf32, #tpu.memory_space<vmem>>[vector<16xi32>, vector<16xi32>], vector<16xf32>,
        %swap3A_1665 = arith.index_cast %add3A_1622 : i32 to index
        %swap3A_1666 = arith.constant 16 : index
        %swap3A_1667 = tpu.vector_load %arg20[%swap3A_1665, %swap3A_1666] {strides = array<i32>} : memref<128x64xf32, #tpu.memory_space<vmem>>, vector<16xf32>,
        tpu.vector_store %arg20[%swap3A_1665, %swap3A_1666], %gather3A_1664 {strides = array<i32>} : memref<128x64xf32, #tpu.memory_space<vmem>>, vector<16xf32>,
        %add3A_1668 = arith.constant 32 : i32
        %add3A_1669 = vector.broadcast %add3A_1668 : i32 to vector<16xi32>
        %add3A_1670 = arith.addi %iota3A, %add3A_1669 : vector<16xi32>
        %gather3A_1671 = tpu.vector_load_idx %arg10[%add3A_1670, %broadcast_in_dim3A_1653] : memref<64x128xf32, #tpu.memory_space<vmem>>[vector<16xi32>, vector<16xi32>], vector<16xf32>,
        %swap3A_1672 = arith.index_cast %add3A_1622 : i32 to index
        %swap3A_1673 = arith.constant 32 : index
        %swap3A_1674 = tpu.vector_load %arg20[%swap3A_1672, %swap3A_1673] {strides = array<i32>} : memref<128x64xf32, #tpu.memory_space<vmem>>, vector<16xf32>,
        tpu.vector_store %arg20[%swap3A_1672, %swap3A_1673], %gather3A_1671 {strides = array<i32>} : memref<128x64xf32, #tpu.memory_space<vmem>>, vector<16xf32>,
        %add3A_1675 = arith.constant 48 : i32
        %add3A_1676 = vector.broadcast %add3A_1675 : i32 to vector<16xi32>
        %add3A_1677 = arith.addi %iota3A, %add3A_1676 : vector<16xi32>
        %gather3A_1678 = tpu.vector_load_idx %arg10[%add3A_1677, %broadcast_in_dim3A_1653] : memref<64x128xf32, #tpu.memory_space<vmem>>[vector<16xi32>, vector<16xi32>], vector<16xf32>,
        %swap3A_1679 = arith.index_cast %add3A_1622 : i32 to index
        %swap3A_1680 = arith.constant 48 : index
        %swap3A_1681 = tpu.vector_load %arg20[%swap3A_1679, %swap3A_1680] {strides = array<i32>} : memref<128x64xf32, #tpu.memory_space<vmem>>, vector<16xf32>,
        tpu.vector_store %arg20[%swap3A_1679, %swap3A_1680], %gather3A_1678 {strides = array<i32>} : memref<128x64xf32, #tpu.memory_space<vmem>>, vector<16xf32>,
        %dma_wait3A_1682 = arith.constant 0 : i32
        %dma_wait3A_1683 = tpu.memref_slice %arg3[%dma_wait3A_1682, %multiple_of3A_1240] : memref<64x1000000xf32, #tpu.memory_space<hbm>> -> memref<64x128xf32, #tpu.memory_space<hbm>>
        %dma_wait3A_1684 = arith.constant 0 : i32
        %dma_wait3A_1685 = tpu.memref_slice %arg3[%dma_wait3A_1684, %multiple_of3A_1240] : memref<64x1000000xf32, #tpu.memory_space<hbm>> -> memref<64x128xf32, #tpu.memory_space<hbm>>
        tpu.wait_dma2 semaphore(%arg22 : memref<!tpu.dma_semaphore, #tpu.memory_space<semaphore_mem>>) src(%dma_wait3A_1685 : memref<64x128xf32, #tpu.memory_space<hbm>>) dst(%arg15 : memref<64x128xf32, #tpu.memory_space<vmem>>)
        %slice3A_1686 = vector.extract_strided_slice %get3A_37 {offsets = [15], sizes = [1], strides = [1]} : vector<16xi32> to vector<1xi32>
        %squeeze3A_1687 = vector.extract %slice3A_1686[0] : i32 from vector<1xi32>
        %and3A_1688 = arith.constant 127 : i32
        %and3A_1689 = arith.andi %squeeze3A_1687, %and3A_1688 : i32
        %broadcast_in_dim3A_1690 = vector.broadcast %and3A_1689 : i32 to vector<16xi32>
        %add3A_1691 = arith.constant 0 : i32
        %add3A_1692 = vector.broadcast %add3A_1691 : i32 to vector<16xi32>
        %add3A_1693 = arith.addi %iota3A, %add3A_1692 : vector<16xi32>
        %gather3A_1694 = tpu.vector_load_idx %arg15[%add3A_1693, %broadcast_in_dim3A_1690] : memref<64x128xf32, #tpu.memory_space<vmem>>[vector<16xi32>, vector<16xi32>], vector<16xf32>,
        %swap3A_1695 = arith.index_cast %add3A_1622 : i32 to index
        %swap3A_1696 = arith.constant 0 : index
        %swap3A_1697 = tpu.vector_load %arg21[%swap3A_1695, %swap3A_1696] {strides = array<i32>} : memref<128x64xf32, #tpu.memory_space<vmem>>, vector<16xf32>,
        tpu.vector_store %arg21[%swap3A_1695, %swap3A_1696], %gather3A_1694 {strides = array<i32>} : memref<128x64xf32, #tpu.memory_space<vmem>>, vector<16xf32>,
        %add3A_1698 = arith.constant 16 : i32
        %add3A_1699 = vector.broadcast %add3A_1698 : i32 to vector<16xi32>
        %add3A_1700 = arith.addi %iota3A, %add3A_1699 : vector<16xi32>
        %gather3A_1701 = tpu.vector_load_idx %arg15[%add3A_1700, %broadcast_in_dim3A_1690] : memref<64x128xf32, #tpu.memory_space<vmem>>[vector<16xi32>, vector<16xi32>], vector<16xf32>,
        %swap3A_1702 = arith.index_cast %add3A_1622 : i32 to index
        %swap3A_1703 = arith.constant 16 : index
        %swap3A_1704 = tpu.vector_load %arg21[%swap3A_1702, %swap3A_1703] {strides = array<i32>} : memref<128x64xf32, #tpu.memory_space<vmem>>, vector<16xf32>,
        tpu.vector_store %arg21[%swap3A_1702, %swap3A_1703], %gather3A_1701 {strides = array<i32>} : memref<128x64xf32, #tpu.memory_space<vmem>>, vector<16xf32>,
        %add3A_1705 = arith.constant 32 : i32
        %add3A_1706 = vector.broadcast %add3A_1705 : i32 to vector<16xi32>
        %add3A_1707 = arith.addi %iota3A, %add3A_1706 : vector<16xi32>
        %gather3A_1708 = tpu.vector_load_idx %arg15[%add3A_1707, %broadcast_in_dim3A_1690] : memref<64x128xf32, #tpu.memory_space<vmem>>[vector<16xi32>, vector<16xi32>], vector<16xf32>,
        %swap3A_1709 = arith.index_cast %add3A_1622 : i32 to index
        %swap3A_1710 = arith.constant 32 : index
        %swap3A_1711 = tpu.vector_load %arg21[%swap3A_1709, %swap3A_1710] {strides = array<i32>} : memref<128x64xf32, #tpu.memory_space<vmem>>, vector<16xf32>,
        tpu.vector_store %arg21[%swap3A_1709, %swap3A_1710], %gather3A_1708 {strides = array<i32>} : memref<128x64xf32, #tpu.memory_space<vmem>>, vector<16xf32>,
        %add3A_1712 = arith.constant 48 : i32
        %add3A_1713 = vector.broadcast %add3A_1712 : i32 to vector<16xi32>
        %add3A_1714 = arith.addi %iota3A, %add3A_1713 : vector<16xi32>
        %gather3A_1715 = tpu.vector_load_idx %arg15[%add3A_1714, %broadcast_in_dim3A_1690] : memref<64x128xf32, #tpu.memory_space<vmem>>[vector<16xi32>, vector<16xi32>], vector<16xf32>,
        %swap3A_1716 = arith.index_cast %add3A_1622 : i32 to index
        %swap3A_1717 = arith.constant 48 : index
        %swap3A_1718 = tpu.vector_load %arg21[%swap3A_1716, %swap3A_1717] {strides = array<i32>} : memref<128x64xf32, #tpu.memory_space<vmem>>, vector<16xf32>,
        tpu.vector_store %arg21[%swap3A_1716, %swap3A_1717], %gather3A_1715 {strides = array<i32>} : memref<128x64xf32, #tpu.memory_space<vmem>>, vector<16xf32>,
        %mul3A_1719 = arith.constant 32 : i32
        %mul3A_1720 = arith.muli %scan3A_21, %mul3A_1719 : i32
        %add3A_1721 = arith.constant 16 : i32
        %add3A_1722 = arith.addi %mul3A_1720, %add3A_1721 : i32
        %slice3A_1723 = vector.extract_strided_slice %get3A_33 {offsets = [4], sizes = [1], strides = [1]} : vector<16xi32> to vector<1xi32>
        %squeeze3A_1724 = vector.extract %slice3A_1723[0] : i32 from vector<1xi32>
        %shift_right_arithmetic3A_1725 = arith.constant 7 : i32
        %shift_right_arithmetic3A_1726 = arith.shrsi %squeeze3A_1724, %shift_right_arithmetic3A_1725 : i32
        %shift_left3A_1727 = arith.constant 7 : i32
        %shift_left3A_1728 = arith.shli %shift_right_arithmetic3A_1726, %shift_left3A_1727 : i32
        %multiple_of3A_1729 = tpu.assume_multiple %shift_left3A_1728, 128 : i32
        %dma_start3A_1730 = arith.constant 0 : i32
        %dma_start3A_1731 = tpu.memref_slice %arg2[%dma_start3A_1730, %multiple_of3A_1729] : memref<64x1000000xf32, #tpu.memory_space<hbm>> -> memref<64x128xf32, #tpu.memory_space<hbm>>
        %dma_start3A_1732 = arith.constant 0 : i32
        %dma_start3A_1733 = tpu.memref_slice %arg2[%dma_start3A_1732, %multiple_of3A_1729] : memref<64x1000000xf32, #tpu.memory_space<hbm>> -> memref<64x128xf32, #tpu.memory_space<hbm>>
        tpu.enqueue_dma source(%dma_start3A_1733 : memref<64x128xf32, #tpu.memory_space<hbm>>) target(%arg10 : memref<64x128xf32, #tpu.memory_space<vmem>>) target_semaphore(%arg22 : memref<!tpu.dma_semaphore, #tpu.memory_space<semaphore_mem>>)
        %slice3A_1734 = vector.extract_strided_slice %get3A_41 {offsets = [4], sizes = [1], strides = [1]} : vector<16xi32> to vector<1xi32>
        %squeeze3A_1735 = vector.extract %slice3A_1734[0] : i32 from vector<1xi32>
        %shift_right_arithmetic3A_1736 = arith.constant 7 : i32
        %shift_right_arithmetic3A_1737 = arith.shrsi %squeeze3A_1735, %shift_right_arithmetic3A_1736 : i32
        %shift_left3A_1738 = arith.constant 7 : i32
        %shift_left3A_1739 = arith.shli %shift_right_arithmetic3A_1737, %shift_left3A_1738 : i32
        %multiple_of3A_1740 = tpu.assume_multiple %shift_left3A_1739, 128 : i32
        %dma_start3A_1741 = arith.constant 0 : i32
        %dma_start3A_1742 = tpu.memref_slice %arg3[%dma_start3A_1741, %multiple_of3A_1740] : memref<64x1000000xf32, #tpu.memory_space<hbm>> -> memref<64x128xf32, #tpu.memory_space<hbm>>
        %dma_start3A_1743 = arith.constant 0 : i32
        %dma_start3A_1744 = tpu.memref_slice %arg3[%dma_start3A_1743, %multiple_of3A_1740] : memref<64x1000000xf32, #tpu.memory_space<hbm>> -> memref<64x128xf32, #tpu.memory_space<hbm>>
        tpu.enqueue_dma source(%dma_start3A_1744 : memref<64x128xf32, #tpu.memory_space<hbm>>) target(%arg15 : memref<64x128xf32, #tpu.memory_space<vmem>>) target_semaphore(%arg22 : memref<!tpu.dma_semaphore, #tpu.memory_space<semaphore_mem>>)
        %dma_wait3A_1745 = arith.constant 0 : i32
        %dma_wait3A_1746 = tpu.memref_slice %arg2[%dma_wait3A_1745, %multiple_of3A_1329] : memref<64x1000000xf32, #tpu.memory_space<hbm>> -> memref<64x128xf32, #tpu.memory_space<hbm>>
        %dma_wait3A_1747 = arith.constant 0 : i32
        %dma_wait3A_1748 = tpu.memref_slice %arg2[%dma_wait3A_1747, %multiple_of3A_1329] : memref<64x1000000xf32, #tpu.memory_space<hbm>> -> memref<64x128xf32, #tpu.memory_space<hbm>>
        tpu.wait_dma2 semaphore(%arg22 : memref<!tpu.dma_semaphore, #tpu.memory_space<semaphore_mem>>) src(%dma_wait3A_1748 : memref<64x128xf32, #tpu.memory_space<hbm>>) dst(%arg11 : memref<64x128xf32, #tpu.memory_space<vmem>>)
        %slice3A_1749 = vector.extract_strided_slice %get3A_33 {offsets = [0], sizes = [1], strides = [1]} : vector<16xi32> to vector<1xi32>
        %squeeze3A_1750 = vector.extract %slice3A_1749[0] : i32 from vector<1xi32>
        %and3A_1751 = arith.constant 127 : i32
        %and3A_1752 = arith.andi %squeeze3A_1750, %and3A_1751 : i32
        %broadcast_in_dim3A_1753 = vector.broadcast %and3A_1752 : i32 to vector<16xi32>
        %add3A_1754 = arith.constant 0 : i32
        %add3A_1755 = vector.broadcast %add3A_1754 : i32 to vector<16xi32>
        %add3A_1756 = arith.addi %iota3A, %add3A_1755 : vector<16xi32>
        %gather3A_1757 = tpu.vector_load_idx %arg11[%add3A_1756, %broadcast_in_dim3A_1753] : memref<64x128xf32, #tpu.memory_space<vmem>>[vector<16xi32>, vector<16xi32>], vector<16xf32>,
        %swap3A_1758 = arith.index_cast %add3A_1722 : i32 to index
        %swap3A_1759 = arith.constant 0 : index
        %swap3A_1760 = tpu.vector_load %arg20[%swap3A_1758, %swap3A_1759] {strides = array<i32>} : memref<128x64xf32, #tpu.memory_space<vmem>>, vector<16xf32>,
        tpu.vector_store %arg20[%swap3A_1758, %swap3A_1759], %gather3A_1757 {strides = array<i32>} : memref<128x64xf32, #tpu.memory_space<vmem>>, vector<16xf32>,
        %add3A_1761 = arith.constant 16 : i32
        %add3A_1762 = vector.broadcast %add3A_1761 : i32 to vector<16xi32>
        %add3A_1763 = arith.addi %iota3A, %add3A_1762 : vector<16xi32>
        %gather3A_1764 = tpu.vector_load_idx %arg11[%add3A_1763, %broadcast_in_dim3A_1753] : memref<64x128xf32, #tpu.memory_space<vmem>>[vector<16xi32>, vector<16xi32>], vector<16xf32>,
        %swap3A_1765 = arith.index_cast %add3A_1722 : i32 to index
        %swap3A_1766 = arith.constant 16 : index
        %swap3A_1767 = tpu.vector_load %arg20[%swap3A_1765, %swap3A_1766] {strides = array<i32>} : memref<128x64xf32, #tpu.memory_space<vmem>>, vector<16xf32>,
        tpu.vector_store %arg20[%swap3A_1765, %swap3A_1766], %gather3A_1764 {strides = array<i32>} : memref<128x64xf32, #tpu.memory_space<vmem>>, vector<16xf32>,
        %add3A_1768 = arith.constant 32 : i32
        %add3A_1769 = vector.broadcast %add3A_1768 : i32 to vector<16xi32>
        %add3A_1770 = arith.addi %iota3A, %add3A_1769 : vector<16xi32>
        %gather3A_1771 = tpu.vector_load_idx %arg11[%add3A_1770, %broadcast_in_dim3A_1753] : memref<64x128xf32, #tpu.memory_space<vmem>>[vector<16xi32>, vector<16xi32>], vector<16xf32>,
        %swap3A_1772 = arith.index_cast %add3A_1722 : i32 to index
        %swap3A_1773 = arith.constant 32 : index
        %swap3A_1774 = tpu.vector_load %arg20[%swap3A_1772, %swap3A_1773] {strides = array<i32>} : memref<128x64xf32, #tpu.memory_space<vmem>>, vector<16xf32>,
        tpu.vector_store %arg20[%swap3A_1772, %swap3A_1773], %gather3A_1771 {strides = array<i32>} : memref<128x64xf32, #tpu.memory_space<vmem>>, vector<16xf32>,
        %add3A_1775 = arith.constant 48 : i32
        %add3A_1776 = vector.broadcast %add3A_1775 : i32 to vector<16xi32>
        %add3A_1777 = arith.addi %iota3A, %add3A_1776 : vector<16xi32>
        %gather3A_1778 = tpu.vector_load_idx %arg11[%add3A_1777, %broadcast_in_dim3A_1753] : memref<64x128xf32, #tpu.memory_space<vmem>>[vector<16xi32>, vector<16xi32>], vector<16xf32>,
        %swap3A_1779 = arith.index_cast %add3A_1722 : i32 to index
        %swap3A_1780 = arith.constant 48 : index
        %swap3A_1781 = tpu.vector_load %arg20[%swap3A_1779, %swap3A_1780] {strides = array<i32>} : memref<128x64xf32, #tpu.memory_space<vmem>>, vector<16xf32>,
        tpu.vector_store %arg20[%swap3A_1779, %swap3A_1780], %gather3A_1778 {strides = array<i32>} : memref<128x64xf32, #tpu.memory_space<vmem>>, vector<16xf32>,
        %dma_wait3A_1782 = arith.constant 0 : i32
        %dma_wait3A_1783 = tpu.memref_slice %arg3[%dma_wait3A_1782, %multiple_of3A_1340] : memref<64x1000000xf32, #tpu.memory_space<hbm>> -> memref<64x128xf32, #tpu.memory_space<hbm>>
        %dma_wait3A_1784 = arith.constant 0 : i32
        %dma_wait3A_1785 = tpu.memref_slice %arg3[%dma_wait3A_1784, %multiple_of3A_1340] : memref<64x1000000xf32, #tpu.memory_space<hbm>> -> memref<64x128xf32, #tpu.memory_space<hbm>>
        tpu.wait_dma2 semaphore(%arg22 : memref<!tpu.dma_semaphore, #tpu.memory_space<semaphore_mem>>) src(%dma_wait3A_1785 : memref<64x128xf32, #tpu.memory_space<hbm>>) dst(%arg16 : memref<64x128xf32, #tpu.memory_space<vmem>>)
        %slice3A_1786 = vector.extract_strided_slice %get3A_41 {offsets = [0], sizes = [1], strides = [1]} : vector<16xi32> to vector<1xi32>
        %squeeze3A_1787 = vector.extract %slice3A_1786[0] : i32 from vector<1xi32>
        %and3A_1788 = arith.constant 127 : i32
        %and3A_1789 = arith.andi %squeeze3A_1787, %and3A_1788 : i32
        %broadcast_in_dim3A_1790 = vector.broadcast %and3A_1789 : i32 to vector<16xi32>
        %add3A_1791 = arith.constant 0 : i32
        %add3A_1792 = vector.broadcast %add3A_1791 : i32 to vector<16xi32>
        %add3A_1793 = arith.addi %iota3A, %add3A_1792 : vector<16xi32>
        %gather3A_1794 = tpu.vector_load_idx %arg16[%add3A_1793, %broadcast_in_dim3A_1790] : memref<64x128xf32, #tpu.memory_space<vmem>>[vector<16xi32>, vector<16xi32>], vector<16xf32>,
        %swap3A_1795 = arith.index_cast %add3A_1722 : i32 to index
        %swap3A_1796 = arith.constant 0 : index
        %swap3A_1797 = tpu.vector_load %arg21[%swap3A_1795, %swap3A_1796] {strides = array<i32>} : memref<128x64xf32, #tpu.memory_space<vmem>>, vector<16xf32>,
        tpu.vector_store %arg21[%swap3A_1795, %swap3A_1796], %gather3A_1794 {strides = array<i32>} : memref<128x64xf32, #tpu.memory_space<vmem>>, vector<16xf32>,
        %add3A_1798 = arith.constant 16 : i32
        %add3A_1799 = vector.broadcast %add3A_1798 : i32 to vector<16xi32>
        %add3A_1800 = arith.addi %iota3A, %add3A_1799 : vector<16xi32>
        %gather3A_1801 = tpu.vector_load_idx %arg16[%add3A_1800, %broadcast_in_dim3A_1790] : memref<64x128xf32, #tpu.memory_space<vmem>>[vector<16xi32>, vector<16xi32>], vector<16xf32>,
        %swap3A_1802 = arith.index_cast %add3A_1722 : i32 to index
        %swap3A_1803 = arith.constant 16 : index
        %swap3A_1804 = tpu.vector_load %arg21[%swap3A_1802, %swap3A_1803] {strides = array<i32>} : memref<128x64xf32, #tpu.memory_space<vmem>>, vector<16xf32>,
        tpu.vector_store %arg21[%swap3A_1802, %swap3A_1803], %gather3A_1801 {strides = array<i32>} : memref<128x64xf32, #tpu.memory_space<vmem>>, vector<16xf32>,
        %add3A_1805 = arith.constant 32 : i32
        %add3A_1806 = vector.broadcast %add3A_1805 : i32 to vector<16xi32>
        %add3A_1807 = arith.addi %iota3A, %add3A_1806 : vector<16xi32>
        %gather3A_1808 = tpu.vector_load_idx %arg16[%add3A_1807, %broadcast_in_dim3A_1790] : memref<64x128xf32, #tpu.memory_space<vmem>>[vector<16xi32>, vector<16xi32>], vector<16xf32>,
        %swap3A_1809 = arith.index_cast %add3A_1722 : i32 to index
        %swap3A_1810 = arith.constant 32 : index
        %swap3A_1811 = tpu.vector_load %arg21[%swap3A_1809, %swap3A_1810] {strides = array<i32>} : memref<128x64xf32, #tpu.memory_space<vmem>>, vector<16xf32>,
        tpu.vector_store %arg21[%swap3A_1809, %swap3A_1810], %gather3A_1808 {strides = array<i32>} : memref<128x64xf32, #tpu.memory_space<vmem>>, vector<16xf32>,
        %add3A_1812 = arith.constant 48 : i32
        %add3A_1813 = vector.broadcast %add3A_1812 : i32 to vector<16xi32>
        %add3A_1814 = arith.addi %iota3A, %add3A_1813 : vector<16xi32>
        %gather3A_1815 = tpu.vector_load_idx %arg16[%add3A_1814, %broadcast_in_dim3A_1790] : memref<64x128xf32, #tpu.memory_space<vmem>>[vector<16xi32>, vector<16xi32>], vector<16xf32>,
        %swap3A_1816 = arith.index_cast %add3A_1722 : i32 to index
        %swap3A_1817 = arith.constant 48 : index
        %swap3A_1818 = tpu.vector_load %arg21[%swap3A_1816, %swap3A_1817] {strides = array<i32>} : memref<128x64xf32, #tpu.memory_space<vmem>>, vector<16xf32>,
        tpu.vector_store %arg21[%swap3A_1816, %swap3A_1817], %gather3A_1815 {strides = array<i32>} : memref<128x64xf32, #tpu.memory_space<vmem>>, vector<16xf32>,
        %mul3A_1819 = arith.constant 32 : i32
        %mul3A_1820 = arith.muli %scan3A_21, %mul3A_1819 : i32
        %add3A_1821 = arith.constant 17 : i32
        %add3A_1822 = arith.addi %mul3A_1820, %add3A_1821 : i32
        %slice3A_1823 = vector.extract_strided_slice %get3A_33 {offsets = [5], sizes = [1], strides = [1]} : vector<16xi32> to vector<1xi32>
        %squeeze3A_1824 = vector.extract %slice3A_1823[0] : i32 from vector<1xi32>
        %shift_right_arithmetic3A_1825 = arith.constant 7 : i32
        %shift_right_arithmetic3A_1826 = arith.shrsi %squeeze3A_1824, %shift_right_arithmetic3A_1825 : i32
        %shift_left3A_1827 = arith.constant 7 : i32
        %shift_left3A_1828 = arith.shli %shift_right_arithmetic3A_1826, %shift_left3A_1827 : i32
        %multiple_of3A_1829 = tpu.assume_multiple %shift_left3A_1828, 128 : i32
        %dma_start3A_1830 = arith.constant 0 : i32
        %dma_start3A_1831 = tpu.memref_slice %arg2[%dma_start3A_1830, %multiple_of3A_1829] : memref<64x1000000xf32, #tpu.memory_space<hbm>> -> memref<64x128xf32, #tpu.memory_space<hbm>>
        %dma_start3A_1832 = arith.constant 0 : i32
        %dma_start3A_1833 = tpu.memref_slice %arg2[%dma_start3A_1832, %multiple_of3A_1829] : memref<64x1000000xf32, #tpu.memory_space<hbm>> -> memref<64x128xf32, #tpu.memory_space<hbm>>
        tpu.enqueue_dma source(%dma_start3A_1833 : memref<64x128xf32, #tpu.memory_space<hbm>>) target(%arg11 : memref<64x128xf32, #tpu.memory_space<vmem>>) target_semaphore(%arg22 : memref<!tpu.dma_semaphore, #tpu.memory_space<semaphore_mem>>)
        %slice3A_1834 = vector.extract_strided_slice %get3A_41 {offsets = [5], sizes = [1], strides = [1]} : vector<16xi32> to vector<1xi32>
        %squeeze3A_1835 = vector.extract %slice3A_1834[0] : i32 from vector<1xi32>
        %shift_right_arithmetic3A_1836 = arith.constant 7 : i32
        %shift_right_arithmetic3A_1837 = arith.shrsi %squeeze3A_1835, %shift_right_arithmetic3A_1836 : i32
        %shift_left3A_1838 = arith.constant 7 : i32
        %shift_left3A_1839 = arith.shli %shift_right_arithmetic3A_1837, %shift_left3A_1838 : i32
        %multiple_of3A_1840 = tpu.assume_multiple %shift_left3A_1839, 128 : i32
        %dma_start3A_1841 = arith.constant 0 : i32
        %dma_start3A_1842 = tpu.memref_slice %arg3[%dma_start3A_1841, %multiple_of3A_1840] : memref<64x1000000xf32, #tpu.memory_space<hbm>> -> memref<64x128xf32, #tpu.memory_space<hbm>>
        %dma_start3A_1843 = arith.constant 0 : i32
        %dma_start3A_1844 = tpu.memref_slice %arg3[%dma_start3A_1843, %multiple_of3A_1840] : memref<64x1000000xf32, #tpu.memory_space<hbm>> -> memref<64x128xf32, #tpu.memory_space<hbm>>
        tpu.enqueue_dma source(%dma_start3A_1844 : memref<64x128xf32, #tpu.memory_space<hbm>>) target(%arg16 : memref<64x128xf32, #tpu.memory_space<vmem>>) target_semaphore(%arg22 : memref<!tpu.dma_semaphore, #tpu.memory_space<semaphore_mem>>)
        %dma_wait3A_1845 = arith.constant 0 : i32
        %dma_wait3A_1846 = tpu.memref_slice %arg2[%dma_wait3A_1845, %multiple_of3A_1429] : memref<64x1000000xf32, #tpu.memory_space<hbm>> -> memref<64x128xf32, #tpu.memory_space<hbm>>
        %dma_wait3A_1847 = arith.constant 0 : i32
        %dma_wait3A_1848 = tpu.memref_slice %arg2[%dma_wait3A_1847, %multiple_of3A_1429] : memref<64x1000000xf32, #tpu.memory_space<hbm>> -> memref<64x128xf32, #tpu.memory_space<hbm>>
        tpu.wait_dma2 semaphore(%arg22 : memref<!tpu.dma_semaphore, #tpu.memory_space<semaphore_mem>>) src(%dma_wait3A_1848 : memref<64x128xf32, #tpu.memory_space<hbm>>) dst(%arg12 : memref<64x128xf32, #tpu.memory_space<vmem>>)
        %slice3A_1849 = vector.extract_strided_slice %get3A_33 {offsets = [1], sizes = [1], strides = [1]} : vector<16xi32> to vector<1xi32>
        %squeeze3A_1850 = vector.extract %slice3A_1849[0] : i32 from vector<1xi32>
        %and3A_1851 = arith.constant 127 : i32
        %and3A_1852 = arith.andi %squeeze3A_1850, %and3A_1851 : i32
        %broadcast_in_dim3A_1853 = vector.broadcast %and3A_1852 : i32 to vector<16xi32>
        %add3A_1854 = arith.constant 0 : i32
        %add3A_1855 = vector.broadcast %add3A_1854 : i32 to vector<16xi32>
        %add3A_1856 = arith.addi %iota3A, %add3A_1855 : vector<16xi32>
        %gather3A_1857 = tpu.vector_load_idx %arg12[%add3A_1856, %broadcast_in_dim3A_1853] : memref<64x128xf32, #tpu.memory_space<vmem>>[vector<16xi32>, vector<16xi32>], vector<16xf32>,
        %swap3A_1858 = arith.index_cast %add3A_1822 : i32 to index
        %swap3A_1859 = arith.constant 0 : index
        %swap3A_1860 = tpu.vector_load %arg20[%swap3A_1858, %swap3A_1859] {strides = array<i32>} : memref<128x64xf32, #tpu.memory_space<vmem>>, vector<16xf32>,
        tpu.vector_store %arg20[%swap3A_1858, %swap3A_1859], %gather3A_1857 {strides = array<i32>} : memref<128x64xf32, #tpu.memory_space<vmem>>, vector<16xf32>,
        %add3A_1861 = arith.constant 16 : i32
        %add3A_1862 = vector.broadcast %add3A_1861 : i32 to vector<16xi32>
        %add3A_1863 = arith.addi %iota3A, %add3A_1862 : vector<16xi32>
        %gather3A_1864 = tpu.vector_load_idx %arg12[%add3A_1863, %broadcast_in_dim3A_1853] : memref<64x128xf32, #tpu.memory_space<vmem>>[vector<16xi32>, vector<16xi32>], vector<16xf32>,
        %swap3A_1865 = arith.index_cast %add3A_1822 : i32 to index
        %swap3A_1866 = arith.constant 16 : index
        %swap3A_1867 = tpu.vector_load %arg20[%swap3A_1865, %swap3A_1866] {strides = array<i32>} : memref<128x64xf32, #tpu.memory_space<vmem>>, vector<16xf32>,
        tpu.vector_store %arg20[%swap3A_1865, %swap3A_1866], %gather3A_1864 {strides = array<i32>} : memref<128x64xf32, #tpu.memory_space<vmem>>, vector<16xf32>,
        %add3A_1868 = arith.constant 32 : i32
        %add3A_1869 = vector.broadcast %add3A_1868 : i32 to vector<16xi32>
        %add3A_1870 = arith.addi %iota3A, %add3A_1869 : vector<16xi32>
        %gather3A_1871 = tpu.vector_load_idx %arg12[%add3A_1870, %broadcast_in_dim3A_1853] : memref<64x128xf32, #tpu.memory_space<vmem>>[vector<16xi32>, vector<16xi32>], vector<16xf32>,
        %swap3A_1872 = arith.index_cast %add3A_1822 : i32 to index
        %swap3A_1873 = arith.constant 32 : index
        %swap3A_1874 = tpu.vector_load %arg20[%swap3A_1872, %swap3A_1873] {strides = array<i32>} : memref<128x64xf32, #tpu.memory_space<vmem>>, vector<16xf32>,
        tpu.vector_store %arg20[%swap3A_1872, %swap3A_1873], %gather3A_1871 {strides = array<i32>} : memref<128x64xf32, #tpu.memory_space<vmem>>, vector<16xf32>,
        %add3A_1875 = arith.constant 48 : i32
        %add3A_1876 = vector.broadcast %add3A_1875 : i32 to vector<16xi32>
        %add3A_1877 = arith.addi %iota3A, %add3A_1876 : vector<16xi32>
        %gather3A_1878 = tpu.vector_load_idx %arg12[%add3A_1877, %broadcast_in_dim3A_1853] : memref<64x128xf32, #tpu.memory_space<vmem>>[vector<16xi32>, vector<16xi32>], vector<16xf32>,
        %swap3A_1879 = arith.index_cast %add3A_1822 : i32 to index
        %swap3A_1880 = arith.constant 48 : index
        %swap3A_1881 = tpu.vector_load %arg20[%swap3A_1879, %swap3A_1880] {strides = array<i32>} : memref<128x64xf32, #tpu.memory_space<vmem>>, vector<16xf32>,
        tpu.vector_store %arg20[%swap3A_1879, %swap3A_1880], %gather3A_1878 {strides = array<i32>} : memref<128x64xf32, #tpu.memory_space<vmem>>, vector<16xf32>,
        %dma_wait3A_1882 = arith.constant 0 : i32
        %dma_wait3A_1883 = tpu.memref_slice %arg3[%dma_wait3A_1882, %multiple_of3A_1440] : memref<64x1000000xf32, #tpu.memory_space<hbm>> -> memref<64x128xf32, #tpu.memory_space<hbm>>
        %dma_wait3A_1884 = arith.constant 0 : i32
        %dma_wait3A_1885 = tpu.memref_slice %arg3[%dma_wait3A_1884, %multiple_of3A_1440] : memref<64x1000000xf32, #tpu.memory_space<hbm>> -> memref<64x128xf32, #tpu.memory_space<hbm>>
        tpu.wait_dma2 semaphore(%arg22 : memref<!tpu.dma_semaphore, #tpu.memory_space<semaphore_mem>>) src(%dma_wait3A_1885 : memref<64x128xf32, #tpu.memory_space<hbm>>) dst(%arg17 : memref<64x128xf32, #tpu.memory_space<vmem>>)
        %slice3A_1886 = vector.extract_strided_slice %get3A_41 {offsets = [1], sizes = [1], strides = [1]} : vector<16xi32> to vector<1xi32>
        %squeeze3A_1887 = vector.extract %slice3A_1886[0] : i32 from vector<1xi32>
        %and3A_1888 = arith.constant 127 : i32
        %and3A_1889 = arith.andi %squeeze3A_1887, %and3A_1888 : i32
        %broadcast_in_dim3A_1890 = vector.broadcast %and3A_1889 : i32 to vector<16xi32>
        %add3A_1891 = arith.constant 0 : i32
        %add3A_1892 = vector.broadcast %add3A_1891 : i32 to vector<16xi32>
        %add3A_1893 = arith.addi %iota3A, %add3A_1892 : vector<16xi32>
        %gather3A_1894 = tpu.vector_load_idx %arg17[%add3A_1893, %broadcast_in_dim3A_1890] : memref<64x128xf32, #tpu.memory_space<vmem>>[vector<16xi32>, vector<16xi32>], vector<16xf32>,
        %swap3A_1895 = arith.index_cast %add3A_1822 : i32 to index
        %swap3A_1896 = arith.constant 0 : index
        %swap3A_1897 = tpu.vector_load %arg21[%swap3A_1895, %swap3A_1896] {strides = array<i32>} : memref<128x64xf32, #tpu.memory_space<vmem>>, vector<16xf32>,
        tpu.vector_store %arg21[%swap3A_1895, %swap3A_1896], %gather3A_1894 {strides = array<i32>} : memref<128x64xf32, #tpu.memory_space<vmem>>, vector<16xf32>,
        %add3A_1898 = arith.constant 16 : i32
        %add3A_1899 = vector.broadcast %add3A_1898 : i32 to vector<16xi32>
        %add3A_1900 = arith.addi %iota3A, %add3A_1899 : vector<16xi32>
        %gather3A_1901 = tpu.vector_load_idx %arg17[%add3A_1900, %broadcast_in_dim3A_1890] : memref<64x128xf32, #tpu.memory_space<vmem>>[vector<16xi32>, vector<16xi32>], vector<16xf32>,
        %swap3A_1902 = arith.index_cast %add3A_1822 : i32 to index
        %swap3A_1903 = arith.constant 16 : index
        %swap3A_1904 = tpu.vector_load %arg21[%swap3A_1902, %swap3A_1903] {strides = array<i32>} : memref<128x64xf32, #tpu.memory_space<vmem>>, vector<16xf32>,
        tpu.vector_store %arg21[%swap3A_1902, %swap3A_1903], %gather3A_1901 {strides = array<i32>} : memref<128x64xf32, #tpu.memory_space<vmem>>, vector<16xf32>,
        %add3A_1905 = arith.constant 32 : i32
        %add3A_1906 = vector.broadcast %add3A_1905 : i32 to vector<16xi32>
        %add3A_1907 = arith.addi %iota3A, %add3A_1906 : vector<16xi32>
        %gather3A_1908 = tpu.vector_load_idx %arg17[%add3A_1907, %broadcast_in_dim3A_1890] : memref<64x128xf32, #tpu.memory_space<vmem>>[vector<16xi32>, vector<16xi32>], vector<16xf32>,
        %swap3A_1909 = arith.index_cast %add3A_1822 : i32 to index
        %swap3A_1910 = arith.constant 32 : index
        %swap3A_1911 = tpu.vector_load %arg21[%swap3A_1909, %swap3A_1910] {strides = array<i32>} : memref<128x64xf32, #tpu.memory_space<vmem>>, vector<16xf32>,
        tpu.vector_store %arg21[%swap3A_1909, %swap3A_1910], %gather3A_1908 {strides = array<i32>} : memref<128x64xf32, #tpu.memory_space<vmem>>, vector<16xf32>,
        %add3A_1912 = arith.constant 48 : i32
        %add3A_1913 = vector.broadcast %add3A_1912 : i32 to vector<16xi32>
        %add3A_1914 = arith.addi %iota3A, %add3A_1913 : vector<16xi32>
        %gather3A_1915 = tpu.vector_load_idx %arg17[%add3A_1914, %broadcast_in_dim3A_1890] : memref<64x128xf32, #tpu.memory_space<vmem>>[vector<16xi32>, vector<16xi32>], vector<16xf32>,
        %swap3A_1916 = arith.index_cast %add3A_1822 : i32 to index
        %swap3A_1917 = arith.constant 48 : index
        %swap3A_1918 = tpu.vector_load %arg21[%swap3A_1916, %swap3A_1917] {strides = array<i32>} : memref<128x64xf32, #tpu.memory_space<vmem>>, vector<16xf32>,
        tpu.vector_store %arg21[%swap3A_1916, %swap3A_1917], %gather3A_1915 {strides = array<i32>} : memref<128x64xf32, #tpu.memory_space<vmem>>, vector<16xf32>,
        %mul3A_1919 = arith.constant 32 : i32
        %mul3A_1920 = arith.muli %scan3A_21, %mul3A_1919 : i32
        %add3A_1921 = arith.constant 18 : i32
        %add3A_1922 = arith.addi %mul3A_1920, %add3A_1921 : i32
        %slice3A_1923 = vector.extract_strided_slice %get3A_33 {offsets = [6], sizes = [1], strides = [1]} : vector<16xi32> to vector<1xi32>
        %squeeze3A_1924 = vector.extract %slice3A_1923[0] : i32 from vector<1xi32>
        %shift_right_arithmetic3A_1925 = arith.constant 7 : i32
        %shift_right_arithmetic3A_1926 = arith.shrsi %squeeze3A_1924, %shift_right_arithmetic3A_1925 : i32
        %shift_left3A_1927 = arith.constant 7 : i32
        %shift_left3A_1928 = arith.shli %shift_right_arithmetic3A_1926, %shift_left3A_1927 : i32
        %multiple_of3A_1929 = tpu.assume_multiple %shift_left3A_1928, 128 : i32
        %dma_start3A_1930 = arith.constant 0 : i32
        %dma_start3A_1931 = tpu.memref_slice %arg2[%dma_start3A_1930, %multiple_of3A_1929] : memref<64x1000000xf32, #tpu.memory_space<hbm>> -> memref<64x128xf32, #tpu.memory_space<hbm>>
        %dma_start3A_1932 = arith.constant 0 : i32
        %dma_start3A_1933 = tpu.memref_slice %arg2[%dma_start3A_1932, %multiple_of3A_1929] : memref<64x1000000xf32, #tpu.memory_space<hbm>> -> memref<64x128xf32, #tpu.memory_space<hbm>>
        tpu.enqueue_dma source(%dma_start3A_1933 : memref<64x128xf32, #tpu.memory_space<hbm>>) target(%arg12 : memref<64x128xf32, #tpu.memory_space<vmem>>) target_semaphore(%arg22 : memref<!tpu.dma_semaphore, #tpu.memory_space<semaphore_mem>>)
        %slice3A_1934 = vector.extract_strided_slice %get3A_41 {offsets = [6], sizes = [1], strides = [1]} : vector<16xi32> to vector<1xi32>
        %squeeze3A_1935 = vector.extract %slice3A_1934[0] : i32 from vector<1xi32>
        %shift_right_arithmetic3A_1936 = arith.constant 7 : i32
        %shift_right_arithmetic3A_1937 = arith.shrsi %squeeze3A_1935, %shift_right_arithmetic3A_1936 : i32
        %shift_left3A_1938 = arith.constant 7 : i32
        %shift_left3A_1939 = arith.shli %shift_right_arithmetic3A_1937, %shift_left3A_1938 : i32
        %multiple_of3A_1940 = tpu.assume_multiple %shift_left3A_1939, 128 : i32
        %dma_start3A_1941 = arith.constant 0 : i32
        %dma_start3A_1942 = tpu.memref_slice %arg3[%dma_start3A_1941, %multiple_of3A_1940] : memref<64x1000000xf32, #tpu.memory_space<hbm>> -> memref<64x128xf32, #tpu.memory_space<hbm>>
        %dma_start3A_1943 = arith.constant 0 : i32
        %dma_start3A_1944 = tpu.memref_slice %arg3[%dma_start3A_1943, %multiple_of3A_1940] : memref<64x1000000xf32, #tpu.memory_space<hbm>> -> memref<64x128xf32, #tpu.memory_space<hbm>>
        tpu.enqueue_dma source(%dma_start3A_1944 : memref<64x128xf32, #tpu.memory_space<hbm>>) target(%arg17 : memref<64x128xf32, #tpu.memory_space<vmem>>) target_semaphore(%arg22 : memref<!tpu.dma_semaphore, #tpu.memory_space<semaphore_mem>>)
        %dma_wait3A_1945 = arith.constant 0 : i32
        %dma_wait3A_1946 = tpu.memref_slice %arg2[%dma_wait3A_1945, %multiple_of3A_1529] : memref<64x1000000xf32, #tpu.memory_space<hbm>> -> memref<64x128xf32, #tpu.memory_space<hbm>>
        %dma_wait3A_1947 = arith.constant 0 : i32
        %dma_wait3A_1948 = tpu.memref_slice %arg2[%dma_wait3A_1947, %multiple_of3A_1529] : memref<64x1000000xf32, #tpu.memory_space<hbm>> -> memref<64x128xf32, #tpu.memory_space<hbm>>
        tpu.wait_dma2 semaphore(%arg22 : memref<!tpu.dma_semaphore, #tpu.memory_space<semaphore_mem>>) src(%dma_wait3A_1948 : memref<64x128xf32, #tpu.memory_space<hbm>>) dst(%arg13 : memref<64x128xf32, #tpu.memory_space<vmem>>)
        %slice3A_1949 = vector.extract_strided_slice %get3A_33 {offsets = [2], sizes = [1], strides = [1]} : vector<16xi32> to vector<1xi32>
        %squeeze3A_1950 = vector.extract %slice3A_1949[0] : i32 from vector<1xi32>
        %and3A_1951 = arith.constant 127 : i32
        %and3A_1952 = arith.andi %squeeze3A_1950, %and3A_1951 : i32
        %broadcast_in_dim3A_1953 = vector.broadcast %and3A_1952 : i32 to vector<16xi32>
        %add3A_1954 = arith.constant 0 : i32
        %add3A_1955 = vector.broadcast %add3A_1954 : i32 to vector<16xi32>
        %add3A_1956 = arith.addi %iota3A, %add3A_1955 : vector<16xi32>
        %gather3A_1957 = tpu.vector_load_idx %arg13[%add3A_1956, %broadcast_in_dim3A_1953] : memref<64x128xf32, #tpu.memory_space<vmem>>[vector<16xi32>, vector<16xi32>], vector<16xf32>,
        %swap3A_1958 = arith.index_cast %add3A_1922 : i32 to index
        %swap3A_1959 = arith.constant 0 : index
        %swap3A_1960 = tpu.vector_load %arg20[%swap3A_1958, %swap3A_1959] {strides = array<i32>} : memref<128x64xf32, #tpu.memory_space<vmem>>, vector<16xf32>,
        tpu.vector_store %arg20[%swap3A_1958, %swap3A_1959], %gather3A_1957 {strides = array<i32>} : memref<128x64xf32, #tpu.memory_space<vmem>>, vector<16xf32>,
        %add3A_1961 = arith.constant 16 : i32
        %add3A_1962 = vector.broadcast %add3A_1961 : i32 to vector<16xi32>
        %add3A_1963 = arith.addi %iota3A, %add3A_1962 : vector<16xi32>
        %gather3A_1964 = tpu.vector_load_idx %arg13[%add3A_1963, %broadcast_in_dim3A_1953] : memref<64x128xf32, #tpu.memory_space<vmem>>[vector<16xi32>, vector<16xi32>], vector<16xf32>,
        %swap3A_1965 = arith.index_cast %add3A_1922 : i32 to index
        %swap3A_1966 = arith.constant 16 : index
        %swap3A_1967 = tpu.vector_load %arg20[%swap3A_1965, %swap3A_1966] {strides = array<i32>} : memref<128x64xf32, #tpu.memory_space<vmem>>, vector<16xf32>,
        tpu.vector_store %arg20[%swap3A_1965, %swap3A_1966], %gather3A_1964 {strides = array<i32>} : memref<128x64xf32, #tpu.memory_space<vmem>>, vector<16xf32>,
        %add3A_1968 = arith.constant 32 : i32
        %add3A_1969 = vector.broadcast %add3A_1968 : i32 to vector<16xi32>
        %add3A_1970 = arith.addi %iota3A, %add3A_1969 : vector<16xi32>
        %gather3A_1971 = tpu.vector_load_idx %arg13[%add3A_1970, %broadcast_in_dim3A_1953] : memref<64x128xf32, #tpu.memory_space<vmem>>[vector<16xi32>, vector<16xi32>], vector<16xf32>,
        %swap3A_1972 = arith.index_cast %add3A_1922 : i32 to index
        %swap3A_1973 = arith.constant 32 : index
        %swap3A_1974 = tpu.vector_load %arg20[%swap3A_1972, %swap3A_1973] {strides = array<i32>} : memref<128x64xf32, #tpu.memory_space<vmem>>, vector<16xf32>,
        tpu.vector_store %arg20[%swap3A_1972, %swap3A_1973], %gather3A_1971 {strides = array<i32>} : memref<128x64xf32, #tpu.memory_space<vmem>>, vector<16xf32>,
        %add3A_1975 = arith.constant 48 : i32
        %add3A_1976 = vector.broadcast %add3A_1975 : i32 to vector<16xi32>
        %add3A_1977 = arith.addi %iota3A, %add3A_1976 : vector<16xi32>
        %gather3A_1978 = tpu.vector_load_idx %arg13[%add3A_1977, %broadcast_in_dim3A_1953] : memref<64x128xf32, #tpu.memory_space<vmem>>[vector<16xi32>, vector<16xi32>], vector<16xf32>,
        %swap3A_1979 = arith.index_cast %add3A_1922 : i32 to index
        %swap3A_1980 = arith.constant 48 : index
        %swap3A_1981 = tpu.vector_load %arg20[%swap3A_1979, %swap3A_1980] {strides = array<i32>} : memref<128x64xf32, #tpu.memory_space<vmem>>, vector<16xf32>,
        tpu.vector_store %arg20[%swap3A_1979, %swap3A_1980], %gather3A_1978 {strides = array<i32>} : memref<128x64xf32, #tpu.memory_space<vmem>>, vector<16xf32>,
        %dma_wait3A_1982 = arith.constant 0 : i32
        %dma_wait3A_1983 = tpu.memref_slice %arg3[%dma_wait3A_1982, %multiple_of3A_1540] : memref<64x1000000xf32, #tpu.memory_space<hbm>> -> memref<64x128xf32, #tpu.memory_space<hbm>>
        %dma_wait3A_1984 = arith.constant 0 : i32
        %dma_wait3A_1985 = tpu.memref_slice %arg3[%dma_wait3A_1984, %multiple_of3A_1540] : memref<64x1000000xf32, #tpu.memory_space<hbm>> -> memref<64x128xf32, #tpu.memory_space<hbm>>
        tpu.wait_dma2 semaphore(%arg22 : memref<!tpu.dma_semaphore, #tpu.memory_space<semaphore_mem>>) src(%dma_wait3A_1985 : memref<64x128xf32, #tpu.memory_space<hbm>>) dst(%arg18 : memref<64x128xf32, #tpu.memory_space<vmem>>)
        %slice3A_1986 = vector.extract_strided_slice %get3A_41 {offsets = [2], sizes = [1], strides = [1]} : vector<16xi32> to vector<1xi32>
        %squeeze3A_1987 = vector.extract %slice3A_1986[0] : i32 from vector<1xi32>
        %and3A_1988 = arith.constant 127 : i32
        %and3A_1989 = arith.andi %squeeze3A_1987, %and3A_1988 : i32
        %broadcast_in_dim3A_1990 = vector.broadcast %and3A_1989 : i32 to vector<16xi32>
        %add3A_1991 = arith.constant 0 : i32
        %add3A_1992 = vector.broadcast %add3A_1991 : i32 to vector<16xi32>
        %add3A_1993 = arith.addi %iota3A, %add3A_1992 : vector<16xi32>
        %gather3A_1994 = tpu.vector_load_idx %arg18[%add3A_1993, %broadcast_in_dim3A_1990] : memref<64x128xf32, #tpu.memory_space<vmem>>[vector<16xi32>, vector<16xi32>], vector<16xf32>,
        %swap3A_1995 = arith.index_cast %add3A_1922 : i32 to index
        %swap3A_1996 = arith.constant 0 : index
        %swap3A_1997 = tpu.vector_load %arg21[%swap3A_1995, %swap3A_1996] {strides = array<i32>} : memref<128x64xf32, #tpu.memory_space<vmem>>, vector<16xf32>,
        tpu.vector_store %arg21[%swap3A_1995, %swap3A_1996], %gather3A_1994 {strides = array<i32>} : memref<128x64xf32, #tpu.memory_space<vmem>>, vector<16xf32>,
        %add3A_1998 = arith.constant 16 : i32
        %add3A_1999 = vector.broadcast %add3A_1998 : i32 to vector<16xi32>
        %add3A_2000 = arith.addi %iota3A, %add3A_1999 : vector<16xi32>
        %gather3A_2001 = tpu.vector_load_idx %arg18[%add3A_2000, %broadcast_in_dim3A_1990] : memref<64x128xf32, #tpu.memory_space<vmem>>[vector<16xi32>, vector<16xi32>], vector<16xf32>,
        %swap3A_2002 = arith.index_cast %add3A_1922 : i32 to index
        %swap3A_2003 = arith.constant 16 : index
        %swap3A_2004 = tpu.vector_load %arg21[%swap3A_2002, %swap3A_2003] {strides = array<i32>} : memref<128x64xf32, #tpu.memory_space<vmem>>, vector<16xf32>,
        tpu.vector_store %arg21[%swap3A_2002, %swap3A_2003], %gather3A_2001 {strides = array<i32>} : memref<128x64xf32, #tpu.memory_space<vmem>>, vector<16xf32>,
        %add3A_2005 = arith.constant 32 : i32
        %add3A_2006 = vector.broadcast %add3A_2005 : i32 to vector<16xi32>
        %add3A_2007 = arith.addi %iota3A, %add3A_2006 : vector<16xi32>
        %gather3A_2008 = tpu.vector_load_idx %arg18[%add3A_2007, %broadcast_in_dim3A_1990] : memref<64x128xf32, #tpu.memory_space<vmem>>[vector<16xi32>, vector<16xi32>], vector<16xf32>,
        %swap3A_2009 = arith.index_cast %add3A_1922 : i32 to index
        %swap3A_2010 = arith.constant 32 : index
        %swap3A_2011 = tpu.vector_load %arg21[%swap3A_2009, %swap3A_2010] {strides = array<i32>} : memref<128x64xf32, #tpu.memory_space<vmem>>, vector<16xf32>,
        tpu.vector_store %arg21[%swap3A_2009, %swap3A_2010], %gather3A_2008 {strides = array<i32>} : memref<128x64xf32, #tpu.memory_space<vmem>>, vector<16xf32>,
        %add3A_2012 = arith.constant 48 : i32
        %add3A_2013 = vector.broadcast %add3A_2012 : i32 to vector<16xi32>
        %add3A_2014 = arith.addi %iota3A, %add3A_2013 : vector<16xi32>
        %gather3A_2015 = tpu.vector_load_idx %arg18[%add3A_2014, %broadcast_in_dim3A_1990] : memref<64x128xf32, #tpu.memory_space<vmem>>[vector<16xi32>, vector<16xi32>], vector<16xf32>,
        %swap3A_2016 = arith.index_cast %add3A_1922 : i32 to index
        %swap3A_2017 = arith.constant 48 : index
        %swap3A_2018 = tpu.vector_load %arg21[%swap3A_2016, %swap3A_2017] {strides = array<i32>} : memref<128x64xf32, #tpu.memory_space<vmem>>, vector<16xf32>,
        tpu.vector_store %arg21[%swap3A_2016, %swap3A_2017], %gather3A_2015 {strides = array<i32>} : memref<128x64xf32, #tpu.memory_space<vmem>>, vector<16xf32>,
        %mul3A_2019 = arith.constant 32 : i32
        %mul3A_2020 = arith.muli %scan3A_21, %mul3A_2019 : i32
        %add3A_2021 = arith.constant 19 : i32
        %add3A_2022 = arith.addi %mul3A_2020, %add3A_2021 : i32
        %slice3A_2023 = vector.extract_strided_slice %get3A_33 {offsets = [7], sizes = [1], strides = [1]} : vector<16xi32> to vector<1xi32>
        %squeeze3A_2024 = vector.extract %slice3A_2023[0] : i32 from vector<1xi32>
        %shift_right_arithmetic3A_2025 = arith.constant 7 : i32
        %shift_right_arithmetic3A_2026 = arith.shrsi %squeeze3A_2024, %shift_right_arithmetic3A_2025 : i32
        %shift_left3A_2027 = arith.constant 7 : i32
        %shift_left3A_2028 = arith.shli %shift_right_arithmetic3A_2026, %shift_left3A_2027 : i32
        %multiple_of3A_2029 = tpu.assume_multiple %shift_left3A_2028, 128 : i32
        %dma_start3A_2030 = arith.constant 0 : i32
        %dma_start3A_2031 = tpu.memref_slice %arg2[%dma_start3A_2030, %multiple_of3A_2029] : memref<64x1000000xf32, #tpu.memory_space<hbm>> -> memref<64x128xf32, #tpu.memory_space<hbm>>
        %dma_start3A_2032 = arith.constant 0 : i32
        %dma_start3A_2033 = tpu.memref_slice %arg2[%dma_start3A_2032, %multiple_of3A_2029] : memref<64x1000000xf32, #tpu.memory_space<hbm>> -> memref<64x128xf32, #tpu.memory_space<hbm>>
        tpu.enqueue_dma source(%dma_start3A_2033 : memref<64x128xf32, #tpu.memory_space<hbm>>) target(%arg13 : memref<64x128xf32, #tpu.memory_space<vmem>>) target_semaphore(%arg22 : memref<!tpu.dma_semaphore, #tpu.memory_space<semaphore_mem>>)
        %slice3A_2034 = vector.extract_strided_slice %get3A_41 {offsets = [7], sizes = [1], strides = [1]} : vector<16xi32> to vector<1xi32>
        %squeeze3A_2035 = vector.extract %slice3A_2034[0] : i32 from vector<1xi32>
        %shift_right_arithmetic3A_2036 = arith.constant 7 : i32
        %shift_right_arithmetic3A_2037 = arith.shrsi %squeeze3A_2035, %shift_right_arithmetic3A_2036 : i32
        %shift_left3A_2038 = arith.constant 7 : i32
        %shift_left3A_2039 = arith.shli %shift_right_arithmetic3A_2037, %shift_left3A_2038 : i32
        %multiple_of3A_2040 = tpu.assume_multiple %shift_left3A_2039, 128 : i32
        %dma_start3A_2041 = arith.constant 0 : i32
        %dma_start3A_2042 = tpu.memref_slice %arg3[%dma_start3A_2041, %multiple_of3A_2040] : memref<64x1000000xf32, #tpu.memory_space<hbm>> -> memref<64x128xf32, #tpu.memory_space<hbm>>
        %dma_start3A_2043 = arith.constant 0 : i32
        %dma_start3A_2044 = tpu.memref_slice %arg3[%dma_start3A_2043, %multiple_of3A_2040] : memref<64x1000000xf32, #tpu.memory_space<hbm>> -> memref<64x128xf32, #tpu.memory_space<hbm>>
        tpu.enqueue_dma source(%dma_start3A_2044 : memref<64x128xf32, #tpu.memory_space<hbm>>) target(%arg18 : memref<64x128xf32, #tpu.memory_space<vmem>>) target_semaphore(%arg22 : memref<!tpu.dma_semaphore, #tpu.memory_space<semaphore_mem>>)
        %dma_wait3A_2045 = arith.constant 0 : i32
        %dma_wait3A_2046 = tpu.memref_slice %arg2[%dma_wait3A_2045, %multiple_of3A_1629] : memref<64x1000000xf32, #tpu.memory_space<hbm>> -> memref<64x128xf32, #tpu.memory_space<hbm>>
        %dma_wait3A_2047 = arith.constant 0 : i32
        %dma_wait3A_2048 = tpu.memref_slice %arg2[%dma_wait3A_2047, %multiple_of3A_1629] : memref<64x1000000xf32, #tpu.memory_space<hbm>> -> memref<64x128xf32, #tpu.memory_space<hbm>>
        tpu.wait_dma2 semaphore(%arg22 : memref<!tpu.dma_semaphore, #tpu.memory_space<semaphore_mem>>) src(%dma_wait3A_2048 : memref<64x128xf32, #tpu.memory_space<hbm>>) dst(%arg14 : memref<64x128xf32, #tpu.memory_space<vmem>>)
        %slice3A_2049 = vector.extract_strided_slice %get3A_33 {offsets = [3], sizes = [1], strides = [1]} : vector<16xi32> to vector<1xi32>
        %squeeze3A_2050 = vector.extract %slice3A_2049[0] : i32 from vector<1xi32>
        %and3A_2051 = arith.constant 127 : i32
        %and3A_2052 = arith.andi %squeeze3A_2050, %and3A_2051 : i32
        %broadcast_in_dim3A_2053 = vector.broadcast %and3A_2052 : i32 to vector<16xi32>
        %add3A_2054 = arith.constant 0 : i32
        %add3A_2055 = vector.broadcast %add3A_2054 : i32 to vector<16xi32>
        %add3A_2056 = arith.addi %iota3A, %add3A_2055 : vector<16xi32>
        %gather3A_2057 = tpu.vector_load_idx %arg14[%add3A_2056, %broadcast_in_dim3A_2053] : memref<64x128xf32, #tpu.memory_space<vmem>>[vector<16xi32>, vector<16xi32>], vector<16xf32>,
        %swap3A_2058 = arith.index_cast %add3A_2022 : i32 to index
        %swap3A_2059 = arith.constant 0 : index
        %swap3A_2060 = tpu.vector_load %arg20[%swap3A_2058, %swap3A_2059] {strides = array<i32>} : memref<128x64xf32, #tpu.memory_space<vmem>>, vector<16xf32>,
        tpu.vector_store %arg20[%swap3A_2058, %swap3A_2059], %gather3A_2057 {strides = array<i32>} : memref<128x64xf32, #tpu.memory_space<vmem>>, vector<16xf32>,
        %add3A_2061 = arith.constant 16 : i32
        %add3A_2062 = vector.broadcast %add3A_2061 : i32 to vector<16xi32>
        %add3A_2063 = arith.addi %iota3A, %add3A_2062 : vector<16xi32>
        %gather3A_2064 = tpu.vector_load_idx %arg14[%add3A_2063, %broadcast_in_dim3A_2053] : memref<64x128xf32, #tpu.memory_space<vmem>>[vector<16xi32>, vector<16xi32>], vector<16xf32>,
        %swap3A_2065 = arith.index_cast %add3A_2022 : i32 to index
        %swap3A_2066 = arith.constant 16 : index
        %swap3A_2067 = tpu.vector_load %arg20[%swap3A_2065, %swap3A_2066] {strides = array<i32>} : memref<128x64xf32, #tpu.memory_space<vmem>>, vector<16xf32>,
        tpu.vector_store %arg20[%swap3A_2065, %swap3A_2066], %gather3A_2064 {strides = array<i32>} : memref<128x64xf32, #tpu.memory_space<vmem>>, vector<16xf32>,
        %add3A_2068 = arith.constant 32 : i32
        %add3A_2069 = vector.broadcast %add3A_2068 : i32 to vector<16xi32>
        %add3A_2070 = arith.addi %iota3A, %add3A_2069 : vector<16xi32>
        %gather3A_2071 = tpu.vector_load_idx %arg14[%add3A_2070, %broadcast_in_dim3A_2053] : memref<64x128xf32, #tpu.memory_space<vmem>>[vector<16xi32>, vector<16xi32>], vector<16xf32>,
        %swap3A_2072 = arith.index_cast %add3A_2022 : i32 to index
        %swap3A_2073 = arith.constant 32 : index
        %swap3A_2074 = tpu.vector_load %arg20[%swap3A_2072, %swap3A_2073] {strides = array<i32>} : memref<128x64xf32, #tpu.memory_space<vmem>>, vector<16xf32>,
        tpu.vector_store %arg20[%swap3A_2072, %swap3A_2073], %gather3A_2071 {strides = array<i32>} : memref<128x64xf32, #tpu.memory_space<vmem>>, vector<16xf32>,
        %add3A_2075 = arith.constant 48 : i32
        %add3A_2076 = vector.broadcast %add3A_2075 : i32 to vector<16xi32>
        %add3A_2077 = arith.addi %iota3A, %add3A_2076 : vector<16xi32>
        %gather3A_2078 = tpu.vector_load_idx %arg14[%add3A_2077, %broadcast_in_dim3A_2053] : memref<64x128xf32, #tpu.memory_space<vmem>>[vector<16xi32>, vector<16xi32>], vector<16xf32>,
        %swap3A_2079 = arith.index_cast %add3A_2022 : i32 to index
        %swap3A_2080 = arith.constant 48 : index
        %swap3A_2081 = tpu.vector_load %arg20[%swap3A_2079, %swap3A_2080] {strides = array<i32>} : memref<128x64xf32, #tpu.memory_space<vmem>>, vector<16xf32>,
        tpu.vector_store %arg20[%swap3A_2079, %swap3A_2080], %gather3A_2078 {strides = array<i32>} : memref<128x64xf32, #tpu.memory_space<vmem>>, vector<16xf32>,
        %dma_wait3A_2082 = arith.constant 0 : i32
        %dma_wait3A_2083 = tpu.memref_slice %arg3[%dma_wait3A_2082, %multiple_of3A_1640] : memref<64x1000000xf32, #tpu.memory_space<hbm>> -> memref<64x128xf32, #tpu.memory_space<hbm>>
        %dma_wait3A_2084 = arith.constant 0 : i32
        %dma_wait3A_2085 = tpu.memref_slice %arg3[%dma_wait3A_2084, %multiple_of3A_1640] : memref<64x1000000xf32, #tpu.memory_space<hbm>> -> memref<64x128xf32, #tpu.memory_space<hbm>>
        tpu.wait_dma2 semaphore(%arg22 : memref<!tpu.dma_semaphore, #tpu.memory_space<semaphore_mem>>) src(%dma_wait3A_2085 : memref<64x128xf32, #tpu.memory_space<hbm>>) dst(%arg19 : memref<64x128xf32, #tpu.memory_space<vmem>>)
        %slice3A_2086 = vector.extract_strided_slice %get3A_41 {offsets = [3], sizes = [1], strides = [1]} : vector<16xi32> to vector<1xi32>
        %squeeze3A_2087 = vector.extract %slice3A_2086[0] : i32 from vector<1xi32>
        %and3A_2088 = arith.constant 127 : i32
        %and3A_2089 = arith.andi %squeeze3A_2087, %and3A_2088 : i32
        %broadcast_in_dim3A_2090 = vector.broadcast %and3A_2089 : i32 to vector<16xi32>
        %add3A_2091 = arith.constant 0 : i32
        %add3A_2092 = vector.broadcast %add3A_2091 : i32 to vector<16xi32>
        %add3A_2093 = arith.addi %iota3A, %add3A_2092 : vector<16xi32>
        %gather3A_2094 = tpu.vector_load_idx %arg19[%add3A_2093, %broadcast_in_dim3A_2090] : memref<64x128xf32, #tpu.memory_space<vmem>>[vector<16xi32>, vector<16xi32>], vector<16xf32>,
        %swap3A_2095 = arith.index_cast %add3A_2022 : i32 to index
        %swap3A_2096 = arith.constant 0 : index
        %swap3A_2097 = tpu.vector_load %arg21[%swap3A_2095, %swap3A_2096] {strides = array<i32>} : memref<128x64xf32, #tpu.memory_space<vmem>>, vector<16xf32>,
        tpu.vector_store %arg21[%swap3A_2095, %swap3A_2096], %gather3A_2094 {strides = array<i32>} : memref<128x64xf32, #tpu.memory_space<vmem>>, vector<16xf32>,
        %add3A_2098 = arith.constant 16 : i32
        %add3A_2099 = vector.broadcast %add3A_2098 : i32 to vector<16xi32>
        %add3A_2100 = arith.addi %iota3A, %add3A_2099 : vector<16xi32>
        %gather3A_2101 = tpu.vector_load_idx %arg19[%add3A_2100, %broadcast_in_dim3A_2090] : memref<64x128xf32, #tpu.memory_space<vmem>>[vector<16xi32>, vector<16xi32>], vector<16xf32>,
        %swap3A_2102 = arith.index_cast %add3A_2022 : i32 to index
        %swap3A_2103 = arith.constant 16 : index
        %swap3A_2104 = tpu.vector_load %arg21[%swap3A_2102, %swap3A_2103] {strides = array<i32>} : memref<128x64xf32, #tpu.memory_space<vmem>>, vector<16xf32>,
        tpu.vector_store %arg21[%swap3A_2102, %swap3A_2103], %gather3A_2101 {strides = array<i32>} : memref<128x64xf32, #tpu.memory_space<vmem>>, vector<16xf32>,
        %add3A_2105 = arith.constant 32 : i32
        %add3A_2106 = vector.broadcast %add3A_2105 : i32 to vector<16xi32>
        %add3A_2107 = arith.addi %iota3A, %add3A_2106 : vector<16xi32>
        %gather3A_2108 = tpu.vector_load_idx %arg19[%add3A_2107, %broadcast_in_dim3A_2090] : memref<64x128xf32, #tpu.memory_space<vmem>>[vector<16xi32>, vector<16xi32>], vector<16xf32>,
        %swap3A_2109 = arith.index_cast %add3A_2022 : i32 to index
        %swap3A_2110 = arith.constant 32 : index
        %swap3A_2111 = tpu.vector_load %arg21[%swap3A_2109, %swap3A_2110] {strides = array<i32>} : memref<128x64xf32, #tpu.memory_space<vmem>>, vector<16xf32>,
        tpu.vector_store %arg21[%swap3A_2109, %swap3A_2110], %gather3A_2108 {strides = array<i32>} : memref<128x64xf32, #tpu.memory_space<vmem>>, vector<16xf32>,
        %add3A_2112 = arith.constant 48 : i32
        %add3A_2113 = vector.broadcast %add3A_2112 : i32 to vector<16xi32>
        %add3A_2114 = arith.addi %iota3A, %add3A_2113 : vector<16xi32>
        %gather3A_2115 = tpu.vector_load_idx %arg19[%add3A_2114, %broadcast_in_dim3A_2090] : memref<64x128xf32, #tpu.memory_space<vmem>>[vector<16xi32>, vector<16xi32>], vector<16xf32>,
        %swap3A_2116 = arith.index_cast %add3A_2022 : i32 to index
        %swap3A_2117 = arith.constant 48 : index
        %swap3A_2118 = tpu.vector_load %arg21[%swap3A_2116, %swap3A_2117] {strides = array<i32>} : memref<128x64xf32, #tpu.memory_space<vmem>>, vector<16xf32>,
        tpu.vector_store %arg21[%swap3A_2116, %swap3A_2117], %gather3A_2115 {strides = array<i32>} : memref<128x64xf32, #tpu.memory_space<vmem>>, vector<16xf32>,
        %mul3A_2119 = arith.constant 32 : i32
        %mul3A_2120 = arith.muli %scan3A_21, %mul3A_2119 : i32
        %add3A_2121 = arith.constant 20 : i32
        %add3A_2122 = arith.addi %mul3A_2120, %add3A_2121 : i32
        %slice3A_2123 = vector.extract_strided_slice %get3A_33 {offsets = [8], sizes = [1], strides = [1]} : vector<16xi32> to vector<1xi32>
        %squeeze3A_2124 = vector.extract %slice3A_2123[0] : i32 from vector<1xi32>
        %shift_right_arithmetic3A_2125 = arith.constant 7 : i32
        %shift_right_arithmetic3A_2126 = arith.shrsi %squeeze3A_2124, %shift_right_arithmetic3A_2125 : i32
        %shift_left3A_2127 = arith.constant 7 : i32
        %shift_left3A_2128 = arith.shli %shift_right_arithmetic3A_2126, %shift_left3A_2127 : i32
        %multiple_of3A_2129 = tpu.assume_multiple %shift_left3A_2128, 128 : i32
        %dma_start3A_2130 = arith.constant 0 : i32
        %dma_start3A_2131 = tpu.memref_slice %arg2[%dma_start3A_2130, %multiple_of3A_2129] : memref<64x1000000xf32, #tpu.memory_space<hbm>> -> memref<64x128xf32, #tpu.memory_space<hbm>>
        %dma_start3A_2132 = arith.constant 0 : i32
        %dma_start3A_2133 = tpu.memref_slice %arg2[%dma_start3A_2132, %multiple_of3A_2129] : memref<64x1000000xf32, #tpu.memory_space<hbm>> -> memref<64x128xf32, #tpu.memory_space<hbm>>
        tpu.enqueue_dma source(%dma_start3A_2133 : memref<64x128xf32, #tpu.memory_space<hbm>>) target(%arg14 : memref<64x128xf32, #tpu.memory_space<vmem>>) target_semaphore(%arg22 : memref<!tpu.dma_semaphore, #tpu.memory_space<semaphore_mem>>)
        %slice3A_2134 = vector.extract_strided_slice %get3A_41 {offsets = [8], sizes = [1], strides = [1]} : vector<16xi32> to vector<1xi32>
        %squeeze3A_2135 = vector.extract %slice3A_2134[0] : i32 from vector<1xi32>
        %shift_right_arithmetic3A_2136 = arith.constant 7 : i32
        %shift_right_arithmetic3A_2137 = arith.shrsi %squeeze3A_2135, %shift_right_arithmetic3A_2136 : i32
        %shift_left3A_2138 = arith.constant 7 : i32
        %shift_left3A_2139 = arith.shli %shift_right_arithmetic3A_2137, %shift_left3A_2138 : i32
        %multiple_of3A_2140 = tpu.assume_multiple %shift_left3A_2139, 128 : i32
        %dma_start3A_2141 = arith.constant 0 : i32
        %dma_start3A_2142 = tpu.memref_slice %arg3[%dma_start3A_2141, %multiple_of3A_2140] : memref<64x1000000xf32, #tpu.memory_space<hbm>> -> memref<64x128xf32, #tpu.memory_space<hbm>>
        %dma_start3A_2143 = arith.constant 0 : i32
        %dma_start3A_2144 = tpu.memref_slice %arg3[%dma_start3A_2143, %multiple_of3A_2140] : memref<64x1000000xf32, #tpu.memory_space<hbm>> -> memref<64x128xf32, #tpu.memory_space<hbm>>
        tpu.enqueue_dma source(%dma_start3A_2144 : memref<64x128xf32, #tpu.memory_space<hbm>>) target(%arg19 : memref<64x128xf32, #tpu.memory_space<vmem>>) target_semaphore(%arg22 : memref<!tpu.dma_semaphore, #tpu.memory_space<semaphore_mem>>)
        %dma_wait3A_2145 = arith.constant 0 : i32
        %dma_wait3A_2146 = tpu.memref_slice %arg2[%dma_wait3A_2145, %multiple_of3A_1729] : memref<64x1000000xf32, #tpu.memory_space<hbm>> -> memref<64x128xf32, #tpu.memory_space<hbm>>
        %dma_wait3A_2147 = arith.constant 0 : i32
        %dma_wait3A_2148 = tpu.memref_slice %arg2[%dma_wait3A_2147, %multiple_of3A_1729] : memref<64x1000000xf32, #tpu.memory_space<hbm>> -> memref<64x128xf32, #tpu.memory_space<hbm>>
        tpu.wait_dma2 semaphore(%arg22 : memref<!tpu.dma_semaphore, #tpu.memory_space<semaphore_mem>>) src(%dma_wait3A_2148 : memref<64x128xf32, #tpu.memory_space<hbm>>) dst(%arg10 : memref<64x128xf32, #tpu.memory_space<vmem>>)
        %slice3A_2149 = vector.extract_strided_slice %get3A_33 {offsets = [4], sizes = [1], strides = [1]} : vector<16xi32> to vector<1xi32>
        %squeeze3A_2150 = vector.extract %slice3A_2149[0] : i32 from vector<1xi32>
        %and3A_2151 = arith.constant 127 : i32
        %and3A_2152 = arith.andi %squeeze3A_2150, %and3A_2151 : i32
        %broadcast_in_dim3A_2153 = vector.broadcast %and3A_2152 : i32 to vector<16xi32>
        %add3A_2154 = arith.constant 0 : i32
        %add3A_2155 = vector.broadcast %add3A_2154 : i32 to vector<16xi32>
        %add3A_2156 = arith.addi %iota3A, %add3A_2155 : vector<16xi32>
        %gather3A_2157 = tpu.vector_load_idx %arg10[%add3A_2156, %broadcast_in_dim3A_2153] : memref<64x128xf32, #tpu.memory_space<vmem>>[vector<16xi32>, vector<16xi32>], vector<16xf32>,
        %swap3A_2158 = arith.index_cast %add3A_2122 : i32 to index
        %swap3A_2159 = arith.constant 0 : index
        %swap3A_2160 = tpu.vector_load %arg20[%swap3A_2158, %swap3A_2159] {strides = array<i32>} : memref<128x64xf32, #tpu.memory_space<vmem>>, vector<16xf32>,
        tpu.vector_store %arg20[%swap3A_2158, %swap3A_2159], %gather3A_2157 {strides = array<i32>} : memref<128x64xf32, #tpu.memory_space<vmem>>, vector<16xf32>,
        %add3A_2161 = arith.constant 16 : i32
        %add3A_2162 = vector.broadcast %add3A_2161 : i32 to vector<16xi32>
        %add3A_2163 = arith.addi %iota3A, %add3A_2162 : vector<16xi32>
        %gather3A_2164 = tpu.vector_load_idx %arg10[%add3A_2163, %broadcast_in_dim3A_2153] : memref<64x128xf32, #tpu.memory_space<vmem>>[vector<16xi32>, vector<16xi32>], vector<16xf32>,
        %swap3A_2165 = arith.index_cast %add3A_2122 : i32 to index
        %swap3A_2166 = arith.constant 16 : index
        %swap3A_2167 = tpu.vector_load %arg20[%swap3A_2165, %swap3A_2166] {strides = array<i32>} : memref<128x64xf32, #tpu.memory_space<vmem>>, vector<16xf32>,
        tpu.vector_store %arg20[%swap3A_2165, %swap3A_2166], %gather3A_2164 {strides = array<i32>} : memref<128x64xf32, #tpu.memory_space<vmem>>, vector<16xf32>,
        %add3A_2168 = arith.constant 32 : i32
        %add3A_2169 = vector.broadcast %add3A_2168 : i32 to vector<16xi32>
        %add3A_2170 = arith.addi %iota3A, %add3A_2169 : vector<16xi32>
        %gather3A_2171 = tpu.vector_load_idx %arg10[%add3A_2170, %broadcast_in_dim3A_2153] : memref<64x128xf32, #tpu.memory_space<vmem>>[vector<16xi32>, vector<16xi32>], vector<16xf32>,
        %swap3A_2172 = arith.index_cast %add3A_2122 : i32 to index
        %swap3A_2173 = arith.constant 32 : index
        %swap3A_2174 = tpu.vector_load %arg20[%swap3A_2172, %swap3A_2173] {strides = array<i32>} : memref<128x64xf32, #tpu.memory_space<vmem>>, vector<16xf32>,
        tpu.vector_store %arg20[%swap3A_2172, %swap3A_2173], %gather3A_2171 {strides = array<i32>} : memref<128x64xf32, #tpu.memory_space<vmem>>, vector<16xf32>,
        %add3A_2175 = arith.constant 48 : i32
        %add3A_2176 = vector.broadcast %add3A_2175 : i32 to vector<16xi32>
        %add3A_2177 = arith.addi %iota3A, %add3A_2176 : vector<16xi32>
        %gather3A_2178 = tpu.vector_load_idx %arg10[%add3A_2177, %broadcast_in_dim3A_2153] : memref<64x128xf32, #tpu.memory_space<vmem>>[vector<16xi32>, vector<16xi32>], vector<16xf32>,
        %swap3A_2179 = arith.index_cast %add3A_2122 : i32 to index
        %swap3A_2180 = arith.constant 48 : index
        %swap3A_2181 = tpu.vector_load %arg20[%swap3A_2179, %swap3A_2180] {strides = array<i32>} : memref<128x64xf32, #tpu.memory_space<vmem>>, vector<16xf32>,
        tpu.vector_store %arg20[%swap3A_2179, %swap3A_2180], %gather3A_2178 {strides = array<i32>} : memref<128x64xf32, #tpu.memory_space<vmem>>, vector<16xf32>,
        %dma_wait3A_2182 = arith.constant 0 : i32
        %dma_wait3A_2183 = tpu.memref_slice %arg3[%dma_wait3A_2182, %multiple_of3A_1740] : memref<64x1000000xf32, #tpu.memory_space<hbm>> -> memref<64x128xf32, #tpu.memory_space<hbm>>
        %dma_wait3A_2184 = arith.constant 0 : i32
        %dma_wait3A_2185 = tpu.memref_slice %arg3[%dma_wait3A_2184, %multiple_of3A_1740] : memref<64x1000000xf32, #tpu.memory_space<hbm>> -> memref<64x128xf32, #tpu.memory_space<hbm>>
        tpu.wait_dma2 semaphore(%arg22 : memref<!tpu.dma_semaphore, #tpu.memory_space<semaphore_mem>>) src(%dma_wait3A_2185 : memref<64x128xf32, #tpu.memory_space<hbm>>) dst(%arg15 : memref<64x128xf32, #tpu.memory_space<vmem>>)
        %slice3A_2186 = vector.extract_strided_slice %get3A_41 {offsets = [4], sizes = [1], strides = [1]} : vector<16xi32> to vector<1xi32>
        %squeeze3A_2187 = vector.extract %slice3A_2186[0] : i32 from vector<1xi32>
        %and3A_2188 = arith.constant 127 : i32
        %and3A_2189 = arith.andi %squeeze3A_2187, %and3A_2188 : i32
        %broadcast_in_dim3A_2190 = vector.broadcast %and3A_2189 : i32 to vector<16xi32>
        %add3A_2191 = arith.constant 0 : i32
        %add3A_2192 = vector.broadcast %add3A_2191 : i32 to vector<16xi32>
        %add3A_2193 = arith.addi %iota3A, %add3A_2192 : vector<16xi32>
        %gather3A_2194 = tpu.vector_load_idx %arg15[%add3A_2193, %broadcast_in_dim3A_2190] : memref<64x128xf32, #tpu.memory_space<vmem>>[vector<16xi32>, vector<16xi32>], vector<16xf32>,
        %swap3A_2195 = arith.index_cast %add3A_2122 : i32 to index
        %swap3A_2196 = arith.constant 0 : index
        %swap3A_2197 = tpu.vector_load %arg21[%swap3A_2195, %swap3A_2196] {strides = array<i32>} : memref<128x64xf32, #tpu.memory_space<vmem>>, vector<16xf32>,
        tpu.vector_store %arg21[%swap3A_2195, %swap3A_2196], %gather3A_2194 {strides = array<i32>} : memref<128x64xf32, #tpu.memory_space<vmem>>, vector<16xf32>,
        %add3A_2198 = arith.constant 16 : i32
        %add3A_2199 = vector.broadcast %add3A_2198 : i32 to vector<16xi32>
        %add3A_2200 = arith.addi %iota3A, %add3A_2199 : vector<16xi32>
        %gather3A_2201 = tpu.vector_load_idx %arg15[%add3A_2200, %broadcast_in_dim3A_2190] : memref<64x128xf32, #tpu.memory_space<vmem>>[vector<16xi32>, vector<16xi32>], vector<16xf32>,
        %swap3A_2202 = arith.index_cast %add3A_2122 : i32 to index
        %swap3A_2203 = arith.constant 16 : index
        %swap3A_2204 = tpu.vector_load %arg21[%swap3A_2202, %swap3A_2203] {strides = array<i32>} : memref<128x64xf32, #tpu.memory_space<vmem>>, vector<16xf32>,
        tpu.vector_store %arg21[%swap3A_2202, %swap3A_2203], %gather3A_2201 {strides = array<i32>} : memref<128x64xf32, #tpu.memory_space<vmem>>, vector<16xf32>,
        %add3A_2205 = arith.constant 32 : i32
        %add3A_2206 = vector.broadcast %add3A_2205 : i32 to vector<16xi32>
        %add3A_2207 = arith.addi %iota3A, %add3A_2206 : vector<16xi32>
        %gather3A_2208 = tpu.vector_load_idx %arg15[%add3A_2207, %broadcast_in_dim3A_2190] : memref<64x128xf32, #tpu.memory_space<vmem>>[vector<16xi32>, vector<16xi32>], vector<16xf32>,
        %swap3A_2209 = arith.index_cast %add3A_2122 : i32 to index
        %swap3A_2210 = arith.constant 32 : index
        %swap3A_2211 = tpu.vector_load %arg21[%swap3A_2209, %swap3A_2210] {strides = array<i32>} : memref<128x64xf32, #tpu.memory_space<vmem>>, vector<16xf32>,
        tpu.vector_store %arg21[%swap3A_2209, %swap3A_2210], %gather3A_2208 {strides = array<i32>} : memref<128x64xf32, #tpu.memory_space<vmem>>, vector<16xf32>,
        %add3A_2212 = arith.constant 48 : i32
        %add3A_2213 = vector.broadcast %add3A_2212 : i32 to vector<16xi32>
        %add3A_2214 = arith.addi %iota3A, %add3A_2213 : vector<16xi32>
        %gather3A_2215 = tpu.vector_load_idx %arg15[%add3A_2214, %broadcast_in_dim3A_2190] : memref<64x128xf32, #tpu.memory_space<vmem>>[vector<16xi32>, vector<16xi32>], vector<16xf32>,
        %swap3A_2216 = arith.index_cast %add3A_2122 : i32 to index
        %swap3A_2217 = arith.constant 48 : index
        %swap3A_2218 = tpu.vector_load %arg21[%swap3A_2216, %swap3A_2217] {strides = array<i32>} : memref<128x64xf32, #tpu.memory_space<vmem>>, vector<16xf32>,
        tpu.vector_store %arg21[%swap3A_2216, %swap3A_2217], %gather3A_2215 {strides = array<i32>} : memref<128x64xf32, #tpu.memory_space<vmem>>, vector<16xf32>,
        %mul3A_2219 = arith.constant 32 : i32
        %mul3A_2220 = arith.muli %scan3A_21, %mul3A_2219 : i32
        %add3A_2221 = arith.constant 21 : i32
        %add3A_2222 = arith.addi %mul3A_2220, %add3A_2221 : i32
        %slice3A_2223 = vector.extract_strided_slice %get3A_33 {offsets = [9], sizes = [1], strides = [1]} : vector<16xi32> to vector<1xi32>
        %squeeze3A_2224 = vector.extract %slice3A_2223[0] : i32 from vector<1xi32>
        %shift_right_arithmetic3A_2225 = arith.constant 7 : i32
        %shift_right_arithmetic3A_2226 = arith.shrsi %squeeze3A_2224, %shift_right_arithmetic3A_2225 : i32
        %shift_left3A_2227 = arith.constant 7 : i32
        %shift_left3A_2228 = arith.shli %shift_right_arithmetic3A_2226, %shift_left3A_2227 : i32
        %multiple_of3A_2229 = tpu.assume_multiple %shift_left3A_2228, 128 : i32
        %dma_start3A_2230 = arith.constant 0 : i32
        %dma_start3A_2231 = tpu.memref_slice %arg2[%dma_start3A_2230, %multiple_of3A_2229] : memref<64x1000000xf32, #tpu.memory_space<hbm>> -> memref<64x128xf32, #tpu.memory_space<hbm>>
        %dma_start3A_2232 = arith.constant 0 : i32
        %dma_start3A_2233 = tpu.memref_slice %arg2[%dma_start3A_2232, %multiple_of3A_2229] : memref<64x1000000xf32, #tpu.memory_space<hbm>> -> memref<64x128xf32, #tpu.memory_space<hbm>>
        tpu.enqueue_dma source(%dma_start3A_2233 : memref<64x128xf32, #tpu.memory_space<hbm>>) target(%arg10 : memref<64x128xf32, #tpu.memory_space<vmem>>) target_semaphore(%arg22 : memref<!tpu.dma_semaphore, #tpu.memory_space<semaphore_mem>>)
        %slice3A_2234 = vector.extract_strided_slice %get3A_41 {offsets = [9], sizes = [1], strides = [1]} : vector<16xi32> to vector<1xi32>
        %squeeze3A_2235 = vector.extract %slice3A_2234[0] : i32 from vector<1xi32>
        %shift_right_arithmetic3A_2236 = arith.constant 7 : i32
        %shift_right_arithmetic3A_2237 = arith.shrsi %squeeze3A_2235, %shift_right_arithmetic3A_2236 : i32
        %shift_left3A_2238 = arith.constant 7 : i32
        %shift_left3A_2239 = arith.shli %shift_right_arithmetic3A_2237, %shift_left3A_2238 : i32
        %multiple_of3A_2240 = tpu.assume_multiple %shift_left3A_2239, 128 : i32
        %dma_start3A_2241 = arith.constant 0 : i32
        %dma_start3A_2242 = tpu.memref_slice %arg3[%dma_start3A_2241, %multiple_of3A_2240] : memref<64x1000000xf32, #tpu.memory_space<hbm>> -> memref<64x128xf32, #tpu.memory_space<hbm>>
        %dma_start3A_2243 = arith.constant 0 : i32
        %dma_start3A_2244 = tpu.memref_slice %arg3[%dma_start3A_2243, %multiple_of3A_2240] : memref<64x1000000xf32, #tpu.memory_space<hbm>> -> memref<64x128xf32, #tpu.memory_space<hbm>>
        tpu.enqueue_dma source(%dma_start3A_2244 : memref<64x128xf32, #tpu.memory_space<hbm>>) target(%arg15 : memref<64x128xf32, #tpu.memory_space<vmem>>) target_semaphore(%arg22 : memref<!tpu.dma_semaphore, #tpu.memory_space<semaphore_mem>>)
        %dma_wait3A_2245 = arith.constant 0 : i32
        %dma_wait3A_2246 = tpu.memref_slice %arg2[%dma_wait3A_2245, %multiple_of3A_1829] : memref<64x1000000xf32, #tpu.memory_space<hbm>> -> memref<64x128xf32, #tpu.memory_space<hbm>>
        %dma_wait3A_2247 = arith.constant 0 : i32
        %dma_wait3A_2248 = tpu.memref_slice %arg2[%dma_wait3A_2247, %multiple_of3A_1829] : memref<64x1000000xf32, #tpu.memory_space<hbm>> -> memref<64x128xf32, #tpu.memory_space<hbm>>
        tpu.wait_dma2 semaphore(%arg22 : memref<!tpu.dma_semaphore, #tpu.memory_space<semaphore_mem>>) src(%dma_wait3A_2248 : memref<64x128xf32, #tpu.memory_space<hbm>>) dst(%arg11 : memref<64x128xf32, #tpu.memory_space<vmem>>)
        %slice3A_2249 = vector.extract_strided_slice %get3A_33 {offsets = [5], sizes = [1], strides = [1]} : vector<16xi32> to vector<1xi32>
        %squeeze3A_2250 = vector.extract %slice3A_2249[0] : i32 from vector<1xi32>
        %and3A_2251 = arith.constant 127 : i32
        %and3A_2252 = arith.andi %squeeze3A_2250, %and3A_2251 : i32
        %broadcast_in_dim3A_2253 = vector.broadcast %and3A_2252 : i32 to vector<16xi32>
        %add3A_2254 = arith.constant 0 : i32
        %add3A_2255 = vector.broadcast %add3A_2254 : i32 to vector<16xi32>
        %add3A_2256 = arith.addi %iota3A, %add3A_2255 : vector<16xi32>
        %gather3A_2257 = tpu.vector_load_idx %arg11[%add3A_2256, %broadcast_in_dim3A_2253] : memref<64x128xf32, #tpu.memory_space<vmem>>[vector<16xi32>, vector<16xi32>], vector<16xf32>,
        %swap3A_2258 = arith.index_cast %add3A_2222 : i32 to index
        %swap3A_2259 = arith.constant 0 : index
        %swap3A_2260 = tpu.vector_load %arg20[%swap3A_2258, %swap3A_2259] {strides = array<i32>} : memref<128x64xf32, #tpu.memory_space<vmem>>, vector<16xf32>,
        tpu.vector_store %arg20[%swap3A_2258, %swap3A_2259], %gather3A_2257 {strides = array<i32>} : memref<128x64xf32, #tpu.memory_space<vmem>>, vector<16xf32>,
        %add3A_2261 = arith.constant 16 : i32
        %add3A_2262 = vector.broadcast %add3A_2261 : i32 to vector<16xi32>
        %add3A_2263 = arith.addi %iota3A, %add3A_2262 : vector<16xi32>
        %gather3A_2264 = tpu.vector_load_idx %arg11[%add3A_2263, %broadcast_in_dim3A_2253] : memref<64x128xf32, #tpu.memory_space<vmem>>[vector<16xi32>, vector<16xi32>], vector<16xf32>,
        %swap3A_2265 = arith.index_cast %add3A_2222 : i32 to index
        %swap3A_2266 = arith.constant 16 : index
        %swap3A_2267 = tpu.vector_load %arg20[%swap3A_2265, %swap3A_2266] {strides = array<i32>} : memref<128x64xf32, #tpu.memory_space<vmem>>, vector<16xf32>,
        tpu.vector_store %arg20[%swap3A_2265, %swap3A_2266], %gather3A_2264 {strides = array<i32>} : memref<128x64xf32, #tpu.memory_space<vmem>>, vector<16xf32>,
        %add3A_2268 = arith.constant 32 : i32
        %add3A_2269 = vector.broadcast %add3A_2268 : i32 to vector<16xi32>
        %add3A_2270 = arith.addi %iota3A, %add3A_2269 : vector<16xi32>
        %gather3A_2271 = tpu.vector_load_idx %arg11[%add3A_2270, %broadcast_in_dim3A_2253] : memref<64x128xf32, #tpu.memory_space<vmem>>[vector<16xi32>, vector<16xi32>], vector<16xf32>,
        %swap3A_2272 = arith.index_cast %add3A_2222 : i32 to index
        %swap3A_2273 = arith.constant 32 : index
        %swap3A_2274 = tpu.vector_load %arg20[%swap3A_2272, %swap3A_2273] {strides = array<i32>} : memref<128x64xf32, #tpu.memory_space<vmem>>, vector<16xf32>,
        tpu.vector_store %arg20[%swap3A_2272, %swap3A_2273], %gather3A_2271 {strides = array<i32>} : memref<128x64xf32, #tpu.memory_space<vmem>>, vector<16xf32>,
        %add3A_2275 = arith.constant 48 : i32
        %add3A_2276 = vector.broadcast %add3A_2275 : i32 to vector<16xi32>
        %add3A_2277 = arith.addi %iota3A, %add3A_2276 : vector<16xi32>
        %gather3A_2278 = tpu.vector_load_idx %arg11[%add3A_2277, %broadcast_in_dim3A_2253] : memref<64x128xf32, #tpu.memory_space<vmem>>[vector<16xi32>, vector<16xi32>], vector<16xf32>,
        %swap3A_2279 = arith.index_cast %add3A_2222 : i32 to index
        %swap3A_2280 = arith.constant 48 : index
        %swap3A_2281 = tpu.vector_load %arg20[%swap3A_2279, %swap3A_2280] {strides = array<i32>} : memref<128x64xf32, #tpu.memory_space<vmem>>, vector<16xf32>,
        tpu.vector_store %arg20[%swap3A_2279, %swap3A_2280], %gather3A_2278 {strides = array<i32>} : memref<128x64xf32, #tpu.memory_space<vmem>>, vector<16xf32>,
        %dma_wait3A_2282 = arith.constant 0 : i32
        %dma_wait3A_2283 = tpu.memref_slice %arg3[%dma_wait3A_2282, %multiple_of3A_1840] : memref<64x1000000xf32, #tpu.memory_space<hbm>> -> memref<64x128xf32, #tpu.memory_space<hbm>>
        %dma_wait3A_2284 = arith.constant 0 : i32
        %dma_wait3A_2285 = tpu.memref_slice %arg3[%dma_wait3A_2284, %multiple_of3A_1840] : memref<64x1000000xf32, #tpu.memory_space<hbm>> -> memref<64x128xf32, #tpu.memory_space<hbm>>
        tpu.wait_dma2 semaphore(%arg22 : memref<!tpu.dma_semaphore, #tpu.memory_space<semaphore_mem>>) src(%dma_wait3A_2285 : memref<64x128xf32, #tpu.memory_space<hbm>>) dst(%arg16 : memref<64x128xf32, #tpu.memory_space<vmem>>)
        %slice3A_2286 = vector.extract_strided_slice %get3A_41 {offsets = [5], sizes = [1], strides = [1]} : vector<16xi32> to vector<1xi32>
        %squeeze3A_2287 = vector.extract %slice3A_2286[0] : i32 from vector<1xi32>
        %and3A_2288 = arith.constant 127 : i32
        %and3A_2289 = arith.andi %squeeze3A_2287, %and3A_2288 : i32
        %broadcast_in_dim3A_2290 = vector.broadcast %and3A_2289 : i32 to vector<16xi32>
        %add3A_2291 = arith.constant 0 : i32
        %add3A_2292 = vector.broadcast %add3A_2291 : i32 to vector<16xi32>
        %add3A_2293 = arith.addi %iota3A, %add3A_2292 : vector<16xi32>
        %gather3A_2294 = tpu.vector_load_idx %arg16[%add3A_2293, %broadcast_in_dim3A_2290] : memref<64x128xf32, #tpu.memory_space<vmem>>[vector<16xi32>, vector<16xi32>], vector<16xf32>,
        %swap3A_2295 = arith.index_cast %add3A_2222 : i32 to index
        %swap3A_2296 = arith.constant 0 : index
        %swap3A_2297 = tpu.vector_load %arg21[%swap3A_2295, %swap3A_2296] {strides = array<i32>} : memref<128x64xf32, #tpu.memory_space<vmem>>, vector<16xf32>,
        tpu.vector_store %arg21[%swap3A_2295, %swap3A_2296], %gather3A_2294 {strides = array<i32>} : memref<128x64xf32, #tpu.memory_space<vmem>>, vector<16xf32>,
        %add3A_2298 = arith.constant 16 : i32
        %add3A_2299 = vector.broadcast %add3A_2298 : i32 to vector<16xi32>
        %add3A_2300 = arith.addi %iota3A, %add3A_2299 : vector<16xi32>
        %gather3A_2301 = tpu.vector_load_idx %arg16[%add3A_2300, %broadcast_in_dim3A_2290] : memref<64x128xf32, #tpu.memory_space<vmem>>[vector<16xi32>, vector<16xi32>], vector<16xf32>,
        %swap3A_2302 = arith.index_cast %add3A_2222 : i32 to index
        %swap3A_2303 = arith.constant 16 : index
        %swap3A_2304 = tpu.vector_load %arg21[%swap3A_2302, %swap3A_2303] {strides = array<i32>} : memref<128x64xf32, #tpu.memory_space<vmem>>, vector<16xf32>,
        tpu.vector_store %arg21[%swap3A_2302, %swap3A_2303], %gather3A_2301 {strides = array<i32>} : memref<128x64xf32, #tpu.memory_space<vmem>>, vector<16xf32>,
        %add3A_2305 = arith.constant 32 : i32
        %add3A_2306 = vector.broadcast %add3A_2305 : i32 to vector<16xi32>
        %add3A_2307 = arith.addi %iota3A, %add3A_2306 : vector<16xi32>
        %gather3A_2308 = tpu.vector_load_idx %arg16[%add3A_2307, %broadcast_in_dim3A_2290] : memref<64x128xf32, #tpu.memory_space<vmem>>[vector<16xi32>, vector<16xi32>], vector<16xf32>,
        %swap3A_2309 = arith.index_cast %add3A_2222 : i32 to index
        %swap3A_2310 = arith.constant 32 : index
        %swap3A_2311 = tpu.vector_load %arg21[%swap3A_2309, %swap3A_2310] {strides = array<i32>} : memref<128x64xf32, #tpu.memory_space<vmem>>, vector<16xf32>,
        tpu.vector_store %arg21[%swap3A_2309, %swap3A_2310], %gather3A_2308 {strides = array<i32>} : memref<128x64xf32, #tpu.memory_space<vmem>>, vector<16xf32>,
        %add3A_2312 = arith.constant 48 : i32
        %add3A_2313 = vector.broadcast %add3A_2312 : i32 to vector<16xi32>
        %add3A_2314 = arith.addi %iota3A, %add3A_2313 : vector<16xi32>
        %gather3A_2315 = tpu.vector_load_idx %arg16[%add3A_2314, %broadcast_in_dim3A_2290] : memref<64x128xf32, #tpu.memory_space<vmem>>[vector<16xi32>, vector<16xi32>], vector<16xf32>,
        %swap3A_2316 = arith.index_cast %add3A_2222 : i32 to index
        %swap3A_2317 = arith.constant 48 : index
        %swap3A_2318 = tpu.vector_load %arg21[%swap3A_2316, %swap3A_2317] {strides = array<i32>} : memref<128x64xf32, #tpu.memory_space<vmem>>, vector<16xf32>,
        tpu.vector_store %arg21[%swap3A_2316, %swap3A_2317], %gather3A_2315 {strides = array<i32>} : memref<128x64xf32, #tpu.memory_space<vmem>>, vector<16xf32>,
        %mul3A_2319 = arith.constant 32 : i32
        %mul3A_2320 = arith.muli %scan3A_21, %mul3A_2319 : i32
        %add3A_2321 = arith.constant 22 : i32
        %add3A_2322 = arith.addi %mul3A_2320, %add3A_2321 : i32
        %slice3A_2323 = vector.extract_strided_slice %get3A_33 {offsets = [10], sizes = [1], strides = [1]} : vector<16xi32> to vector<1xi32>
        %squeeze3A_2324 = vector.extract %slice3A_2323[0] : i32 from vector<1xi32>
        %shift_right_arithmetic3A_2325 = arith.constant 7 : i32
        %shift_right_arithmetic3A_2326 = arith.shrsi %squeeze3A_2324, %shift_right_arithmetic3A_2325 : i32
        %shift_left3A_2327 = arith.constant 7 : i32
        %shift_left3A_2328 = arith.shli %shift_right_arithmetic3A_2326, %shift_left3A_2327 : i32
        %multiple_of3A_2329 = tpu.assume_multiple %shift_left3A_2328, 128 : i32
        %dma_start3A_2330 = arith.constant 0 : i32
        %dma_start3A_2331 = tpu.memref_slice %arg2[%dma_start3A_2330, %multiple_of3A_2329] : memref<64x1000000xf32, #tpu.memory_space<hbm>> -> memref<64x128xf32, #tpu.memory_space<hbm>>
        %dma_start3A_2332 = arith.constant 0 : i32
        %dma_start3A_2333 = tpu.memref_slice %arg2[%dma_start3A_2332, %multiple_of3A_2329] : memref<64x1000000xf32, #tpu.memory_space<hbm>> -> memref<64x128xf32, #tpu.memory_space<hbm>>
        tpu.enqueue_dma source(%dma_start3A_2333 : memref<64x128xf32, #tpu.memory_space<hbm>>) target(%arg11 : memref<64x128xf32, #tpu.memory_space<vmem>>) target_semaphore(%arg22 : memref<!tpu.dma_semaphore, #tpu.memory_space<semaphore_mem>>)
        %slice3A_2334 = vector.extract_strided_slice %get3A_41 {offsets = [10], sizes = [1], strides = [1]} : vector<16xi32> to vector<1xi32>
        %squeeze3A_2335 = vector.extract %slice3A_2334[0] : i32 from vector<1xi32>
        %shift_right_arithmetic3A_2336 = arith.constant 7 : i32
        %shift_right_arithmetic3A_2337 = arith.shrsi %squeeze3A_2335, %shift_right_arithmetic3A_2336 : i32
        %shift_left3A_2338 = arith.constant 7 : i32
        %shift_left3A_2339 = arith.shli %shift_right_arithmetic3A_2337, %shift_left3A_2338 : i32
        %multiple_of3A_2340 = tpu.assume_multiple %shift_left3A_2339, 128 : i32
        %dma_start3A_2341 = arith.constant 0 : i32
        %dma_start3A_2342 = tpu.memref_slice %arg3[%dma_start3A_2341, %multiple_of3A_2340] : memref<64x1000000xf32, #tpu.memory_space<hbm>> -> memref<64x128xf32, #tpu.memory_space<hbm>>
        %dma_start3A_2343 = arith.constant 0 : i32
        %dma_start3A_2344 = tpu.memref_slice %arg3[%dma_start3A_2343, %multiple_of3A_2340] : memref<64x1000000xf32, #tpu.memory_space<hbm>> -> memref<64x128xf32, #tpu.memory_space<hbm>>
        tpu.enqueue_dma source(%dma_start3A_2344 : memref<64x128xf32, #tpu.memory_space<hbm>>) target(%arg16 : memref<64x128xf32, #tpu.memory_space<vmem>>) target_semaphore(%arg22 : memref<!tpu.dma_semaphore, #tpu.memory_space<semaphore_mem>>)
        %dma_wait3A_2345 = arith.constant 0 : i32
        %dma_wait3A_2346 = tpu.memref_slice %arg2[%dma_wait3A_2345, %multiple_of3A_1929] : memref<64x1000000xf32, #tpu.memory_space<hbm>> -> memref<64x128xf32, #tpu.memory_space<hbm>>
        %dma_wait3A_2347 = arith.constant 0 : i32
        %dma_wait3A_2348 = tpu.memref_slice %arg2[%dma_wait3A_2347, %multiple_of3A_1929] : memref<64x1000000xf32, #tpu.memory_space<hbm>> -> memref<64x128xf32, #tpu.memory_space<hbm>>
        tpu.wait_dma2 semaphore(%arg22 : memref<!tpu.dma_semaphore, #tpu.memory_space<semaphore_mem>>) src(%dma_wait3A_2348 : memref<64x128xf32, #tpu.memory_space<hbm>>) dst(%arg12 : memref<64x128xf32, #tpu.memory_space<vmem>>)
        %slice3A_2349 = vector.extract_strided_slice %get3A_33 {offsets = [6], sizes = [1], strides = [1]} : vector<16xi32> to vector<1xi32>
        %squeeze3A_2350 = vector.extract %slice3A_2349[0] : i32 from vector<1xi32>
        %and3A_2351 = arith.constant 127 : i32
        %and3A_2352 = arith.andi %squeeze3A_2350, %and3A_2351 : i32
        %broadcast_in_dim3A_2353 = vector.broadcast %and3A_2352 : i32 to vector<16xi32>
        %add3A_2354 = arith.constant 0 : i32
        %add3A_2355 = vector.broadcast %add3A_2354 : i32 to vector<16xi32>
        %add3A_2356 = arith.addi %iota3A, %add3A_2355 : vector<16xi32>
        %gather3A_2357 = tpu.vector_load_idx %arg12[%add3A_2356, %broadcast_in_dim3A_2353] : memref<64x128xf32, #tpu.memory_space<vmem>>[vector<16xi32>, vector<16xi32>], vector<16xf32>,
        %swap3A_2358 = arith.index_cast %add3A_2322 : i32 to index
        %swap3A_2359 = arith.constant 0 : index
        %swap3A_2360 = tpu.vector_load %arg20[%swap3A_2358, %swap3A_2359] {strides = array<i32>} : memref<128x64xf32, #tpu.memory_space<vmem>>, vector<16xf32>,
        tpu.vector_store %arg20[%swap3A_2358, %swap3A_2359], %gather3A_2357 {strides = array<i32>} : memref<128x64xf32, #tpu.memory_space<vmem>>, vector<16xf32>,
        %add3A_2361 = arith.constant 16 : i32
        %add3A_2362 = vector.broadcast %add3A_2361 : i32 to vector<16xi32>
        %add3A_2363 = arith.addi %iota3A, %add3A_2362 : vector<16xi32>
        %gather3A_2364 = tpu.vector_load_idx %arg12[%add3A_2363, %broadcast_in_dim3A_2353] : memref<64x128xf32, #tpu.memory_space<vmem>>[vector<16xi32>, vector<16xi32>], vector<16xf32>,
        %swap3A_2365 = arith.index_cast %add3A_2322 : i32 to index
        %swap3A_2366 = arith.constant 16 : index
        %swap3A_2367 = tpu.vector_load %arg20[%swap3A_2365, %swap3A_2366] {strides = array<i32>} : memref<128x64xf32, #tpu.memory_space<vmem>>, vector<16xf32>,
        tpu.vector_store %arg20[%swap3A_2365, %swap3A_2366], %gather3A_2364 {strides = array<i32>} : memref<128x64xf32, #tpu.memory_space<vmem>>, vector<16xf32>,
        %add3A_2368 = arith.constant 32 : i32
        %add3A_2369 = vector.broadcast %add3A_2368 : i32 to vector<16xi32>
        %add3A_2370 = arith.addi %iota3A, %add3A_2369 : vector<16xi32>
        %gather3A_2371 = tpu.vector_load_idx %arg12[%add3A_2370, %broadcast_in_dim3A_2353] : memref<64x128xf32, #tpu.memory_space<vmem>>[vector<16xi32>, vector<16xi32>], vector<16xf32>,
        %swap3A_2372 = arith.index_cast %add3A_2322 : i32 to index
        %swap3A_2373 = arith.constant 32 : index
        %swap3A_2374 = tpu.vector_load %arg20[%swap3A_2372, %swap3A_2373] {strides = array<i32>} : memref<128x64xf32, #tpu.memory_space<vmem>>, vector<16xf32>,
        tpu.vector_store %arg20[%swap3A_2372, %swap3A_2373], %gather3A_2371 {strides = array<i32>} : memref<128x64xf32, #tpu.memory_space<vmem>>, vector<16xf32>,
        %add3A_2375 = arith.constant 48 : i32
        %add3A_2376 = vector.broadcast %add3A_2375 : i32 to vector<16xi32>
        %add3A_2377 = arith.addi %iota3A, %add3A_2376 : vector<16xi32>
        %gather3A_2378 = tpu.vector_load_idx %arg12[%add3A_2377, %broadcast_in_dim3A_2353] : memref<64x128xf32, #tpu.memory_space<vmem>>[vector<16xi32>, vector<16xi32>], vector<16xf32>,
        %swap3A_2379 = arith.index_cast %add3A_2322 : i32 to index
        %swap3A_2380 = arith.constant 48 : index
        %swap3A_2381 = tpu.vector_load %arg20[%swap3A_2379, %swap3A_2380] {strides = array<i32>} : memref<128x64xf32, #tpu.memory_space<vmem>>, vector<16xf32>,
        tpu.vector_store %arg20[%swap3A_2379, %swap3A_2380], %gather3A_2378 {strides = array<i32>} : memref<128x64xf32, #tpu.memory_space<vmem>>, vector<16xf32>,
        %dma_wait3A_2382 = arith.constant 0 : i32
        %dma_wait3A_2383 = tpu.memref_slice %arg3[%dma_wait3A_2382, %multiple_of3A_1940] : memref<64x1000000xf32, #tpu.memory_space<hbm>> -> memref<64x128xf32, #tpu.memory_space<hbm>>
        %dma_wait3A_2384 = arith.constant 0 : i32
        %dma_wait3A_2385 = tpu.memref_slice %arg3[%dma_wait3A_2384, %multiple_of3A_1940] : memref<64x1000000xf32, #tpu.memory_space<hbm>> -> memref<64x128xf32, #tpu.memory_space<hbm>>
        tpu.wait_dma2 semaphore(%arg22 : memref<!tpu.dma_semaphore, #tpu.memory_space<semaphore_mem>>) src(%dma_wait3A_2385 : memref<64x128xf32, #tpu.memory_space<hbm>>) dst(%arg17 : memref<64x128xf32, #tpu.memory_space<vmem>>)
        %slice3A_2386 = vector.extract_strided_slice %get3A_41 {offsets = [6], sizes = [1], strides = [1]} : vector<16xi32> to vector<1xi32>
        %squeeze3A_2387 = vector.extract %slice3A_2386[0] : i32 from vector<1xi32>
        %and3A_2388 = arith.constant 127 : i32
        %and3A_2389 = arith.andi %squeeze3A_2387, %and3A_2388 : i32
        %broadcast_in_dim3A_2390 = vector.broadcast %and3A_2389 : i32 to vector<16xi32>
        %add3A_2391 = arith.constant 0 : i32
        %add3A_2392 = vector.broadcast %add3A_2391 : i32 to vector<16xi32>
        %add3A_2393 = arith.addi %iota3A, %add3A_2392 : vector<16xi32>
        %gather3A_2394 = tpu.vector_load_idx %arg17[%add3A_2393, %broadcast_in_dim3A_2390] : memref<64x128xf32, #tpu.memory_space<vmem>>[vector<16xi32>, vector<16xi32>], vector<16xf32>,
        %swap3A_2395 = arith.index_cast %add3A_2322 : i32 to index
        %swap3A_2396 = arith.constant 0 : index
        %swap3A_2397 = tpu.vector_load %arg21[%swap3A_2395, %swap3A_2396] {strides = array<i32>} : memref<128x64xf32, #tpu.memory_space<vmem>>, vector<16xf32>,
        tpu.vector_store %arg21[%swap3A_2395, %swap3A_2396], %gather3A_2394 {strides = array<i32>} : memref<128x64xf32, #tpu.memory_space<vmem>>, vector<16xf32>,
        %add3A_2398 = arith.constant 16 : i32
        %add3A_2399 = vector.broadcast %add3A_2398 : i32 to vector<16xi32>
        %add3A_2400 = arith.addi %iota3A, %add3A_2399 : vector<16xi32>
        %gather3A_2401 = tpu.vector_load_idx %arg17[%add3A_2400, %broadcast_in_dim3A_2390] : memref<64x128xf32, #tpu.memory_space<vmem>>[vector<16xi32>, vector<16xi32>], vector<16xf32>,
        %swap3A_2402 = arith.index_cast %add3A_2322 : i32 to index
        %swap3A_2403 = arith.constant 16 : index
        %swap3A_2404 = tpu.vector_load %arg21[%swap3A_2402, %swap3A_2403] {strides = array<i32>} : memref<128x64xf32, #tpu.memory_space<vmem>>, vector<16xf32>,
        tpu.vector_store %arg21[%swap3A_2402, %swap3A_2403], %gather3A_2401 {strides = array<i32>} : memref<128x64xf32, #tpu.memory_space<vmem>>, vector<16xf32>,
        %add3A_2405 = arith.constant 32 : i32
        %add3A_2406 = vector.broadcast %add3A_2405 : i32 to vector<16xi32>
        %add3A_2407 = arith.addi %iota3A, %add3A_2406 : vector<16xi32>
        %gather3A_2408 = tpu.vector_load_idx %arg17[%add3A_2407, %broadcast_in_dim3A_2390] : memref<64x128xf32, #tpu.memory_space<vmem>>[vector<16xi32>, vector<16xi32>], vector<16xf32>,
        %swap3A_2409 = arith.index_cast %add3A_2322 : i32 to index
        %swap3A_2410 = arith.constant 32 : index
        %swap3A_2411 = tpu.vector_load %arg21[%swap3A_2409, %swap3A_2410] {strides = array<i32>} : memref<128x64xf32, #tpu.memory_space<vmem>>, vector<16xf32>,
        tpu.vector_store %arg21[%swap3A_2409, %swap3A_2410], %gather3A_2408 {strides = array<i32>} : memref<128x64xf32, #tpu.memory_space<vmem>>, vector<16xf32>,
        %add3A_2412 = arith.constant 48 : i32
        %add3A_2413 = vector.broadcast %add3A_2412 : i32 to vector<16xi32>
        %add3A_2414 = arith.addi %iota3A, %add3A_2413 : vector<16xi32>
        %gather3A_2415 = tpu.vector_load_idx %arg17[%add3A_2414, %broadcast_in_dim3A_2390] : memref<64x128xf32, #tpu.memory_space<vmem>>[vector<16xi32>, vector<16xi32>], vector<16xf32>,
        %swap3A_2416 = arith.index_cast %add3A_2322 : i32 to index
        %swap3A_2417 = arith.constant 48 : index
        %swap3A_2418 = tpu.vector_load %arg21[%swap3A_2416, %swap3A_2417] {strides = array<i32>} : memref<128x64xf32, #tpu.memory_space<vmem>>, vector<16xf32>,
        tpu.vector_store %arg21[%swap3A_2416, %swap3A_2417], %gather3A_2415 {strides = array<i32>} : memref<128x64xf32, #tpu.memory_space<vmem>>, vector<16xf32>,
        %mul3A_2419 = arith.constant 32 : i32
        %mul3A_2420 = arith.muli %scan3A_21, %mul3A_2419 : i32
        %add3A_2421 = arith.constant 23 : i32
        %add3A_2422 = arith.addi %mul3A_2420, %add3A_2421 : i32
        %slice3A_2423 = vector.extract_strided_slice %get3A_33 {offsets = [11], sizes = [1], strides = [1]} : vector<16xi32> to vector<1xi32>
        %squeeze3A_2424 = vector.extract %slice3A_2423[0] : i32 from vector<1xi32>
        %shift_right_arithmetic3A_2425 = arith.constant 7 : i32
        %shift_right_arithmetic3A_2426 = arith.shrsi %squeeze3A_2424, %shift_right_arithmetic3A_2425 : i32
        %shift_left3A_2427 = arith.constant 7 : i32
        %shift_left3A_2428 = arith.shli %shift_right_arithmetic3A_2426, %shift_left3A_2427 : i32
        %multiple_of3A_2429 = tpu.assume_multiple %shift_left3A_2428, 128 : i32
        %dma_start3A_2430 = arith.constant 0 : i32
        %dma_start3A_2431 = tpu.memref_slice %arg2[%dma_start3A_2430, %multiple_of3A_2429] : memref<64x1000000xf32, #tpu.memory_space<hbm>> -> memref<64x128xf32, #tpu.memory_space<hbm>>
        %dma_start3A_2432 = arith.constant 0 : i32
        %dma_start3A_2433 = tpu.memref_slice %arg2[%dma_start3A_2432, %multiple_of3A_2429] : memref<64x1000000xf32, #tpu.memory_space<hbm>> -> memref<64x128xf32, #tpu.memory_space<hbm>>
        tpu.enqueue_dma source(%dma_start3A_2433 : memref<64x128xf32, #tpu.memory_space<hbm>>) target(%arg12 : memref<64x128xf32, #tpu.memory_space<vmem>>) target_semaphore(%arg22 : memref<!tpu.dma_semaphore, #tpu.memory_space<semaphore_mem>>)
        %slice3A_2434 = vector.extract_strided_slice %get3A_41 {offsets = [11], sizes = [1], strides = [1]} : vector<16xi32> to vector<1xi32>
        %squeeze3A_2435 = vector.extract %slice3A_2434[0] : i32 from vector<1xi32>
        %shift_right_arithmetic3A_2436 = arith.constant 7 : i32
        %shift_right_arithmetic3A_2437 = arith.shrsi %squeeze3A_2435, %shift_right_arithmetic3A_2436 : i32
        %shift_left3A_2438 = arith.constant 7 : i32
        %shift_left3A_2439 = arith.shli %shift_right_arithmetic3A_2437, %shift_left3A_2438 : i32
        %multiple_of3A_2440 = tpu.assume_multiple %shift_left3A_2439, 128 : i32
        %dma_start3A_2441 = arith.constant 0 : i32
        %dma_start3A_2442 = tpu.memref_slice %arg3[%dma_start3A_2441, %multiple_of3A_2440] : memref<64x1000000xf32, #tpu.memory_space<hbm>> -> memref<64x128xf32, #tpu.memory_space<hbm>>
        %dma_start3A_2443 = arith.constant 0 : i32
        %dma_start3A_2444 = tpu.memref_slice %arg3[%dma_start3A_2443, %multiple_of3A_2440] : memref<64x1000000xf32, #tpu.memory_space<hbm>> -> memref<64x128xf32, #tpu.memory_space<hbm>>
        tpu.enqueue_dma source(%dma_start3A_2444 : memref<64x128xf32, #tpu.memory_space<hbm>>) target(%arg17 : memref<64x128xf32, #tpu.memory_space<vmem>>) target_semaphore(%arg22 : memref<!tpu.dma_semaphore, #tpu.memory_space<semaphore_mem>>)
        %dma_wait3A_2445 = arith.constant 0 : i32
        %dma_wait3A_2446 = tpu.memref_slice %arg2[%dma_wait3A_2445, %multiple_of3A_2029] : memref<64x1000000xf32, #tpu.memory_space<hbm>> -> memref<64x128xf32, #tpu.memory_space<hbm>>
        %dma_wait3A_2447 = arith.constant 0 : i32
        %dma_wait3A_2448 = tpu.memref_slice %arg2[%dma_wait3A_2447, %multiple_of3A_2029] : memref<64x1000000xf32, #tpu.memory_space<hbm>> -> memref<64x128xf32, #tpu.memory_space<hbm>>
        tpu.wait_dma2 semaphore(%arg22 : memref<!tpu.dma_semaphore, #tpu.memory_space<semaphore_mem>>) src(%dma_wait3A_2448 : memref<64x128xf32, #tpu.memory_space<hbm>>) dst(%arg13 : memref<64x128xf32, #tpu.memory_space<vmem>>)
        %slice3A_2449 = vector.extract_strided_slice %get3A_33 {offsets = [7], sizes = [1], strides = [1]} : vector<16xi32> to vector<1xi32>
        %squeeze3A_2450 = vector.extract %slice3A_2449[0] : i32 from vector<1xi32>
        %and3A_2451 = arith.constant 127 : i32
        %and3A_2452 = arith.andi %squeeze3A_2450, %and3A_2451 : i32
        %broadcast_in_dim3A_2453 = vector.broadcast %and3A_2452 : i32 to vector<16xi32>
        %add3A_2454 = arith.constant 0 : i32
        %add3A_2455 = vector.broadcast %add3A_2454 : i32 to vector<16xi32>
        %add3A_2456 = arith.addi %iota3A, %add3A_2455 : vector<16xi32>
        %gather3A_2457 = tpu.vector_load_idx %arg13[%add3A_2456, %broadcast_in_dim3A_2453] : memref<64x128xf32, #tpu.memory_space<vmem>>[vector<16xi32>, vector<16xi32>], vector<16xf32>,
        %swap3A_2458 = arith.index_cast %add3A_2422 : i32 to index
        %swap3A_2459 = arith.constant 0 : index
        %swap3A_2460 = tpu.vector_load %arg20[%swap3A_2458, %swap3A_2459] {strides = array<i32>} : memref<128x64xf32, #tpu.memory_space<vmem>>, vector<16xf32>,
        tpu.vector_store %arg20[%swap3A_2458, %swap3A_2459], %gather3A_2457 {strides = array<i32>} : memref<128x64xf32, #tpu.memory_space<vmem>>, vector<16xf32>,
        %add3A_2461 = arith.constant 16 : i32
        %add3A_2462 = vector.broadcast %add3A_2461 : i32 to vector<16xi32>
        %add3A_2463 = arith.addi %iota3A, %add3A_2462 : vector<16xi32>
        %gather3A_2464 = tpu.vector_load_idx %arg13[%add3A_2463, %broadcast_in_dim3A_2453] : memref<64x128xf32, #tpu.memory_space<vmem>>[vector<16xi32>, vector<16xi32>], vector<16xf32>,
        %swap3A_2465 = arith.index_cast %add3A_2422 : i32 to index
        %swap3A_2466 = arith.constant 16 : index
        %swap3A_2467 = tpu.vector_load %arg20[%swap3A_2465, %swap3A_2466] {strides = array<i32>} : memref<128x64xf32, #tpu.memory_space<vmem>>, vector<16xf32>,
        tpu.vector_store %arg20[%swap3A_2465, %swap3A_2466], %gather3A_2464 {strides = array<i32>} : memref<128x64xf32, #tpu.memory_space<vmem>>, vector<16xf32>,
        %add3A_2468 = arith.constant 32 : i32
        %add3A_2469 = vector.broadcast %add3A_2468 : i32 to vector<16xi32>
        %add3A_2470 = arith.addi %iota3A, %add3A_2469 : vector<16xi32>
        %gather3A_2471 = tpu.vector_load_idx %arg13[%add3A_2470, %broadcast_in_dim3A_2453] : memref<64x128xf32, #tpu.memory_space<vmem>>[vector<16xi32>, vector<16xi32>], vector<16xf32>,
        %swap3A_2472 = arith.index_cast %add3A_2422 : i32 to index
        %swap3A_2473 = arith.constant 32 : index
        %swap3A_2474 = tpu.vector_load %arg20[%swap3A_2472, %swap3A_2473] {strides = array<i32>} : memref<128x64xf32, #tpu.memory_space<vmem>>, vector<16xf32>,
        tpu.vector_store %arg20[%swap3A_2472, %swap3A_2473], %gather3A_2471 {strides = array<i32>} : memref<128x64xf32, #tpu.memory_space<vmem>>, vector<16xf32>,
        %add3A_2475 = arith.constant 48 : i32
        %add3A_2476 = vector.broadcast %add3A_2475 : i32 to vector<16xi32>
        %add3A_2477 = arith.addi %iota3A, %add3A_2476 : vector<16xi32>
        %gather3A_2478 = tpu.vector_load_idx %arg13[%add3A_2477, %broadcast_in_dim3A_2453] : memref<64x128xf32, #tpu.memory_space<vmem>>[vector<16xi32>, vector<16xi32>], vector<16xf32>,
        %swap3A_2479 = arith.index_cast %add3A_2422 : i32 to index
        %swap3A_2480 = arith.constant 48 : index
        %swap3A_2481 = tpu.vector_load %arg20[%swap3A_2479, %swap3A_2480] {strides = array<i32>} : memref<128x64xf32, #tpu.memory_space<vmem>>, vector<16xf32>,
        tpu.vector_store %arg20[%swap3A_2479, %swap3A_2480], %gather3A_2478 {strides = array<i32>} : memref<128x64xf32, #tpu.memory_space<vmem>>, vector<16xf32>,
        %dma_wait3A_2482 = arith.constant 0 : i32
        %dma_wait3A_2483 = tpu.memref_slice %arg3[%dma_wait3A_2482, %multiple_of3A_2040] : memref<64x1000000xf32, #tpu.memory_space<hbm>> -> memref<64x128xf32, #tpu.memory_space<hbm>>
        %dma_wait3A_2484 = arith.constant 0 : i32
        %dma_wait3A_2485 = tpu.memref_slice %arg3[%dma_wait3A_2484, %multiple_of3A_2040] : memref<64x1000000xf32, #tpu.memory_space<hbm>> -> memref<64x128xf32, #tpu.memory_space<hbm>>
        tpu.wait_dma2 semaphore(%arg22 : memref<!tpu.dma_semaphore, #tpu.memory_space<semaphore_mem>>) src(%dma_wait3A_2485 : memref<64x128xf32, #tpu.memory_space<hbm>>) dst(%arg18 : memref<64x128xf32, #tpu.memory_space<vmem>>)
        %slice3A_2486 = vector.extract_strided_slice %get3A_41 {offsets = [7], sizes = [1], strides = [1]} : vector<16xi32> to vector<1xi32>
        %squeeze3A_2487 = vector.extract %slice3A_2486[0] : i32 from vector<1xi32>
        %and3A_2488 = arith.constant 127 : i32
        %and3A_2489 = arith.andi %squeeze3A_2487, %and3A_2488 : i32
        %broadcast_in_dim3A_2490 = vector.broadcast %and3A_2489 : i32 to vector<16xi32>
        %add3A_2491 = arith.constant 0 : i32
        %add3A_2492 = vector.broadcast %add3A_2491 : i32 to vector<16xi32>
        %add3A_2493 = arith.addi %iota3A, %add3A_2492 : vector<16xi32>
        %gather3A_2494 = tpu.vector_load_idx %arg18[%add3A_2493, %broadcast_in_dim3A_2490] : memref<64x128xf32, #tpu.memory_space<vmem>>[vector<16xi32>, vector<16xi32>], vector<16xf32>,
        %swap3A_2495 = arith.index_cast %add3A_2422 : i32 to index
        %swap3A_2496 = arith.constant 0 : index
        %swap3A_2497 = tpu.vector_load %arg21[%swap3A_2495, %swap3A_2496] {strides = array<i32>} : memref<128x64xf32, #tpu.memory_space<vmem>>, vector<16xf32>,
        tpu.vector_store %arg21[%swap3A_2495, %swap3A_2496], %gather3A_2494 {strides = array<i32>} : memref<128x64xf32, #tpu.memory_space<vmem>>, vector<16xf32>,
        %add3A_2498 = arith.constant 16 : i32
        %add3A_2499 = vector.broadcast %add3A_2498 : i32 to vector<16xi32>
        %add3A_2500 = arith.addi %iota3A, %add3A_2499 : vector<16xi32>
        %gather3A_2501 = tpu.vector_load_idx %arg18[%add3A_2500, %broadcast_in_dim3A_2490] : memref<64x128xf32, #tpu.memory_space<vmem>>[vector<16xi32>, vector<16xi32>], vector<16xf32>,
        %swap3A_2502 = arith.index_cast %add3A_2422 : i32 to index
        %swap3A_2503 = arith.constant 16 : index
        %swap3A_2504 = tpu.vector_load %arg21[%swap3A_2502, %swap3A_2503] {strides = array<i32>} : memref<128x64xf32, #tpu.memory_space<vmem>>, vector<16xf32>,
        tpu.vector_store %arg21[%swap3A_2502, %swap3A_2503], %gather3A_2501 {strides = array<i32>} : memref<128x64xf32, #tpu.memory_space<vmem>>, vector<16xf32>,
        %add3A_2505 = arith.constant 32 : i32
        %add3A_2506 = vector.broadcast %add3A_2505 : i32 to vector<16xi32>
        %add3A_2507 = arith.addi %iota3A, %add3A_2506 : vector<16xi32>
        %gather3A_2508 = tpu.vector_load_idx %arg18[%add3A_2507, %broadcast_in_dim3A_2490] : memref<64x128xf32, #tpu.memory_space<vmem>>[vector<16xi32>, vector<16xi32>], vector<16xf32>,
        %swap3A_2509 = arith.index_cast %add3A_2422 : i32 to index
        %swap3A_2510 = arith.constant 32 : index
        %swap3A_2511 = tpu.vector_load %arg21[%swap3A_2509, %swap3A_2510] {strides = array<i32>} : memref<128x64xf32, #tpu.memory_space<vmem>>, vector<16xf32>,
        tpu.vector_store %arg21[%swap3A_2509, %swap3A_2510], %gather3A_2508 {strides = array<i32>} : memref<128x64xf32, #tpu.memory_space<vmem>>, vector<16xf32>,
        %add3A_2512 = arith.constant 48 : i32
        %add3A_2513 = vector.broadcast %add3A_2512 : i32 to vector<16xi32>
        %add3A_2514 = arith.addi %iota3A, %add3A_2513 : vector<16xi32>
        %gather3A_2515 = tpu.vector_load_idx %arg18[%add3A_2514, %broadcast_in_dim3A_2490] : memref<64x128xf32, #tpu.memory_space<vmem>>[vector<16xi32>, vector<16xi32>], vector<16xf32>,
        %swap3A_2516 = arith.index_cast %add3A_2422 : i32 to index
        %swap3A_2517 = arith.constant 48 : index
        %swap3A_2518 = tpu.vector_load %arg21[%swap3A_2516, %swap3A_2517] {strides = array<i32>} : memref<128x64xf32, #tpu.memory_space<vmem>>, vector<16xf32>,
        tpu.vector_store %arg21[%swap3A_2516, %swap3A_2517], %gather3A_2515 {strides = array<i32>} : memref<128x64xf32, #tpu.memory_space<vmem>>, vector<16xf32>,
        %mul3A_2519 = arith.constant 32 : i32
        %mul3A_2520 = arith.muli %scan3A_21, %mul3A_2519 : i32
        %add3A_2521 = arith.constant 24 : i32
        %add3A_2522 = arith.addi %mul3A_2520, %add3A_2521 : i32
        %slice3A_2523 = vector.extract_strided_slice %get3A_33 {offsets = [12], sizes = [1], strides = [1]} : vector<16xi32> to vector<1xi32>
        %squeeze3A_2524 = vector.extract %slice3A_2523[0] : i32 from vector<1xi32>
        %shift_right_arithmetic3A_2525 = arith.constant 7 : i32
        %shift_right_arithmetic3A_2526 = arith.shrsi %squeeze3A_2524, %shift_right_arithmetic3A_2525 : i32
        %shift_left3A_2527 = arith.constant 7 : i32
        %shift_left3A_2528 = arith.shli %shift_right_arithmetic3A_2526, %shift_left3A_2527 : i32
        %multiple_of3A_2529 = tpu.assume_multiple %shift_left3A_2528, 128 : i32
        %dma_start3A_2530 = arith.constant 0 : i32
        %dma_start3A_2531 = tpu.memref_slice %arg2[%dma_start3A_2530, %multiple_of3A_2529] : memref<64x1000000xf32, #tpu.memory_space<hbm>> -> memref<64x128xf32, #tpu.memory_space<hbm>>
        %dma_start3A_2532 = arith.constant 0 : i32
        %dma_start3A_2533 = tpu.memref_slice %arg2[%dma_start3A_2532, %multiple_of3A_2529] : memref<64x1000000xf32, #tpu.memory_space<hbm>> -> memref<64x128xf32, #tpu.memory_space<hbm>>
        tpu.enqueue_dma source(%dma_start3A_2533 : memref<64x128xf32, #tpu.memory_space<hbm>>) target(%arg13 : memref<64x128xf32, #tpu.memory_space<vmem>>) target_semaphore(%arg22 : memref<!tpu.dma_semaphore, #tpu.memory_space<semaphore_mem>>)
        %slice3A_2534 = vector.extract_strided_slice %get3A_41 {offsets = [12], sizes = [1], strides = [1]} : vector<16xi32> to vector<1xi32>
        %squeeze3A_2535 = vector.extract %slice3A_2534[0] : i32 from vector<1xi32>
        %shift_right_arithmetic3A_2536 = arith.constant 7 : i32
        %shift_right_arithmetic3A_2537 = arith.shrsi %squeeze3A_2535, %shift_right_arithmetic3A_2536 : i32
        %shift_left3A_2538 = arith.constant 7 : i32
        %shift_left3A_2539 = arith.shli %shift_right_arithmetic3A_2537, %shift_left3A_2538 : i32
        %multiple_of3A_2540 = tpu.assume_multiple %shift_left3A_2539, 128 : i32
        %dma_start3A_2541 = arith.constant 0 : i32
        %dma_start3A_2542 = tpu.memref_slice %arg3[%dma_start3A_2541, %multiple_of3A_2540] : memref<64x1000000xf32, #tpu.memory_space<hbm>> -> memref<64x128xf32, #tpu.memory_space<hbm>>
        %dma_start3A_2543 = arith.constant 0 : i32
        %dma_start3A_2544 = tpu.memref_slice %arg3[%dma_start3A_2543, %multiple_of3A_2540] : memref<64x1000000xf32, #tpu.memory_space<hbm>> -> memref<64x128xf32, #tpu.memory_space<hbm>>
        tpu.enqueue_dma source(%dma_start3A_2544 : memref<64x128xf32, #tpu.memory_space<hbm>>) target(%arg18 : memref<64x128xf32, #tpu.memory_space<vmem>>) target_semaphore(%arg22 : memref<!tpu.dma_semaphore, #tpu.memory_space<semaphore_mem>>)
        %dma_wait3A_2545 = arith.constant 0 : i32
        %dma_wait3A_2546 = tpu.memref_slice %arg2[%dma_wait3A_2545, %multiple_of3A_2129] : memref<64x1000000xf32, #tpu.memory_space<hbm>> -> memref<64x128xf32, #tpu.memory_space<hbm>>
        %dma_wait3A_2547 = arith.constant 0 : i32
        %dma_wait3A_2548 = tpu.memref_slice %arg2[%dma_wait3A_2547, %multiple_of3A_2129] : memref<64x1000000xf32, #tpu.memory_space<hbm>> -> memref<64x128xf32, #tpu.memory_space<hbm>>
        tpu.wait_dma2 semaphore(%arg22 : memref<!tpu.dma_semaphore, #tpu.memory_space<semaphore_mem>>) src(%dma_wait3A_2548 : memref<64x128xf32, #tpu.memory_space<hbm>>) dst(%arg14 : memref<64x128xf32, #tpu.memory_space<vmem>>)
        %slice3A_2549 = vector.extract_strided_slice %get3A_33 {offsets = [8], sizes = [1], strides = [1]} : vector<16xi32> to vector<1xi32>
        %squeeze3A_2550 = vector.extract %slice3A_2549[0] : i32 from vector<1xi32>
        %and3A_2551 = arith.constant 127 : i32
        %and3A_2552 = arith.andi %squeeze3A_2550, %and3A_2551 : i32
        %broadcast_in_dim3A_2553 = vector.broadcast %and3A_2552 : i32 to vector<16xi32>
        %add3A_2554 = arith.constant 0 : i32
        %add3A_2555 = vector.broadcast %add3A_2554 : i32 to vector<16xi32>
        %add3A_2556 = arith.addi %iota3A, %add3A_2555 : vector<16xi32>
        %gather3A_2557 = tpu.vector_load_idx %arg14[%add3A_2556, %broadcast_in_dim3A_2553] : memref<64x128xf32, #tpu.memory_space<vmem>>[vector<16xi32>, vector<16xi32>], vector<16xf32>,
        %swap3A_2558 = arith.index_cast %add3A_2522 : i32 to index
        %swap3A_2559 = arith.constant 0 : index
        %swap3A_2560 = tpu.vector_load %arg20[%swap3A_2558, %swap3A_2559] {strides = array<i32>} : memref<128x64xf32, #tpu.memory_space<vmem>>, vector<16xf32>,
        tpu.vector_store %arg20[%swap3A_2558, %swap3A_2559], %gather3A_2557 {strides = array<i32>} : memref<128x64xf32, #tpu.memory_space<vmem>>, vector<16xf32>,
        %add3A_2561 = arith.constant 16 : i32
        %add3A_2562 = vector.broadcast %add3A_2561 : i32 to vector<16xi32>
        %add3A_2563 = arith.addi %iota3A, %add3A_2562 : vector<16xi32>
        %gather3A_2564 = tpu.vector_load_idx %arg14[%add3A_2563, %broadcast_in_dim3A_2553] : memref<64x128xf32, #tpu.memory_space<vmem>>[vector<16xi32>, vector<16xi32>], vector<16xf32>,
        %swap3A_2565 = arith.index_cast %add3A_2522 : i32 to index
        %swap3A_2566 = arith.constant 16 : index
        %swap3A_2567 = tpu.vector_load %arg20[%swap3A_2565, %swap3A_2566] {strides = array<i32>} : memref<128x64xf32, #tpu.memory_space<vmem>>, vector<16xf32>,
        tpu.vector_store %arg20[%swap3A_2565, %swap3A_2566], %gather3A_2564 {strides = array<i32>} : memref<128x64xf32, #tpu.memory_space<vmem>>, vector<16xf32>,
        %add3A_2568 = arith.constant 32 : i32
        %add3A_2569 = vector.broadcast %add3A_2568 : i32 to vector<16xi32>
        %add3A_2570 = arith.addi %iota3A, %add3A_2569 : vector<16xi32>
        %gather3A_2571 = tpu.vector_load_idx %arg14[%add3A_2570, %broadcast_in_dim3A_2553] : memref<64x128xf32, #tpu.memory_space<vmem>>[vector<16xi32>, vector<16xi32>], vector<16xf32>,
        %swap3A_2572 = arith.index_cast %add3A_2522 : i32 to index
        %swap3A_2573 = arith.constant 32 : index
        %swap3A_2574 = tpu.vector_load %arg20[%swap3A_2572, %swap3A_2573] {strides = array<i32>} : memref<128x64xf32, #tpu.memory_space<vmem>>, vector<16xf32>,
        tpu.vector_store %arg20[%swap3A_2572, %swap3A_2573], %gather3A_2571 {strides = array<i32>} : memref<128x64xf32, #tpu.memory_space<vmem>>, vector<16xf32>,
        %add3A_2575 = arith.constant 48 : i32
        %add3A_2576 = vector.broadcast %add3A_2575 : i32 to vector<16xi32>
        %add3A_2577 = arith.addi %iota3A, %add3A_2576 : vector<16xi32>
        %gather3A_2578 = tpu.vector_load_idx %arg14[%add3A_2577, %broadcast_in_dim3A_2553] : memref<64x128xf32, #tpu.memory_space<vmem>>[vector<16xi32>, vector<16xi32>], vector<16xf32>,
        %swap3A_2579 = arith.index_cast %add3A_2522 : i32 to index
        %swap3A_2580 = arith.constant 48 : index
        %swap3A_2581 = tpu.vector_load %arg20[%swap3A_2579, %swap3A_2580] {strides = array<i32>} : memref<128x64xf32, #tpu.memory_space<vmem>>, vector<16xf32>,
        tpu.vector_store %arg20[%swap3A_2579, %swap3A_2580], %gather3A_2578 {strides = array<i32>} : memref<128x64xf32, #tpu.memory_space<vmem>>, vector<16xf32>,
        %dma_wait3A_2582 = arith.constant 0 : i32
        %dma_wait3A_2583 = tpu.memref_slice %arg3[%dma_wait3A_2582, %multiple_of3A_2140] : memref<64x1000000xf32, #tpu.memory_space<hbm>> -> memref<64x128xf32, #tpu.memory_space<hbm>>
        %dma_wait3A_2584 = arith.constant 0 : i32
        %dma_wait3A_2585 = tpu.memref_slice %arg3[%dma_wait3A_2584, %multiple_of3A_2140] : memref<64x1000000xf32, #tpu.memory_space<hbm>> -> memref<64x128xf32, #tpu.memory_space<hbm>>
        tpu.wait_dma2 semaphore(%arg22 : memref<!tpu.dma_semaphore, #tpu.memory_space<semaphore_mem>>) src(%dma_wait3A_2585 : memref<64x128xf32, #tpu.memory_space<hbm>>) dst(%arg19 : memref<64x128xf32, #tpu.memory_space<vmem>>)
        %slice3A_2586 = vector.extract_strided_slice %get3A_41 {offsets = [8], sizes = [1], strides = [1]} : vector<16xi32> to vector<1xi32>
        %squeeze3A_2587 = vector.extract %slice3A_2586[0] : i32 from vector<1xi32>
        %and3A_2588 = arith.constant 127 : i32
        %and3A_2589 = arith.andi %squeeze3A_2587, %and3A_2588 : i32
        %broadcast_in_dim3A_2590 = vector.broadcast %and3A_2589 : i32 to vector<16xi32>
        %add3A_2591 = arith.constant 0 : i32
        %add3A_2592 = vector.broadcast %add3A_2591 : i32 to vector<16xi32>
        %add3A_2593 = arith.addi %iota3A, %add3A_2592 : vector<16xi32>
        %gather3A_2594 = tpu.vector_load_idx %arg19[%add3A_2593, %broadcast_in_dim3A_2590] : memref<64x128xf32, #tpu.memory_space<vmem>>[vector<16xi32>, vector<16xi32>], vector<16xf32>,
        %swap3A_2595 = arith.index_cast %add3A_2522 : i32 to index
        %swap3A_2596 = arith.constant 0 : index
        %swap3A_2597 = tpu.vector_load %arg21[%swap3A_2595, %swap3A_2596] {strides = array<i32>} : memref<128x64xf32, #tpu.memory_space<vmem>>, vector<16xf32>,
        tpu.vector_store %arg21[%swap3A_2595, %swap3A_2596], %gather3A_2594 {strides = array<i32>} : memref<128x64xf32, #tpu.memory_space<vmem>>, vector<16xf32>,
        %add3A_2598 = arith.constant 16 : i32
        %add3A_2599 = vector.broadcast %add3A_2598 : i32 to vector<16xi32>
        %add3A_2600 = arith.addi %iota3A, %add3A_2599 : vector<16xi32>
        %gather3A_2601 = tpu.vector_load_idx %arg19[%add3A_2600, %broadcast_in_dim3A_2590] : memref<64x128xf32, #tpu.memory_space<vmem>>[vector<16xi32>, vector<16xi32>], vector<16xf32>,
        %swap3A_2602 = arith.index_cast %add3A_2522 : i32 to index
        %swap3A_2603 = arith.constant 16 : index
        %swap3A_2604 = tpu.vector_load %arg21[%swap3A_2602, %swap3A_2603] {strides = array<i32>} : memref<128x64xf32, #tpu.memory_space<vmem>>, vector<16xf32>,
        tpu.vector_store %arg21[%swap3A_2602, %swap3A_2603], %gather3A_2601 {strides = array<i32>} : memref<128x64xf32, #tpu.memory_space<vmem>>, vector<16xf32>,
        %add3A_2605 = arith.constant 32 : i32
        %add3A_2606 = vector.broadcast %add3A_2605 : i32 to vector<16xi32>
        %add3A_2607 = arith.addi %iota3A, %add3A_2606 : vector<16xi32>
        %gather3A_2608 = tpu.vector_load_idx %arg19[%add3A_2607, %broadcast_in_dim3A_2590] : memref<64x128xf32, #tpu.memory_space<vmem>>[vector<16xi32>, vector<16xi32>], vector<16xf32>,
        %swap3A_2609 = arith.index_cast %add3A_2522 : i32 to index
        %swap3A_2610 = arith.constant 32 : index
        %swap3A_2611 = tpu.vector_load %arg21[%swap3A_2609, %swap3A_2610] {strides = array<i32>} : memref<128x64xf32, #tpu.memory_space<vmem>>, vector<16xf32>,
        tpu.vector_store %arg21[%swap3A_2609, %swap3A_2610], %gather3A_2608 {strides = array<i32>} : memref<128x64xf32, #tpu.memory_space<vmem>>, vector<16xf32>,
        %add3A_2612 = arith.constant 48 : i32
        %add3A_2613 = vector.broadcast %add3A_2612 : i32 to vector<16xi32>
        %add3A_2614 = arith.addi %iota3A, %add3A_2613 : vector<16xi32>
        %gather3A_2615 = tpu.vector_load_idx %arg19[%add3A_2614, %broadcast_in_dim3A_2590] : memref<64x128xf32, #tpu.memory_space<vmem>>[vector<16xi32>, vector<16xi32>], vector<16xf32>,
        %swap3A_2616 = arith.index_cast %add3A_2522 : i32 to index
        %swap3A_2617 = arith.constant 48 : index
        %swap3A_2618 = tpu.vector_load %arg21[%swap3A_2616, %swap3A_2617] {strides = array<i32>} : memref<128x64xf32, #tpu.memory_space<vmem>>, vector<16xf32>,
        tpu.vector_store %arg21[%swap3A_2616, %swap3A_2617], %gather3A_2615 {strides = array<i32>} : memref<128x64xf32, #tpu.memory_space<vmem>>, vector<16xf32>,
        %mul3A_2619 = arith.constant 32 : i32
        %mul3A_2620 = arith.muli %scan3A_21, %mul3A_2619 : i32
        %add3A_2621 = arith.constant 25 : i32
        %add3A_2622 = arith.addi %mul3A_2620, %add3A_2621 : i32
        %slice3A_2623 = vector.extract_strided_slice %get3A_33 {offsets = [13], sizes = [1], strides = [1]} : vector<16xi32> to vector<1xi32>
        %squeeze3A_2624 = vector.extract %slice3A_2623[0] : i32 from vector<1xi32>
        %shift_right_arithmetic3A_2625 = arith.constant 7 : i32
        %shift_right_arithmetic3A_2626 = arith.shrsi %squeeze3A_2624, %shift_right_arithmetic3A_2625 : i32
        %shift_left3A_2627 = arith.constant 7 : i32
        %shift_left3A_2628 = arith.shli %shift_right_arithmetic3A_2626, %shift_left3A_2627 : i32
        %multiple_of3A_2629 = tpu.assume_multiple %shift_left3A_2628, 128 : i32
        %dma_start3A_2630 = arith.constant 0 : i32
        %dma_start3A_2631 = tpu.memref_slice %arg2[%dma_start3A_2630, %multiple_of3A_2629] : memref<64x1000000xf32, #tpu.memory_space<hbm>> -> memref<64x128xf32, #tpu.memory_space<hbm>>
        %dma_start3A_2632 = arith.constant 0 : i32
        %dma_start3A_2633 = tpu.memref_slice %arg2[%dma_start3A_2632, %multiple_of3A_2629] : memref<64x1000000xf32, #tpu.memory_space<hbm>> -> memref<64x128xf32, #tpu.memory_space<hbm>>
        tpu.enqueue_dma source(%dma_start3A_2633 : memref<64x128xf32, #tpu.memory_space<hbm>>) target(%arg14 : memref<64x128xf32, #tpu.memory_space<vmem>>) target_semaphore(%arg22 : memref<!tpu.dma_semaphore, #tpu.memory_space<semaphore_mem>>)
        %slice3A_2634 = vector.extract_strided_slice %get3A_41 {offsets = [13], sizes = [1], strides = [1]} : vector<16xi32> to vector<1xi32>
        %squeeze3A_2635 = vector.extract %slice3A_2634[0] : i32 from vector<1xi32>
        %shift_right_arithmetic3A_2636 = arith.constant 7 : i32
        %shift_right_arithmetic3A_2637 = arith.shrsi %squeeze3A_2635, %shift_right_arithmetic3A_2636 : i32
        %shift_left3A_2638 = arith.constant 7 : i32
        %shift_left3A_2639 = arith.shli %shift_right_arithmetic3A_2637, %shift_left3A_2638 : i32
        %multiple_of3A_2640 = tpu.assume_multiple %shift_left3A_2639, 128 : i32
        %dma_start3A_2641 = arith.constant 0 : i32
        %dma_start3A_2642 = tpu.memref_slice %arg3[%dma_start3A_2641, %multiple_of3A_2640] : memref<64x1000000xf32, #tpu.memory_space<hbm>> -> memref<64x128xf32, #tpu.memory_space<hbm>>
        %dma_start3A_2643 = arith.constant 0 : i32
        %dma_start3A_2644 = tpu.memref_slice %arg3[%dma_start3A_2643, %multiple_of3A_2640] : memref<64x1000000xf32, #tpu.memory_space<hbm>> -> memref<64x128xf32, #tpu.memory_space<hbm>>
        tpu.enqueue_dma source(%dma_start3A_2644 : memref<64x128xf32, #tpu.memory_space<hbm>>) target(%arg19 : memref<64x128xf32, #tpu.memory_space<vmem>>) target_semaphore(%arg22 : memref<!tpu.dma_semaphore, #tpu.memory_space<semaphore_mem>>)
        %dma_wait3A_2645 = arith.constant 0 : i32
        %dma_wait3A_2646 = tpu.memref_slice %arg2[%dma_wait3A_2645, %multiple_of3A_2229] : memref<64x1000000xf32, #tpu.memory_space<hbm>> -> memref<64x128xf32, #tpu.memory_space<hbm>>
        %dma_wait3A_2647 = arith.constant 0 : i32
        %dma_wait3A_2648 = tpu.memref_slice %arg2[%dma_wait3A_2647, %multiple_of3A_2229] : memref<64x1000000xf32, #tpu.memory_space<hbm>> -> memref<64x128xf32, #tpu.memory_space<hbm>>
        tpu.wait_dma2 semaphore(%arg22 : memref<!tpu.dma_semaphore, #tpu.memory_space<semaphore_mem>>) src(%dma_wait3A_2648 : memref<64x128xf32, #tpu.memory_space<hbm>>) dst(%arg10 : memref<64x128xf32, #tpu.memory_space<vmem>>)
        %slice3A_2649 = vector.extract_strided_slice %get3A_33 {offsets = [9], sizes = [1], strides = [1]} : vector<16xi32> to vector<1xi32>
        %squeeze3A_2650 = vector.extract %slice3A_2649[0] : i32 from vector<1xi32>
        %and3A_2651 = arith.constant 127 : i32
        %and3A_2652 = arith.andi %squeeze3A_2650, %and3A_2651 : i32
        %broadcast_in_dim3A_2653 = vector.broadcast %and3A_2652 : i32 to vector<16xi32>
        %add3A_2654 = arith.constant 0 : i32
        %add3A_2655 = vector.broadcast %add3A_2654 : i32 to vector<16xi32>
        %add3A_2656 = arith.addi %iota3A, %add3A_2655 : vector<16xi32>
        %gather3A_2657 = tpu.vector_load_idx %arg10[%add3A_2656, %broadcast_in_dim3A_2653] : memref<64x128xf32, #tpu.memory_space<vmem>>[vector<16xi32>, vector<16xi32>], vector<16xf32>,
        %swap3A_2658 = arith.index_cast %add3A_2622 : i32 to index
        %swap3A_2659 = arith.constant 0 : index
        %swap3A_2660 = tpu.vector_load %arg20[%swap3A_2658, %swap3A_2659] {strides = array<i32>} : memref<128x64xf32, #tpu.memory_space<vmem>>, vector<16xf32>,
        tpu.vector_store %arg20[%swap3A_2658, %swap3A_2659], %gather3A_2657 {strides = array<i32>} : memref<128x64xf32, #tpu.memory_space<vmem>>, vector<16xf32>,
        %add3A_2661 = arith.constant 16 : i32
        %add3A_2662 = vector.broadcast %add3A_2661 : i32 to vector<16xi32>
        %add3A_2663 = arith.addi %iota3A, %add3A_2662 : vector<16xi32>
        %gather3A_2664 = tpu.vector_load_idx %arg10[%add3A_2663, %broadcast_in_dim3A_2653] : memref<64x128xf32, #tpu.memory_space<vmem>>[vector<16xi32>, vector<16xi32>], vector<16xf32>,
        %swap3A_2665 = arith.index_cast %add3A_2622 : i32 to index
        %swap3A_2666 = arith.constant 16 : index
        %swap3A_2667 = tpu.vector_load %arg20[%swap3A_2665, %swap3A_2666] {strides = array<i32>} : memref<128x64xf32, #tpu.memory_space<vmem>>, vector<16xf32>,
        tpu.vector_store %arg20[%swap3A_2665, %swap3A_2666], %gather3A_2664 {strides = array<i32>} : memref<128x64xf32, #tpu.memory_space<vmem>>, vector<16xf32>,
        %add3A_2668 = arith.constant 32 : i32
        %add3A_2669 = vector.broadcast %add3A_2668 : i32 to vector<16xi32>
        %add3A_2670 = arith.addi %iota3A, %add3A_2669 : vector<16xi32>
        %gather3A_2671 = tpu.vector_load_idx %arg10[%add3A_2670, %broadcast_in_dim3A_2653] : memref<64x128xf32, #tpu.memory_space<vmem>>[vector<16xi32>, vector<16xi32>], vector<16xf32>,
        %swap3A_2672 = arith.index_cast %add3A_2622 : i32 to index
        %swap3A_2673 = arith.constant 32 : index
        %swap3A_2674 = tpu.vector_load %arg20[%swap3A_2672, %swap3A_2673] {strides = array<i32>} : memref<128x64xf32, #tpu.memory_space<vmem>>, vector<16xf32>,
        tpu.vector_store %arg20[%swap3A_2672, %swap3A_2673], %gather3A_2671 {strides = array<i32>} : memref<128x64xf32, #tpu.memory_space<vmem>>, vector<16xf32>,
        %add3A_2675 = arith.constant 48 : i32
        %add3A_2676 = vector.broadcast %add3A_2675 : i32 to vector<16xi32>
        %add3A_2677 = arith.addi %iota3A, %add3A_2676 : vector<16xi32>
        %gather3A_2678 = tpu.vector_load_idx %arg10[%add3A_2677, %broadcast_in_dim3A_2653] : memref<64x128xf32, #tpu.memory_space<vmem>>[vector<16xi32>, vector<16xi32>], vector<16xf32>,
        %swap3A_2679 = arith.index_cast %add3A_2622 : i32 to index
        %swap3A_2680 = arith.constant 48 : index
        %swap3A_2681 = tpu.vector_load %arg20[%swap3A_2679, %swap3A_2680] {strides = array<i32>} : memref<128x64xf32, #tpu.memory_space<vmem>>, vector<16xf32>,
        tpu.vector_store %arg20[%swap3A_2679, %swap3A_2680], %gather3A_2678 {strides = array<i32>} : memref<128x64xf32, #tpu.memory_space<vmem>>, vector<16xf32>,
        %dma_wait3A_2682 = arith.constant 0 : i32
        %dma_wait3A_2683 = tpu.memref_slice %arg3[%dma_wait3A_2682, %multiple_of3A_2240] : memref<64x1000000xf32, #tpu.memory_space<hbm>> -> memref<64x128xf32, #tpu.memory_space<hbm>>
        %dma_wait3A_2684 = arith.constant 0 : i32
        %dma_wait3A_2685 = tpu.memref_slice %arg3[%dma_wait3A_2684, %multiple_of3A_2240] : memref<64x1000000xf32, #tpu.memory_space<hbm>> -> memref<64x128xf32, #tpu.memory_space<hbm>>
        tpu.wait_dma2 semaphore(%arg22 : memref<!tpu.dma_semaphore, #tpu.memory_space<semaphore_mem>>) src(%dma_wait3A_2685 : memref<64x128xf32, #tpu.memory_space<hbm>>) dst(%arg15 : memref<64x128xf32, #tpu.memory_space<vmem>>)
        %slice3A_2686 = vector.extract_strided_slice %get3A_41 {offsets = [9], sizes = [1], strides = [1]} : vector<16xi32> to vector<1xi32>
        %squeeze3A_2687 = vector.extract %slice3A_2686[0] : i32 from vector<1xi32>
        %and3A_2688 = arith.constant 127 : i32
        %and3A_2689 = arith.andi %squeeze3A_2687, %and3A_2688 : i32
        %broadcast_in_dim3A_2690 = vector.broadcast %and3A_2689 : i32 to vector<16xi32>
        %add3A_2691 = arith.constant 0 : i32
        %add3A_2692 = vector.broadcast %add3A_2691 : i32 to vector<16xi32>
        %add3A_2693 = arith.addi %iota3A, %add3A_2692 : vector<16xi32>
        %gather3A_2694 = tpu.vector_load_idx %arg15[%add3A_2693, %broadcast_in_dim3A_2690] : memref<64x128xf32, #tpu.memory_space<vmem>>[vector<16xi32>, vector<16xi32>], vector<16xf32>,
        %swap3A_2695 = arith.index_cast %add3A_2622 : i32 to index
        %swap3A_2696 = arith.constant 0 : index
        %swap3A_2697 = tpu.vector_load %arg21[%swap3A_2695, %swap3A_2696] {strides = array<i32>} : memref<128x64xf32, #tpu.memory_space<vmem>>, vector<16xf32>,
        tpu.vector_store %arg21[%swap3A_2695, %swap3A_2696], %gather3A_2694 {strides = array<i32>} : memref<128x64xf32, #tpu.memory_space<vmem>>, vector<16xf32>,
        %add3A_2698 = arith.constant 16 : i32
        %add3A_2699 = vector.broadcast %add3A_2698 : i32 to vector<16xi32>
        %add3A_2700 = arith.addi %iota3A, %add3A_2699 : vector<16xi32>
        %gather3A_2701 = tpu.vector_load_idx %arg15[%add3A_2700, %broadcast_in_dim3A_2690] : memref<64x128xf32, #tpu.memory_space<vmem>>[vector<16xi32>, vector<16xi32>], vector<16xf32>,
        %swap3A_2702 = arith.index_cast %add3A_2622 : i32 to index
        %swap3A_2703 = arith.constant 16 : index
        %swap3A_2704 = tpu.vector_load %arg21[%swap3A_2702, %swap3A_2703] {strides = array<i32>} : memref<128x64xf32, #tpu.memory_space<vmem>>, vector<16xf32>,
        tpu.vector_store %arg21[%swap3A_2702, %swap3A_2703], %gather3A_2701 {strides = array<i32>} : memref<128x64xf32, #tpu.memory_space<vmem>>, vector<16xf32>,
        %add3A_2705 = arith.constant 32 : i32
        %add3A_2706 = vector.broadcast %add3A_2705 : i32 to vector<16xi32>
        %add3A_2707 = arith.addi %iota3A, %add3A_2706 : vector<16xi32>
        %gather3A_2708 = tpu.vector_load_idx %arg15[%add3A_2707, %broadcast_in_dim3A_2690] : memref<64x128xf32, #tpu.memory_space<vmem>>[vector<16xi32>, vector<16xi32>], vector<16xf32>,
        %swap3A_2709 = arith.index_cast %add3A_2622 : i32 to index
        %swap3A_2710 = arith.constant 32 : index
        %swap3A_2711 = tpu.vector_load %arg21[%swap3A_2709, %swap3A_2710] {strides = array<i32>} : memref<128x64xf32, #tpu.memory_space<vmem>>, vector<16xf32>,
        tpu.vector_store %arg21[%swap3A_2709, %swap3A_2710], %gather3A_2708 {strides = array<i32>} : memref<128x64xf32, #tpu.memory_space<vmem>>, vector<16xf32>,
        %add3A_2712 = arith.constant 48 : i32
        %add3A_2713 = vector.broadcast %add3A_2712 : i32 to vector<16xi32>
        %add3A_2714 = arith.addi %iota3A, %add3A_2713 : vector<16xi32>
        %gather3A_2715 = tpu.vector_load_idx %arg15[%add3A_2714, %broadcast_in_dim3A_2690] : memref<64x128xf32, #tpu.memory_space<vmem>>[vector<16xi32>, vector<16xi32>], vector<16xf32>,
        %swap3A_2716 = arith.index_cast %add3A_2622 : i32 to index
        %swap3A_2717 = arith.constant 48 : index
        %swap3A_2718 = tpu.vector_load %arg21[%swap3A_2716, %swap3A_2717] {strides = array<i32>} : memref<128x64xf32, #tpu.memory_space<vmem>>, vector<16xf32>,
        tpu.vector_store %arg21[%swap3A_2716, %swap3A_2717], %gather3A_2715 {strides = array<i32>} : memref<128x64xf32, #tpu.memory_space<vmem>>, vector<16xf32>,
        %mul3A_2719 = arith.constant 32 : i32
        %mul3A_2720 = arith.muli %scan3A_21, %mul3A_2719 : i32
        %add3A_2721 = arith.constant 26 : i32
        %add3A_2722 = arith.addi %mul3A_2720, %add3A_2721 : i32
        %slice3A_2723 = vector.extract_strided_slice %get3A_33 {offsets = [14], sizes = [1], strides = [1]} : vector<16xi32> to vector<1xi32>
        %squeeze3A_2724 = vector.extract %slice3A_2723[0] : i32 from vector<1xi32>
        %shift_right_arithmetic3A_2725 = arith.constant 7 : i32
        %shift_right_arithmetic3A_2726 = arith.shrsi %squeeze3A_2724, %shift_right_arithmetic3A_2725 : i32
        %shift_left3A_2727 = arith.constant 7 : i32
        %shift_left3A_2728 = arith.shli %shift_right_arithmetic3A_2726, %shift_left3A_2727 : i32
        %multiple_of3A_2729 = tpu.assume_multiple %shift_left3A_2728, 128 : i32
        %dma_start3A_2730 = arith.constant 0 : i32
        %dma_start3A_2731 = tpu.memref_slice %arg2[%dma_start3A_2730, %multiple_of3A_2729] : memref<64x1000000xf32, #tpu.memory_space<hbm>> -> memref<64x128xf32, #tpu.memory_space<hbm>>
        %dma_start3A_2732 = arith.constant 0 : i32
        %dma_start3A_2733 = tpu.memref_slice %arg2[%dma_start3A_2732, %multiple_of3A_2729] : memref<64x1000000xf32, #tpu.memory_space<hbm>> -> memref<64x128xf32, #tpu.memory_space<hbm>>
        tpu.enqueue_dma source(%dma_start3A_2733 : memref<64x128xf32, #tpu.memory_space<hbm>>) target(%arg10 : memref<64x128xf32, #tpu.memory_space<vmem>>) target_semaphore(%arg22 : memref<!tpu.dma_semaphore, #tpu.memory_space<semaphore_mem>>)
        %slice3A_2734 = vector.extract_strided_slice %get3A_41 {offsets = [14], sizes = [1], strides = [1]} : vector<16xi32> to vector<1xi32>
        %squeeze3A_2735 = vector.extract %slice3A_2734[0] : i32 from vector<1xi32>
        %shift_right_arithmetic3A_2736 = arith.constant 7 : i32
        %shift_right_arithmetic3A_2737 = arith.shrsi %squeeze3A_2735, %shift_right_arithmetic3A_2736 : i32
        %shift_left3A_2738 = arith.constant 7 : i32
        %shift_left3A_2739 = arith.shli %shift_right_arithmetic3A_2737, %shift_left3A_2738 : i32
        %multiple_of3A_2740 = tpu.assume_multiple %shift_left3A_2739, 128 : i32
        %dma_start3A_2741 = arith.constant 0 : i32
        %dma_start3A_2742 = tpu.memref_slice %arg3[%dma_start3A_2741, %multiple_of3A_2740] : memref<64x1000000xf32, #tpu.memory_space<hbm>> -> memref<64x128xf32, #tpu.memory_space<hbm>>
        %dma_start3A_2743 = arith.constant 0 : i32
        %dma_start3A_2744 = tpu.memref_slice %arg3[%dma_start3A_2743, %multiple_of3A_2740] : memref<64x1000000xf32, #tpu.memory_space<hbm>> -> memref<64x128xf32, #tpu.memory_space<hbm>>
        tpu.enqueue_dma source(%dma_start3A_2744 : memref<64x128xf32, #tpu.memory_space<hbm>>) target(%arg15 : memref<64x128xf32, #tpu.memory_space<vmem>>) target_semaphore(%arg22 : memref<!tpu.dma_semaphore, #tpu.memory_space<semaphore_mem>>)
        %dma_wait3A_2745 = arith.constant 0 : i32
        %dma_wait3A_2746 = tpu.memref_slice %arg2[%dma_wait3A_2745, %multiple_of3A_2329] : memref<64x1000000xf32, #tpu.memory_space<hbm>> -> memref<64x128xf32, #tpu.memory_space<hbm>>
        %dma_wait3A_2747 = arith.constant 0 : i32
        %dma_wait3A_2748 = tpu.memref_slice %arg2[%dma_wait3A_2747, %multiple_of3A_2329] : memref<64x1000000xf32, #tpu.memory_space<hbm>> -> memref<64x128xf32, #tpu.memory_space<hbm>>
        tpu.wait_dma2 semaphore(%arg22 : memref<!tpu.dma_semaphore, #tpu.memory_space<semaphore_mem>>) src(%dma_wait3A_2748 : memref<64x128xf32, #tpu.memory_space<hbm>>) dst(%arg11 : memref<64x128xf32, #tpu.memory_space<vmem>>)
        %slice3A_2749 = vector.extract_strided_slice %get3A_33 {offsets = [10], sizes = [1], strides = [1]} : vector<16xi32> to vector<1xi32>
        %squeeze3A_2750 = vector.extract %slice3A_2749[0] : i32 from vector<1xi32>
        %and3A_2751 = arith.constant 127 : i32
        %and3A_2752 = arith.andi %squeeze3A_2750, %and3A_2751 : i32
        %broadcast_in_dim3A_2753 = vector.broadcast %and3A_2752 : i32 to vector<16xi32>
        %add3A_2754 = arith.constant 0 : i32
        %add3A_2755 = vector.broadcast %add3A_2754 : i32 to vector<16xi32>
        %add3A_2756 = arith.addi %iota3A, %add3A_2755 : vector<16xi32>
        %gather3A_2757 = tpu.vector_load_idx %arg11[%add3A_2756, %broadcast_in_dim3A_2753] : memref<64x128xf32, #tpu.memory_space<vmem>>[vector<16xi32>, vector<16xi32>], vector<16xf32>,
        %swap3A_2758 = arith.index_cast %add3A_2722 : i32 to index
        %swap3A_2759 = arith.constant 0 : index
        %swap3A_2760 = tpu.vector_load %arg20[%swap3A_2758, %swap3A_2759] {strides = array<i32>} : memref<128x64xf32, #tpu.memory_space<vmem>>, vector<16xf32>,
        tpu.vector_store %arg20[%swap3A_2758, %swap3A_2759], %gather3A_2757 {strides = array<i32>} : memref<128x64xf32, #tpu.memory_space<vmem>>, vector<16xf32>,
        %add3A_2761 = arith.constant 16 : i32
        %add3A_2762 = vector.broadcast %add3A_2761 : i32 to vector<16xi32>
        %add3A_2763 = arith.addi %iota3A, %add3A_2762 : vector<16xi32>
        %gather3A_2764 = tpu.vector_load_idx %arg11[%add3A_2763, %broadcast_in_dim3A_2753] : memref<64x128xf32, #tpu.memory_space<vmem>>[vector<16xi32>, vector<16xi32>], vector<16xf32>,
        %swap3A_2765 = arith.index_cast %add3A_2722 : i32 to index
        %swap3A_2766 = arith.constant 16 : index
        %swap3A_2767 = tpu.vector_load %arg20[%swap3A_2765, %swap3A_2766] {strides = array<i32>} : memref<128x64xf32, #tpu.memory_space<vmem>>, vector<16xf32>,
        tpu.vector_store %arg20[%swap3A_2765, %swap3A_2766], %gather3A_2764 {strides = array<i32>} : memref<128x64xf32, #tpu.memory_space<vmem>>, vector<16xf32>,
        %add3A_2768 = arith.constant 32 : i32
        %add3A_2769 = vector.broadcast %add3A_2768 : i32 to vector<16xi32>
        %add3A_2770 = arith.addi %iota3A, %add3A_2769 : vector<16xi32>
        %gather3A_2771 = tpu.vector_load_idx %arg11[%add3A_2770, %broadcast_in_dim3A_2753] : memref<64x128xf32, #tpu.memory_space<vmem>>[vector<16xi32>, vector<16xi32>], vector<16xf32>,
        %swap3A_2772 = arith.index_cast %add3A_2722 : i32 to index
        %swap3A_2773 = arith.constant 32 : index
        %swap3A_2774 = tpu.vector_load %arg20[%swap3A_2772, %swap3A_2773] {strides = array<i32>} : memref<128x64xf32, #tpu.memory_space<vmem>>, vector<16xf32>,
        tpu.vector_store %arg20[%swap3A_2772, %swap3A_2773], %gather3A_2771 {strides = array<i32>} : memref<128x64xf32, #tpu.memory_space<vmem>>, vector<16xf32>,
        %add3A_2775 = arith.constant 48 : i32
        %add3A_2776 = vector.broadcast %add3A_2775 : i32 to vector<16xi32>
        %add3A_2777 = arith.addi %iota3A, %add3A_2776 : vector<16xi32>
        %gather3A_2778 = tpu.vector_load_idx %arg11[%add3A_2777, %broadcast_in_dim3A_2753] : memref<64x128xf32, #tpu.memory_space<vmem>>[vector<16xi32>, vector<16xi32>], vector<16xf32>,
        %swap3A_2779 = arith.index_cast %add3A_2722 : i32 to index
        %swap3A_2780 = arith.constant 48 : index
        %swap3A_2781 = tpu.vector_load %arg20[%swap3A_2779, %swap3A_2780] {strides = array<i32>} : memref<128x64xf32, #tpu.memory_space<vmem>>, vector<16xf32>,
        tpu.vector_store %arg20[%swap3A_2779, %swap3A_2780], %gather3A_2778 {strides = array<i32>} : memref<128x64xf32, #tpu.memory_space<vmem>>, vector<16xf32>,
        %dma_wait3A_2782 = arith.constant 0 : i32
        %dma_wait3A_2783 = tpu.memref_slice %arg3[%dma_wait3A_2782, %multiple_of3A_2340] : memref<64x1000000xf32, #tpu.memory_space<hbm>> -> memref<64x128xf32, #tpu.memory_space<hbm>>
        %dma_wait3A_2784 = arith.constant 0 : i32
        %dma_wait3A_2785 = tpu.memref_slice %arg3[%dma_wait3A_2784, %multiple_of3A_2340] : memref<64x1000000xf32, #tpu.memory_space<hbm>> -> memref<64x128xf32, #tpu.memory_space<hbm>>
        tpu.wait_dma2 semaphore(%arg22 : memref<!tpu.dma_semaphore, #tpu.memory_space<semaphore_mem>>) src(%dma_wait3A_2785 : memref<64x128xf32, #tpu.memory_space<hbm>>) dst(%arg16 : memref<64x128xf32, #tpu.memory_space<vmem>>)
        %slice3A_2786 = vector.extract_strided_slice %get3A_41 {offsets = [10], sizes = [1], strides = [1]} : vector<16xi32> to vector<1xi32>
        %squeeze3A_2787 = vector.extract %slice3A_2786[0] : i32 from vector<1xi32>
        %and3A_2788 = arith.constant 127 : i32
        %and3A_2789 = arith.andi %squeeze3A_2787, %and3A_2788 : i32
        %broadcast_in_dim3A_2790 = vector.broadcast %and3A_2789 : i32 to vector<16xi32>
        %add3A_2791 = arith.constant 0 : i32
        %add3A_2792 = vector.broadcast %add3A_2791 : i32 to vector<16xi32>
        %add3A_2793 = arith.addi %iota3A, %add3A_2792 : vector<16xi32>
        %gather3A_2794 = tpu.vector_load_idx %arg16[%add3A_2793, %broadcast_in_dim3A_2790] : memref<64x128xf32, #tpu.memory_space<vmem>>[vector<16xi32>, vector<16xi32>], vector<16xf32>,
        %swap3A_2795 = arith.index_cast %add3A_2722 : i32 to index
        %swap3A_2796 = arith.constant 0 : index
        %swap3A_2797 = tpu.vector_load %arg21[%swap3A_2795, %swap3A_2796] {strides = array<i32>} : memref<128x64xf32, #tpu.memory_space<vmem>>, vector<16xf32>,
        tpu.vector_store %arg21[%swap3A_2795, %swap3A_2796], %gather3A_2794 {strides = array<i32>} : memref<128x64xf32, #tpu.memory_space<vmem>>, vector<16xf32>,
        %add3A_2798 = arith.constant 16 : i32
        %add3A_2799 = vector.broadcast %add3A_2798 : i32 to vector<16xi32>
        %add3A_2800 = arith.addi %iota3A, %add3A_2799 : vector<16xi32>
        %gather3A_2801 = tpu.vector_load_idx %arg16[%add3A_2800, %broadcast_in_dim3A_2790] : memref<64x128xf32, #tpu.memory_space<vmem>>[vector<16xi32>, vector<16xi32>], vector<16xf32>,
        %swap3A_2802 = arith.index_cast %add3A_2722 : i32 to index
        %swap3A_2803 = arith.constant 16 : index
        %swap3A_2804 = tpu.vector_load %arg21[%swap3A_2802, %swap3A_2803] {strides = array<i32>} : memref<128x64xf32, #tpu.memory_space<vmem>>, vector<16xf32>,
        tpu.vector_store %arg21[%swap3A_2802, %swap3A_2803], %gather3A_2801 {strides = array<i32>} : memref<128x64xf32, #tpu.memory_space<vmem>>, vector<16xf32>,
        %add3A_2805 = arith.constant 32 : i32
        %add3A_2806 = vector.broadcast %add3A_2805 : i32 to vector<16xi32>
        %add3A_2807 = arith.addi %iota3A, %add3A_2806 : vector<16xi32>
        %gather3A_2808 = tpu.vector_load_idx %arg16[%add3A_2807, %broadcast_in_dim3A_2790] : memref<64x128xf32, #tpu.memory_space<vmem>>[vector<16xi32>, vector<16xi32>], vector<16xf32>,
        %swap3A_2809 = arith.index_cast %add3A_2722 : i32 to index
        %swap3A_2810 = arith.constant 32 : index
        %swap3A_2811 = tpu.vector_load %arg21[%swap3A_2809, %swap3A_2810] {strides = array<i32>} : memref<128x64xf32, #tpu.memory_space<vmem>>, vector<16xf32>,
        tpu.vector_store %arg21[%swap3A_2809, %swap3A_2810], %gather3A_2808 {strides = array<i32>} : memref<128x64xf32, #tpu.memory_space<vmem>>, vector<16xf32>,
        %add3A_2812 = arith.constant 48 : i32
        %add3A_2813 = vector.broadcast %add3A_2812 : i32 to vector<16xi32>
        %add3A_2814 = arith.addi %iota3A, %add3A_2813 : vector<16xi32>
        %gather3A_2815 = tpu.vector_load_idx %arg16[%add3A_2814, %broadcast_in_dim3A_2790] : memref<64x128xf32, #tpu.memory_space<vmem>>[vector<16xi32>, vector<16xi32>], vector<16xf32>,
        %swap3A_2816 = arith.index_cast %add3A_2722 : i32 to index
        %swap3A_2817 = arith.constant 48 : index
        %swap3A_2818 = tpu.vector_load %arg21[%swap3A_2816, %swap3A_2817] {strides = array<i32>} : memref<128x64xf32, #tpu.memory_space<vmem>>, vector<16xf32>,
        tpu.vector_store %arg21[%swap3A_2816, %swap3A_2817], %gather3A_2815 {strides = array<i32>} : memref<128x64xf32, #tpu.memory_space<vmem>>, vector<16xf32>,
        %mul3A_2819 = arith.constant 32 : i32
        %mul3A_2820 = arith.muli %scan3A_21, %mul3A_2819 : i32
        %add3A_2821 = arith.constant 27 : i32
        %add3A_2822 = arith.addi %mul3A_2820, %add3A_2821 : i32
        %slice3A_2823 = vector.extract_strided_slice %get3A_33 {offsets = [15], sizes = [1], strides = [1]} : vector<16xi32> to vector<1xi32>
        %squeeze3A_2824 = vector.extract %slice3A_2823[0] : i32 from vector<1xi32>
        %shift_right_arithmetic3A_2825 = arith.constant 7 : i32
        %shift_right_arithmetic3A_2826 = arith.shrsi %squeeze3A_2824, %shift_right_arithmetic3A_2825 : i32
        %shift_left3A_2827 = arith.constant 7 : i32
        %shift_left3A_2828 = arith.shli %shift_right_arithmetic3A_2826, %shift_left3A_2827 : i32
        %multiple_of3A_2829 = tpu.assume_multiple %shift_left3A_2828, 128 : i32
        %dma_start3A_2830 = arith.constant 0 : i32
        %dma_start3A_2831 = tpu.memref_slice %arg2[%dma_start3A_2830, %multiple_of3A_2829] : memref<64x1000000xf32, #tpu.memory_space<hbm>> -> memref<64x128xf32, #tpu.memory_space<hbm>>
        %dma_start3A_2832 = arith.constant 0 : i32
        %dma_start3A_2833 = tpu.memref_slice %arg2[%dma_start3A_2832, %multiple_of3A_2829] : memref<64x1000000xf32, #tpu.memory_space<hbm>> -> memref<64x128xf32, #tpu.memory_space<hbm>>
        tpu.enqueue_dma source(%dma_start3A_2833 : memref<64x128xf32, #tpu.memory_space<hbm>>) target(%arg11 : memref<64x128xf32, #tpu.memory_space<vmem>>) target_semaphore(%arg22 : memref<!tpu.dma_semaphore, #tpu.memory_space<semaphore_mem>>)
        %slice3A_2834 = vector.extract_strided_slice %get3A_41 {offsets = [15], sizes = [1], strides = [1]} : vector<16xi32> to vector<1xi32>
        %squeeze3A_2835 = vector.extract %slice3A_2834[0] : i32 from vector<1xi32>
        %shift_right_arithmetic3A_2836 = arith.constant 7 : i32
        %shift_right_arithmetic3A_2837 = arith.shrsi %squeeze3A_2835, %shift_right_arithmetic3A_2836 : i32
        %shift_left3A_2838 = arith.constant 7 : i32
        %shift_left3A_2839 = arith.shli %shift_right_arithmetic3A_2837, %shift_left3A_2838 : i32
        %multiple_of3A_2840 = tpu.assume_multiple %shift_left3A_2839, 128 : i32
        %dma_start3A_2841 = arith.constant 0 : i32
        %dma_start3A_2842 = tpu.memref_slice %arg3[%dma_start3A_2841, %multiple_of3A_2840] : memref<64x1000000xf32, #tpu.memory_space<hbm>> -> memref<64x128xf32, #tpu.memory_space<hbm>>
        %dma_start3A_2843 = arith.constant 0 : i32
        %dma_start3A_2844 = tpu.memref_slice %arg3[%dma_start3A_2843, %multiple_of3A_2840] : memref<64x1000000xf32, #tpu.memory_space<hbm>> -> memref<64x128xf32, #tpu.memory_space<hbm>>
        tpu.enqueue_dma source(%dma_start3A_2844 : memref<64x128xf32, #tpu.memory_space<hbm>>) target(%arg16 : memref<64x128xf32, #tpu.memory_space<vmem>>) target_semaphore(%arg22 : memref<!tpu.dma_semaphore, #tpu.memory_space<semaphore_mem>>)
        %dma_wait3A_2845 = arith.constant 0 : i32
        %dma_wait3A_2846 = tpu.memref_slice %arg2[%dma_wait3A_2845, %multiple_of3A_2429] : memref<64x1000000xf32, #tpu.memory_space<hbm>> -> memref<64x128xf32, #tpu.memory_space<hbm>>
        %dma_wait3A_2847 = arith.constant 0 : i32
        %dma_wait3A_2848 = tpu.memref_slice %arg2[%dma_wait3A_2847, %multiple_of3A_2429] : memref<64x1000000xf32, #tpu.memory_space<hbm>> -> memref<64x128xf32, #tpu.memory_space<hbm>>
        tpu.wait_dma2 semaphore(%arg22 : memref<!tpu.dma_semaphore, #tpu.memory_space<semaphore_mem>>) src(%dma_wait3A_2848 : memref<64x128xf32, #tpu.memory_space<hbm>>) dst(%arg12 : memref<64x128xf32, #tpu.memory_space<vmem>>)
        %slice3A_2849 = vector.extract_strided_slice %get3A_33 {offsets = [11], sizes = [1], strides = [1]} : vector<16xi32> to vector<1xi32>
        %squeeze3A_2850 = vector.extract %slice3A_2849[0] : i32 from vector<1xi32>
        %and3A_2851 = arith.constant 127 : i32
        %and3A_2852 = arith.andi %squeeze3A_2850, %and3A_2851 : i32
        %broadcast_in_dim3A_2853 = vector.broadcast %and3A_2852 : i32 to vector<16xi32>
        %add3A_2854 = arith.constant 0 : i32
        %add3A_2855 = vector.broadcast %add3A_2854 : i32 to vector<16xi32>
        %add3A_2856 = arith.addi %iota3A, %add3A_2855 : vector<16xi32>
        %gather3A_2857 = tpu.vector_load_idx %arg12[%add3A_2856, %broadcast_in_dim3A_2853] : memref<64x128xf32, #tpu.memory_space<vmem>>[vector<16xi32>, vector<16xi32>], vector<16xf32>,
        %swap3A_2858 = arith.index_cast %add3A_2822 : i32 to index
        %swap3A_2859 = arith.constant 0 : index
        %swap3A_2860 = tpu.vector_load %arg20[%swap3A_2858, %swap3A_2859] {strides = array<i32>} : memref<128x64xf32, #tpu.memory_space<vmem>>, vector<16xf32>,
        tpu.vector_store %arg20[%swap3A_2858, %swap3A_2859], %gather3A_2857 {strides = array<i32>} : memref<128x64xf32, #tpu.memory_space<vmem>>, vector<16xf32>,
        %add3A_2861 = arith.constant 16 : i32
        %add3A_2862 = vector.broadcast %add3A_2861 : i32 to vector<16xi32>
        %add3A_2863 = arith.addi %iota3A, %add3A_2862 : vector<16xi32>
        %gather3A_2864 = tpu.vector_load_idx %arg12[%add3A_2863, %broadcast_in_dim3A_2853] : memref<64x128xf32, #tpu.memory_space<vmem>>[vector<16xi32>, vector<16xi32>], vector<16xf32>,
        %swap3A_2865 = arith.index_cast %add3A_2822 : i32 to index
        %swap3A_2866 = arith.constant 16 : index
        %swap3A_2867 = tpu.vector_load %arg20[%swap3A_2865, %swap3A_2866] {strides = array<i32>} : memref<128x64xf32, #tpu.memory_space<vmem>>, vector<16xf32>,
        tpu.vector_store %arg20[%swap3A_2865, %swap3A_2866], %gather3A_2864 {strides = array<i32>} : memref<128x64xf32, #tpu.memory_space<vmem>>, vector<16xf32>,
        %add3A_2868 = arith.constant 32 : i32
        %add3A_2869 = vector.broadcast %add3A_2868 : i32 to vector<16xi32>
        %add3A_2870 = arith.addi %iota3A, %add3A_2869 : vector<16xi32>
        %gather3A_2871 = tpu.vector_load_idx %arg12[%add3A_2870, %broadcast_in_dim3A_2853] : memref<64x128xf32, #tpu.memory_space<vmem>>[vector<16xi32>, vector<16xi32>], vector<16xf32>,
        %swap3A_2872 = arith.index_cast %add3A_2822 : i32 to index
        %swap3A_2873 = arith.constant 32 : index
        %swap3A_2874 = tpu.vector_load %arg20[%swap3A_2872, %swap3A_2873] {strides = array<i32>} : memref<128x64xf32, #tpu.memory_space<vmem>>, vector<16xf32>,
        tpu.vector_store %arg20[%swap3A_2872, %swap3A_2873], %gather3A_2871 {strides = array<i32>} : memref<128x64xf32, #tpu.memory_space<vmem>>, vector<16xf32>,
        %add3A_2875 = arith.constant 48 : i32
        %add3A_2876 = vector.broadcast %add3A_2875 : i32 to vector<16xi32>
        %add3A_2877 = arith.addi %iota3A, %add3A_2876 : vector<16xi32>
        %gather3A_2878 = tpu.vector_load_idx %arg12[%add3A_2877, %broadcast_in_dim3A_2853] : memref<64x128xf32, #tpu.memory_space<vmem>>[vector<16xi32>, vector<16xi32>], vector<16xf32>,
        %swap3A_2879 = arith.index_cast %add3A_2822 : i32 to index
        %swap3A_2880 = arith.constant 48 : index
        %swap3A_2881 = tpu.vector_load %arg20[%swap3A_2879, %swap3A_2880] {strides = array<i32>} : memref<128x64xf32, #tpu.memory_space<vmem>>, vector<16xf32>,
        tpu.vector_store %arg20[%swap3A_2879, %swap3A_2880], %gather3A_2878 {strides = array<i32>} : memref<128x64xf32, #tpu.memory_space<vmem>>, vector<16xf32>,
        %dma_wait3A_2882 = arith.constant 0 : i32
        %dma_wait3A_2883 = tpu.memref_slice %arg3[%dma_wait3A_2882, %multiple_of3A_2440] : memref<64x1000000xf32, #tpu.memory_space<hbm>> -> memref<64x128xf32, #tpu.memory_space<hbm>>
        %dma_wait3A_2884 = arith.constant 0 : i32
        %dma_wait3A_2885 = tpu.memref_slice %arg3[%dma_wait3A_2884, %multiple_of3A_2440] : memref<64x1000000xf32, #tpu.memory_space<hbm>> -> memref<64x128xf32, #tpu.memory_space<hbm>>
        tpu.wait_dma2 semaphore(%arg22 : memref<!tpu.dma_semaphore, #tpu.memory_space<semaphore_mem>>) src(%dma_wait3A_2885 : memref<64x128xf32, #tpu.memory_space<hbm>>) dst(%arg17 : memref<64x128xf32, #tpu.memory_space<vmem>>)
        %slice3A_2886 = vector.extract_strided_slice %get3A_41 {offsets = [11], sizes = [1], strides = [1]} : vector<16xi32> to vector<1xi32>
        %squeeze3A_2887 = vector.extract %slice3A_2886[0] : i32 from vector<1xi32>
        %and3A_2888 = arith.constant 127 : i32
        %and3A_2889 = arith.andi %squeeze3A_2887, %and3A_2888 : i32
        %broadcast_in_dim3A_2890 = vector.broadcast %and3A_2889 : i32 to vector<16xi32>
        %add3A_2891 = arith.constant 0 : i32
        %add3A_2892 = vector.broadcast %add3A_2891 : i32 to vector<16xi32>
        %add3A_2893 = arith.addi %iota3A, %add3A_2892 : vector<16xi32>
        %gather3A_2894 = tpu.vector_load_idx %arg17[%add3A_2893, %broadcast_in_dim3A_2890] : memref<64x128xf32, #tpu.memory_space<vmem>>[vector<16xi32>, vector<16xi32>], vector<16xf32>,
        %swap3A_2895 = arith.index_cast %add3A_2822 : i32 to index
        %swap3A_2896 = arith.constant 0 : index
        %swap3A_2897 = tpu.vector_load %arg21[%swap3A_2895, %swap3A_2896] {strides = array<i32>} : memref<128x64xf32, #tpu.memory_space<vmem>>, vector<16xf32>,
        tpu.vector_store %arg21[%swap3A_2895, %swap3A_2896], %gather3A_2894 {strides = array<i32>} : memref<128x64xf32, #tpu.memory_space<vmem>>, vector<16xf32>,
        %add3A_2898 = arith.constant 16 : i32
        %add3A_2899 = vector.broadcast %add3A_2898 : i32 to vector<16xi32>
        %add3A_2900 = arith.addi %iota3A, %add3A_2899 : vector<16xi32>
        %gather3A_2901 = tpu.vector_load_idx %arg17[%add3A_2900, %broadcast_in_dim3A_2890] : memref<64x128xf32, #tpu.memory_space<vmem>>[vector<16xi32>, vector<16xi32>], vector<16xf32>,
        %swap3A_2902 = arith.index_cast %add3A_2822 : i32 to index
        %swap3A_2903 = arith.constant 16 : index
        %swap3A_2904 = tpu.vector_load %arg21[%swap3A_2902, %swap3A_2903] {strides = array<i32>} : memref<128x64xf32, #tpu.memory_space<vmem>>, vector<16xf32>,
        tpu.vector_store %arg21[%swap3A_2902, %swap3A_2903], %gather3A_2901 {strides = array<i32>} : memref<128x64xf32, #tpu.memory_space<vmem>>, vector<16xf32>,
        %add3A_2905 = arith.constant 32 : i32
        %add3A_2906 = vector.broadcast %add3A_2905 : i32 to vector<16xi32>
        %add3A_2907 = arith.addi %iota3A, %add3A_2906 : vector<16xi32>
        %gather3A_2908 = tpu.vector_load_idx %arg17[%add3A_2907, %broadcast_in_dim3A_2890] : memref<64x128xf32, #tpu.memory_space<vmem>>[vector<16xi32>, vector<16xi32>], vector<16xf32>,
        %swap3A_2909 = arith.index_cast %add3A_2822 : i32 to index
        %swap3A_2910 = arith.constant 32 : index
        %swap3A_2911 = tpu.vector_load %arg21[%swap3A_2909, %swap3A_2910] {strides = array<i32>} : memref<128x64xf32, #tpu.memory_space<vmem>>, vector<16xf32>,
        tpu.vector_store %arg21[%swap3A_2909, %swap3A_2910], %gather3A_2908 {strides = array<i32>} : memref<128x64xf32, #tpu.memory_space<vmem>>, vector<16xf32>,
        %add3A_2912 = arith.constant 48 : i32
        %add3A_2913 = vector.broadcast %add3A_2912 : i32 to vector<16xi32>
        %add3A_2914 = arith.addi %iota3A, %add3A_2913 : vector<16xi32>
        %gather3A_2915 = tpu.vector_load_idx %arg17[%add3A_2914, %broadcast_in_dim3A_2890] : memref<64x128xf32, #tpu.memory_space<vmem>>[vector<16xi32>, vector<16xi32>], vector<16xf32>,
        %swap3A_2916 = arith.index_cast %add3A_2822 : i32 to index
        %swap3A_2917 = arith.constant 48 : index
        %swap3A_2918 = tpu.vector_load %arg21[%swap3A_2916, %swap3A_2917] {strides = array<i32>} : memref<128x64xf32, #tpu.memory_space<vmem>>, vector<16xf32>,
        tpu.vector_store %arg21[%swap3A_2916, %swap3A_2917], %gather3A_2915 {strides = array<i32>} : memref<128x64xf32, #tpu.memory_space<vmem>>, vector<16xf32>,
        %mul3A_2919 = arith.constant 32 : i32
        %mul3A_2920 = arith.muli %scan3A_21, %mul3A_2919 : i32
        %add3A_2921 = arith.constant 28 : i32
        %add3A_2922 = arith.addi %mul3A_2920, %add3A_2921 : i32
        %dma_wait3A_2923 = arith.constant 0 : i32
        %dma_wait3A_2924 = tpu.memref_slice %arg2[%dma_wait3A_2923, %multiple_of3A_2529] : memref<64x1000000xf32, #tpu.memory_space<hbm>> -> memref<64x128xf32, #tpu.memory_space<hbm>>
        %dma_wait3A_2925 = arith.constant 0 : i32
        %dma_wait3A_2926 = tpu.memref_slice %arg2[%dma_wait3A_2925, %multiple_of3A_2529] : memref<64x1000000xf32, #tpu.memory_space<hbm>> -> memref<64x128xf32, #tpu.memory_space<hbm>>
        tpu.wait_dma2 semaphore(%arg22 : memref<!tpu.dma_semaphore, #tpu.memory_space<semaphore_mem>>) src(%dma_wait3A_2926 : memref<64x128xf32, #tpu.memory_space<hbm>>) dst(%arg13 : memref<64x128xf32, #tpu.memory_space<vmem>>)
        %slice3A_2927 = vector.extract_strided_slice %get3A_33 {offsets = [12], sizes = [1], strides = [1]} : vector<16xi32> to vector<1xi32>
        %squeeze3A_2928 = vector.extract %slice3A_2927[0] : i32 from vector<1xi32>
        %and3A_2929 = arith.constant 127 : i32
        %and3A_2930 = arith.andi %squeeze3A_2928, %and3A_2929 : i32
        %broadcast_in_dim3A_2931 = vector.broadcast %and3A_2930 : i32 to vector<16xi32>
        %add3A_2932 = arith.constant 0 : i32
        %add3A_2933 = vector.broadcast %add3A_2932 : i32 to vector<16xi32>
        %add3A_2934 = arith.addi %iota3A, %add3A_2933 : vector<16xi32>
        %gather3A_2935 = tpu.vector_load_idx %arg13[%add3A_2934, %broadcast_in_dim3A_2931] : memref<64x128xf32, #tpu.memory_space<vmem>>[vector<16xi32>, vector<16xi32>], vector<16xf32>,
        %swap3A_2936 = arith.index_cast %add3A_2922 : i32 to index
        %swap3A_2937 = arith.constant 0 : index
        %swap3A_2938 = tpu.vector_load %arg20[%swap3A_2936, %swap3A_2937] {strides = array<i32>} : memref<128x64xf32, #tpu.memory_space<vmem>>, vector<16xf32>,
        tpu.vector_store %arg20[%swap3A_2936, %swap3A_2937], %gather3A_2935 {strides = array<i32>} : memref<128x64xf32, #tpu.memory_space<vmem>>, vector<16xf32>,
        %add3A_2939 = arith.constant 16 : i32
        %add3A_2940 = vector.broadcast %add3A_2939 : i32 to vector<16xi32>
        %add3A_2941 = arith.addi %iota3A, %add3A_2940 : vector<16xi32>
        %gather3A_2942 = tpu.vector_load_idx %arg13[%add3A_2941, %broadcast_in_dim3A_2931] : memref<64x128xf32, #tpu.memory_space<vmem>>[vector<16xi32>, vector<16xi32>], vector<16xf32>,
        %swap3A_2943 = arith.index_cast %add3A_2922 : i32 to index
        %swap3A_2944 = arith.constant 16 : index
        %swap3A_2945 = tpu.vector_load %arg20[%swap3A_2943, %swap3A_2944] {strides = array<i32>} : memref<128x64xf32, #tpu.memory_space<vmem>>, vector<16xf32>,
        tpu.vector_store %arg20[%swap3A_2943, %swap3A_2944], %gather3A_2942 {strides = array<i32>} : memref<128x64xf32, #tpu.memory_space<vmem>>, vector<16xf32>,
        %add3A_2946 = arith.constant 32 : i32
        %add3A_2947 = vector.broadcast %add3A_2946 : i32 to vector<16xi32>
        %add3A_2948 = arith.addi %iota3A, %add3A_2947 : vector<16xi32>
        %gather3A_2949 = tpu.vector_load_idx %arg13[%add3A_2948, %broadcast_in_dim3A_2931] : memref<64x128xf32, #tpu.memory_space<vmem>>[vector<16xi32>, vector<16xi32>], vector<16xf32>,
        %swap3A_2950 = arith.index_cast %add3A_2922 : i32 to index
        %swap3A_2951 = arith.constant 32 : index
        %swap3A_2952 = tpu.vector_load %arg20[%swap3A_2950, %swap3A_2951] {strides = array<i32>} : memref<128x64xf32, #tpu.memory_space<vmem>>, vector<16xf32>,
        tpu.vector_store %arg20[%swap3A_2950, %swap3A_2951], %gather3A_2949 {strides = array<i32>} : memref<128x64xf32, #tpu.memory_space<vmem>>, vector<16xf32>,
        %add3A_2953 = arith.constant 48 : i32
        %add3A_2954 = vector.broadcast %add3A_2953 : i32 to vector<16xi32>
        %add3A_2955 = arith.addi %iota3A, %add3A_2954 : vector<16xi32>
        %gather3A_2956 = tpu.vector_load_idx %arg13[%add3A_2955, %broadcast_in_dim3A_2931] : memref<64x128xf32, #tpu.memory_space<vmem>>[vector<16xi32>, vector<16xi32>], vector<16xf32>,
        %swap3A_2957 = arith.index_cast %add3A_2922 : i32 to index
        %swap3A_2958 = arith.constant 48 : index
        %swap3A_2959 = tpu.vector_load %arg20[%swap3A_2957, %swap3A_2958] {strides = array<i32>} : memref<128x64xf32, #tpu.memory_space<vmem>>, vector<16xf32>,
        tpu.vector_store %arg20[%swap3A_2957, %swap3A_2958], %gather3A_2956 {strides = array<i32>} : memref<128x64xf32, #tpu.memory_space<vmem>>, vector<16xf32>,
        %dma_wait3A_2960 = arith.constant 0 : i32
        %dma_wait3A_2961 = tpu.memref_slice %arg3[%dma_wait3A_2960, %multiple_of3A_2540] : memref<64x1000000xf32, #tpu.memory_space<hbm>> -> memref<64x128xf32, #tpu.memory_space<hbm>>
        %dma_wait3A_2962 = arith.constant 0 : i32
        %dma_wait3A_2963 = tpu.memref_slice %arg3[%dma_wait3A_2962, %multiple_of3A_2540] : memref<64x1000000xf32, #tpu.memory_space<hbm>> -> memref<64x128xf32, #tpu.memory_space<hbm>>
        tpu.wait_dma2 semaphore(%arg22 : memref<!tpu.dma_semaphore, #tpu.memory_space<semaphore_mem>>) src(%dma_wait3A_2963 : memref<64x128xf32, #tpu.memory_space<hbm>>) dst(%arg18 : memref<64x128xf32, #tpu.memory_space<vmem>>)
        %slice3A_2964 = vector.extract_strided_slice %get3A_41 {offsets = [12], sizes = [1], strides = [1]} : vector<16xi32> to vector<1xi32>
        %squeeze3A_2965 = vector.extract %slice3A_2964[0] : i32 from vector<1xi32>
        %and3A_2966 = arith.constant 127 : i32
        %and3A_2967 = arith.andi %squeeze3A_2965, %and3A_2966 : i32
        %broadcast_in_dim3A_2968 = vector.broadcast %and3A_2967 : i32 to vector<16xi32>
        %add3A_2969 = arith.constant 0 : i32
        %add3A_2970 = vector.broadcast %add3A_2969 : i32 to vector<16xi32>
        %add3A_2971 = arith.addi %iota3A, %add3A_2970 : vector<16xi32>
        %gather3A_2972 = tpu.vector_load_idx %arg18[%add3A_2971, %broadcast_in_dim3A_2968] : memref<64x128xf32, #tpu.memory_space<vmem>>[vector<16xi32>, vector<16xi32>], vector<16xf32>,
        %swap3A_2973 = arith.index_cast %add3A_2922 : i32 to index
        %swap3A_2974 = arith.constant 0 : index
        %swap3A_2975 = tpu.vector_load %arg21[%swap3A_2973, %swap3A_2974] {strides = array<i32>} : memref<128x64xf32, #tpu.memory_space<vmem>>, vector<16xf32>,
        tpu.vector_store %arg21[%swap3A_2973, %swap3A_2974], %gather3A_2972 {strides = array<i32>} : memref<128x64xf32, #tpu.memory_space<vmem>>, vector<16xf32>,
        %add3A_2976 = arith.constant 16 : i32
        %add3A_2977 = vector.broadcast %add3A_2976 : i32 to vector<16xi32>
        %add3A_2978 = arith.addi %iota3A, %add3A_2977 : vector<16xi32>
        %gather3A_2979 = tpu.vector_load_idx %arg18[%add3A_2978, %broadcast_in_dim3A_2968] : memref<64x128xf32, #tpu.memory_space<vmem>>[vector<16xi32>, vector<16xi32>], vector<16xf32>,
        %swap3A_2980 = arith.index_cast %add3A_2922 : i32 to index
        %swap3A_2981 = arith.constant 16 : index
        %swap3A_2982 = tpu.vector_load %arg21[%swap3A_2980, %swap3A_2981] {strides = array<i32>} : memref<128x64xf32, #tpu.memory_space<vmem>>, vector<16xf32>,
        tpu.vector_store %arg21[%swap3A_2980, %swap3A_2981], %gather3A_2979 {strides = array<i32>} : memref<128x64xf32, #tpu.memory_space<vmem>>, vector<16xf32>,
        %add3A_2983 = arith.constant 32 : i32
        %add3A_2984 = vector.broadcast %add3A_2983 : i32 to vector<16xi32>
        %add3A_2985 = arith.addi %iota3A, %add3A_2984 : vector<16xi32>
        %gather3A_2986 = tpu.vector_load_idx %arg18[%add3A_2985, %broadcast_in_dim3A_2968] : memref<64x128xf32, #tpu.memory_space<vmem>>[vector<16xi32>, vector<16xi32>], vector<16xf32>,
        %swap3A_2987 = arith.index_cast %add3A_2922 : i32 to index
        %swap3A_2988 = arith.constant 32 : index
        %swap3A_2989 = tpu.vector_load %arg21[%swap3A_2987, %swap3A_2988] {strides = array<i32>} : memref<128x64xf32, #tpu.memory_space<vmem>>, vector<16xf32>,
        tpu.vector_store %arg21[%swap3A_2987, %swap3A_2988], %gather3A_2986 {strides = array<i32>} : memref<128x64xf32, #tpu.memory_space<vmem>>, vector<16xf32>,
        %add3A_2990 = arith.constant 48 : i32
        %add3A_2991 = vector.broadcast %add3A_2990 : i32 to vector<16xi32>
        %add3A_2992 = arith.addi %iota3A, %add3A_2991 : vector<16xi32>
        %gather3A_2993 = tpu.vector_load_idx %arg18[%add3A_2992, %broadcast_in_dim3A_2968] : memref<64x128xf32, #tpu.memory_space<vmem>>[vector<16xi32>, vector<16xi32>], vector<16xf32>,
        %swap3A_2994 = arith.index_cast %add3A_2922 : i32 to index
        %swap3A_2995 = arith.constant 48 : index
        %swap3A_2996 = tpu.vector_load %arg21[%swap3A_2994, %swap3A_2995] {strides = array<i32>} : memref<128x64xf32, #tpu.memory_space<vmem>>, vector<16xf32>,
        tpu.vector_store %arg21[%swap3A_2994, %swap3A_2995], %gather3A_2993 {strides = array<i32>} : memref<128x64xf32, #tpu.memory_space<vmem>>, vector<16xf32>,
        %mul3A_2997 = arith.constant 32 : i32
        %mul3A_2998 = arith.muli %scan3A_21, %mul3A_2997 : i32
        %add3A_2999 = arith.constant 29 : i32
        %add3A_3000 = arith.addi %mul3A_2998, %add3A_2999 : i32
        %dma_wait3A_3001 = arith.constant 0 : i32
        %dma_wait3A_3002 = tpu.memref_slice %arg2[%dma_wait3A_3001, %multiple_of3A_2629] : memref<64x1000000xf32, #tpu.memory_space<hbm>> -> memref<64x128xf32, #tpu.memory_space<hbm>>
        %dma_wait3A_3003 = arith.constant 0 : i32
        %dma_wait3A_3004 = tpu.memref_slice %arg2[%dma_wait3A_3003, %multiple_of3A_2629] : memref<64x1000000xf32, #tpu.memory_space<hbm>> -> memref<64x128xf32, #tpu.memory_space<hbm>>
        tpu.wait_dma2 semaphore(%arg22 : memref<!tpu.dma_semaphore, #tpu.memory_space<semaphore_mem>>) src(%dma_wait3A_3004 : memref<64x128xf32, #tpu.memory_space<hbm>>) dst(%arg14 : memref<64x128xf32, #tpu.memory_space<vmem>>)
        %slice3A_3005 = vector.extract_strided_slice %get3A_33 {offsets = [13], sizes = [1], strides = [1]} : vector<16xi32> to vector<1xi32>
        %squeeze3A_3006 = vector.extract %slice3A_3005[0] : i32 from vector<1xi32>
        %and3A_3007 = arith.constant 127 : i32
        %and3A_3008 = arith.andi %squeeze3A_3006, %and3A_3007 : i32
        %broadcast_in_dim3A_3009 = vector.broadcast %and3A_3008 : i32 to vector<16xi32>
        %add3A_3010 = arith.constant 0 : i32
        %add3A_3011 = vector.broadcast %add3A_3010 : i32 to vector<16xi32>
        %add3A_3012 = arith.addi %iota3A, %add3A_3011 : vector<16xi32>
        %gather3A_3013 = tpu.vector_load_idx %arg14[%add3A_3012, %broadcast_in_dim3A_3009] : memref<64x128xf32, #tpu.memory_space<vmem>>[vector<16xi32>, vector<16xi32>], vector<16xf32>,
        %swap3A_3014 = arith.index_cast %add3A_3000 : i32 to index
        %swap3A_3015 = arith.constant 0 : index
        %swap3A_3016 = tpu.vector_load %arg20[%swap3A_3014, %swap3A_3015] {strides = array<i32>} : memref<128x64xf32, #tpu.memory_space<vmem>>, vector<16xf32>,
        tpu.vector_store %arg20[%swap3A_3014, %swap3A_3015], %gather3A_3013 {strides = array<i32>} : memref<128x64xf32, #tpu.memory_space<vmem>>, vector<16xf32>,
        %add3A_3017 = arith.constant 16 : i32
        %add3A_3018 = vector.broadcast %add3A_3017 : i32 to vector<16xi32>
        %add3A_3019 = arith.addi %iota3A, %add3A_3018 : vector<16xi32>
        %gather3A_3020 = tpu.vector_load_idx %arg14[%add3A_3019, %broadcast_in_dim3A_3009] : memref<64x128xf32, #tpu.memory_space<vmem>>[vector<16xi32>, vector<16xi32>], vector<16xf32>,
        %swap3A_3021 = arith.index_cast %add3A_3000 : i32 to index
        %swap3A_3022 = arith.constant 16 : index
        %swap3A_3023 = tpu.vector_load %arg20[%swap3A_3021, %swap3A_3022] {strides = array<i32>} : memref<128x64xf32, #tpu.memory_space<vmem>>, vector<16xf32>,
        tpu.vector_store %arg20[%swap3A_3021, %swap3A_3022], %gather3A_3020 {strides = array<i32>} : memref<128x64xf32, #tpu.memory_space<vmem>>, vector<16xf32>,
        %add3A_3024 = arith.constant 32 : i32
        %add3A_3025 = vector.broadcast %add3A_3024 : i32 to vector<16xi32>
        %add3A_3026 = arith.addi %iota3A, %add3A_3025 : vector<16xi32>
        %gather3A_3027 = tpu.vector_load_idx %arg14[%add3A_3026, %broadcast_in_dim3A_3009] : memref<64x128xf32, #tpu.memory_space<vmem>>[vector<16xi32>, vector<16xi32>], vector<16xf32>,
        %swap3A_3028 = arith.index_cast %add3A_3000 : i32 to index
        %swap3A_3029 = arith.constant 32 : index
        %swap3A_3030 = tpu.vector_load %arg20[%swap3A_3028, %swap3A_3029] {strides = array<i32>} : memref<128x64xf32, #tpu.memory_space<vmem>>, vector<16xf32>,
        tpu.vector_store %arg20[%swap3A_3028, %swap3A_3029], %gather3A_3027 {strides = array<i32>} : memref<128x64xf32, #tpu.memory_space<vmem>>, vector<16xf32>,
        %add3A_3031 = arith.constant 48 : i32
        %add3A_3032 = vector.broadcast %add3A_3031 : i32 to vector<16xi32>
        %add3A_3033 = arith.addi %iota3A, %add3A_3032 : vector<16xi32>
        %gather3A_3034 = tpu.vector_load_idx %arg14[%add3A_3033, %broadcast_in_dim3A_3009] : memref<64x128xf32, #tpu.memory_space<vmem>>[vector<16xi32>, vector<16xi32>], vector<16xf32>,
        %swap3A_3035 = arith.index_cast %add3A_3000 : i32 to index
        %swap3A_3036 = arith.constant 48 : index
        %swap3A_3037 = tpu.vector_load %arg20[%swap3A_3035, %swap3A_3036] {strides = array<i32>} : memref<128x64xf32, #tpu.memory_space<vmem>>, vector<16xf32>,
        tpu.vector_store %arg20[%swap3A_3035, %swap3A_3036], %gather3A_3034 {strides = array<i32>} : memref<128x64xf32, #tpu.memory_space<vmem>>, vector<16xf32>,
        %dma_wait3A_3038 = arith.constant 0 : i32
        %dma_wait3A_3039 = tpu.memref_slice %arg3[%dma_wait3A_3038, %multiple_of3A_2640] : memref<64x1000000xf32, #tpu.memory_space<hbm>> -> memref<64x128xf32, #tpu.memory_space<hbm>>
        %dma_wait3A_3040 = arith.constant 0 : i32
        %dma_wait3A_3041 = tpu.memref_slice %arg3[%dma_wait3A_3040, %multiple_of3A_2640] : memref<64x1000000xf32, #tpu.memory_space<hbm>> -> memref<64x128xf32, #tpu.memory_space<hbm>>
        tpu.wait_dma2 semaphore(%arg22 : memref<!tpu.dma_semaphore, #tpu.memory_space<semaphore_mem>>) src(%dma_wait3A_3041 : memref<64x128xf32, #tpu.memory_space<hbm>>) dst(%arg19 : memref<64x128xf32, #tpu.memory_space<vmem>>)
        %slice3A_3042 = vector.extract_strided_slice %get3A_41 {offsets = [13], sizes = [1], strides = [1]} : vector<16xi32> to vector<1xi32>
        %squeeze3A_3043 = vector.extract %slice3A_3042[0] : i32 from vector<1xi32>
        %and3A_3044 = arith.constant 127 : i32
        %and3A_3045 = arith.andi %squeeze3A_3043, %and3A_3044 : i32
        %broadcast_in_dim3A_3046 = vector.broadcast %and3A_3045 : i32 to vector<16xi32>
        %add3A_3047 = arith.constant 0 : i32
        %add3A_3048 = vector.broadcast %add3A_3047 : i32 to vector<16xi32>
        %add3A_3049 = arith.addi %iota3A, %add3A_3048 : vector<16xi32>
        %gather3A_3050 = tpu.vector_load_idx %arg19[%add3A_3049, %broadcast_in_dim3A_3046] : memref<64x128xf32, #tpu.memory_space<vmem>>[vector<16xi32>, vector<16xi32>], vector<16xf32>,
        %swap3A_3051 = arith.index_cast %add3A_3000 : i32 to index
        %swap3A_3052 = arith.constant 0 : index
        %swap3A_3053 = tpu.vector_load %arg21[%swap3A_3051, %swap3A_3052] {strides = array<i32>} : memref<128x64xf32, #tpu.memory_space<vmem>>, vector<16xf32>,
        tpu.vector_store %arg21[%swap3A_3051, %swap3A_3052], %gather3A_3050 {strides = array<i32>} : memref<128x64xf32, #tpu.memory_space<vmem>>, vector<16xf32>,
        %add3A_3054 = arith.constant 16 : i32
        %add3A_3055 = vector.broadcast %add3A_3054 : i32 to vector<16xi32>
        %add3A_3056 = arith.addi %iota3A, %add3A_3055 : vector<16xi32>
        %gather3A_3057 = tpu.vector_load_idx %arg19[%add3A_3056, %broadcast_in_dim3A_3046] : memref<64x128xf32, #tpu.memory_space<vmem>>[vector<16xi32>, vector<16xi32>], vector<16xf32>,
        %swap3A_3058 = arith.index_cast %add3A_3000 : i32 to index
        %swap3A_3059 = arith.constant 16 : index
        %swap3A_3060 = tpu.vector_load %arg21[%swap3A_3058, %swap3A_3059] {strides = array<i32>} : memref<128x64xf32, #tpu.memory_space<vmem>>, vector<16xf32>,
        tpu.vector_store %arg21[%swap3A_3058, %swap3A_3059], %gather3A_3057 {strides = array<i32>} : memref<128x64xf32, #tpu.memory_space<vmem>>, vector<16xf32>,
        %add3A_3061 = arith.constant 32 : i32
        %add3A_3062 = vector.broadcast %add3A_3061 : i32 to vector<16xi32>
        %add3A_3063 = arith.addi %iota3A, %add3A_3062 : vector<16xi32>
        %gather3A_3064 = tpu.vector_load_idx %arg19[%add3A_3063, %broadcast_in_dim3A_3046] : memref<64x128xf32, #tpu.memory_space<vmem>>[vector<16xi32>, vector<16xi32>], vector<16xf32>,
        %swap3A_3065 = arith.index_cast %add3A_3000 : i32 to index
        %swap3A_3066 = arith.constant 32 : index
        %swap3A_3067 = tpu.vector_load %arg21[%swap3A_3065, %swap3A_3066] {strides = array<i32>} : memref<128x64xf32, #tpu.memory_space<vmem>>, vector<16xf32>,
        tpu.vector_store %arg21[%swap3A_3065, %swap3A_3066], %gather3A_3064 {strides = array<i32>} : memref<128x64xf32, #tpu.memory_space<vmem>>, vector<16xf32>,
        %add3A_3068 = arith.constant 48 : i32
        %add3A_3069 = vector.broadcast %add3A_3068 : i32 to vector<16xi32>
        %add3A_3070 = arith.addi %iota3A, %add3A_3069 : vector<16xi32>
        %gather3A_3071 = tpu.vector_load_idx %arg19[%add3A_3070, %broadcast_in_dim3A_3046] : memref<64x128xf32, #tpu.memory_space<vmem>>[vector<16xi32>, vector<16xi32>], vector<16xf32>,
        %swap3A_3072 = arith.index_cast %add3A_3000 : i32 to index
        %swap3A_3073 = arith.constant 48 : index
        %swap3A_3074 = tpu.vector_load %arg21[%swap3A_3072, %swap3A_3073] {strides = array<i32>} : memref<128x64xf32, #tpu.memory_space<vmem>>, vector<16xf32>,
        tpu.vector_store %arg21[%swap3A_3072, %swap3A_3073], %gather3A_3071 {strides = array<i32>} : memref<128x64xf32, #tpu.memory_space<vmem>>, vector<16xf32>,
        %mul3A_3075 = arith.constant 32 : i32
        %mul3A_3076 = arith.muli %scan3A_21, %mul3A_3075 : i32
        %add3A_3077 = arith.constant 30 : i32
        %add3A_3078 = arith.addi %mul3A_3076, %add3A_3077 : i32
        %dma_wait3A_3079 = arith.constant 0 : i32
        %dma_wait3A_3080 = tpu.memref_slice %arg2[%dma_wait3A_3079, %multiple_of3A_2729] : memref<64x1000000xf32, #tpu.memory_space<hbm>> -> memref<64x128xf32, #tpu.memory_space<hbm>>
        %dma_wait3A_3081 = arith.constant 0 : i32
        %dma_wait3A_3082 = tpu.memref_slice %arg2[%dma_wait3A_3081, %multiple_of3A_2729] : memref<64x1000000xf32, #tpu.memory_space<hbm>> -> memref<64x128xf32, #tpu.memory_space<hbm>>
        tpu.wait_dma2 semaphore(%arg22 : memref<!tpu.dma_semaphore, #tpu.memory_space<semaphore_mem>>) src(%dma_wait3A_3082 : memref<64x128xf32, #tpu.memory_space<hbm>>) dst(%arg10 : memref<64x128xf32, #tpu.memory_space<vmem>>)
        %slice3A_3083 = vector.extract_strided_slice %get3A_33 {offsets = [14], sizes = [1], strides = [1]} : vector<16xi32> to vector<1xi32>
        %squeeze3A_3084 = vector.extract %slice3A_3083[0] : i32 from vector<1xi32>
        %and3A_3085 = arith.constant 127 : i32
        %and3A_3086 = arith.andi %squeeze3A_3084, %and3A_3085 : i32
        %broadcast_in_dim3A_3087 = vector.broadcast %and3A_3086 : i32 to vector<16xi32>
        %add3A_3088 = arith.constant 0 : i32
        %add3A_3089 = vector.broadcast %add3A_3088 : i32 to vector<16xi32>
        %add3A_3090 = arith.addi %iota3A, %add3A_3089 : vector<16xi32>
        %gather3A_3091 = tpu.vector_load_idx %arg10[%add3A_3090, %broadcast_in_dim3A_3087] : memref<64x128xf32, #tpu.memory_space<vmem>>[vector<16xi32>, vector<16xi32>], vector<16xf32>,
        %swap3A_3092 = arith.index_cast %add3A_3078 : i32 to index
        %swap3A_3093 = arith.constant 0 : index
        %swap3A_3094 = tpu.vector_load %arg20[%swap3A_3092, %swap3A_3093] {strides = array<i32>} : memref<128x64xf32, #tpu.memory_space<vmem>>, vector<16xf32>,
        tpu.vector_store %arg20[%swap3A_3092, %swap3A_3093], %gather3A_3091 {strides = array<i32>} : memref<128x64xf32, #tpu.memory_space<vmem>>, vector<16xf32>,
        %add3A_3095 = arith.constant 16 : i32
        %add3A_3096 = vector.broadcast %add3A_3095 : i32 to vector<16xi32>
        %add3A_3097 = arith.addi %iota3A, %add3A_3096 : vector<16xi32>
        %gather3A_3098 = tpu.vector_load_idx %arg10[%add3A_3097, %broadcast_in_dim3A_3087] : memref<64x128xf32, #tpu.memory_space<vmem>>[vector<16xi32>, vector<16xi32>], vector<16xf32>,
        %swap3A_3099 = arith.index_cast %add3A_3078 : i32 to index
        %swap3A_3100 = arith.constant 16 : index
        %swap3A_3101 = tpu.vector_load %arg20[%swap3A_3099, %swap3A_3100] {strides = array<i32>} : memref<128x64xf32, #tpu.memory_space<vmem>>, vector<16xf32>,
        tpu.vector_store %arg20[%swap3A_3099, %swap3A_3100], %gather3A_3098 {strides = array<i32>} : memref<128x64xf32, #tpu.memory_space<vmem>>, vector<16xf32>,
        %add3A_3102 = arith.constant 32 : i32
        %add3A_3103 = vector.broadcast %add3A_3102 : i32 to vector<16xi32>
        %add3A_3104 = arith.addi %iota3A, %add3A_3103 : vector<16xi32>
        %gather3A_3105 = tpu.vector_load_idx %arg10[%add3A_3104, %broadcast_in_dim3A_3087] : memref<64x128xf32, #tpu.memory_space<vmem>>[vector<16xi32>, vector<16xi32>], vector<16xf32>,
        %swap3A_3106 = arith.index_cast %add3A_3078 : i32 to index
        %swap3A_3107 = arith.constant 32 : index
        %swap3A_3108 = tpu.vector_load %arg20[%swap3A_3106, %swap3A_3107] {strides = array<i32>} : memref<128x64xf32, #tpu.memory_space<vmem>>, vector<16xf32>,
        tpu.vector_store %arg20[%swap3A_3106, %swap3A_3107], %gather3A_3105 {strides = array<i32>} : memref<128x64xf32, #tpu.memory_space<vmem>>, vector<16xf32>,
        %add3A_3109 = arith.constant 48 : i32
        %add3A_3110 = vector.broadcast %add3A_3109 : i32 to vector<16xi32>
        %add3A_3111 = arith.addi %iota3A, %add3A_3110 : vector<16xi32>
        %gather3A_3112 = tpu.vector_load_idx %arg10[%add3A_3111, %broadcast_in_dim3A_3087] : memref<64x128xf32, #tpu.memory_space<vmem>>[vector<16xi32>, vector<16xi32>], vector<16xf32>,
        %swap3A_3113 = arith.index_cast %add3A_3078 : i32 to index
        %swap3A_3114 = arith.constant 48 : index
        %swap3A_3115 = tpu.vector_load %arg20[%swap3A_3113, %swap3A_3114] {strides = array<i32>} : memref<128x64xf32, #tpu.memory_space<vmem>>, vector<16xf32>,
        tpu.vector_store %arg20[%swap3A_3113, %swap3A_3114], %gather3A_3112 {strides = array<i32>} : memref<128x64xf32, #tpu.memory_space<vmem>>, vector<16xf32>,
        %dma_wait3A_3116 = arith.constant 0 : i32
        %dma_wait3A_3117 = tpu.memref_slice %arg3[%dma_wait3A_3116, %multiple_of3A_2740] : memref<64x1000000xf32, #tpu.memory_space<hbm>> -> memref<64x128xf32, #tpu.memory_space<hbm>>
        %dma_wait3A_3118 = arith.constant 0 : i32
        %dma_wait3A_3119 = tpu.memref_slice %arg3[%dma_wait3A_3118, %multiple_of3A_2740] : memref<64x1000000xf32, #tpu.memory_space<hbm>> -> memref<64x128xf32, #tpu.memory_space<hbm>>
        tpu.wait_dma2 semaphore(%arg22 : memref<!tpu.dma_semaphore, #tpu.memory_space<semaphore_mem>>) src(%dma_wait3A_3119 : memref<64x128xf32, #tpu.memory_space<hbm>>) dst(%arg15 : memref<64x128xf32, #tpu.memory_space<vmem>>)
        %slice3A_3120 = vector.extract_strided_slice %get3A_41 {offsets = [14], sizes = [1], strides = [1]} : vector<16xi32> to vector<1xi32>
        %squeeze3A_3121 = vector.extract %slice3A_3120[0] : i32 from vector<1xi32>
        %and3A_3122 = arith.constant 127 : i32
        %and3A_3123 = arith.andi %squeeze3A_3121, %and3A_3122 : i32
        %broadcast_in_dim3A_3124 = vector.broadcast %and3A_3123 : i32 to vector<16xi32>
        %add3A_3125 = arith.constant 0 : i32
        %add3A_3126 = vector.broadcast %add3A_3125 : i32 to vector<16xi32>
        %add3A_3127 = arith.addi %iota3A, %add3A_3126 : vector<16xi32>
        %gather3A_3128 = tpu.vector_load_idx %arg15[%add3A_3127, %broadcast_in_dim3A_3124] : memref<64x128xf32, #tpu.memory_space<vmem>>[vector<16xi32>, vector<16xi32>], vector<16xf32>,
        %swap3A_3129 = arith.index_cast %add3A_3078 : i32 to index
        %swap3A_3130 = arith.constant 0 : index
        %swap3A_3131 = tpu.vector_load %arg21[%swap3A_3129, %swap3A_3130] {strides = array<i32>} : memref<128x64xf32, #tpu.memory_space<vmem>>, vector<16xf32>,
        tpu.vector_store %arg21[%swap3A_3129, %swap3A_3130], %gather3A_3128 {strides = array<i32>} : memref<128x64xf32, #tpu.memory_space<vmem>>, vector<16xf32>,
        %add3A_3132 = arith.constant 16 : i32
        %add3A_3133 = vector.broadcast %add3A_3132 : i32 to vector<16xi32>
        %add3A_3134 = arith.addi %iota3A, %add3A_3133 : vector<16xi32>
        %gather3A_3135 = tpu.vector_load_idx %arg15[%add3A_3134, %broadcast_in_dim3A_3124] : memref<64x128xf32, #tpu.memory_space<vmem>>[vector<16xi32>, vector<16xi32>], vector<16xf32>,
        %swap3A_3136 = arith.index_cast %add3A_3078 : i32 to index
        %swap3A_3137 = arith.constant 16 : index
        %swap3A_3138 = tpu.vector_load %arg21[%swap3A_3136, %swap3A_3137] {strides = array<i32>} : memref<128x64xf32, #tpu.memory_space<vmem>>, vector<16xf32>,
        tpu.vector_store %arg21[%swap3A_3136, %swap3A_3137], %gather3A_3135 {strides = array<i32>} : memref<128x64xf32, #tpu.memory_space<vmem>>, vector<16xf32>,
        %add3A_3139 = arith.constant 32 : i32
        %add3A_3140 = vector.broadcast %add3A_3139 : i32 to vector<16xi32>
        %add3A_3141 = arith.addi %iota3A, %add3A_3140 : vector<16xi32>
        %gather3A_3142 = tpu.vector_load_idx %arg15[%add3A_3141, %broadcast_in_dim3A_3124] : memref<64x128xf32, #tpu.memory_space<vmem>>[vector<16xi32>, vector<16xi32>], vector<16xf32>,
        %swap3A_3143 = arith.index_cast %add3A_3078 : i32 to index
        %swap3A_3144 = arith.constant 32 : index
        %swap3A_3145 = tpu.vector_load %arg21[%swap3A_3143, %swap3A_3144] {strides = array<i32>} : memref<128x64xf32, #tpu.memory_space<vmem>>, vector<16xf32>,
        tpu.vector_store %arg21[%swap3A_3143, %swap3A_3144], %gather3A_3142 {strides = array<i32>} : memref<128x64xf32, #tpu.memory_space<vmem>>, vector<16xf32>,
        %add3A_3146 = arith.constant 48 : i32
        %add3A_3147 = vector.broadcast %add3A_3146 : i32 to vector<16xi32>
        %add3A_3148 = arith.addi %iota3A, %add3A_3147 : vector<16xi32>
        %gather3A_3149 = tpu.vector_load_idx %arg15[%add3A_3148, %broadcast_in_dim3A_3124] : memref<64x128xf32, #tpu.memory_space<vmem>>[vector<16xi32>, vector<16xi32>], vector<16xf32>,
        %swap3A_3150 = arith.index_cast %add3A_3078 : i32 to index
        %swap3A_3151 = arith.constant 48 : index
        %swap3A_3152 = tpu.vector_load %arg21[%swap3A_3150, %swap3A_3151] {strides = array<i32>} : memref<128x64xf32, #tpu.memory_space<vmem>>, vector<16xf32>,
        tpu.vector_store %arg21[%swap3A_3150, %swap3A_3151], %gather3A_3149 {strides = array<i32>} : memref<128x64xf32, #tpu.memory_space<vmem>>, vector<16xf32>,
        %mul3A_3153 = arith.constant 32 : i32
        %mul3A_3154 = arith.muli %scan3A_21, %mul3A_3153 : i32
        %add3A_3155 = arith.constant 31 : i32
        %add3A_3156 = arith.addi %mul3A_3154, %add3A_3155 : i32
        %dma_wait3A_3157 = arith.constant 0 : i32
        %dma_wait3A_3158 = tpu.memref_slice %arg2[%dma_wait3A_3157, %multiple_of3A_2829] : memref<64x1000000xf32, #tpu.memory_space<hbm>> -> memref<64x128xf32, #tpu.memory_space<hbm>>
        %dma_wait3A_3159 = arith.constant 0 : i32
        %dma_wait3A_3160 = tpu.memref_slice %arg2[%dma_wait3A_3159, %multiple_of3A_2829] : memref<64x1000000xf32, #tpu.memory_space<hbm>> -> memref<64x128xf32, #tpu.memory_space<hbm>>
        tpu.wait_dma2 semaphore(%arg22 : memref<!tpu.dma_semaphore, #tpu.memory_space<semaphore_mem>>) src(%dma_wait3A_3160 : memref<64x128xf32, #tpu.memory_space<hbm>>) dst(%arg11 : memref<64x128xf32, #tpu.memory_space<vmem>>)
        %slice3A_3161 = vector.extract_strided_slice %get3A_33 {offsets = [15], sizes = [1], strides = [1]} : vector<16xi32> to vector<1xi32>
        %squeeze3A_3162 = vector.extract %slice3A_3161[0] : i32 from vector<1xi32>
        %and3A_3163 = arith.constant 127 : i32
        %and3A_3164 = arith.andi %squeeze3A_3162, %and3A_3163 : i32
        %broadcast_in_dim3A_3165 = vector.broadcast %and3A_3164 : i32 to vector<16xi32>
        %add3A_3166 = arith.constant 0 : i32
        %add3A_3167 = vector.broadcast %add3A_3166 : i32 to vector<16xi32>
        %add3A_3168 = arith.addi %iota3A, %add3A_3167 : vector<16xi32>
        %gather3A_3169 = tpu.vector_load_idx %arg11[%add3A_3168, %broadcast_in_dim3A_3165] : memref<64x128xf32, #tpu.memory_space<vmem>>[vector<16xi32>, vector<16xi32>], vector<16xf32>,
        %swap3A_3170 = arith.index_cast %add3A_3156 : i32 to index
        %swap3A_3171 = arith.constant 0 : index
        %swap3A_3172 = tpu.vector_load %arg20[%swap3A_3170, %swap3A_3171] {strides = array<i32>} : memref<128x64xf32, #tpu.memory_space<vmem>>, vector<16xf32>,
        tpu.vector_store %arg20[%swap3A_3170, %swap3A_3171], %gather3A_3169 {strides = array<i32>} : memref<128x64xf32, #tpu.memory_space<vmem>>, vector<16xf32>,
        %add3A_3173 = arith.constant 16 : i32
        %add3A_3174 = vector.broadcast %add3A_3173 : i32 to vector<16xi32>
        %add3A_3175 = arith.addi %iota3A, %add3A_3174 : vector<16xi32>
        %gather3A_3176 = tpu.vector_load_idx %arg11[%add3A_3175, %broadcast_in_dim3A_3165] : memref<64x128xf32, #tpu.memory_space<vmem>>[vector<16xi32>, vector<16xi32>], vector<16xf32>,
        %swap3A_3177 = arith.index_cast %add3A_3156 : i32 to index
        %swap3A_3178 = arith.constant 16 : index
        %swap3A_3179 = tpu.vector_load %arg20[%swap3A_3177, %swap3A_3178] {strides = array<i32>} : memref<128x64xf32, #tpu.memory_space<vmem>>, vector<16xf32>,
        tpu.vector_store %arg20[%swap3A_3177, %swap3A_3178], %gather3A_3176 {strides = array<i32>} : memref<128x64xf32, #tpu.memory_space<vmem>>, vector<16xf32>,
        %add3A_3180 = arith.constant 32 : i32
        %add3A_3181 = vector.broadcast %add3A_3180 : i32 to vector<16xi32>
        %add3A_3182 = arith.addi %iota3A, %add3A_3181 : vector<16xi32>
        %gather3A_3183 = tpu.vector_load_idx %arg11[%add3A_3182, %broadcast_in_dim3A_3165] : memref<64x128xf32, #tpu.memory_space<vmem>>[vector<16xi32>, vector<16xi32>], vector<16xf32>,
        %swap3A_3184 = arith.index_cast %add3A_3156 : i32 to index
        %swap3A_3185 = arith.constant 32 : index
        %swap3A_3186 = tpu.vector_load %arg20[%swap3A_3184, %swap3A_3185] {strides = array<i32>} : memref<128x64xf32, #tpu.memory_space<vmem>>, vector<16xf32>,
        tpu.vector_store %arg20[%swap3A_3184, %swap3A_3185], %gather3A_3183 {strides = array<i32>} : memref<128x64xf32, #tpu.memory_space<vmem>>, vector<16xf32>,
        %add3A_3187 = arith.constant 48 : i32
        %add3A_3188 = vector.broadcast %add3A_3187 : i32 to vector<16xi32>
        %add3A_3189 = arith.addi %iota3A, %add3A_3188 : vector<16xi32>
        %gather3A_3190 = tpu.vector_load_idx %arg11[%add3A_3189, %broadcast_in_dim3A_3165] : memref<64x128xf32, #tpu.memory_space<vmem>>[vector<16xi32>, vector<16xi32>], vector<16xf32>,
        %swap3A_3191 = arith.index_cast %add3A_3156 : i32 to index
        %swap3A_3192 = arith.constant 48 : index
        %swap3A_3193 = tpu.vector_load %arg20[%swap3A_3191, %swap3A_3192] {strides = array<i32>} : memref<128x64xf32, #tpu.memory_space<vmem>>, vector<16xf32>,
        tpu.vector_store %arg20[%swap3A_3191, %swap3A_3192], %gather3A_3190 {strides = array<i32>} : memref<128x64xf32, #tpu.memory_space<vmem>>, vector<16xf32>,
        %dma_wait3A_3194 = arith.constant 0 : i32
        %dma_wait3A_3195 = tpu.memref_slice %arg3[%dma_wait3A_3194, %multiple_of3A_2840] : memref<64x1000000xf32, #tpu.memory_space<hbm>> -> memref<64x128xf32, #tpu.memory_space<hbm>>
        %dma_wait3A_3196 = arith.constant 0 : i32
        %dma_wait3A_3197 = tpu.memref_slice %arg3[%dma_wait3A_3196, %multiple_of3A_2840] : memref<64x1000000xf32, #tpu.memory_space<hbm>> -> memref<64x128xf32, #tpu.memory_space<hbm>>
        tpu.wait_dma2 semaphore(%arg22 : memref<!tpu.dma_semaphore, #tpu.memory_space<semaphore_mem>>) src(%dma_wait3A_3197 : memref<64x128xf32, #tpu.memory_space<hbm>>) dst(%arg16 : memref<64x128xf32, #tpu.memory_space<vmem>>)
        %slice3A_3198 = vector.extract_strided_slice %get3A_41 {offsets = [15], sizes = [1], strides = [1]} : vector<16xi32> to vector<1xi32>
        %squeeze3A_3199 = vector.extract %slice3A_3198[0] : i32 from vector<1xi32>
        %and3A_3200 = arith.constant 127 : i32
        %and3A_3201 = arith.andi %squeeze3A_3199, %and3A_3200 : i32
        %broadcast_in_dim3A_3202 = vector.broadcast %and3A_3201 : i32 to vector<16xi32>
        %add3A_3203 = arith.constant 0 : i32
        %add3A_3204 = vector.broadcast %add3A_3203 : i32 to vector<16xi32>
        %add3A_3205 = arith.addi %iota3A, %add3A_3204 : vector<16xi32>
        %gather3A_3206 = tpu.vector_load_idx %arg16[%add3A_3205, %broadcast_in_dim3A_3202] : memref<64x128xf32, #tpu.memory_space<vmem>>[vector<16xi32>, vector<16xi32>], vector<16xf32>,
        %swap3A_3207 = arith.index_cast %add3A_3156 : i32 to index
        %swap3A_3208 = arith.constant 0 : index
        %swap3A_3209 = tpu.vector_load %arg21[%swap3A_3207, %swap3A_3208] {strides = array<i32>} : memref<128x64xf32, #tpu.memory_space<vmem>>, vector<16xf32>,
        tpu.vector_store %arg21[%swap3A_3207, %swap3A_3208], %gather3A_3206 {strides = array<i32>} : memref<128x64xf32, #tpu.memory_space<vmem>>, vector<16xf32>,
        %add3A_3210 = arith.constant 16 : i32
        %add3A_3211 = vector.broadcast %add3A_3210 : i32 to vector<16xi32>
        %add3A_3212 = arith.addi %iota3A, %add3A_3211 : vector<16xi32>
        %gather3A_3213 = tpu.vector_load_idx %arg16[%add3A_3212, %broadcast_in_dim3A_3202] : memref<64x128xf32, #tpu.memory_space<vmem>>[vector<16xi32>, vector<16xi32>], vector<16xf32>,
        %swap3A_3214 = arith.index_cast %add3A_3156 : i32 to index
        %swap3A_3215 = arith.constant 16 : index
        %swap3A_3216 = tpu.vector_load %arg21[%swap3A_3214, %swap3A_3215] {strides = array<i32>} : memref<128x64xf32, #tpu.memory_space<vmem>>, vector<16xf32>,
        tpu.vector_store %arg21[%swap3A_3214, %swap3A_3215], %gather3A_3213 {strides = array<i32>} : memref<128x64xf32, #tpu.memory_space<vmem>>, vector<16xf32>,
        %add3A_3217 = arith.constant 32 : i32
        %add3A_3218 = vector.broadcast %add3A_3217 : i32 to vector<16xi32>
        %add3A_3219 = arith.addi %iota3A, %add3A_3218 : vector<16xi32>
        %gather3A_3220 = tpu.vector_load_idx %arg16[%add3A_3219, %broadcast_in_dim3A_3202] : memref<64x128xf32, #tpu.memory_space<vmem>>[vector<16xi32>, vector<16xi32>], vector<16xf32>,
        %swap3A_3221 = arith.index_cast %add3A_3156 : i32 to index
        %swap3A_3222 = arith.constant 32 : index
        %swap3A_3223 = tpu.vector_load %arg21[%swap3A_3221, %swap3A_3222] {strides = array<i32>} : memref<128x64xf32, #tpu.memory_space<vmem>>, vector<16xf32>,
        tpu.vector_store %arg21[%swap3A_3221, %swap3A_3222], %gather3A_3220 {strides = array<i32>} : memref<128x64xf32, #tpu.memory_space<vmem>>, vector<16xf32>,
        %add3A_3224 = arith.constant 48 : i32
        %add3A_3225 = vector.broadcast %add3A_3224 : i32 to vector<16xi32>
        %add3A_3226 = arith.addi %iota3A, %add3A_3225 : vector<16xi32>
        %gather3A_3227 = tpu.vector_load_idx %arg16[%add3A_3226, %broadcast_in_dim3A_3202] : memref<64x128xf32, #tpu.memory_space<vmem>>[vector<16xi32>, vector<16xi32>], vector<16xf32>,
        %swap3A_3228 = arith.index_cast %add3A_3156 : i32 to index
        %swap3A_3229 = arith.constant 48 : index
        %swap3A_3230 = tpu.vector_load %arg21[%swap3A_3228, %swap3A_3229] {strides = array<i32>} : memref<128x64xf32, #tpu.memory_space<vmem>>, vector<16xf32>,
        tpu.vector_store %arg21[%swap3A_3228, %swap3A_3229], %gather3A_3227 {strides = array<i32>} : memref<128x64xf32, #tpu.memory_space<vmem>>, vector<16xf32>,
      }
      %scan3A_14 = arith.constant 4 : i32
      %mul3A_15 = arith.constant 128 : i32
      %mul3A_16 = arith.muli %scan3A_8, %mul3A_15 : i32
      %add3A_17 = arith.addi %mul3A_2, %mul3A_16 : i32
      "tpu.region"() ({
        %run_scoped3A = tpu.sem_alloc : memref<!tpu.dma_semaphore, #tpu.memory_space<semaphore_mem>>
        %dma_start3A = arith.constant 0 : i32
        %dma_start3A_21 = tpu.memref_slice %arg6[%add3A_17, %dma_start3A] : memref<16384x64xf32, #tpu.memory_space<hbm>> -> memref<128x64xf32, #tpu.memory_space<hbm>>
        %dma_start3A_22 = arith.constant 0 : i32
        %dma_start3A_23 = tpu.memref_slice %arg6[%add3A_17, %dma_start3A_22] : memref<16384x64xf32, #tpu.memory_space<hbm>> -> memref<128x64xf32, #tpu.memory_space<hbm>>
        tpu.enqueue_dma source(%arg20 : memref<128x64xf32, #tpu.memory_space<vmem>>) target(%dma_start3A_23 : memref<128x64xf32, #tpu.memory_space<hbm>>) target_semaphore(%run_scoped3A : memref<!tpu.dma_semaphore, #tpu.memory_space<semaphore_mem>>)
        %dma_wait3A = arith.constant 0 : i32
        %dma_wait3A_24 = tpu.memref_slice %arg6[%add3A_17, %dma_wait3A] : memref<16384x64xf32, #tpu.memory_space<hbm>> -> memref<128x64xf32, #tpu.memory_space<hbm>>
        %dma_wait3A_25 = arith.constant 0 : i32
        %dma_wait3A_26 = tpu.memref_slice %arg6[%add3A_17, %dma_wait3A_25] : memref<16384x64xf32, #tpu.memory_space<hbm>> -> memref<128x64xf32, #tpu.memory_space<hbm>>
        tpu.wait_dma2 semaphore(%run_scoped3A : memref<!tpu.dma_semaphore, #tpu.memory_space<semaphore_mem>>) src(%arg20 : memref<128x64xf32, #tpu.memory_space<vmem>>) dst(%dma_wait3A_26 : memref<128x64xf32, #tpu.memory_space<hbm>>)
        tpu.yield
      }) : () -> ()
      %mul3A_18 = arith.constant 128 : i32
      %mul3A_19 = arith.muli %scan3A_8, %mul3A_18 : i32
      %add3A_20 = arith.addi %mul3A_2, %mul3A_19 : i32
      "tpu.region"() ({
        %run_scoped3A = tpu.sem_alloc : memref<!tpu.dma_semaphore, #tpu.memory_space<semaphore_mem>>
        %dma_start3A = arith.constant 0 : i32
        %dma_start3A_21 = tpu.memref_slice %arg7[%add3A_20, %dma_start3A] : memref<16384x64xf32, #tpu.memory_space<hbm>> -> memref<128x64xf32, #tpu.memory_space<hbm>>
        %dma_start3A_22 = arith.constant 0 : i32
        %dma_start3A_23 = tpu.memref_slice %arg7[%add3A_20, %dma_start3A_22] : memref<16384x64xf32, #tpu.memory_space<hbm>> -> memref<128x64xf32, #tpu.memory_space<hbm>>
        tpu.enqueue_dma source(%arg21 : memref<128x64xf32, #tpu.memory_space<vmem>>) target(%dma_start3A_23 : memref<128x64xf32, #tpu.memory_space<hbm>>) target_semaphore(%run_scoped3A : memref<!tpu.dma_semaphore, #tpu.memory_space<semaphore_mem>>)
        %dma_wait3A = arith.constant 0 : i32
        %dma_wait3A_24 = tpu.memref_slice %arg7[%add3A_20, %dma_wait3A] : memref<16384x64xf32, #tpu.memory_space<hbm>> -> memref<128x64xf32, #tpu.memory_space<hbm>>
        %dma_wait3A_25 = arith.constant 0 : i32
        %dma_wait3A_26 = tpu.memref_slice %arg7[%add3A_20, %dma_wait3A_25] : memref<16384x64xf32, #tpu.memory_space<hbm>> -> memref<128x64xf32, #tpu.memory_space<hbm>>
        tpu.wait_dma2 semaphore(%run_scoped3A : memref<!tpu.dma_semaphore, #tpu.memory_space<semaphore_mem>>) src(%arg21 : memref<128x64xf32, #tpu.memory_space<vmem>>) dst(%dma_wait3A_26 : memref<128x64xf32, #tpu.memory_space<hbm>>)
        tpu.yield
      }) : () -> ()
    }
    %scan3A_7 = arith.constant 4 : i32
    return
  }
}

module attributes {stable_mosaic.version = 14 : i64} {
  func.func @_loss_body(%arg0: memref<16384x64xf32, #tpu.memory_space<vmem>>, %arg1: memref<16384x64xf32, #tpu.memory_space<vmem>>, %arg2: memref<1x1xf32, #tpu.memory_space<vmem>>) attributes {dimension_semantics = [], scalar_prefetch = 0 : i64, scratch_operands = 0 : i64, tpu.core_type = #tpu.core_type<tc>} {
    %get3A = arith.constant 0 : index
    %get3A_0 = arith.constant 0 : index
    %get3A_1 = vector.load %arg0[%get3A, %get3A_0] : memref<16384x64xf32, #tpu.memory_space<vmem>>, vector<16384x64xf32>
    %get3A_2 = arith.constant 0 : index
    %get3A_3 = arith.constant 0 : index
    %get3A_4 = vector.load %arg1[%get3A_2, %get3A_3] : memref<16384x64xf32, #tpu.memory_space<vmem>>, vector<16384x64xf32>
    %mul3A = arith.mulf %get3A_1, %get3A_4 : vector<16384x64xf32>
    %reduce_sum3A = arith.constant dense<0.000000e+00> : vector<16384xf32>
    %reduce_sum3A_5 = vector.multi_reduction <add>, %mul3A, %reduce_sum3A [1] : vector<16384x64xf32> to vector<16384xf32>
    %neg3A = arith.constant 0.000000e+00 : f32
    %neg3A_6 = vector.broadcast %neg3A : f32 to vector<16384xf32>
    %neg3A_7 = arith.subf %neg3A_6, %reduce_sum3A_5 : vector<16384xf32>
    %custom_jvp_call3A = arith.constant 0.000000e+00 : f32
    %max3A = vector.broadcast %custom_jvp_call3A : f32 to vector<16384xf32>
    %max3A_8 = arith.maximumf %neg3A_7, %max3A : vector<16384xf32>
    %sub3A = vector.broadcast %custom_jvp_call3A : f32 to vector<16384xf32>
    %sub3A_9 = arith.subf %neg3A_7, %sub3A : vector<16384xf32>
    %ne3A = arith.cmpf one, %sub3A_9, %sub3A_9 : vector<16384xf32>
    %add3A = vector.broadcast %custom_jvp_call3A : f32 to vector<16384xf32>
    %add3A_10 = arith.addf %neg3A_7, %add3A : vector<16384xf32>
    %abs3A = math.absf %sub3A_9 : vector<16384xf32>
    %neg3A_11 = arith.constant 0.000000e+00 : f32
    %neg3A_12 = vector.broadcast %neg3A_11 : f32 to vector<16384xf32>
    %neg3A_13 = arith.subf %neg3A_12, %abs3A : vector<16384xf32>
    %exp3A = math.exp %neg3A_13 : vector<16384xf32>
    %log1p3A = math.log1p %exp3A : vector<16384xf32>
    %add3A_14 = arith.addf %max3A_8, %log1p3A : vector<16384xf32>
    %select_n3A = arith.select %ne3A, %add3A_10, %add3A_14 : vector<16384xi1>, vector<16384xf32>
    %neg3A_15 = arith.constant 0.000000e+00 : f32
    %neg3A_16 = vector.broadcast %neg3A_15 : f32 to vector<16384xf32>
    %neg3A_17 = arith.subf %neg3A_16, %select_n3A : vector<16384xf32>
    %reduce_sum3A_18 = vector.shape_cast %neg3A_17 : vector<16384xf32> to vector<1x16384xf32>
    %reduce_sum3A_19 = arith.constant dense<0.000000e+00> : vector<1xf32>
    %reduce_sum3A_20 = vector.multi_reduction <add>, %reduce_sum3A_18, %reduce_sum3A_19 [1] : vector<1x16384xf32> to vector<1xf32>
    %reduce_sum3A_21 = vector.shape_cast %reduce_sum3A_20 : vector<1xf32> to vector<1x1xf32>
    %reduce_sum3A_22 = vector.extract %reduce_sum3A_21[0, 0] : f32 from vector<1x1xf32>
    %neg3A_23 = arith.constant 0.000000e+00 : f32
    %neg3A_24 = arith.subf %neg3A_23, %reduce_sum3A_22 : f32
    %broadcast_in_dim3A = vector.broadcast %neg3A_24 : f32 to vector<1x1xf32>
    %swap3A = arith.constant 0 : index
    %swap3A_25 = arith.constant 0 : index
    %swap3A_26 = vector.load %arg2[%swap3A, %swap3A_25] : memref<1x1xf32, #tpu.memory_space<vmem>>, vector<1x1xf32>
    tpu.vector_store %arg2[%swap3A, %swap3A_25], %broadcast_in_dim3A {strides = array<i32>} : memref<1x1xf32, #tpu.memory_space<vmem>>, vector<1x1xf32>,
    return
  }
}

</mosaic_0001>

<sc_bundles>
// kernel: kernel.4.cloned.1.call-start
scs
__scs_entry_jumppad:
0x0: {  	(pc) =	sbr.rel $0x88, $3  }
0x1: {  	(tag) =	ssettag $0x0;
	lr =	simm.s32 $0x1  }
0x2: {  	[smem:$0x3F9D] =	sst lr;
	_ =	strace $0xD0000000  }
0x3: {  	_ = 	snop  }
0x4: {  	_ = 	snop  }
0x5: {  	_ = 	snop  }
0x6: {  	_ = 	snop  }
0x7: {  	_ = 	snop  }
__scs_overlays_trampoline_lowered:
0x8: {  	[smem:$0x3FAC] =	sst s0  }
0x9: {  	[smem:$0x3FAD] =	sst s1  }
0xa: {  	[smem:$0x3FAE] =	sst s2  }
0xb: {  	[smem:$0x3FAF] =	sst s3  }
0xc: {  	[smem:$0x3FB0] =	sst s4  }
0xd: {  	[smem:$0x3FB1] =	sst s5  }
0xe: {  	[smem:$0x3FB2] =	sst s6  }
0xf: {  	[smem:$0x3FB3] =	sst s7  }
0x10: {  	[smem:$0x3FB4] =	sst s8  }
0x11: {  	[smem:$0x3FB5] =	sst s9;
	s0 =	simm.s32 @!p0 $0x0  }
0x12: {  	s1 =	sld [smem:$0x3F9B];
	s0 =	simm.s32 @p0 $0x1  }
0x13: {  	[smem:$0x3FB6] =	sst s0;
	s0 =	simm.s32 @!p1 $0x0  }
0x14: {  	s2 =	sld [smem:$0x3F9A];
	s0 =	simm.s32 @p1 $0x1  }
0x15: {  	[smem:$0x3FB7] =	sst s0;
	s0 =	simm.s32 @!p2 $0x0  }
0x16: {  	s3 =	sld [smem:$0x3FDB];
	s0 =	simm.s32 @p2 $0x1  }
0x17: {  	s4 =	simm.s32 $0x1BF5;
	[smem:$0x3FB9] =	sst s0  }
0x18: {  	s0 =	sld [smem:$0x3F9C];
	_ =	swait.ge [sflag:s4], $0x0  }
0x19: {  	s7 =	sld [smem:$0x3F9D]  }
0x1a: {  	s8 =	sadd.s32 $0xFFFFE003, lr  }
0x1b: {  	s9 =	sadd.s32 $0xFFFFFEF7, lr;
	s5 =	simm.s32 $0xFFFFFFFF;
	p2 =	slt.u32 s8, $0xFFFFF086  }
0x1c: {  	p1 =	slt.u32 s9, $0xF7A;
	s5 =	simm.s32 @!p2 $0x0  }
0x1d: {  	s5 =	simm.s32 @p1 $0x1;
	p0 =	seq.s32 s7, s2  }
0x1e: {  	s7 =	smul.u32 @!p0 $0xF7A, s2;
	p2 =	seq.s32 @!p0 s5, $0x0  }
0x1f: {  	s9 =	smul.u32 $0xF7A, s1;
	s8 =	simm.s32 @!p0 $0x1BF5;
	p2 =	por !p2, p0  }
0x20: {  	[sflag:s8] =	ssyncset.s32 @!p0 $0xFFFFF086;
	s6 =	sadd.s32 @!p0 s3, s7;
	s7 =	simm.s32 @!p0 $0x108  }
0x21: {  	s3 =	sadd.s32 s3, s9;
	s6 =	sadd.s32 @!p0 $0x88, s6;
	s7 =	simm.s32 @p2 $0x1082  }
0x22: {  	[simem:s7], [sflag:s8] =	dma.local @!p0 [hbm:s6], $0xF7A  }
0x23: {  	s9 =	sor.u32 $0xD0000000, s2;
	s6 =	simm.s32 $0x108;
	_ =	swait.ge @!p0 [sflag:s8], $0x0  }
0x24: {  	s3 =	sadd.s32 $0x88, s3;
	s6 =	simm.s32 @!p1 $0x1082;
	[sflag:s4] =	ssyncset.s32 $0xFFFFF086  }
0x25: {  	[simem:s6], [sflag:s4] =	dma.local [hbm:s3], $0xF7A  }
0x26: {  	[smem:$0x3F9D] =	sst s1;
	(tag) =	ssettag s2;
	_ =	strace s9  }
0x27: {  	s1 =	sld [smem:$0x3FAD]  }
0x28: {  	s2 =	sld [smem:$0x3FAE]  }
0x29: {  	s4 =	sld [smem:$0x3FB0]  }
0x2a: {  	p0 =	seq.s32 s5, $0x0;
	s5 =	sld [smem:$0x3FB1]  }
0x2b: {  	s6 =	sld [smem:$0x3FB2]  }
0x2c: {  	s7 =	sld [smem:$0x3FB3]  }
0x2d: {  	s3 =	simm.s32 $0x108;
	s8 =	sld [smem:$0x3FB4]  }
0x2e: {  	s3 =	simm.s32 @!p0 $0x1082;
	s9 =	sld [smem:$0x3FB5]  }
0x2f: {  	lr =	sadd.s32 s0, s3;
	s0 =	sld [smem:$0x3FAC]  }
0x30: {  	s3 =	sld [smem:$0x3FAF]  }
0x31: {  	[smem:$0x3FB8] =	sst s10  }
0x32: {  	s10 =	sld [smem:$0x3FB6];
	_ =	sdelay $0x3  }
0x33: {  	p0 =	seq.s32 s10, $0x1;
	s10 =	sld [smem:$0x3FB8];
	_ =	sdelay $0x3  }
0x34: {  	[smem:$0x3FB8] =	sst s10  }
0x35: {  	s10 =	sld [smem:$0x3FB7];
	_ =	sdelay $0x3  }
0x36: {  	p1 =	seq.s32 s10, $0x1;
	s10 =	sld [smem:$0x3FB8];
	_ =	sdelay $0x3  }
0x37: {  	[smem:$0x3FB8] =	sst s10  }
0x38: {  	s10 =	sld [smem:$0x3FB9]  }
0x39: {  	_ = 	snop;
	(pc) =	sbr.ind lr, $3  }
0x3a: {  	_ = 	snop  }
0x3b: {  	_ = 	snop  }
0x3c: {  	p2 =	seq.s32 s10, $0x1;
	s10 =	sld [smem:$0x3FB8]  }
0x3d: {  	_ =	shalt  }
0x3e: {  	_ =	shalt  }
0x3f: {  	_ =	shalt  }
0x40: {  	_ =	shalt  }
0x41: {  	_ =	shalt  }
0x42: {  	_ =	shalt  }
0x43: {  	_ =	shalt  }
0x44: {  	_ =	shalt  }
0x45: {  	_ =	shalt  }
0x46: {  	_ =	shalt  }
0x47: {  	_ =	shalt  }
0x48: {  	_ =	shalt  }
0x49: {  	_ =	shalt  }
0x4a: {  	_ =	shalt  }
0x4b: {  	_ =	shalt  }
0x4c: {  	_ =	shalt  }
0x4d: {  	_ =	shalt  }
0x4e: {  	_ =	shalt  }
0x4f: {  	_ =	shalt  }
0x50: {  	_ =	shalt  }
0x51: {  	_ =	shalt  }
0x52: {  	_ =	shalt  }
0x53: {  	_ =	shalt  }
0x54: {  	_ =	shalt  }
0x55: {  	_ =	shalt  }
0x56: {  	_ =	shalt  }
0x57: {  	_ =	shalt  }
0x58: {  	_ =	shalt  }
0x59: {  	_ =	shalt  }
0x5a: {  	_ =	shalt  }
0x5b: {  	_ =	shalt  }
0x5c: {  	_ =	shalt  }
0x5d: {  	_ =	shalt  }
0x5e: {  	_ =	shalt  }
0x5f: {  	_ =	shalt  }
0x60: {  	_ =	shalt  }
0x61: {  	_ =	shalt  }
0x62: {  	_ =	shalt  }
0x63: {  	_ =	shalt  }
0x64: {  	_ =	shalt  }
0x65: {  	_ =	shalt  }
0x66: {  	_ =	shalt  }
0x67: {  	_ =	shalt  }
0x68: {  	_ =	shalt  }
0x69: {  	_ =	shalt  }
0x6a: {  	_ =	shalt  }
0x6b: {  	_ =	shalt  }
0x6c: {  	_ =	shalt  }
0x6d: {  	_ =	shalt  }
0x6e: {  	_ =	shalt  }
0x6f: {  	_ =	shalt  }
0x70: {  	_ =	shalt  }
0x71: {  	_ =	shalt  }
0x72: {  	_ =	shalt  }
0x73: {  	_ =	shalt  }
0x74: {  	_ =	shalt  }
0x75: {  	_ =	shalt  }
0x76: {  	_ =	shalt  }
0x77: {  	_ =	shalt  }
0x78: {  	_ =	shalt  }
0x79: {  	_ =	shalt  }
0x7a: {  	_ =	shalt  }
0x7b: {  	_ =	shalt  }
0x7c: {  	_ =	shalt  }
0x7d: {  	_ =	shalt  }
0x7e: {  	_ =	shalt  }
0x7f: {  	_ =	shalt  }
0x80: {  	_ =	shalt  }
0x81: {  	_ =	shalt  }
0x82: {  	_ =	shalt  }
0x83: {  	_ =	shalt  }
0x84: {  	_ =	shalt  }
0x85: {  	_ =	shalt  }
0x86: {  	_ =	shalt  }
0x87: {  	_ =	shalt  }
.Lfunc_end0:
.L_simem_size_0:
called_computation_lowered:
.L_overlay_start_0:
0x88: {  	s2 =	sld [smem:$0x3FD9]  }
0x89: {  	s3 =	sld [smem:$0x3FFE];
	_ =	sdelay $0x1  }
0x8a: {  	s1 =	srdreg.scid  }
0x8b: {  	s0 =	sand.u32 $0x1, s1  }
0x8c: {  	s17 =	sshll.u32 s0, $0xA;
	s2 =	sadd.s32 s3, s2  }
0x8d: {  	s2 =	sadd.s32 s2, s17  }
0x8e: {  	[smem:$0x3FC4] =	sst s2  }
0x8f: {  	_ = 	snop  }
0x90: {  	s2 =	sld [smem:$0x3FC9]  }
0x91: {  	s18 =	sld [smem:$0x3FC8]  }
0x92: {  	s4 =	sld [smem:$0x3FC7]  }
0x93: {  	s5 =	sld [smem:$0x3FC6];
	(tm) =	ssettm $0x1  }
0x94: {  	s6 =	sld [smem:$0x3FFB];
	_ =	sdelay $0x3  }
0x95: {  	_ =	strace s6  }
0x96: {  	s6 =	sld [smem:$0x3FFC];
	_ =	sdelay $0x3  }
0x97: {  	_ =	strace s6  }
0x98: {  	s6 =	sld [smem:$0x3FFD];
	_ =	sdelay $0x3  }
0x99: {  	_ =	strace s6  }
0x9a: {  	_ =	strace $0x8FFFFFFF  }
0x9b: {  	s19 =	sld [smem:$0x3FDB];
	_ =	sdelay $0x1  }
0x9c: {  	s7 =	simm.s32 $_scs_section_size  }
0x9d: {  	s8 =	simm.s32 $_size__tile_overlayer_lowered;
	s9 =	simm.s32 $_tile_overlayer_lowered  }
0x9e: {  	s22 =	simm.s32 $0x1BFF;
	s21 =	sshll.u32 s9, $0x1;
	s6 =	sadd.s32 s7, s19  }
0x9f: {  	s10 =	simm.s32 $0x0;
	s20 =	sshll.u32 s8, $0x1;
	s8 =	sadd.s32 s21, s6  }
0xa0: {  	[timem:s10], [sflag:s22] =	dma.local [hbm:s8], s20  }
0xa1: {  	_ =	swait.ge [sflag:s22], s20  }
0xa2: {  	s7 =	ssub.s32 $0x0, s20;
	[sflag:s22] =	ssyncset.done $0x0  }
0xa3: {  	[sflag:s22] =	ssyncadd.s32 s7;
	_ =	sdelay $0x1  }
0xa4: {  	s23 =	simm.s32 $0x1B8B  }
0xa5: {  	_ =	swait.ge [sflag:s23], $0x1  }
0xa6: {  	[sflag:s23] =	ssyncset.done $0x0  }
0xa7: {  	s25 =	simm.s32 $0x1B8E;
	s24 =	sld [smem:$0x3FFE];
	[sflag:s23] =	ssyncadd.s32 $0xFFFFFFFF  }
0xa8: {  	s26 =	simm.s32 $execute0_lowered;
	[smem:$0x3FD2] =	sst s25  }
0xa9: {  	s8 =	sshll.u32 s26, $0x1;
	_ =	strace $0x80000046;
	[dreg:$0x1] =	wrdreg $0xFFFFFFFF  }
0xaa: {  	s28 =	simm.s32 $_size_execute0_lowered;
	s6 =	sadd.s32 s6, s8;
	[dreg:$0x0] =	wrdreg $0x0  }
0xab: {  	s8 =	sshll.u32 s28, $0x1;
	[dreg:$0x2] =	wrdreg s6  }
0xac: {  	[dreg:$0x3] =	wrdreg s8  }
0xad: {  	[dreg:$0x4] =	wrdreg $0xC0  }
0xae: {  	_ =	task [dreg:s10], $0x5FFFF  }
0xaf: {  	[dreg:$0x1] =	wrdreg $0xFFFFFFFF  }
0xb0: {  	[dreg:$0x0] =	wrdreg $0x60  }
0xb1: {  	[dreg:$0x2] =	wrdreg s4  }
0xb2: {  	[dreg:$0x3] =	wrdreg s5  }
0xb3: {  	[dreg:$0x4] =	wrdreg s2  }
0xb4: {  	[dreg:$0x5] =	wrdreg s18  }
0xb5: {  	[dreg:$0x6] =	wrdreg s24  }
0xb6: {  	[dreg:$0x7] =	wrdreg $0x9  }
0xb7: {  	_ =	task.clear_ibuf [dreg:s10], $0x8FFFF;
	_ =	strace $0x90000046  }
0xb8: {  	s29 =	simm.s32 $0x9;
	_ =	strace $0x80000048  }
0xb9: {  	_ =	swait.ge [sflag:s29], $0x1  }
0xba: {  	[sflag:s29] =	ssyncadd.s32 $0xFFFFFFFF  }
0xbb: {  	_ =	strace $0x90000048  }
0xbc: {  	_ =	sfence  }
0xbd: {  	s30 =	sld [smem:$0x0];
	_ =	sdelay $0x2  }
0xbe: {  	s31 =	sshll.u32 s1, $0xD;
	s1 =	sshrl.u32 s1, $0x2  }
0xbf: {  	s3 =	sand.u32 $0x4000, s31;
	s1 =	sadd.s32 s1, s30  }
0xc0: {  	s0 =	sor.u32 s3, s0;
	s1 =	sshll.u32 s1, $0x11  }
0xc1: {  	s0 =	sor.u32 s1, s0  }
0xc2: {  	s0 =	sadd.s32 $0x8F2B, s0  }
0xc3: {  	[sflag:s0] =	ssyncadd.remote.s32 $0x1  }
0xc4: {  	_ =	sfence.sel $0xFFFF  }
0xc5: {  	[dreg:$0x0] =	wrdreg $0xFFFFFFFF;
	(pc) =	sbr.abs _section_cstart, $3  }
0xc6: {  	[dreg:$0x1] =	wrdreg $0xFFFFFFFF  }
0xc7: {  	_ =	task.clear_ibuf [dreg:s10], $0x2FFFF;
	_ =	strace $0x9FFFFFFF  }
0xc8: {  	(tm) =	ssettm $0x7FFFFFFF  }
0xc9: {  	_ =	shalt  }
tec
execute0_lowered:
.L_overlay_start_1:
0x0: {  	(tag) =	ssettag $0x1  }
0x1: {  	s1 =	rddreg [dreg:$0x0]  }
0x2: {  	s2 =	rddreg [dreg:$0x1]  }
0x3: {  	s0 =	rddreg [dreg:$0x2]  }
0x4: {  	s3 =	rddreg [dreg:$0x3]  }
0x5: {  	s5 =	rddreg [dreg:$0x4]  }
0x6: {  	s4 =	simm.s32 $0x0;
	s6 =	srdreg.scid;
	s8 =	stileid.u32  }
0x7: {  	s11 =	simm.s32 $0x2;
	s13 =	simm.s32 $0x7A1400;
	s14 =	simm.s32 $0x400  }
0x8: {  	s15 =	simm.s32 $0xA400;
	s16 =	simm.s32 $0x2400;
	s17 =	simm.s32 $0xC400  }
0x9: {  	s18 =	simm.s32 $0x4400;
	s19 =	simm.s32 $0xE400;
	s20 =	simm.s32 $0x6400  }
0xa: {  	s21 =	simm.s32 $0x10400;
	s22 =	simm.s32 $0x8400;
	[smem:$0x7FF] =	sst s4  }
0xb: {  	s6 =	sand.u32 $0x1, s6;
	s8 =	sshll.u32 s8, $0xA;
	s9 =	sadd.s32 $0xC00, s5  }
0xc: {  	s5 =	sadd.s32 $0x40C00, s5;
	s7 =	ssub.s32 $0x2, s6;
	s6 =	sshll.u32 s6, $0x9  }
0xd: {  	_ =	strace $0x80000047;
	[dreg:$0x7] =	wrdreg s9;
	s6 =	sor.u32 s6, s8  }
0xe: {  	[dreg:$0x8] =	wrdreg s5;
	s28 =	sshrl.u32 s6, $0x3;
	s30 =	sshll.u32 s6, $0x4  }
0xf: {  	v0 =	vlaneseq.u32;
	s25 =	sshrl.u32 s7, $0x1;
	s0 =	sadd.s32 s0, s28;
	[dreg:$0xb] =	wrdreg s30  }
0x10: {  	v0 =	vmul.u32 $0x80, v0;
	s26 =	ssub.s32 s7, s25;
	s29 =	sadd.s32 s3, s28;
	[dreg:$0x9] =	wrdreg s0  }
0x11: {  	s23 =	simm.s32 $0x12400;
	s31 =	smax.u32 s26, $0x1;
	[dreg:$0xa] =	wrdreg s29  }
0x12: {  	s24 =	simm.s32 $0x1;
	v1 =	vor.u32 $0x800, v0;
	v2 =	vor.u32 $0x1000, v0;
	v3 =	vor.u32 $0x1800, v0;
	s3 =	simm.s32 $0x0;
	[dreg:$0xc] =	wrdreg s31  }
.LBB2_1:
0x13: {  	[dreg:$0xd] =	wrdreg s3  }
0x14: {  	s0 =	rddreg [dreg:$0x9]  }
0x15: {  	[tilespmem:s4], [sflag:$0x2] =	stream.linear.gather [hbm4b:s0+s4], $0x200, $0x38;
	[tilespmem:$0x1C400] =	vst v63  }
0x16: {  	_ =	swait.ge [sflag:s11], $0x200  }
0x17: {  	[sflag:s11] =	ssyncset.done $0x0  }
0x18: {  	s31 =	simm.s32 $0x200;
	s30 =	rddreg [dreg:$0xa];
	[sflag:s11] =	ssyncadd.s32 $0xFFFFFE00  }
0x19: {  	[tilespmem:s31], [sflag:$0x2] =	stream.linear.gather [hbm4b:s30+s4], $0x200, $0x38;
	[tilespmem:$0x1C400] =	vst v63  }
0x1a: {  	_ =	swait.ge [sflag:s11], $0x200  }
0x1b: {  	[sflag:s11] =	ssyncset.done $0x0  }
0x1c: {  	s29 =	simm.s32 $0x0;
	[sflag:s11] =	ssyncadd.s32 $0xFFFFFE00  }
.LBB2_2:
0x1d: {  	s30 =	sshll.u32 s29, $0x7  }
0x1e: {  	s0 =	sor.u32 $0x10, s30  }
0x1f: {  	s31 =	simm.s32 $0x0;
	[dreg:$0x6] =	wrdreg s0  }
.LBB2_3:
0x20: {  	s0 =	sshll.u32 s31, $0x5  }
0x21: {  	s3 =	sor.u32 s30, s0  }
0x22: {  	v7 =	vld [tilespmem:s3+$0x0];
	_ =	sdelay $0x3  }
0x23: {  	v6 =	vld [tilespmem:s3+$0x200]  }
0x24: {  	(v2sf) =	vpush v7, $0x0;
	_ =	sdelay $0x3  }
0x25: {  	(v2sf) =	vpush v6, $0x0;
	_ =	sdelay $0x2  }
0x26: {  	(v2sf) =	vpush v7, $0x1;
	_ =	sdelay $0x2  }
0x27: {  	(v2sf) =	vpush v6, $0x1  }
0x28: {  	(v2sf) =	vpush v7, $0x2;
	_ =	sdelay $0x3  }
0x29: {  	s9 =	rddreg [dreg:$0x6];
	s12 =	spop (v2sf);
	(v2sf) =	vpush v6, $0x2  }
0x2a: {  	s0 =	sor.u32 s9, s0;
	s10 =	sand.u32 $0xFFFFF80, s12  }
0x2b: {  	v4 =	vld [tilespmem:s0+$0x0];
	s25 =	sadd.s32 s1, s10  }
0x2c: {  	v5 =	vld [tilespmem:s0+$0x200];
	[tilespmem:s14], [sflag:$0x1] =	stream.strided.gather [hbm4b:s25+s14], $0x2000, s13, s14, $0x38  }
0x2d: {  	s25 =	spop (v2sf);
	(v2sf) =	vpush v7, $0x3;
	_ =	sdelay $0x1  }
0x2e: {  	s26 =	sand.u32 $0xFFFFF80, s25  }
0x2f: {  	s0 =	sadd.s32 s2, s26;
	s26 =	spop (v2sf);
	(v2sf) =	vpush v6, $0x3;
	_ =	sdelay $0x1  }
0x30: {  	[tilespmem:s15], [sflag:$0x1] =	stream.strided.gather [hbm4b:s0+s14], $0x2000, s13, s14, $0x38;
	[tilespmem:$0x1C400] =	vst v63  }
0x31: {  	s28 =	sand.u32 $0xFFFFF80, s26;
	s7 =	spop (v2sf);
	(v2sf) =	vpush v7, $0x4  }
0x32: {  	s0 =	sadd.s32 s1, s28;
	s3 =	sand.u32 $0xFFFFF80, s7;
	s8 =	spop (v2sf)  }
0x33: {  	[tilespmem:s16], [sflag:$0x1] =	stream.strided.gather [hbm4b:s0+s14], $0x2000, s13, s14, $0x38;
	[tilespmem:$0x1C400] =	vst v63  }
0x34: {  	s0 =	sadd.s32 s2, s3;
	s5 =	sand.u32 $0xFFFFF80, s8  }
0x35: {  	[tilespmem:s17], [sflag:$0x1] =	stream.strided.gather [hbm4b:s0+s14], $0x2000, s13, s14, $0x38;
	[tilespmem:$0x1C400] =	vst v63  }
0x36: {  	s0 =	sadd.s32 s1, s5;
	s5 =	spop (v2sf);
	(v2sf) =	vpush v6, $0x4;
	_ =	sdelay $0x1  }
0x37: {  	[tilespmem:s18], [sflag:$0x1] =	stream.strided.gather [hbm4b:s0+s14], $0x2000, s13, s14, $0x38;
	[tilespmem:$0x1C400] =	vst v63  }
0x38: {  	s6 =	sand.u32 $0xFFFFF80, s5  }
0x39: {  	s0 =	sadd.s32 s2, s6;
	s10 =	spop (v2sf)  }
0x3a: {  	[tilespmem:s19], [sflag:$0x1] =	stream.strided.gather [hbm4b:s0+s14], $0x2000, s13, s14, $0x38;
	[tilespmem:$0x1C400] =	vst v63  }
0x3b: {  	s9 =	sand.u32 $0xFFFFF80, s10  }
0x3c: {  	s6 =	spop (v2sf);
	s0 =	sadd.s32 s1, s9  }
0x3d: {  	[tilespmem:s20], [sflag:$0x1] =	stream.strided.gather [hbm4b:s0+s14], $0x2000, s13, s14, $0x38;
	[tilespmem:$0x1C400] =	vst v63  }
0x3e: {  	s28 =	sand.u32 $0xFFFFF80, s6  }
0x3f: {  	s0 =	sadd.s32 s2, s28;
	s28 =	spop (v2sf)  }
0x40: {  	[tilespmem:s21], [sflag:$0x1] =	stream.strided.gather [hbm4b:s0+s14], $0x2000, s13, s14, $0x38;
	[tilespmem:$0x1C400] =	vst v63  }
0x41: {  	s3 =	sand.u32 $0xFFFFF80, s28  }
0x42: {  	s0 =	sadd.s32 s1, s3  }
0x43: {  	[tilespmem:s22], [sflag:$0x1] =	stream.strided.gather [hbm4b:s0+s14], $0x2000, s13, s14, $0x38;
	[tilespmem:$0x1C400] =	vst v63  }
0x44: {  	s3 =	spop (v2sf)  }
0x45: {  	s12 =	sand.u32 $0x7F, s12;
	s9 =	sand.u32 $0xFFFFF80, s3  }
0x46: {  	v8 =	vor.u32 s12, v0;
	s0 =	sadd.s32 s2, s9  }
0x47: {  	[tilespmem:s23], [sflag:$0x1] =	stream.strided.gather [hbm4b:s0+s14], $0x2000, s13, s14, $0x38;
	[tilespmem:$0x1C400] =	vst v63  }
0x48: {  	_ =	swait.ge [sflag:s24], $0x2000  }
0x49: {  	[sflag:s24] =	ssyncset.done $0x0  }
0x4a: {  	[sflag:s24] =	ssyncadd.s32 $0xFFFFE000  }
0x4b: {  	v8 =	vld.idx.msk [tilespmem:v8+s14+$0x0], $0xffff  }
0x4c: {  	v9 =	vor.u32 s12, v1;
	_ =	sdelay $0x2  }
0x4d: {  	s0 =	sshll.u32 s31, $0xC  }
0x4e: {  	[tilespmem:s0+$0x14400] =	vst v8  }
0x4f: {  	v8 =	vld.idx.msk [tilespmem:v9+s14+$0x0], $0xffff  }
0x50: {  	v38 =	vor.u32 s12, v2;
	_ =	sdelay $0x3  }
0x51: {  	[tilespmem:s0+$0x14410] =	vst v8  }
0x52: {  	v8 =	vld.idx.msk [tilespmem:v38+s14+$0x0], $0xffff  }
0x53: {  	v39 =	vor.u32 s12, v3;
	_ =	sdelay $0x3  }
0x54: {  	[tilespmem:s0+$0x14420] =	vst v8  }
0x55: {  	v8 =	vld.idx.msk [tilespmem:v39+s14+$0x0], $0xffff;
	_ =	sdelay $0x2  }
0x56: {  	s25 =	sand.u32 $0x7F, s25  }
0x57: {  	v40 =	vor.u32 s25, v0  }
0x58: {  	[tilespmem:s0+$0x14430] =	vst v8  }
0x59: {  	_ =	swait.ge [sflag:s24], $0x2000  }
0x5a: {  	[sflag:s24] =	ssyncset.done $0x0  }
0x5b: {  	[sflag:s24] =	ssyncadd.s32 $0xFFFFE000  }
0x5c: {  	v41 =	vld.idx.msk [tilespmem:v40+s15+$0x0], $0xffff  }
0x5d: {  	v42 =	vor.u32 s25, v1;
	_ =	sdelay $0x3  }
0x5e: {  	[tilespmem:s0+$0x18400] =	vst v41  }
0x5f: {  	(v2sf) =	vpush v7, $0x5;
	v8 =	vld.idx.msk [tilespmem:v42+s15+$0x0], $0xffff  }
0x60: {  	v43 =	vor.u32 s25, v2;
	_ =	sdelay $0x2  }
0x61: {  	(v2sf) =	vpush v6, $0x5  }
0x62: {  	[tilespmem:s0+$0x18410] =	vst v8  }
0x63: {  	v8 =	vld.idx.msk [tilespmem:v43+s15+$0x0], $0xffff  }
0x64: {  	v44 =	vor.u32 s25, v3;
	_ =	sdelay $0x3  }
0x65: {  	[tilespmem:s0+$0x18420] =	vst v8  }
0x66: {  	v8 =	vld.idx.msk [tilespmem:v44+s15+$0x0], $0xffff;
	_ =	sdelay $0x2  }
0x67: {  	s25 =	spop (v2sf)  }
0x68: {  	s9 =	sand.u32 $0xFFFFF80, s25  }
0x69: {  	s12 =	sadd.s32 s1, s9;
	[tilespmem:s0+$0x18430] =	vst v8  }
0x6a: {  	[tilespmem:s14], [sflag:$0x1] =	stream.strided.gather [hbm4b:s12+s14], $0x2000, s13, s14, $0x38;
	[tilespmem:$0x1C400] =	vst v63  }
0x6b: {  	s12 =	spop (v2sf)  }
0x6c: {  	s26 =	sand.u32 $0x7F, s26;
	s9 =	sand.u32 $0xFFFFF80, s12  }
0x6d: {  	v45 =	vor.u32 s26, v0;
	s9 =	sadd.s32 s2, s9  }
0x6e: {  	[tilespmem:s15], [sflag:$0x1] =	stream.strided.gather [hbm4b:s9+s14], $0x2000, s13, s14, $0x38;
	[tilespmem:$0x1C400] =	vst v63  }
0x6f: {  	_ =	swait.ge [sflag:s24], $0x2000  }
0x70: {  	[sflag:s24] =	ssyncset.done $0x0  }
0x71: {  	[sflag:s24] =	ssyncadd.s32 $0xFFFFE000  }
0x72: {  	v8 =	vld.idx.msk [tilespmem:v45+s16+$0x0], $0xffff  }
0x73: {  	v46 =	vor.u32 s26, v1;
	_ =	sdelay $0x3  }
0x74: {  	[tilespmem:s0+$0x14480] =	vst v8  }
0x75: {  	v8 =	vld.idx.msk [tilespmem:v46+s16+$0x0], $0xffff  }
0x76: {  	v47 =	vor.u32 s26, v2;
	_ =	sdelay $0x3  }
0x77: {  	[tilespmem:s0+$0x14490] =	vst v8  }
0x78: {  	v8 =	vld.idx.msk [tilespmem:v47+s16+$0x0], $0xffff  }
0x79: {  	v48 =	vor.u32 s26, v3;
	_ =	sdelay $0x3  }
0x7a: {  	[tilespmem:s0+$0x144A0] =	vst v8  }
0x7b: {  	v8 =	vld.idx.msk [tilespmem:v48+s16+$0x0], $0xffff;
	_ =	sdelay $0x2  }
0x7c: {  	s7 =	sand.u32 $0x7F, s7  }
0x7d: {  	v49 =	vor.u32 s7, v0  }
0x7e: {  	[tilespmem:s0+$0x144B0] =	vst v8  }
0x7f: {  	_ =	swait.ge [sflag:s24], $0x2000  }
0x80: {  	[sflag:s24] =	ssyncset.done $0x0  }
0x81: {  	[sflag:s24] =	ssyncadd.s32 $0xFFFFE000  }
0x82: {  	v50 =	vld.idx.msk [tilespmem:v49+s17+$0x0], $0xffff  }
0x83: {  	v51 =	vor.u32 s7, v1;
	_ =	sdelay $0x3  }
0x84: {  	[tilespmem:s0+$0x18480] =	vst v50  }
0x85: {  	(v2sf) =	vpush v7, $0x6;
	v8 =	vld.idx.msk [tilespmem:v51+s17+$0x0], $0xffff  }
0x86: {  	v52 =	vor.u32 s7, v2;
	_ =	sdelay $0x2  }
0x87: {  	(v2sf) =	vpush v6, $0x6  }
0x88: {  	[tilespmem:s0+$0x18490] =	vst v8  }
0x89: {  	v8 =	vld.idx.msk [tilespmem:v52+s17+$0x0], $0xffff  }
0x8a: {  	v53 =	vor.u32 s7, v3;
	_ =	sdelay $0x3  }
0x8b: {  	[tilespmem:s0+$0x184A0] =	vst v8  }
0x8c: {  	v8 =	vld.idx.msk [tilespmem:v53+s17+$0x0], $0xffff;
	_ =	sdelay $0x2  }
0x8d: {  	s26 =	spop (v2sf)  }
0x8e: {  	s9 =	sand.u32 $0xFFFFF80, s26  }
0x8f: {  	s7 =	sadd.s32 s1, s9;
	[tilespmem:s0+$0x184B0] =	vst v8  }
0x90: {  	[tilespmem:s16], [sflag:$0x1] =	stream.strided.gather [hbm4b:s7+s14], $0x2000, s13, s14, $0x38;
	[tilespmem:$0x1C400] =	vst v63  }
0x91: {  	s7 =	spop (v2sf)  }
0x92: {  	s8 =	sand.u32 $0x7F, s8;
	s9 =	sand.u32 $0xFFFFF80, s7  }
0x93: {  	v54 =	vor.u32 s8, v0;
	s9 =	sadd.s32 s2, s9  }
0x94: {  	[tilespmem:s17], [sflag:$0x1] =	stream.strided.gather [hbm4b:s9+s14], $0x2000, s13, s14, $0x38;
	[tilespmem:$0x1C400] =	vst v63  }
0x95: {  	_ =	swait.ge [sflag:s24], $0x2000  }
0x96: {  	[sflag:s24] =	ssyncset.done $0x0  }
0x97: {  	[sflag:s24] =	ssyncadd.s32 $0xFFFFE000  }
0x98: {  	v8 =	vld.idx.msk [tilespmem:v54+s18+$0x0], $0xffff  }
0x99: {  	v55 =	vor.u32 s8, v1;
	_ =	sdelay $0x3  }
0x9a: {  	[tilespmem:s0+$0x14500] =	vst v8  }
0x9b: {  	v8 =	vld.idx.msk [tilespmem:v55+s18+$0x0], $0xffff  }
0x9c: {  	v56 =	vor.u32 s8, v2;
	_ =	sdelay $0x3  }
0x9d: {  	[tilespmem:s0+$0x14510] =	vst v8  }
0x9e: {  	v8 =	vld.idx.msk [tilespmem:v56+s18+$0x0], $0xffff  }
0x9f: {  	v57 =	vor.u32 s8, v3;
	_ =	sdelay $0x3  }
0xa0: {  	[tilespmem:s0+$0x14520] =	vst v8  }
0xa1: {  	v8 =	vld.idx.msk [tilespmem:v57+s18+$0x0], $0xffff;
	_ =	sdelay $0x2  }
0xa2: {  	s5 =	sand.u32 $0x7F, s5  }
0xa3: {  	v58 =	vor.u32 s5, v0  }
0xa4: {  	[tilespmem:s0+$0x14530] =	vst v8  }
0xa5: {  	_ =	swait.ge [sflag:s24], $0x2000  }
0xa6: {  	[sflag:s24] =	ssyncset.done $0x0  }
0xa7: {  	[sflag:s24] =	ssyncadd.s32 $0xFFFFE000  }
0xa8: {  	v59 =	vld.idx.msk [tilespmem:v58+s19+$0x0], $0xffff  }
0xa9: {  	v60 =	vor.u32 s5, v1;
	_ =	sdelay $0x3  }
0xaa: {  	[tilespmem:s0+$0x18500] =	vst v59  }
0xab: {  	(v2sf) =	vpush v7, $0x7;
	v8 =	vld.idx.msk [tilespmem:v60+s19+$0x0], $0xffff  }
0xac: {  	v61 =	vor.u32 s5, v2;
	_ =	sdelay $0x2  }
0xad: {  	(v2sf) =	vpush v6, $0x7  }
0xae: {  	[tilespmem:s0+$0x18510] =	vst v8  }
0xaf: {  	v8 =	vld.idx.msk [tilespmem:v61+s19+$0x0], $0xffff  }
0xb0: {  	v62 =	vor.u32 s5, v3;
	_ =	sdelay $0x3  }
0xb1: {  	[tilespmem:s0+$0x18520] =	vst v8  }
0xb2: {  	v8 =	vld.idx.msk [tilespmem:v62+s19+$0x0], $0xffff;
	_ =	sdelay $0x2  }
0xb3: {  	s5 =	spop (v2sf)  }
0xb4: {  	s9 =	sand.u32 $0xFFFFF80, s5  }
0xb5: {  	s8 =	sadd.s32 s1, s9;
	[tilespmem:s0+$0x18530] =	vst v8  }
0xb6: {  	[tilespmem:s18], [sflag:$0x1] =	stream.strided.gather [hbm4b:s8+s14], $0x2000, s13, s14, $0x38;
	[tilespmem:$0x1C400] =	vst v63  }
0xb7: {  	s8 =	spop (v2sf)  }
0xb8: {  	s10 =	sand.u32 $0x7F, s10;
	s9 =	sand.u32 $0xFFFFF80, s8  }
0xb9: {  	v63 =	vor.u32 s10, v0;
	s9 =	sadd.s32 s2, s9  }
0xba: {  	[tilespmem:s19], [sflag:$0x1] =	stream.strided.gather [hbm4b:s9+s14], $0x2000, s13, s14, $0x38;
	[tilespmem:$0x1C400] =	vst v63  }
0xbb: {  	_ =	swait.ge [sflag:s24], $0x2000  }
0xbc: {  	[sflag:s24] =	ssyncset.done $0x0  }
0xbd: {  	[sflag:s24] =	ssyncadd.s32 $0xFFFFE000  }
0xbe: {  	v8 =	vld.idx.msk [tilespmem:v63+s20+$0x0], $0xffff  }
0xbf: {  	v12 =	vor.u32 s10, v1;
	_ =	sdelay $0x3  }
0xc0: {  	[tilespmem:s0+$0x14580] =	vst v8  }
0xc1: {  	v8 =	vld.idx.msk [tilespmem:v12+s20+$0x0], $0xffff  }
0xc2: {  	v13 =	vor.u32 s10, v2;
	_ =	sdelay $0x3  }
0xc3: {  	[tilespmem:s0+$0x14590] =	vst v8  }
0xc4: {  	v8 =	vld.idx.msk [tilespmem:v13+s20+$0x0], $0xffff  }
0xc5: {  	v14 =	vor.u32 s10, v3;
	_ =	sdelay $0x3  }
0xc6: {  	[tilespmem:s0+$0x145A0] =	vst v8  }
0xc7: {  	v8 =	vld.idx.msk [tilespmem:v14+s20+$0x0], $0xffff;
	_ =	sdelay $0x2  }
0xc8: {  	s6 =	sand.u32 $0x7F, s6  }
0xc9: {  	v15 =	vor.u32 s6, v0  }
0xca: {  	[tilespmem:s0+$0x145B0] =	vst v8  }
0xcb: {  	_ =	swait.ge [sflag:s24], $0x2000  }
0xcc: {  	[sflag:s24] =	ssyncset.done $0x0  }
0xcd: {  	[sflag:s24] =	ssyncadd.s32 $0xFFFFE000  }
0xce: {  	v16 =	vld.idx.msk [tilespmem:v15+s21+$0x0], $0xffff  }
0xcf: {  	v17 =	vor.u32 s6, v1;
	_ =	sdelay $0x3  }
0xd0: {  	[tilespmem:s0+$0x18580] =	vst v16  }
0xd1: {  	(v2sf) =	vpush v7, $0x8;
	v8 =	vld.idx.msk [tilespmem:v17+s21+$0x0], $0xffff  }
0xd2: {  	v18 =	vor.u32 s6, v2  }
0xd3: {  	(v2sf) =	vpush v6, $0x8;
	_ =	sdelay $0x2  }
0xd4: {  	[tilespmem:s0+$0x18590] =	vst v8  }
0xd5: {  	v8 =	vld.idx.msk [tilespmem:v18+s21+$0x0], $0xffff  }
0xd6: {  	v19 =	vor.u32 s6, v3;
	_ =	sdelay $0x3  }
0xd7: {  	[tilespmem:s0+$0x185A0] =	vst v8  }
0xd8: {  	v8 =	vld.idx.msk [tilespmem:v19+s21+$0x0], $0xffff;
	_ =	sdelay $0x2  }
0xd9: {  	s6 =	spop (v2sf)  }
0xda: {  	s10 =	sand.u32 $0xFFFFF80, s6  }
0xdb: {  	s9 =	sadd.s32 s1, s10;
	s10 =	spop (v2sf);
	[tilespmem:s0+$0x185B0] =	vst v8  }
0xdc: {  	[tilespmem:s20], [sflag:$0x1] =	stream.strided.gather [hbm4b:s9+s14], $0x2000, s13, s14, $0x38;
	[tilespmem:$0x1C400] =	vst v63  }
0xdd: {  	s28 =	sand.u32 $0x7F, s28;
	s9 =	sand.u32 $0xFFFFF80, s10  }
0xde: {  	v20 =	vor.u32 s28, v0;
	s9 =	sadd.s32 s2, s9  }
0xdf: {  	[tilespmem:s21], [sflag:$0x1] =	stream.strided.gather [hbm4b:s9+s14], $0x2000, s13, s14, $0x38;
	[tilespmem:$0x1C400] =	vst v63  }
0xe0: {  	_ =	swait.ge [sflag:s24], $0x2000  }
0xe1: {  	[sflag:s24] =	ssyncset.done $0x0  }
0xe2: {  	[sflag:s24] =	ssyncadd.s32 $0xFFFFE000  }
0xe3: {  	v8 =	vld.idx.msk [tilespmem:v20+s22+$0x0], $0xffff  }
0xe4: {  	v21 =	vor.u32 s28, v1;
	_ =	sdelay $0x3  }
0xe5: {  	[tilespmem:s0+$0x14600] =	vst v8  }
0xe6: {  	v8 =	vld.idx.msk [tilespmem:v21+s22+$0x0], $0xffff  }
0xe7: {  	v22 =	vor.u32 s28, v2;
	_ =	sdelay $0x3  }
0xe8: {  	[tilespmem:s0+$0x14610] =	vst v8  }
0xe9: {  	v8 =	vld.idx.msk [tilespmem:v22+s22+$0x0], $0xffff  }
0xea: {  	v23 =	vor.u32 s28, v3;
	_ =	sdelay $0x3  }
0xeb: {  	[tilespmem:s0+$0x14620] =	vst v8  }
0xec: {  	v8 =	vld.idx.msk [tilespmem:v23+s22+$0x0], $0xffff;
	_ =	sdelay $0x2  }
0xed: {  	s3 =	sand.u32 $0x7F, s3  }
0xee: {  	v24 =	vor.u32 s3, v0  }
0xef: {  	[tilespmem:s0+$0x14630] =	vst v8  }
0xf0: {  	_ =	swait.ge [sflag:s24], $0x2000  }
0xf1: {  	[sflag:s24] =	ssyncset.done $0x0  }
0xf2: {  	[sflag:s24] =	ssyncadd.s32 $0xFFFFE000  }
0xf3: {  	v25 =	vld.idx.msk [tilespmem:v24+s23+$0x0], $0xffff  }
0xf4: {  	v26 =	vor.u32 s3, v1;
	_ =	sdelay $0x3  }
0xf5: {  	[tilespmem:s0+$0x18600] =	vst v25  }
0xf6: {  	(v2sf) =	vpush v7, $0x9;
	v8 =	vld.idx.msk [tilespmem:v26+s23+$0x0], $0xffff  }
0xf7: {  	v27 =	vor.u32 s3, v2;
	_ =	sdelay $0x2  }
0xf8: {  	(v2sf) =	vpush v6, $0x9  }
0xf9: {  	[tilespmem:s0+$0x18610] =	vst v8  }
0xfa: {  	v8 =	vld.idx.msk [tilespmem:v27+s23+$0x0], $0xffff  }
0xfb: {  	v28 =	vor.u32 s3, v3;
	_ =	sdelay $0x3  }
0xfc: {  	[tilespmem:s0+$0x18620] =	vst v8  }
0xfd: {  	v8 =	vld.idx.msk [tilespmem:v28+s23+$0x0], $0xffff;
	_ =	sdelay $0x2  }
0xfe: {  	s28 =	spop (v2sf)  }
0xff: {  	s9 =	sand.u32 $0xFFFFF80, s28  }
0x100: {  	s3 =	sadd.s32 s1, s9;
	[tilespmem:s0+$0x18630] =	vst v8  }
0x101: {  	[tilespmem:s22], [sflag:$0x1] =	stream.strided.gather [hbm4b:s3+s14], $0x2000, s13, s14, $0x38;
	[tilespmem:$0x1C400] =	vst v63  }
0x102: {  	s3 =	spop (v2sf)  }
0x103: {  	s25 =	sand.u32 $0x7F, s25;
	s9 =	sand.u32 $0xFFFFF80, s3  }
0x104: {  	v29 =	vor.u32 s25, v0;
	s9 =	sadd.s32 s2, s9  }
0x105: {  	[tilespmem:s23], [sflag:$0x1] =	stream.strided.gather [hbm4b:s9+s14], $0x2000, s13, s14, $0x38;
	[tilespmem:$0x1C400] =	vst v63  }
0x106: {  	_ =	swait.ge [sflag:s24], $0x2000  }
0x107: {  	[sflag:s24] =	ssyncset.done $0x0  }
0x108: {  	[sflag:s24] =	ssyncadd.s32 $0xFFFFE000  }
0x109: {  	v8 =	vld.idx.msk [tilespmem:v29+s14+$0x0], $0xffff  }
0x10a: {  	v30 =	vor.u32 s25, v1;
	_ =	sdelay $0x3  }
0x10b: {  	[tilespmem:s0+$0x14680] =	vst v8  }
0x10c: {  	v8 =	vld.idx.msk [tilespmem:v30+s14+$0x0], $0xffff  }
0x10d: {  	v31 =	vor.u32 s25, v2;
	_ =	sdelay $0x3  }
0x10e: {  	[tilespmem:s0+$0x14690] =	vst v8  }
0x10f: {  	v8 =	vld.idx.msk [tilespmem:v31+s14+$0x0], $0xffff  }
0x110: {  	v32 =	vor.u32 s25, v3;
	_ =	sdelay $0x3  }
0x111: {  	[tilespmem:s0+$0x146A0] =	vst v8  }
0x112: {  	v8 =	vld.idx.msk [tilespmem:v32+s14+$0x0], $0xffff;
	_ =	sdelay $0x2  }
0x113: {  	s25 =	sand.u32 $0x7F, s12  }
0x114: {  	v33 =	vor.u32 s25, v0  }
0x115: {  	[tilespmem:s0+$0x146B0] =	vst v8  }
0x116: {  	_ =	swait.ge [sflag:s24], $0x2000  }
0x117: {  	[sflag:s24] =	ssyncset.done $0x0  }
0x118: {  	[sflag:s24] =	ssyncadd.s32 $0xFFFFE000  }
0x119: {  	v34 =	vld.idx.msk [tilespmem:v33+s15+$0x0], $0xffff  }
0x11a: {  	v35 =	vor.u32 s25, v1;
	_ =	sdelay $0x3  }
0x11b: {  	[tilespmem:s0+$0x18680] =	vst v34  }
0x11c: {  	(v2sf) =	vpush v7, $0xA;
	v8 =	vld.idx.msk [tilespmem:v35+s15+$0x0], $0xffff  }
0x11d: {  	v36 =	vor.u32 s25, v2  }
0x11e: {  	(v2sf) =	vpush v6, $0xA;
	_ =	sdelay $0x2  }
0x11f: {  	[tilespmem:s0+$0x18690] =	vst v8  }
0x120: {  	v8 =	vld.idx.msk [tilespmem:v36+s15+$0x0], $0xffff  }
0x121: {  	v37 =	vor.u32 s25, v3;
	_ =	sdelay $0x3  }
0x122: {  	[tilespmem:s0+$0x186A0] =	vst v8  }
0x123: {  	v8 =	vld.idx.msk [tilespmem:v37+s15+$0x0], $0xffff;
	_ =	sdelay $0x2  }
0x124: {  	s25 =	spop (v2sf)  }
0x125: {  	s12 =	sand.u32 $0xFFFFF80, s25  }
0x126: {  	s9 =	sadd.s32 s1, s12;
	s12 =	spop (v2sf);
	[tilespmem:s0+$0x186B0] =	vst v8  }
0x127: {  	[tilespmem:s14], [sflag:$0x1] =	stream.strided.gather [hbm4b:s9+s14], $0x2000, s13, s14, $0x38;
	[tilespmem:$0x1C400] =	vst v63  }
0x128: {  	s26 =	sand.u32 $0x7F, s26;
	s9 =	sand.u32 $0xFFFFF80, s12  }
0x129: {  	v38 =	vor.u32 s26, v0;
	s9 =	sadd.s32 s2, s9  }
0x12a: {  	[tilespmem:s15], [sflag:$0x1] =	stream.strided.gather [hbm4b:s9+s14], $0x2000, s13, s14, $0x38;
	[tilespmem:$0x1C400] =	vst v63  }
0x12b: {  	_ =	swait.ge [sflag:s24], $0x2000  }
0x12c: {  	[sflag:s24] =	ssyncset.done $0x0  }
0x12d: {  	[sflag:s24] =	ssyncadd.s32 $0xFFFFE000  }
0x12e: {  	v8 =	vld.idx.msk [tilespmem:v38+s16+$0x0], $0xffff  }
0x12f: {  	v39 =	vor.u32 s26, v1;
	_ =	sdelay $0x3  }
0x130: {  	[tilespmem:s0+$0x14700] =	vst v8  }
0x131: {  	v8 =	vld.idx.msk [tilespmem:v39+s16+$0x0], $0xffff  }
0x132: {  	v40 =	vor.u32 s26, v2;
	_ =	sdelay $0x3  }
0x133: {  	[tilespmem:s0+$0x14710] =	vst v8  }
0x134: {  	v8 =	vld.idx.msk [tilespmem:v40+s16+$0x0], $0xffff  }
0x135: {  	v41 =	vor.u32 s26, v3;
	_ =	sdelay $0x3  }
0x136: {  	[tilespmem:s0+$0x14720] =	vst v8  }
0x137: {  	v8 =	vld.idx.msk [tilespmem:v41+s16+$0x0], $0xffff;
	_ =	sdelay $0x2  }
0x138: {  	s7 =	sand.u32 $0x7F, s7  }
0x139: {  	v42 =	vor.u32 s7, v0  }
0x13a: {  	[tilespmem:s0+$0x14730] =	vst v8  }
0x13b: {  	_ =	swait.ge [sflag:s24], $0x2000  }
0x13c: {  	[sflag:s24] =	ssyncset.done $0x0  }
0x13d: {  	[sflag:s24] =	ssyncadd.s32 $0xFFFFE000  }
0x13e: {  	v43 =	vld.idx.msk [tilespmem:v42+s17+$0x0], $0xffff  }
0x13f: {  	v44 =	vor.u32 s7, v1;
	_ =	sdelay $0x3  }
0x140: {  	[tilespmem:s0+$0x18700] =	vst v43  }
0x141: {  	(v2sf) =	vpush v7, $0xB;
	v8 =	vld.idx.msk [tilespmem:v44+s17+$0x0], $0xffff  }
0x142: {  	v45 =	vor.u32 s7, v2;
	_ =	sdelay $0x2  }
0x143: {  	(v2sf) =	vpush v6, $0xB  }
0x144: {  	[tilespmem:s0+$0x18710] =	vst v8  }
0x145: {  	v8 =	vld.idx.msk [tilespmem:v45+s17+$0x0], $0xffff  }
0x146: {  	v46 =	vor.u32 s7, v3;
	_ =	sdelay $0x3  }
0x147: {  	[tilespmem:s0+$0x18720] =	vst v8  }
0x148: {  	v8 =	vld.idx.msk [tilespmem:v46+s17+$0x0], $0xffff;
	_ =	sdelay $0x2  }
0x149: {  	s26 =	spop (v2sf)  }
0x14a: {  	s9 =	sand.u32 $0xFFFFF80, s26  }
0x14b: {  	s7 =	sadd.s32 s1, s9;
	[tilespmem:s0+$0x18730] =	vst v8  }
0x14c: {  	[tilespmem:s16], [sflag:$0x1] =	stream.strided.gather [hbm4b:s7+s14], $0x2000, s13, s14, $0x38;
	[tilespmem:$0x1C400] =	vst v63  }
0x14d: {  	s7 =	spop (v2sf)  }
0x14e: {  	s5 =	sand.u32 $0x7F, s5;
	s9 =	sand.u32 $0xFFFFF80, s7  }
0x14f: {  	v47 =	vor.u32 s5, v0;
	s9 =	sadd.s32 s2, s9  }
0x150: {  	[tilespmem:s17], [sflag:$0x1] =	stream.strided.gather [hbm4b:s9+s14], $0x2000, s13, s14, $0x38;
	[tilespmem:$0x1C400] =	vst v63  }
0x151: {  	_ =	swait.ge [sflag:s24], $0x2000  }
0x152: {  	[sflag:s24] =	ssyncset.done $0x0  }
0x153: {  	[sflag:s24] =	ssyncadd.s32 $0xFFFFE000  }
0x154: {  	v8 =	vld.idx.msk [tilespmem:v47+s18+$0x0], $0xffff  }
0x155: {  	v48 =	vor.u32 s5, v1;
	_ =	sdelay $0x3  }
0x156: {  	[tilespmem:s0+$0x14780] =	vst v8  }
0x157: {  	v8 =	vld.idx.msk [tilespmem:v48+s18+$0x0], $0xffff  }
0x158: {  	v49 =	vor.u32 s5, v2;
	_ =	sdelay $0x3  }
0x159: {  	[tilespmem:s0+$0x14790] =	vst v8  }
0x15a: {  	v8 =	vld.idx.msk [tilespmem:v49+s18+$0x0], $0xffff  }
0x15b: {  	v50 =	vor.u32 s5, v3;
	_ =	sdelay $0x3  }
0x15c: {  	[tilespmem:s0+$0x147A0] =	vst v8  }
0x15d: {  	v8 =	vld.idx.msk [tilespmem:v50+s18+$0x0], $0xffff;
	_ =	sdelay $0x2  }
0x15e: {  	s8 =	sand.u32 $0x7F, s8  }
0x15f: {  	v51 =	vor.u32 s8, v0  }
0x160: {  	[tilespmem:s0+$0x147B0] =	vst v8  }
0x161: {  	_ =	swait.ge [sflag:s24], $0x2000  }
0x162: {  	[sflag:s24] =	ssyncset.done $0x0  }
0x163: {  	[sflag:s24] =	ssyncadd.s32 $0xFFFFE000  }
0x164: {  	v52 =	vld.idx.msk [tilespmem:v51+s19+$0x0], $0xffff  }
0x165: {  	v53 =	vor.u32 s8, v1;
	_ =	sdelay $0x3  }
0x166: {  	[tilespmem:s0+$0x18780] =	vst v52  }
0x167: {  	(v2sf) =	vpush v7, $0xC;
	v8 =	vld.idx.msk [tilespmem:v53+s19+$0x0], $0xffff  }
0x168: {  	v54 =	vor.u32 s8, v2;
	_ =	sdelay $0x2  }
0x169: {  	(v2sf) =	vpush v6, $0xC  }
0x16a: {  	[tilespmem:s0+$0x18790] =	vst v8  }
0x16b: {  	v8 =	vld.idx.msk [tilespmem:v54+s19+$0x0], $0xffff  }
0x16c: {  	v55 =	vor.u32 s8, v3;
	_ =	sdelay $0x3  }
0x16d: {  	[tilespmem:s0+$0x187A0] =	vst v8  }
0x16e: {  	v8 =	vld.idx.msk [tilespmem:v55+s19+$0x0], $0xffff;
	_ =	sdelay $0x2  }
0x16f: {  	s5 =	spop (v2sf)  }
0x170: {  	s9 =	sand.u32 $0xFFFFF80, s5  }
0x171: {  	s8 =	sadd.s32 s1, s9;
	[tilespmem:s0+$0x187B0] =	vst v8  }
0x172: {  	[tilespmem:s18], [sflag:$0x1] =	stream.strided.gather [hbm4b:s8+s14], $0x2000, s13, s14, $0x38;
	[tilespmem:$0x1C400] =	vst v63  }
0x173: {  	s8 =	spop (v2sf)  }
0x174: {  	s6 =	sand.u32 $0x7F, s6;
	s9 =	sand.u32 $0xFFFFF80, s8  }
0x175: {  	v56 =	vor.u32 s6, v0;
	s9 =	sadd.s32 s2, s9  }
0x176: {  	[tilespmem:s19], [sflag:$0x1] =	stream.strided.gather [hbm4b:s9+s14], $0x2000, s13, s14, $0x38;
	[tilespmem:$0x1C400] =	vst v63  }
0x177: {  	_ =	swait.ge [sflag:s24], $0x2000  }
0x178: {  	[sflag:s24] =	ssyncset.done $0x0  }
0x179: {  	[sflag:s24] =	ssyncadd.s32 $0xFFFFE000  }
0x17a: {  	v8 =	vld.idx.msk [tilespmem:v56+s20+$0x0], $0xffff  }
0x17b: {  	v57 =	vor.u32 s6, v1;
	_ =	sdelay $0x3  }
0x17c: {  	[tilespmem:s0+$0x14800] =	vst v8  }
0x17d: {  	v8 =	vld.idx.msk [tilespmem:v57+s20+$0x0], $0xffff  }
0x17e: {  	v58 =	vor.u32 s6, v2;
	_ =	sdelay $0x3  }
0x17f: {  	[tilespmem:s0+$0x14810] =	vst v8  }
0x180: {  	v8 =	vld.idx.msk [tilespmem:v58+s20+$0x0], $0xffff  }
0x181: {  	v59 =	vor.u32 s6, v3;
	_ =	sdelay $0x3  }
0x182: {  	[tilespmem:s0+$0x14820] =	vst v8  }
0x183: {  	v8 =	vld.idx.msk [tilespmem:v59+s20+$0x0], $0xffff;
	_ =	sdelay $0x2  }
0x184: {  	s9 =	sand.u32 $0x7F, s10  }
0x185: {  	v60 =	vor.u32 s9, v0  }
0x186: {  	[tilespmem:s0+$0x14830] =	vst v8  }
0x187: {  	_ =	swait.ge [sflag:s24], $0x2000  }
0x188: {  	[sflag:s24] =	ssyncset.done $0x0  }
0x189: {  	[sflag:s24] =	ssyncadd.s32 $0xFFFFE000  }
0x18a: {  	v61 =	vld.idx.msk [tilespmem:v60+s21+$0x0], $0xffff  }
0x18b: {  	v62 =	vor.u32 s9, v1;
	_ =	sdelay $0x3  }
0x18c: {  	[tilespmem:s0+$0x18800] =	vst v61  }
0x18d: {  	(v2sf) =	vpush v7, $0xD;
	v8 =	vld.idx.msk [tilespmem:v62+s21+$0x0], $0xffff  }
0x18e: {  	v63 =	vor.u32 s9, v2  }
0x18f: {  	(v2sf) =	vpush v6, $0xD;
	_ =	sdelay $0x2  }
0x190: {  	[tilespmem:s0+$0x18810] =	vst v8  }
0x191: {  	v8 =	vld.idx.msk [tilespmem:v63+s21+$0x0], $0xffff  }
0x192: {  	v12 =	vor.u32 s9, v3;
	_ =	sdelay $0x3  }
0x193: {  	[tilespmem:s0+$0x18820] =	vst v8  }
0x194: {  	v8 =	vld.idx.msk [tilespmem:v12+s21+$0x0], $0xffff;
	_ =	sdelay $0x2  }
0x195: {  	s6 =	spop (v2sf)  }
0x196: {  	s10 =	sand.u32 $0xFFFFF80, s6  }
0x197: {  	s9 =	sadd.s32 s1, s10;
	s10 =	spop (v2sf);
	[tilespmem:s0+$0x18830] =	vst v8  }
0x198: {  	[tilespmem:s20], [sflag:$0x1] =	stream.strided.gather [hbm4b:s9+s14], $0x2000, s13, s14, $0x38;
	[tilespmem:$0x1C400] =	vst v63  }
0x199: {  	s28 =	sand.u32 $0x7F, s28;
	s9 =	sand.u32 $0xFFFFF80, s10  }
0x19a: {  	v13 =	vor.u32 s28, v0;
	s9 =	sadd.s32 s2, s9  }
0x19b: {  	[tilespmem:s21], [sflag:$0x1] =	stream.strided.gather [hbm4b:s9+s14], $0x2000, s13, s14, $0x38;
	[tilespmem:$0x1C400] =	vst v63  }
0x19c: {  	_ =	swait.ge [sflag:s24], $0x2000  }
0x19d: {  	[sflag:s24] =	ssyncset.done $0x0  }
0x19e: {  	[sflag:s24] =	ssyncadd.s32 $0xFFFFE000  }
0x19f: {  	v8 =	vld.idx.msk [tilespmem:v13+s22+$0x0], $0xffff  }
0x1a0: {  	v14 =	vor.u32 s28, v1;
	_ =	sdelay $0x3  }
0x1a1: {  	[tilespmem:s0+$0x14880] =	vst v8  }
0x1a2: {  	v8 =	vld.idx.msk [tilespmem:v14+s22+$0x0], $0xffff  }
0x1a3: {  	v15 =	vor.u32 s28, v2;
	_ =	sdelay $0x3  }
0x1a4: {  	[tilespmem:s0+$0x14890] =	vst v8  }
0x1a5: {  	v8 =	vld.idx.msk [tilespmem:v15+s22+$0x0], $0xffff  }
0x1a6: {  	v16 =	vor.u32 s28, v3;
	_ =	sdelay $0x3  }
0x1a7: {  	[tilespmem:s0+$0x148A0] =	vst v8  }
0x1a8: {  	v8 =	vld.idx.msk [tilespmem:v16+s22+$0x0], $0xffff;
	_ =	sdelay $0x2  }
0x1a9: {  	s3 =	sand.u32 $0x7F, s3  }
0x1aa: {  	v17 =	vor.u32 s3, v0  }
0x1ab: {  	[tilespmem:s0+$0x148B0] =	vst v8  }
0x1ac: {  	_ =	swait.ge [sflag:s24], $0x2000  }
0x1ad: {  	[sflag:s24] =	ssyncset.done $0x0  }
0x1ae: {  	[sflag:s24] =	ssyncadd.s32 $0xFFFFE000  }
0x1af: {  	v18 =	vld.idx.msk [tilespmem:v17+s23+$0x0], $0xffff  }
0x1b0: {  	v19 =	vor.u32 s3, v1;
	_ =	sdelay $0x3  }
0x1b1: {  	[tilespmem:s0+$0x18880] =	vst v18  }
0x1b2: {  	(v2sf) =	vpush v7, $0xE;
	v8 =	vld.idx.msk [tilespmem:v19+s23+$0x0], $0xffff  }
0x1b3: {  	v20 =	vor.u32 s3, v2;
	_ =	sdelay $0x2  }
0x1b4: {  	(v2sf) =	vpush v6, $0xE  }
0x1b5: {  	[tilespmem:s0+$0x18890] =	vst v8  }
0x1b6: {  	v8 =	vld.idx.msk [tilespmem:v20+s23+$0x0], $0xffff  }
0x1b7: {  	v21 =	vor.u32 s3, v3;
	_ =	sdelay $0x3  }
0x1b8: {  	[tilespmem:s0+$0x188A0] =	vst v8  }
0x1b9: {  	v8 =	vld.idx.msk [tilespmem:v21+s23+$0x0], $0xffff;
	_ =	sdelay $0x2  }
0x1ba: {  	s28 =	spop (v2sf)  }
0x1bb: {  	s9 =	sand.u32 $0xFFFFF80, s28  }
0x1bc: {  	s3 =	sadd.s32 s1, s9;
	[tilespmem:s0+$0x188B0] =	vst v8  }
0x1bd: {  	[tilespmem:s22], [sflag:$0x1] =	stream.strided.gather [hbm4b:s3+s14], $0x2000, s13, s14, $0x38;
	[tilespmem:$0x1C400] =	vst v63  }
0x1be: {  	s3 =	spop (v2sf)  }
0x1bf: {  	s25 =	sand.u32 $0x7F, s25;
	s9 =	sand.u32 $0xFFFFF80, s3  }
0x1c0: {  	v22 =	vor.u32 s25, v0;
	s9 =	sadd.s32 s2, s9  }
0x1c1: {  	[tilespmem:s23], [sflag:$0x1] =	stream.strided.gather [hbm4b:s9+s14], $0x2000, s13, s14, $0x38;
	[tilespmem:$0x1C400] =	vst v63  }
0x1c2: {  	_ =	swait.ge [sflag:s24], $0x2000  }
0x1c3: {  	[sflag:s24] =	ssyncset.done $0x0  }
0x1c4: {  	[sflag:s24] =	ssyncadd.s32 $0xFFFFE000  }
0x1c5: {  	v8 =	vld.idx.msk [tilespmem:v22+s14+$0x0], $0xffff  }
0x1c6: {  	v23 =	vor.u32 s25, v1;
	_ =	sdelay $0x3  }
0x1c7: {  	[tilespmem:s0+$0x14900] =	vst v8  }
0x1c8: {  	v8 =	vld.idx.msk [tilespmem:v23+s14+$0x0], $0xffff  }
0x1c9: {  	v24 =	vor.u32 s25, v2;
	_ =	sdelay $0x3  }
0x1ca: {  	[tilespmem:s0+$0x14910] =	vst v8  }
0x1cb: {  	v8 =	vld.idx.msk [tilespmem:v24+s14+$0x0], $0xffff  }
0x1cc: {  	v25 =	vor.u32 s25, v3;
	_ =	sdelay $0x3  }
0x1cd: {  	[tilespmem:s0+$0x14920] =	vst v8  }
0x1ce: {  	v8 =	vld.idx.msk [tilespmem:v25+s14+$0x0], $0xffff;
	_ =	sdelay $0x2  }
0x1cf: {  	s25 =	sand.u32 $0x7F, s12  }
0x1d0: {  	v26 =	vor.u32 s25, v0  }
0x1d1: {  	[tilespmem:s0+$0x14930] =	vst v8  }
0x1d2: {  	_ =	swait.ge [sflag:s24], $0x2000  }
0x1d3: {  	[sflag:s24] =	ssyncset.done $0x0  }
0x1d4: {  	[sflag:s24] =	ssyncadd.s32 $0xFFFFE000  }
0x1d5: {  	v27 =	vld.idx.msk [tilespmem:v26+s15+$0x0], $0xffff  }
0x1d6: {  	v28 =	vor.u32 s25, v1;
	_ =	sdelay $0x3  }
0x1d7: {  	[tilespmem:s0+$0x18900] =	vst v27  }
0x1d8: {  	(v2sf) =	vpush v7, $0xF;
	v8 =	vld.idx.msk [tilespmem:v28+s15+$0x0], $0xffff  }
0x1d9: {  	v29 =	vor.u32 s25, v2  }
0x1da: {  	(v2sf) =	vpush v6, $0xF;
	_ =	sdelay $0x2  }
0x1db: {  	[tilespmem:s0+$0x18910] =	vst v8  }
0x1dc: {  	v30 =	vld.idx.msk [tilespmem:v29+s15+$0x0], $0xffff  }
0x1dd: {  	v31 =	vor.u32 s25, v3;
	_ =	sdelay $0x3  }
0x1de: {  	[tilespmem:s0+$0x18920] =	vst v30  }
0x1df: {  	v6 =	vld.idx.msk [tilespmem:v31+s15+$0x0], $0xffff;
	_ =	sdelay $0x2  }
0x1e0: {  	s25 =	spop (v2sf)  }
0x1e1: {  	s12 =	sand.u32 $0xFFFFF80, s25  }
0x1e2: {  	s9 =	sadd.s32 s1, s12;
	s12 =	spop (v2sf);
	[tilespmem:s0+$0x18930] =	vst v6  }
0x1e3: {  	[tilespmem:s14], [sflag:$0x1] =	stream.strided.gather [hbm4b:s9+s14], $0x2000, s13, s14, $0x38;
	[tilespmem:$0x1C400] =	vst v63  }
0x1e4: {  	s26 =	sand.u32 $0x7F, s26;
	s9 =	sand.u32 $0xFFFFF80, s12  }
0x1e5: {  	v32 =	vor.u32 s26, v0;
	s9 =	sadd.s32 s2, s9  }
0x1e6: {  	[tilespmem:s15], [sflag:$0x1] =	stream.strided.gather [hbm4b:s9+s14], $0x2000, s13, s14, $0x38;
	[tilespmem:$0x1C400] =	vst v63  }
0x1e7: {  	_ =	swait.ge [sflag:s24], $0x2000  }
0x1e8: {  	[sflag:s24] =	ssyncset.done $0x0  }
0x1e9: {  	[sflag:s24] =	ssyncadd.s32 $0xFFFFE000  }
0x1ea: {  	v6 =	vld.idx.msk [tilespmem:v32+s16+$0x0], $0xffff  }
0x1eb: {  	v33 =	vor.u32 s26, v1;
	_ =	sdelay $0x3  }
0x1ec: {  	[tilespmem:s0+$0x14980] =	vst v6  }
0x1ed: {  	v6 =	vld.idx.msk [tilespmem:v33+s16+$0x0], $0xffff  }
0x1ee: {  	v34 =	vor.u32 s26, v2;
	_ =	sdelay $0x3  }
0x1ef: {  	[tilespmem:s0+$0x14990] =	vst v6  }
0x1f0: {  	v6 =	vld.idx.msk [tilespmem:v34+s16+$0x0], $0xffff  }
0x1f1: {  	v35 =	vor.u32 s26, v3;
	_ =	sdelay $0x3  }
0x1f2: {  	[tilespmem:s0+$0x149A0] =	vst v6  }
0x1f3: {  	v6 =	vld.idx.msk [tilespmem:v35+s16+$0x0], $0xffff;
	_ =	sdelay $0x2  }
0x1f4: {  	s7 =	sand.u32 $0x7F, s7  }
0x1f5: {  	v36 =	vor.u32 s7, v0  }
0x1f6: {  	[tilespmem:s0+$0x149B0] =	vst v6  }
0x1f7: {  	_ =	swait.ge [sflag:s24], $0x2000  }
0x1f8: {  	[sflag:s24] =	ssyncset.done $0x0  }
0x1f9: {  	[sflag:s24] =	ssyncadd.s32 $0xFFFFE000  }
0x1fa: {  	v37 =	vld.idx.msk [tilespmem:v36+s17+$0x0], $0xffff  }
0x1fb: {  	v38 =	vor.u32 s7, v1;
	_ =	sdelay $0x3  }
0x1fc: {  	[tilespmem:s0+$0x18980] =	vst v37  }
0x1fd: {  	v6 =	vld.idx.msk [tilespmem:v38+s17+$0x0], $0xffff  }
0x1fe: {  	v39 =	vor.u32 s7, v2;
	_ =	sdelay $0x3  }
0x1ff: {  	[tilespmem:s0+$0x18990] =	vst v6  }
0x200: {  	v6 =	vld.idx.msk [tilespmem:v39+s17+$0x0], $0xffff;
	(v2sf) =	vpush v4, $0x0;
	_ =	sdelay $0x3  }
0x201: {  	(v2sf) =	vpush v5, $0x0;
	_ =	sdelay $0x2  }
0x202: {  	v40 =	vor.u32 s7, v3;
	_ =	sdelay $0x3  }
0x203: {  	[tilespmem:s0+$0x189A0] =	vst v6  }
0x204: {  	v6 =	vld.idx.msk [tilespmem:v40+s17+$0x0], $0xffff;
	_ =	sdelay $0x2  }
0x205: {  	s26 =	spop (v2sf)  }
0x206: {  	s9 =	sand.u32 $0xFFFFF80, s26  }
0x207: {  	[tilespmem:s0+$0x189B0] =	vst v6;
	s7 =	sadd.s32 s1, s9  }
0x208: {  	[tilespmem:s16], [sflag:$0x1] =	stream.strided.gather [hbm4b:s7+s14], $0x2000, s13, s14, $0x38;
	[tilespmem:$0x1C400] =	vst v63  }
0x209: {  	s7 =	spop (v2sf)  }
0x20a: {  	s5 =	sand.u32 $0x7F, s5;
	s9 =	sand.u32 $0xFFFFF80, s7  }
0x20b: {  	v41 =	vor.u32 s5, v0;
	s9 =	sadd.s32 s2, s9  }
0x20c: {  	[tilespmem:s17], [sflag:$0x1] =	stream.strided.gather [hbm4b:s9+s14], $0x2000, s13, s14, $0x38;
	[tilespmem:$0x1C400] =	vst v63  }
0x20d: {  	_ =	swait.ge [sflag:s24], $0x2000  }
0x20e: {  	[sflag:s24] =	ssyncset.done $0x0  }
0x20f: {  	[sflag:s24] =	ssyncadd.s32 $0xFFFFE000  }
0x210: {  	v6 =	vld.idx.msk [tilespmem:v41+s18+$0x0], $0xffff  }
0x211: {  	v42 =	vor.u32 s5, v1;
	_ =	sdelay $0x3  }
0x212: {  	[tilespmem:s0+$0x14A00] =	vst v6  }
0x213: {  	v6 =	vld.idx.msk [tilespmem:v42+s18+$0x0], $0xffff  }
0x214: {  	v43 =	vor.u32 s5, v2;
	_ =	sdelay $0x3  }
0x215: {  	[tilespmem:s0+$0x14A10] =	vst v6  }
0x216: {  	v6 =	vld.idx.msk [tilespmem:v43+s18+$0x0], $0xffff  }
0x217: {  	v44 =	vor.u32 s5, v3;
	_ =	sdelay $0x3  }
0x218: {  	[tilespmem:s0+$0x14A20] =	vst v6  }
0x219: {  	v6 =	vld.idx.msk [tilespmem:v44+s18+$0x0], $0xffff;
	_ =	sdelay $0x2  }
0x21a: {  	s8 =	sand.u32 $0x7F, s8  }
0x21b: {  	v45 =	vor.u32 s8, v0  }
0x21c: {  	[tilespmem:s0+$0x14A30] =	vst v6  }
0x21d: {  	_ =	swait.ge [sflag:s24], $0x2000  }
0x21e: {  	[sflag:s24] =	ssyncset.done $0x0  }
0x21f: {  	[sflag:s24] =	ssyncadd.s32 $0xFFFFE000  }
0x220: {  	v46 =	vld.idx.msk [tilespmem:v45+s19+$0x0], $0xffff  }
0x221: {  	v47 =	vor.u32 s8, v1;
	_ =	sdelay $0x3  }
0x222: {  	[tilespmem:s0+$0x18A00] =	vst v46  }
0x223: {  	(v2sf) =	vpush v4, $0x1;
	v6 =	vld.idx.msk [tilespmem:v47+s19+$0x0], $0xffff  }
0x224: {  	v48 =	vor.u32 s8, v2;
	_ =	sdelay $0x2  }
0x225: {  	(v2sf) =	vpush v5, $0x1  }
0x226: {  	[tilespmem:s0+$0x18A10] =	vst v6  }
0x227: {  	v6 =	vld.idx.msk [tilespmem:v48+s19+$0x0], $0xffff  }
0x228: {  	v49 =	vor.u32 s8, v3;
	_ =	sdelay $0x3  }
0x229: {  	[tilespmem:s0+$0x18A20] =	vst v6  }
0x22a: {  	v6 =	vld.idx.msk [tilespmem:v49+s19+$0x0], $0xffff;
	_ =	sdelay $0x2  }
0x22b: {  	s5 =	spop (v2sf)  }
0x22c: {  	s9 =	sand.u32 $0xFFFFF80, s5  }
0x22d: {  	s8 =	sadd.s32 s1, s9;
	[tilespmem:s0+$0x18A30] =	vst v6  }
0x22e: {  	[tilespmem:s18], [sflag:$0x1] =	stream.strided.gather [hbm4b:s8+s14], $0x2000, s13, s14, $0x38;
	[tilespmem:$0x1C400] =	vst v63  }
0x22f: {  	s8 =	spop (v2sf)  }
0x230: {  	s6 =	sand.u32 $0x7F, s6;
	s9 =	sand.u32 $0xFFFFF80, s8  }
0x231: {  	v50 =	vor.u32 s6, v0;
	s9 =	sadd.s32 s2, s9  }
0x232: {  	[tilespmem:s19], [sflag:$0x1] =	stream.strided.gather [hbm4b:s9+s14], $0x2000, s13, s14, $0x38;
	[tilespmem:$0x1C400] =	vst v63  }
0x233: {  	_ =	swait.ge [sflag:s24], $0x2000  }
0x234: {  	[sflag:s24] =	ssyncset.done $0x0  }
0x235: {  	[sflag:s24] =	ssyncadd.s32 $0xFFFFE000  }
0x236: {  	v6 =	vld.idx.msk [tilespmem:v50+s20+$0x0], $0xffff  }
0x237: {  	v51 =	vor.u32 s6, v1;
	_ =	sdelay $0x3  }
0x238: {  	[tilespmem:s0+$0x14A80] =	vst v6  }
0x239: {  	v6 =	vld.idx.msk [tilespmem:v51+s20+$0x0], $0xffff  }
0x23a: {  	v52 =	vor.u32 s6, v2;
	_ =	sdelay $0x3  }
0x23b: {  	[tilespmem:s0+$0x14A90] =	vst v6  }
0x23c: {  	v6 =	vld.idx.msk [tilespmem:v52+s20+$0x0], $0xffff  }
0x23d: {  	v53 =	vor.u32 s6, v3;
	_ =	sdelay $0x3  }
0x23e: {  	[tilespmem:s0+$0x14AA0] =	vst v6  }
0x23f: {  	v6 =	vld.idx.msk [tilespmem:v53+s20+$0x0], $0xffff;
	_ =	sdelay $0x2  }
0x240: {  	s9 =	sand.u32 $0x7F, s10  }
0x241: {  	v54 =	vor.u32 s9, v0  }
0x242: {  	[tilespmem:s0+$0x14AB0] =	vst v6  }
0x243: {  	_ =	swait.ge [sflag:s24], $0x2000  }
0x244: {  	[sflag:s24] =	ssyncset.done $0x0  }
0x245: {  	[sflag:s24] =	ssyncadd.s32 $0xFFFFE000  }
0x246: {  	v55 =	vld.idx.msk [tilespmem:v54+s21+$0x0], $0xffff  }
0x247: {  	v56 =	vor.u32 s9, v1;
	_ =	sdelay $0x3  }
0x248: {  	[tilespmem:s0+$0x18A80] =	vst v55  }
0x249: {  	(v2sf) =	vpush v4, $0x2;
	v6 =	vld.idx.msk [tilespmem:v56+s21+$0x0], $0xffff  }
0x24a: {  	v57 =	vor.u32 s9, v2  }
0x24b: {  	(v2sf) =	vpush v5, $0x2;
	_ =	sdelay $0x2  }
0x24c: {  	[tilespmem:s0+$0x18A90] =	vst v6  }
0x24d: {  	v6 =	vld.idx.msk [tilespmem:v57+s21+$0x0], $0xffff  }
0x24e: {  	v58 =	vor.u32 s9, v3;
	_ =	sdelay $0x3  }
0x24f: {  	[tilespmem:s0+$0x18AA0] =	vst v6  }
0x250: {  	v6 =	vld.idx.msk [tilespmem:v58+s21+$0x0], $0xffff;
	_ =	sdelay $0x2  }
0x251: {  	s6 =	spop (v2sf)  }
0x252: {  	s10 =	sand.u32 $0xFFFFF80, s6  }
0x253: {  	s9 =	sadd.s32 s1, s10;
	s10 =	spop (v2sf);
	[tilespmem:s0+$0x18AB0] =	vst v6  }
0x254: {  	[tilespmem:s20], [sflag:$0x1] =	stream.strided.gather [hbm4b:s9+s14], $0x2000, s13, s14, $0x38;
	[tilespmem:$0x1C400] =	vst v63  }
0x255: {  	s28 =	sand.u32 $0x7F, s28;
	s9 =	sand.u32 $0xFFFFF80, s10  }
0x256: {  	v59 =	vor.u32 s28, v0;
	s9 =	sadd.s32 s2, s9  }
0x257: {  	[tilespmem:s21], [sflag:$0x1] =	stream.strided.gather [hbm4b:s9+s14], $0x2000, s13, s14, $0x38;
	[tilespmem:$0x1C400] =	vst v63  }
0x258: {  	_ =	swait.ge [sflag:s24], $0x2000  }
0x259: {  	[sflag:s24] =	ssyncset.done $0x0  }
0x25a: {  	[sflag:s24] =	ssyncadd.s32 $0xFFFFE000  }
0x25b: {  	v6 =	vld.idx.msk [tilespmem:v59+s22+$0x0], $0xffff  }
0x25c: {  	v60 =	vor.u32 s28, v1;
	_ =	sdelay $0x3  }
0x25d: {  	[tilespmem:s0+$0x14B00] =	vst v6  }
0x25e: {  	v6 =	vld.idx.msk [tilespmem:v60+s22+$0x0], $0xffff  }
0x25f: {  	v61 =	vor.u32 s28, v2;
	_ =	sdelay $0x3  }
0x260: {  	[tilespmem:s0+$0x14B10] =	vst v6  }
0x261: {  	v6 =	vld.idx.msk [tilespmem:v61+s22+$0x0], $0xffff  }
0x262: {  	v62 =	vor.u32 s28, v3;
	_ =	sdelay $0x3  }
0x263: {  	[tilespmem:s0+$0x14B20] =	vst v6  }
0x264: {  	v6 =	vld.idx.msk [tilespmem:v62+s22+$0x0], $0xffff;
	_ =	sdelay $0x2  }
0x265: {  	s3 =	sand.u32 $0x7F, s3  }
0x266: {  	v63 =	vor.u32 s3, v0  }
0x267: {  	[tilespmem:s0+$0x14B30] =	vst v6  }
0x268: {  	_ =	swait.ge [sflag:s24], $0x2000  }
0x269: {  	[sflag:s24] =	ssyncset.done $0x0  }
0x26a: {  	[sflag:s24] =	ssyncadd.s32 $0xFFFFE000  }
0x26b: {  	v9 =	vld.idx.msk [tilespmem:v63+s23+$0x0], $0xffff  }
0x26c: {  	v10 =	vor.u32 s3, v1;
	_ =	sdelay $0x3  }
0x26d: {  	[tilespmem:s0+$0x18B00] =	vst v9  }
0x26e: {  	(v2sf) =	vpush v4, $0x3;
	v6 =	vld.idx.msk [tilespmem:v10+s23+$0x0], $0xffff  }
0x26f: {  	v11 =	vor.u32 s3, v2;
	_ =	sdelay $0x2  }
0x270: {  	(v2sf) =	vpush v5, $0x3  }
0x271: {  	[tilespmem:s0+$0x18B10] =	vst v6  }
0x272: {  	v6 =	vld.idx.msk [tilespmem:v11+s23+$0x0], $0xffff  }
0x273: {  	v12 =	vor.u32 s3, v3;
	_ =	sdelay $0x3  }
0x274: {  	[tilespmem:s0+$0x18B20] =	vst v6  }
0x275: {  	v6 =	vld.idx.msk [tilespmem:v12+s23+$0x0], $0xffff;
	_ =	sdelay $0x2  }
0x276: {  	s28 =	spop (v2sf)  }
0x277: {  	s9 =	sand.u32 $0xFFFFF80, s28  }
0x278: {  	s3 =	sadd.s32 s1, s9;
	[tilespmem:s0+$0x18B30] =	vst v6  }
0x279: {  	[tilespmem:s22], [sflag:$0x1] =	stream.strided.gather [hbm4b:s3+s14], $0x2000, s13, s14, $0x38;
	[tilespmem:$0x1C400] =	vst v63  }
0x27a: {  	s3 =	spop (v2sf)  }
0x27b: {  	s25 =	sand.u32 $0x7F, s25;
	s9 =	sand.u32 $0xFFFFF80, s3  }
0x27c: {  	v13 =	vor.u32 s25, v0;
	s9 =	sadd.s32 s2, s9  }
0x27d: {  	[tilespmem:s23], [sflag:$0x1] =	stream.strided.gather [hbm4b:s9+s14], $0x2000, s13, s14, $0x38;
	[tilespmem:$0x1C400] =	vst v63  }
0x27e: {  	_ =	swait.ge [sflag:s24], $0x2000  }
0x27f: {  	[sflag:s24] =	ssyncset.done $0x0  }
0x280: {  	[sflag:s24] =	ssyncadd.s32 $0xFFFFE000  }
0x281: {  	v6 =	vld.idx.msk [tilespmem:v13+s14+$0x0], $0xffff  }
0x282: {  	v14 =	vor.u32 s25, v1;
	_ =	sdelay $0x3  }
0x283: {  	[tilespmem:s0+$0x14B80] =	vst v6  }
0x284: {  	v6 =	vld.idx.msk [tilespmem:v14+s14+$0x0], $0xffff  }
0x285: {  	v15 =	vor.u32 s25, v2;
	_ =	sdelay $0x3  }
0x286: {  	[tilespmem:s0+$0x14B90] =	vst v6  }
0x287: {  	v6 =	vld.idx.msk [tilespmem:v15+s14+$0x0], $0xffff  }
0x288: {  	v16 =	vor.u32 s25, v3;
	_ =	sdelay $0x3  }
0x289: {  	[tilespmem:s0+$0x14BA0] =	vst v6  }
0x28a: {  	v6 =	vld.idx.msk [tilespmem:v16+s14+$0x0], $0xffff;
	_ =	sdelay $0x2  }
0x28b: {  	s25 =	sand.u32 $0x7F, s12  }
0x28c: {  	v17 =	vor.u32 s25, v0  }
0x28d: {  	[tilespmem:s0+$0x14BB0] =	vst v6  }
0x28e: {  	_ =	swait.ge [sflag:s24], $0x2000  }
0x28f: {  	[sflag:s24] =	ssyncset.done $0x0  }
0x290: {  	[sflag:s24] =	ssyncadd.s32 $0xFFFFE000  }
0x291: {  	v18 =	vld.idx.msk [tilespmem:v17+s15+$0x0], $0xffff  }
0x292: {  	v19 =	vor.u32 s25, v1;
	_ =	sdelay $0x3  }
0x293: {  	[tilespmem:s0+$0x18B80] =	vst v18  }
0x294: {  	(v2sf) =	vpush v4, $0x4;
	v6 =	vld.idx.msk [tilespmem:v19+s15+$0x0], $0xffff  }
0x295: {  	v20 =	vor.u32 s25, v2  }
0x296: {  	(v2sf) =	vpush v5, $0x4;
	_ =	sdelay $0x2  }
0x297: {  	[tilespmem:s0+$0x18B90] =	vst v6  }
0x298: {  	v6 =	vld.idx.msk [tilespmem:v20+s15+$0x0], $0xffff  }
0x299: {  	v21 =	vor.u32 s25, v3;
	_ =	sdelay $0x3  }
0x29a: {  	[tilespmem:s0+$0x18BA0] =	vst v6  }
0x29b: {  	v6 =	vld.idx.msk [tilespmem:v21+s15+$0x0], $0xffff;
	_ =	sdelay $0x2  }
0x29c: {  	s25 =	spop (v2sf)  }
0x29d: {  	s12 =	sand.u32 $0xFFFFF80, s25  }
0x29e: {  	s9 =	sadd.s32 s1, s12;
	s12 =	spop (v2sf);
	[tilespmem:s0+$0x18BB0] =	vst v6  }
0x29f: {  	[tilespmem:s14], [sflag:$0x1] =	stream.strided.gather [hbm4b:s9+s14], $0x2000, s13, s14, $0x38;
	[tilespmem:$0x1C400] =	vst v63  }
0x2a0: {  	s26 =	sand.u32 $0x7F, s26;
	s9 =	sand.u32 $0xFFFFF80, s12  }
0x2a1: {  	v22 =	vor.u32 s26, v0;
	s9 =	sadd.s32 s2, s9  }
0x2a2: {  	[tilespmem:s15], [sflag:$0x1] =	stream.strided.gather [hbm4b:s9+s14], $0x2000, s13, s14, $0x38;
	[tilespmem:$0x1C400] =	vst v63  }
0x2a3: {  	_ =	swait.ge [sflag:s24], $0x2000  }
0x2a4: {  	[sflag:s24] =	ssyncset.done $0x0  }
0x2a5: {  	[sflag:s24] =	ssyncadd.s32 $0xFFFFE000  }
0x2a6: {  	v6 =	vld.idx.msk [tilespmem:v22+s16+$0x0], $0xffff  }
0x2a7: {  	v23 =	vor.u32 s26, v1;
	_ =	sdelay $0x3  }
0x2a8: {  	[tilespmem:s0+$0x14C00] =	vst v6  }
0x2a9: {  	v6 =	vld.idx.msk [tilespmem:v23+s16+$0x0], $0xffff  }
0x2aa: {  	v24 =	vor.u32 s26, v2;
	_ =	sdelay $0x3  }
0x2ab: {  	[tilespmem:s0+$0x14C10] =	vst v6  }
0x2ac: {  	v6 =	vld.idx.msk [tilespmem:v24+s16+$0x0], $0xffff  }
0x2ad: {  	v25 =	vor.u32 s26, v3;
	_ =	sdelay $0x3  }
0x2ae: {  	[tilespmem:s0+$0x14C20] =	vst v6  }
0x2af: {  	v6 =	vld.idx.msk [tilespmem:v25+s16+$0x0], $0xffff;
	_ =	sdelay $0x2  }
0x2b0: {  	s7 =	sand.u32 $0x7F, s7  }
0x2b1: {  	v26 =	vor.u32 s7, v0  }
0x2b2: {  	[tilespmem:s0+$0x14C30] =	vst v6  }
0x2b3: {  	_ =	swait.ge [sflag:s24], $0x2000  }
0x2b4: {  	[sflag:s24] =	ssyncset.done $0x0  }
0x2b5: {  	[sflag:s24] =	ssyncadd.s32 $0xFFFFE000  }
0x2b6: {  	v27 =	vld.idx.msk [tilespmem:v26+s17+$0x0], $0xffff  }
0x2b7: {  	v28 =	vor.u32 s7, v1;
	_ =	sdelay $0x3  }
0x2b8: {  	[tilespmem:s0+$0x18C00] =	vst v27  }
0x2b9: {  	(v2sf) =	vpush v4, $0x5;
	v6 =	vld.idx.msk [tilespmem:v28+s17+$0x0], $0xffff  }
0x2ba: {  	v29 =	vor.u32 s7, v2;
	_ =	sdelay $0x2  }
0x2bb: {  	(v2sf) =	vpush v5, $0x5  }
0x2bc: {  	[tilespmem:s0+$0x18C10] =	vst v6  }
0x2bd: {  	v6 =	vld.idx.msk [tilespmem:v29+s17+$0x0], $0xffff  }
0x2be: {  	v30 =	vor.u32 s7, v3;
	_ =	sdelay $0x3  }
0x2bf: {  	[tilespmem:s0+$0x18C20] =	vst v6  }
0x2c0: {  	v6 =	vld.idx.msk [tilespmem:v30+s17+$0x0], $0xffff;
	_ =	sdelay $0x2  }
0x2c1: {  	s26 =	spop (v2sf)  }
0x2c2: {  	s9 =	sand.u32 $0xFFFFF80, s26  }
0x2c3: {  	s7 =	sadd.s32 s1, s9;
	[tilespmem:s0+$0x18C30] =	vst v6  }
0x2c4: {  	[tilespmem:s16], [sflag:$0x1] =	stream.strided.gather [hbm4b:s7+s14], $0x2000, s13, s14, $0x38;
	[tilespmem:$0x1C400] =	vst v63  }
0x2c5: {  	s7 =	spop (v2sf)  }
0x2c6: {  	s5 =	sand.u32 $0x7F, s5;
	s9 =	sand.u32 $0xFFFFF80, s7  }
0x2c7: {  	v31 =	vor.u32 s5, v0;
	s9 =	sadd.s32 s2, s9  }
0x2c8: {  	[tilespmem:s17], [sflag:$0x1] =	stream.strided.gather [hbm4b:s9+s14], $0x2000, s13, s14, $0x38;
	[tilespmem:$0x1C400] =	vst v63  }
0x2c9: {  	_ =	swait.ge [sflag:s24], $0x2000  }
0x2ca: {  	[sflag:s24] =	ssyncset.done $0x0  }
0x2cb: {  	[sflag:s24] =	ssyncadd.s32 $0xFFFFE000  }
0x2cc: {  	v6 =	vld.idx.msk [tilespmem:v31+s18+$0x0], $0xffff  }
0x2cd: {  	v32 =	vor.u32 s5, v1;
	_ =	sdelay $0x3  }
0x2ce: {  	[tilespmem:s0+$0x14C80] =	vst v6  }
0x2cf: {  	v6 =	vld.idx.msk [tilespmem:v32+s18+$0x0], $0xffff  }
0x2d0: {  	v33 =	vor.u32 s5, v2;
	_ =	sdelay $0x3  }
0x2d1: {  	[tilespmem:s0+$0x14C90] =	vst v6  }
0x2d2: {  	v6 =	vld.idx.msk [tilespmem:v33+s18+$0x0], $0xffff  }
0x2d3: {  	v34 =	vor.u32 s5, v3;
	_ =	sdelay $0x3  }
0x2d4: {  	[tilespmem:s0+$0x14CA0] =	vst v6  }
0x2d5: {  	v6 =	vld.idx.msk [tilespmem:v34+s18+$0x0], $0xffff;
	_ =	sdelay $0x2  }
0x2d6: {  	s8 =	sand.u32 $0x7F, s8  }
0x2d7: {  	v35 =	vor.u32 s8, v0  }
0x2d8: {  	[tilespmem:s0+$0x14CB0] =	vst v6  }
0x2d9: {  	_ =	swait.ge [sflag:s24], $0x2000  }
0x2da: {  	[sflag:s24] =	ssyncset.done $0x0  }
0x2db: {  	[sflag:s24] =	ssyncadd.s32 $0xFFFFE000  }
0x2dc: {  	v36 =	vld.idx.msk [tilespmem:v35+s19+$0x0], $0xffff  }
0x2dd: {  	v37 =	vor.u32 s8, v1;
	_ =	sdelay $0x3  }
0x2de: {  	[tilespmem:s0+$0x18C80] =	vst v36  }
0x2df: {  	(v2sf) =	vpush v4, $0x6;
	v6 =	vld.idx.msk [tilespmem:v37+s19+$0x0], $0xffff  }
0x2e0: {  	v38 =	vor.u32 s8, v2;
	_ =	sdelay $0x2  }
0x2e1: {  	(v2sf) =	vpush v5, $0x6  }
0x2e2: {  	[tilespmem:s0+$0x18C90] =	vst v6  }
0x2e3: {  	v6 =	vld.idx.msk [tilespmem:v38+s19+$0x0], $0xffff  }
0x2e4: {  	v39 =	vor.u32 s8, v3;
	_ =	sdelay $0x3  }
0x2e5: {  	[tilespmem:s0+$0x18CA0] =	vst v6  }
0x2e6: {  	v6 =	vld.idx.msk [tilespmem:v39+s19+$0x0], $0xffff;
	_ =	sdelay $0x2  }
0x2e7: {  	s5 =	spop (v2sf)  }
0x2e8: {  	s9 =	sand.u32 $0xFFFFF80, s5  }
0x2e9: {  	s8 =	sadd.s32 s1, s9;
	[tilespmem:s0+$0x18CB0] =	vst v6  }
0x2ea: {  	[tilespmem:s18], [sflag:$0x1] =	stream.strided.gather [hbm4b:s8+s14], $0x2000, s13, s14, $0x38;
	[tilespmem:$0x1C400] =	vst v63  }
0x2eb: {  	s8 =	spop (v2sf)  }
0x2ec: {  	s6 =	sand.u32 $0x7F, s6;
	s9 =	sand.u32 $0xFFFFF80, s8  }
0x2ed: {  	v40 =	vor.u32 s6, v0;
	s9 =	sadd.s32 s2, s9  }
0x2ee: {  	[tilespmem:s19], [sflag:$0x1] =	stream.strided.gather [hbm4b:s9+s14], $0x2000, s13, s14, $0x38;
	[tilespmem:$0x1C400] =	vst v63  }
0x2ef: {  	_ =	swait.ge [sflag:s24], $0x2000  }
0x2f0: {  	[sflag:s24] =	ssyncset.done $0x0  }
0x2f1: {  	[sflag:s24] =	ssyncadd.s32 $0xFFFFE000  }
0x2f2: {  	v6 =	vld.idx.msk [tilespmem:v40+s20+$0x0], $0xffff  }
0x2f3: {  	v41 =	vor.u32 s6, v1;
	_ =	sdelay $0x3  }
0x2f4: {  	[tilespmem:s0+$0x14D00] =	vst v6  }
0x2f5: {  	v6 =	vld.idx.msk [tilespmem:v41+s20+$0x0], $0xffff  }
0x2f6: {  	v42 =	vor.u32 s6, v2;
	_ =	sdelay $0x3  }
0x2f7: {  	[tilespmem:s0+$0x14D10] =	vst v6  }
0x2f8: {  	v6 =	vld.idx.msk [tilespmem:v42+s20+$0x0], $0xffff  }
0x2f9: {  	v43 =	vor.u32 s6, v3;
	_ =	sdelay $0x3  }
0x2fa: {  	[tilespmem:s0+$0x14D20] =	vst v6  }
0x2fb: {  	v6 =	vld.idx.msk [tilespmem:v43+s20+$0x0], $0xffff;
	_ =	sdelay $0x2  }
0x2fc: {  	s9 =	sand.u32 $0x7F, s10  }
0x2fd: {  	v44 =	vor.u32 s9, v0  }
0x2fe: {  	[tilespmem:s0+$0x14D30] =	vst v6  }
0x2ff: {  	_ =	swait.ge [sflag:s24], $0x2000  }
0x300: {  	[sflag:s24] =	ssyncset.done $0x0  }
0x301: {  	[sflag:s24] =	ssyncadd.s32 $0xFFFFE000  }
0x302: {  	v45 =	vld.idx.msk [tilespmem:v44+s21+$0x0], $0xffff  }
0x303: {  	v46 =	vor.u32 s9, v1;
	_ =	sdelay $0x3  }
0x304: {  	[tilespmem:s0+$0x18D00] =	vst v45  }
0x305: {  	(v2sf) =	vpush v4, $0x7;
	v6 =	vld.idx.msk [tilespmem:v46+s21+$0x0], $0xffff  }
0x306: {  	v47 =	vor.u32 s9, v2  }
0x307: {  	(v2sf) =	vpush v5, $0x7;
	_ =	sdelay $0x2  }
0x308: {  	[tilespmem:s0+$0x18D10] =	vst v6  }
0x309: {  	v6 =	vld.idx.msk [tilespmem:v47+s21+$0x0], $0xffff  }
0x30a: {  	v48 =	vor.u32 s9, v3;
	_ =	sdelay $0x3  }
0x30b: {  	[tilespmem:s0+$0x18D20] =	vst v6  }
0x30c: {  	v6 =	vld.idx.msk [tilespmem:v48+s21+$0x0], $0xffff;
	_ =	sdelay $0x2  }
0x30d: {  	s6 =	spop (v2sf)  }
0x30e: {  	s10 =	sand.u32 $0xFFFFF80, s6  }
0x30f: {  	s9 =	sadd.s32 s1, s10;
	s10 =	spop (v2sf);
	[tilespmem:s0+$0x18D30] =	vst v6  }
0x310: {  	[tilespmem:s20], [sflag:$0x1] =	stream.strided.gather [hbm4b:s9+s14], $0x2000, s13, s14, $0x38;
	[tilespmem:$0x1C400] =	vst v63  }
0x311: {  	s28 =	sand.u32 $0x7F, s28;
	s9 =	sand.u32 $0xFFFFF80, s10  }
0x312: {  	v49 =	vor.u32 s28, v0;
	s9 =	sadd.s32 s2, s9  }
0x313: {  	[tilespmem:s21], [sflag:$0x1] =	stream.strided.gather [hbm4b:s9+s14], $0x2000, s13, s14, $0x38;
	[tilespmem:$0x1C400] =	vst v63  }
0x314: {  	_ =	swait.ge [sflag:s24], $0x2000  }
0x315: {  	[sflag:s24] =	ssyncset.done $0x0  }
0x316: {  	[sflag:s24] =	ssyncadd.s32 $0xFFFFE000  }
0x317: {  	v6 =	vld.idx.msk [tilespmem:v49+s22+$0x0], $0xffff  }
0x318: {  	v50 =	vor.u32 s28, v1;
	_ =	sdelay $0x3  }
0x319: {  	[tilespmem:s0+$0x14D80] =	vst v6  }
0x31a: {  	v6 =	vld.idx.msk [tilespmem:v50+s22+$0x0], $0xffff  }
0x31b: {  	v51 =	vor.u32 s28, v2;
	_ =	sdelay $0x3  }
0x31c: {  	[tilespmem:s0+$0x14D90] =	vst v6  }
0x31d: {  	v6 =	vld.idx.msk [tilespmem:v51+s22+$0x0], $0xffff  }
0x31e: {  	v52 =	vor.u32 s28, v3;
	_ =	sdelay $0x3  }
0x31f: {  	[tilespmem:s0+$0x14DA0] =	vst v6  }
0x320: {  	v6 =	vld.idx.msk [tilespmem:v52+s22+$0x0], $0xffff;
	_ =	sdelay $0x2  }
0x321: {  	s3 =	sand.u32 $0x7F, s3  }
0x322: {  	v53 =	vor.u32 s3, v0  }
0x323: {  	[tilespmem:s0+$0x14DB0] =	vst v6  }
0x324: {  	_ =	swait.ge [sflag:s24], $0x2000  }
0x325: {  	[sflag:s24] =	ssyncset.done $0x0  }
0x326: {  	[sflag:s24] =	ssyncadd.s32 $0xFFFFE000  }
0x327: {  	v54 =	vld.idx.msk [tilespmem:v53+s23+$0x0], $0xffff  }
0x328: {  	v55 =	vor.u32 s3, v1;
	_ =	sdelay $0x3  }
0x329: {  	[tilespmem:s0+$0x18D80] =	vst v54  }
0x32a: {  	(v2sf) =	vpush v4, $0x8;
	v6 =	vld.idx.msk [tilespmem:v55+s23+$0x0], $0xffff  }
0x32b: {  	v56 =	vor.u32 s3, v2;
	_ =	sdelay $0x2  }
0x32c: {  	(v2sf) =	vpush v5, $0x8  }
0x32d: {  	[tilespmem:s0+$0x18D90] =	vst v6  }
0x32e: {  	v6 =	vld.idx.msk [tilespmem:v56+s23+$0x0], $0xffff  }
0x32f: {  	v57 =	vor.u32 s3, v3;
	_ =	sdelay $0x3  }
0x330: {  	[tilespmem:s0+$0x18DA0] =	vst v6  }
0x331: {  	v6 =	vld.idx.msk [tilespmem:v57+s23+$0x0], $0xffff;
	_ =	sdelay $0x2  }
0x332: {  	s28 =	spop (v2sf)  }
0x333: {  	s9 =	sand.u32 $0xFFFFF80, s28  }
0x334: {  	s3 =	sadd.s32 s1, s9;
	[tilespmem:s0+$0x18DB0] =	vst v6  }
0x335: {  	[tilespmem:s22], [sflag:$0x1] =	stream.strided.gather [hbm4b:s3+s14], $0x2000, s13, s14, $0x38;
	[tilespmem:$0x1C400] =	vst v63  }
0x336: {  	s3 =	spop (v2sf)  }
0x337: {  	s25 =	sand.u32 $0x7F, s25;
	s9 =	sand.u32 $0xFFFFF80, s3  }
0x338: {  	v58 =	vor.u32 s25, v0;
	s9 =	sadd.s32 s2, s9  }
0x339: {  	[tilespmem:s23], [sflag:$0x1] =	stream.strided.gather [hbm4b:s9+s14], $0x2000, s13, s14, $0x38;
	[tilespmem:$0x1C400] =	vst v63  }
0x33a: {  	_ =	swait.ge [sflag:s24], $0x2000  }
0x33b: {  	[sflag:s24] =	ssyncset.done $0x0  }
0x33c: {  	[sflag:s24] =	ssyncadd.s32 $0xFFFFE000  }
0x33d: {  	v6 =	vld.idx.msk [tilespmem:v58+s14+$0x0], $0xffff  }
0x33e: {  	v59 =	vor.u32 s25, v1;
	_ =	sdelay $0x3  }
0x33f: {  	[tilespmem:s0+$0x14E00] =	vst v6  }
0x340: {  	v6 =	vld.idx.msk [tilespmem:v59+s14+$0x0], $0xffff  }
0x341: {  	v60 =	vor.u32 s25, v2;
	_ =	sdelay $0x3  }
0x342: {  	[tilespmem:s0+$0x14E10] =	vst v6  }
0x343: {  	v6 =	vld.idx.msk [tilespmem:v60+s14+$0x0], $0xffff  }
0x344: {  	v61 =	vor.u32 s25, v3;
	_ =	sdelay $0x3  }
0x345: {  	[tilespmem:s0+$0x14E20] =	vst v6  }
0x346: {  	v6 =	vld.idx.msk [tilespmem:v61+s14+$0x0], $0xffff;
	_ =	sdelay $0x2  }
0x347: {  	s25 =	sand.u32 $0x7F, s12  }
0x348: {  	v62 =	vor.u32 s25, v0  }
0x349: {  	[tilespmem:s0+$0x14E30] =	vst v6  }
0x34a: {  	_ =	swait.ge [sflag:s24], $0x2000  }
0x34b: {  	[sflag:s24] =	ssyncset.done $0x0  }
0x34c: {  	[sflag:s24] =	ssyncadd.s32 $0xFFFFE000  }
0x34d: {  	v63 =	vld.idx.msk [tilespmem:v62+s15+$0x0], $0xffff  }
0x34e: {  	v9 =	vor.u32 s25, v1;
	_ =	sdelay $0x3  }
0x34f: {  	[tilespmem:s0+$0x18E00] =	vst v63  }
0x350: {  	(v2sf) =	vpush v4, $0x9;
	v6 =	vld.idx.msk [tilespmem:v9+s15+$0x0], $0xffff  }
0x351: {  	v10 =	vor.u32 s25, v2  }
0x352: {  	(v2sf) =	vpush v5, $0x9;
	_ =	sdelay $0x2  }
0x353: {  	[tilespmem:s0+$0x18E10] =	vst v6  }
0x354: {  	v6 =	vld.idx.msk [tilespmem:v10+s15+$0x0], $0xffff  }
0x355: {  	v11 =	vor.u32 s25, v3;
	_ =	sdelay $0x3  }
0x356: {  	[tilespmem:s0+$0x18E20] =	vst v6  }
0x357: {  	v6 =	vld.idx.msk [tilespmem:v11+s15+$0x0], $0xffff;
	_ =	sdelay $0x2  }
0x358: {  	s25 =	spop (v2sf)  }
0x359: {  	s12 =	sand.u32 $0xFFFFF80, s25  }
0x35a: {  	s9 =	sadd.s32 s1, s12;
	s12 =	spop (v2sf);
	[tilespmem:s0+$0x18E30] =	vst v6  }
0x35b: {  	[tilespmem:s14], [sflag:$0x1] =	stream.strided.gather [hbm4b:s9+s14], $0x2000, s13, s14, $0x38;
	[tilespmem:$0x1C400] =	vst v63  }
0x35c: {  	s26 =	sand.u32 $0x7F, s26;
	s9 =	sand.u32 $0xFFFFF80, s12  }
0x35d: {  	v12 =	vor.u32 s26, v0;
	s9 =	sadd.s32 s2, s9  }
0x35e: {  	[tilespmem:s15], [sflag:$0x1] =	stream.strided.gather [hbm4b:s9+s14], $0x2000, s13, s14, $0x38;
	[tilespmem:$0x1C400] =	vst v63  }
0x35f: {  	_ =	swait.ge [sflag:s24], $0x2000  }
0x360: {  	[sflag:s24] =	ssyncset.done $0x0  }
0x361: {  	[sflag:s24] =	ssyncadd.s32 $0xFFFFE000  }
0x362: {  	v6 =	vld.idx.msk [tilespmem:v12+s16+$0x0], $0xffff  }
0x363: {  	v13 =	vor.u32 s26, v1;
	_ =	sdelay $0x3  }
0x364: {  	[tilespmem:s0+$0x14E80] =	vst v6  }
0x365: {  	v6 =	vld.idx.msk [tilespmem:v13+s16+$0x0], $0xffff  }
0x366: {  	v14 =	vor.u32 s26, v2;
	_ =	sdelay $0x3  }
0x367: {  	[tilespmem:s0+$0x14E90] =	vst v6  }
0x368: {  	v6 =	vld.idx.msk [tilespmem:v14+s16+$0x0], $0xffff  }
0x369: {  	v15 =	vor.u32 s26, v3;
	_ =	sdelay $0x3  }
0x36a: {  	[tilespmem:s0+$0x14EA0] =	vst v6  }
0x36b: {  	v6 =	vld.idx.msk [tilespmem:v15+s16+$0x0], $0xffff;
	_ =	sdelay $0x2  }
0x36c: {  	s7 =	sand.u32 $0x7F, s7  }
0x36d: {  	v16 =	vor.u32 s7, v0  }
0x36e: {  	[tilespmem:s0+$0x14EB0] =	vst v6  }
0x36f: {  	_ =	swait.ge [sflag:s24], $0x2000  }
0x370: {  	[sflag:s24] =	ssyncset.done $0x0  }
0x371: {  	[sflag:s24] =	ssyncadd.s32 $0xFFFFE000  }
0x372: {  	v17 =	vld.idx.msk [tilespmem:v16+s17+$0x0], $0xffff  }
0x373: {  	v18 =	vor.u32 s7, v1;
	_ =	sdelay $0x3  }
0x374: {  	[tilespmem:s0+$0x18E80] =	vst v17  }
0x375: {  	(v2sf) =	vpush v4, $0xA;
	v6 =	vld.idx.msk [tilespmem:v18+s17+$0x0], $0xffff  }
0x376: {  	v19 =	vor.u32 s7, v2;
	_ =	sdelay $0x2  }
0x377: {  	(v2sf) =	vpush v5, $0xA  }
0x378: {  	[tilespmem:s0+$0x18E90] =	vst v6  }
0x379: {  	v6 =	vld.idx.msk [tilespmem:v19+s17+$0x0], $0xffff  }
0x37a: {  	v20 =	vor.u32 s7, v3;
	_ =	sdelay $0x3  }
0x37b: {  	[tilespmem:s0+$0x18EA0] =	vst v6  }
0x37c: {  	v6 =	vld.idx.msk [tilespmem:v20+s17+$0x0], $0xffff;
	_ =	sdelay $0x2  }
0x37d: {  	s26 =	spop (v2sf)  }
0x37e: {  	s9 =	sand.u32 $0xFFFFF80, s26  }
0x37f: {  	s7 =	sadd.s32 s1, s9;
	[tilespmem:s0+$0x18EB0] =	vst v6  }
0x380: {  	[tilespmem:s16], [sflag:$0x1] =	stream.strided.gather [hbm4b:s7+s14], $0x2000, s13, s14, $0x38;
	[tilespmem:$0x1C400] =	vst v63  }
0x381: {  	s7 =	spop (v2sf)  }
0x382: {  	s5 =	sand.u32 $0x7F, s5;
	s9 =	sand.u32 $0xFFFFF80, s7  }
0x383: {  	v21 =	vor.u32 s5, v0;
	s9 =	sadd.s32 s2, s9  }
0x384: {  	[tilespmem:s17], [sflag:$0x1] =	stream.strided.gather [hbm4b:s9+s14], $0x2000, s13, s14, $0x38;
	[tilespmem:$0x1C400] =	vst v63  }
0x385: {  	_ =	swait.ge [sflag:s24], $0x2000  }
0x386: {  	[sflag:s24] =	ssyncset.done $0x0  }
0x387: {  	[sflag:s24] =	ssyncadd.s32 $0xFFFFE000  }
0x388: {  	v6 =	vld.idx.msk [tilespmem:v21+s18+$0x0], $0xffff  }
0x389: {  	v22 =	vor.u32 s5, v1;
	_ =	sdelay $0x3  }
0x38a: {  	[tilespmem:s0+$0x14F00] =	vst v6  }
0x38b: {  	v6 =	vld.idx.msk [tilespmem:v22+s18+$0x0], $0xffff  }
0x38c: {  	v23 =	vor.u32 s5, v2;
	_ =	sdelay $0x3  }
0x38d: {  	[tilespmem:s0+$0x14F10] =	vst v6  }
0x38e: {  	v6 =	vld.idx.msk [tilespmem:v23+s18+$0x0], $0xffff  }
0x38f: {  	v24 =	vor.u32 s5, v3;
	_ =	sdelay $0x3  }
0x390: {  	[tilespmem:s0+$0x14F20] =	vst v6  }
0x391: {  	v6 =	vld.idx.msk [tilespmem:v24+s18+$0x0], $0xffff;
	_ =	sdelay $0x2  }
0x392: {  	s8 =	sand.u32 $0x7F, s8  }
0x393: {  	v25 =	vor.u32 s8, v0  }
0x394: {  	[tilespmem:s0+$0x14F30] =	vst v6  }
0x395: {  	_ =	swait.ge [sflag:s24], $0x2000  }
0x396: {  	[sflag:s24] =	ssyncset.done $0x0  }
0x397: {  	[sflag:s24] =	ssyncadd.s32 $0xFFFFE000  }
0x398: {  	v26 =	vld.idx.msk [tilespmem:v25+s19+$0x0], $0xffff  }
0x399: {  	v27 =	vor.u32 s8, v1;
	_ =	sdelay $0x3  }
0x39a: {  	[tilespmem:s0+$0x18F00] =	vst v26  }
0x39b: {  	(v2sf) =	vpush v4, $0xB;
	v6 =	vld.idx.msk [tilespmem:v27+s19+$0x0], $0xffff  }
0x39c: {  	v28 =	vor.u32 s8, v2;
	_ =	sdelay $0x2  }
0x39d: {  	(v2sf) =	vpush v5, $0xB  }
0x39e: {  	[tilespmem:s0+$0x18F10] =	vst v6  }
0x39f: {  	v6 =	vld.idx.msk [tilespmem:v28+s19+$0x0], $0xffff  }
0x3a0: {  	v29 =	vor.u32 s8, v3;
	_ =	sdelay $0x3  }
0x3a1: {  	[tilespmem:s0+$0x18F20] =	vst v6  }
0x3a2: {  	v6 =	vld.idx.msk [tilespmem:v29+s19+$0x0], $0xffff;
	_ =	sdelay $0x2  }
0x3a3: {  	s5 =	spop (v2sf)  }
0x3a4: {  	s9 =	sand.u32 $0xFFFFF80, s5  }
0x3a5: {  	s8 =	sadd.s32 s1, s9;
	[tilespmem:s0+$0x18F30] =	vst v6  }
0x3a6: {  	[tilespmem:s18], [sflag:$0x1] =	stream.strided.gather [hbm4b:s8+s14], $0x2000, s13, s14, $0x38;
	[tilespmem:$0x1C400] =	vst v63  }
0x3a7: {  	s8 =	spop (v2sf)  }
0x3a8: {  	s6 =	sand.u32 $0x7F, s6;
	s9 =	sand.u32 $0xFFFFF80, s8  }
0x3a9: {  	v30 =	vor.u32 s6, v0;
	s9 =	sadd.s32 s2, s9  }
0x3aa: {  	[tilespmem:s19], [sflag:$0x1] =	stream.strided.gather [hbm4b:s9+s14], $0x2000, s13, s14, $0x38;
	[tilespmem:$0x1C400] =	vst v63  }
0x3ab: {  	_ =	swait.ge [sflag:s24], $0x2000  }
0x3ac: {  	[sflag:s24] =	ssyncset.done $0x0  }
0x3ad: {  	[sflag:s24] =	ssyncadd.s32 $0xFFFFE000  }
0x3ae: {  	v6 =	vld.idx.msk [tilespmem:v30+s20+$0x0], $0xffff  }
0x3af: {  	v31 =	vor.u32 s6, v1;
	_ =	sdelay $0x3  }
0x3b0: {  	[tilespmem:s0+$0x14F80] =	vst v6  }
0x3b1: {  	v6 =	vld.idx.msk [tilespmem:v31+s20+$0x0], $0xffff  }
0x3b2: {  	v32 =	vor.u32 s6, v2;
	_ =	sdelay $0x3  }
0x3b3: {  	[tilespmem:s0+$0x14F90] =	vst v6  }
0x3b4: {  	v6 =	vld.idx.msk [tilespmem:v32+s20+$0x0], $0xffff  }
0x3b5: {  	v33 =	vor.u32 s6, v3;
	_ =	sdelay $0x3  }
0x3b6: {  	[tilespmem:s0+$0x14FA0] =	vst v6  }
0x3b7: {  	v6 =	vld.idx.msk [tilespmem:v33+s20+$0x0], $0xffff;
	_ =	sdelay $0x2  }
0x3b8: {  	s9 =	sand.u32 $0x7F, s10  }
0x3b9: {  	v34 =	vor.u32 s9, v0  }
0x3ba: {  	[tilespmem:s0+$0x14FB0] =	vst v6  }
0x3bb: {  	_ =	swait.ge [sflag:s24], $0x2000  }
0x3bc: {  	[sflag:s24] =	ssyncset.done $0x0  }
0x3bd: {  	[sflag:s24] =	ssyncadd.s32 $0xFFFFE000  }
0x3be: {  	v35 =	vld.idx.msk [tilespmem:v34+s21+$0x0], $0xffff  }
0x3bf: {  	v36 =	vor.u32 s9, v1;
	_ =	sdelay $0x3  }
0x3c0: {  	[tilespmem:s0+$0x18F80] =	vst v35  }
0x3c1: {  	(v2sf) =	vpush v4, $0xC;
	v6 =	vld.idx.msk [tilespmem:v36+s21+$0x0], $0xffff  }
0x3c2: {  	v37 =	vor.u32 s9, v2  }
0x3c3: {  	(v2sf) =	vpush v5, $0xC;
	_ =	sdelay $0x2  }
0x3c4: {  	[tilespmem:s0+$0x18F90] =	vst v6  }
0x3c5: {  	v6 =	vld.idx.msk [tilespmem:v37+s21+$0x0], $0xffff  }
0x3c6: {  	v38 =	vor.u32 s9, v3;
	_ =	sdelay $0x3  }
0x3c7: {  	[tilespmem:s0+$0x18FA0] =	vst v6  }
0x3c8: {  	v6 =	vld.idx.msk [tilespmem:v38+s21+$0x0], $0xffff;
	_ =	sdelay $0x2  }
0x3c9: {  	s6 =	spop (v2sf)  }
0x3ca: {  	s10 =	sand.u32 $0xFFFFF80, s6  }
0x3cb: {  	s9 =	sadd.s32 s1, s10;
	s10 =	spop (v2sf);
	[tilespmem:s0+$0x18FB0] =	vst v6  }
0x3cc: {  	[tilespmem:s20], [sflag:$0x1] =	stream.strided.gather [hbm4b:s9+s14], $0x2000, s13, s14, $0x38;
	[tilespmem:$0x1C400] =	vst v63  }
0x3cd: {  	s28 =	sand.u32 $0x7F, s28;
	s9 =	sand.u32 $0xFFFFF80, s10  }
0x3ce: {  	v39 =	vor.u32 s28, v0;
	s9 =	sadd.s32 s2, s9  }
0x3cf: {  	[tilespmem:s21], [sflag:$0x1] =	stream.strided.gather [hbm4b:s9+s14], $0x2000, s13, s14, $0x38;
	[tilespmem:$0x1C400] =	vst v63  }
0x3d0: {  	_ =	swait.ge [sflag:s24], $0x2000  }
0x3d1: {  	[sflag:s24] =	ssyncset.done $0x0  }
0x3d2: {  	[sflag:s24] =	ssyncadd.s32 $0xFFFFE000  }
0x3d3: {  	v6 =	vld.idx.msk [tilespmem:v39+s22+$0x0], $0xffff  }
0x3d4: {  	v40 =	vor.u32 s28, v1;
	_ =	sdelay $0x3  }
0x3d5: {  	[tilespmem:s0+$0x15000] =	vst v6  }
0x3d6: {  	v6 =	vld.idx.msk [tilespmem:v40+s22+$0x0], $0xffff  }
0x3d7: {  	v41 =	vor.u32 s28, v2;
	_ =	sdelay $0x3  }
0x3d8: {  	[tilespmem:s0+$0x15010] =	vst v6  }
0x3d9: {  	v6 =	vld.idx.msk [tilespmem:v41+s22+$0x0], $0xffff  }
0x3da: {  	v42 =	vor.u32 s28, v3;
	_ =	sdelay $0x3  }
0x3db: {  	[tilespmem:s0+$0x15020] =	vst v6  }
0x3dc: {  	v6 =	vld.idx.msk [tilespmem:v42+s22+$0x0], $0xffff;
	_ =	sdelay $0x2  }
0x3dd: {  	s3 =	sand.u32 $0x7F, s3  }
0x3de: {  	v43 =	vor.u32 s3, v0  }
0x3df: {  	[tilespmem:s0+$0x15030] =	vst v6  }
0x3e0: {  	_ =	swait.ge [sflag:s24], $0x2000  }
0x3e1: {  	[sflag:s24] =	ssyncset.done $0x0  }
0x3e2: {  	[sflag:s24] =	ssyncadd.s32 $0xFFFFE000  }
0x3e3: {  	v44 =	vld.idx.msk [tilespmem:v43+s23+$0x0], $0xffff  }
0x3e4: {  	v45 =	vor.u32 s3, v1;
	_ =	sdelay $0x3  }
0x3e5: {  	[tilespmem:s0+$0x19000] =	vst v44  }
0x3e6: {  	(v2sf) =	vpush v4, $0xD;
	v6 =	vld.idx.msk [tilespmem:v45+s23+$0x0], $0xffff  }
0x3e7: {  	v46 =	vor.u32 s3, v2;
	_ =	sdelay $0x2  }
0x3e8: {  	(v2sf) =	vpush v5, $0xD  }
0x3e9: {  	[tilespmem:s0+$0x19010] =	vst v6  }
0x3ea: {  	v6 =	vld.idx.msk [tilespmem:v46+s23+$0x0], $0xffff  }
0x3eb: {  	v47 =	vor.u32 s3, v3;
	_ =	sdelay $0x3  }
0x3ec: {  	[tilespmem:s0+$0x19020] =	vst v6  }
0x3ed: {  	v6 =	vld.idx.msk [tilespmem:v47+s23+$0x0], $0xffff;
	_ =	sdelay $0x2  }
0x3ee: {  	s28 =	spop (v2sf)  }
0x3ef: {  	s9 =	sand.u32 $0xFFFFF80, s28  }
0x3f0: {  	s3 =	sadd.s32 s1, s9;
	[tilespmem:s0+$0x19030] =	vst v6  }
0x3f1: {  	[tilespmem:s22], [sflag:$0x1] =	stream.strided.gather [hbm4b:s3+s14], $0x2000, s13, s14, $0x38;
	[tilespmem:$0x1C400] =	vst v63  }
0x3f2: {  	s3 =	spop (v2sf)  }
0x3f3: {  	s25 =	sand.u32 $0x7F, s25;
	s9 =	sand.u32 $0xFFFFF80, s3  }
0x3f4: {  	v48 =	vor.u32 s25, v0;
	s9 =	sadd.s32 s2, s9  }
0x3f5: {  	[tilespmem:s23], [sflag:$0x1] =	stream.strided.gather [hbm4b:s9+s14], $0x2000, s13, s14, $0x38;
	[tilespmem:$0x1C400] =	vst v63  }
0x3f6: {  	_ =	swait.ge [sflag:s24], $0x2000  }
0x3f7: {  	[sflag:s24] =	ssyncset.done $0x0  }
0x3f8: {  	[sflag:s24] =	ssyncadd.s32 $0xFFFFE000  }
0x3f9: {  	v6 =	vld.idx.msk [tilespmem:v48+s14+$0x0], $0xffff  }
0x3fa: {  	v49 =	vor.u32 s25, v1;
	_ =	sdelay $0x3  }
0x3fb: {  	[tilespmem:s0+$0x15080] =	vst v6  }
0x3fc: {  	v6 =	vld.idx.msk [tilespmem:v49+s14+$0x0], $0xffff  }
0x3fd: {  	v50 =	vor.u32 s25, v2;
	_ =	sdelay $0x3  }
0x3fe: {  	[tilespmem:s0+$0x15090] =	vst v6  }
0x3ff: {  	v6 =	vld.idx.msk [tilespmem:v50+s14+$0x0], $0xffff  }
0x400: {  	v51 =	vor.u32 s25, v3;
	_ =	sdelay $0x3  }
0x401: {  	[tilespmem:s0+$0x150A0] =	vst v6  }
0x402: {  	v6 =	vld.idx.msk [tilespmem:v51+s14+$0x0], $0xffff;
	_ =	sdelay $0x2  }
0x403: {  	s25 =	sand.u32 $0x7F, s12  }
0x404: {  	v52 =	vor.u32 s25, v0  }
0x405: {  	[tilespmem:s0+$0x150B0] =	vst v6  }
0x406: {  	_ =	swait.ge [sflag:s24], $0x2000  }
0x407: {  	[sflag:s24] =	ssyncset.done $0x0  }
0x408: {  	[sflag:s24] =	ssyncadd.s32 $0xFFFFE000  }
0x409: {  	v53 =	vld.idx.msk [tilespmem:v52+s15+$0x0], $0xffff  }
0x40a: {  	v54 =	vor.u32 s25, v1;
	_ =	sdelay $0x3  }
0x40b: {  	[tilespmem:s0+$0x19080] =	vst v53  }
0x40c: {  	(v2sf) =	vpush v4, $0xE;
	v6 =	vld.idx.msk [tilespmem:v54+s15+$0x0], $0xffff  }
0x40d: {  	v55 =	vor.u32 s25, v2  }
0x40e: {  	(v2sf) =	vpush v5, $0xE;
	_ =	sdelay $0x2  }
0x40f: {  	[tilespmem:s0+$0x19090] =	vst v6  }
0x410: {  	v6 =	vld.idx.msk [tilespmem:v55+s15+$0x0], $0xffff  }
0x411: {  	v56 =	vor.u32 s25, v3;
	_ =	sdelay $0x3  }
0x412: {  	[tilespmem:s0+$0x190A0] =	vst v6  }
0x413: {  	v6 =	vld.idx.msk [tilespmem:v56+s15+$0x0], $0xffff;
	_ =	sdelay $0x2  }
0x414: {  	s25 =	spop (v2sf)  }
0x415: {  	s12 =	sand.u32 $0xFFFFF80, s25  }
0x416: {  	s9 =	sadd.s32 s1, s12;
	s12 =	spop (v2sf);
	[tilespmem:s0+$0x190B0] =	vst v6  }
0x417: {  	[tilespmem:s14], [sflag:$0x1] =	stream.strided.gather [hbm4b:s9+s14], $0x2000, s13, s14, $0x38;
	[tilespmem:$0x1C400] =	vst v63  }
0x418: {  	s26 =	sand.u32 $0x7F, s26;
	s9 =	sand.u32 $0xFFFFF80, s12  }
0x419: {  	v57 =	vor.u32 s26, v0;
	s9 =	sadd.s32 s2, s9  }
0x41a: {  	[tilespmem:s15], [sflag:$0x1] =	stream.strided.gather [hbm4b:s9+s14], $0x2000, s13, s14, $0x38;
	[tilespmem:$0x1C400] =	vst v63  }
0x41b: {  	_ =	swait.ge [sflag:s24], $0x2000  }
0x41c: {  	[sflag:s24] =	ssyncset.done $0x0  }
0x41d: {  	[sflag:s24] =	ssyncadd.s32 $0xFFFFE000  }
0x41e: {  	v6 =	vld.idx.msk [tilespmem:v57+s16+$0x0], $0xffff  }
0x41f: {  	v58 =	vor.u32 s26, v1;
	_ =	sdelay $0x3  }
0x420: {  	[tilespmem:s0+$0x15100] =	vst v6  }
0x421: {  	v6 =	vld.idx.msk [tilespmem:v58+s16+$0x0], $0xffff  }
0x422: {  	v59 =	vor.u32 s26, v2;
	_ =	sdelay $0x3  }
0x423: {  	[tilespmem:s0+$0x15110] =	vst v6  }
0x424: {  	v6 =	vld.idx.msk [tilespmem:v59+s16+$0x0], $0xffff  }
0x425: {  	v60 =	vor.u32 s26, v3;
	_ =	sdelay $0x3  }
0x426: {  	[tilespmem:s0+$0x15120] =	vst v6  }
0x427: {  	v6 =	vld.idx.msk [tilespmem:v60+s16+$0x0], $0xffff;
	_ =	sdelay $0x2  }
0x428: {  	s7 =	sand.u32 $0x7F, s7  }
0x429: {  	v61 =	vor.u32 s7, v0  }
0x42a: {  	[tilespmem:s0+$0x15130] =	vst v6  }
0x42b: {  	_ =	swait.ge [sflag:s24], $0x2000  }
0x42c: {  	[sflag:s24] =	ssyncset.done $0x0  }
0x42d: {  	[sflag:s24] =	ssyncadd.s32 $0xFFFFE000  }
0x42e: {  	v62 =	vld.idx.msk [tilespmem:v61+s17+$0x0], $0xffff  }
0x42f: {  	v63 =	vor.u32 s7, v1;
	_ =	sdelay $0x3  }
0x430: {  	[tilespmem:s0+$0x19100] =	vst v62  }
0x431: {  	(v2sf) =	vpush v4, $0xF;
	v6 =	vld.idx.msk [tilespmem:v63+s17+$0x0], $0xffff  }
0x432: {  	v4 =	vor.u32 s7, v2;
	_ =	sdelay $0x2  }
0x433: {  	(v2sf) =	vpush v5, $0xF  }
0x434: {  	[tilespmem:s0+$0x19110] =	vst v6  }
0x435: {  	v4 =	vld.idx.msk [tilespmem:v4+s17+$0x0], $0xffff  }
0x436: {  	v5 =	vor.u32 s7, v3;
	_ =	sdelay $0x3  }
0x437: {  	[tilespmem:s0+$0x19120] =	vst v4  }
0x438: {  	v4 =	vld.idx.msk [tilespmem:v5+s17+$0x0], $0xffff;
	_ =	sdelay $0x2  }
0x439: {  	s26 =	spop (v2sf)  }
0x43a: {  	s9 =	sand.u32 $0xFFFFF80, s26  }
0x43b: {  	s7 =	sadd.s32 s1, s9;
	[tilespmem:s0+$0x19130] =	vst v4  }
0x43c: {  	[tilespmem:s16], [sflag:$0x1] =	stream.strided.gather [hbm4b:s7+s14], $0x2000, s13, s14, $0x38;
	[tilespmem:$0x1C400] =	vst v63  }
0x43d: {  	s7 =	spop (v2sf)  }
0x43e: {  	s5 =	sand.u32 $0x7F, s5;
	s9 =	sand.u32 $0xFFFFF80, s7  }
0x43f: {  	v4 =	vor.u32 s5, v0;
	s9 =	sadd.s32 s2, s9  }
0x440: {  	[tilespmem:s17], [sflag:$0x1] =	stream.strided.gather [hbm4b:s9+s14], $0x2000, s13, s14, $0x38;
	[tilespmem:$0x1C400] =	vst v63  }
0x441: {  	_ =	swait.ge [sflag:s24], $0x2000  }
0x442: {  	[sflag:s24] =	ssyncset.done $0x0  }
0x443: {  	[sflag:s24] =	ssyncadd.s32 $0xFFFFE000  }
0x444: {  	v4 =	vld.idx.msk [tilespmem:v4+s18+$0x0], $0xffff  }
0x445: {  	v5 =	vor.u32 s5, v1;
	_ =	sdelay $0x3  }
0x446: {  	[tilespmem:s0+$0x15180] =	vst v4  }
0x447: {  	v4 =	vld.idx.msk [tilespmem:v5+s18+$0x0], $0xffff  }
0x448: {  	v5 =	vor.u32 s5, v2;
	_ =	sdelay $0x3  }
0x449: {  	[tilespmem:s0+$0x15190] =	vst v4  }
0x44a: {  	v4 =	vld.idx.msk [tilespmem:v5+s18+$0x0], $0xffff  }
0x44b: {  	v5 =	vor.u32 s5, v3;
	_ =	sdelay $0x3  }
0x44c: {  	[tilespmem:s0+$0x151A0] =	vst v4  }
0x44d: {  	v4 =	vld.idx.msk [tilespmem:v5+s18+$0x0], $0xffff;
	_ =	sdelay $0x2  }
0x44e: {  	s9 =	sand.u32 $0x7F, s8  }
0x44f: {  	v5 =	vor.u32 s9, v0  }
0x450: {  	[tilespmem:s0+$0x151B0] =	vst v4  }
0x451: {  	_ =	swait.ge [sflag:s24], $0x2000  }
0x452: {  	[sflag:s24] =	ssyncset.done $0x0  }
0x453: {  	[sflag:s24] =	ssyncadd.s32 $0xFFFFE000  }
0x454: {  	v4 =	vld.idx.msk [tilespmem:v5+s19+$0x0], $0xffff  }
0x455: {  	v5 =	vor.u32 s9, v1;
	_ =	sdelay $0x3  }
0x456: {  	[tilespmem:s0+$0x19180] =	vst v4  }
0x457: {  	v4 =	vld.idx.msk [tilespmem:v5+s19+$0x0], $0xffff  }
0x458: {  	v5 =	vor.u32 s9, v2;
	_ =	sdelay $0x3  }
0x459: {  	[tilespmem:s0+$0x19190] =	vst v4  }
0x45a: {  	v4 =	vld.idx.msk [tilespmem:v5+s19+$0x0], $0xffff  }
0x45b: {  	v5 =	vor.u32 s9, v3;
	_ =	sdelay $0x3  }
0x45c: {  	[tilespmem:s0+$0x191A0] =	vst v4  }
0x45d: {  	v4 =	vld.idx.msk [tilespmem:v5+s19+$0x0], $0xffff;
	_ =	sdelay $0x2  }
0x45e: {  	s6 =	sand.u32 $0x7F, s6  }
0x45f: {  	v5 =	vor.u32 s6, v0  }
0x460: {  	[tilespmem:s0+$0x191B0] =	vst v4  }
0x461: {  	_ =	swait.ge [sflag:s24], $0x2000  }
0x462: {  	[sflag:s24] =	ssyncset.done $0x0  }
0x463: {  	[sflag:s24] =	ssyncadd.s32 $0xFFFFE000  }
0x464: {  	v4 =	vld.idx.msk [tilespmem:v5+s20+$0x0], $0xffff  }
0x465: {  	v5 =	vor.u32 s6, v1;
	_ =	sdelay $0x3  }
0x466: {  	[tilespmem:s0+$0x15200] =	vst v4  }
0x467: {  	v4 =	vld.idx.msk [tilespmem:v5+s20+$0x0], $0xffff  }
0x468: {  	v5 =	vor.u32 s6, v2;
	_ =	sdelay $0x3  }
0x469: {  	[tilespmem:s0+$0x15210] =	vst v4  }
0x46a: {  	v4 =	vld.idx.msk [tilespmem:v5+s20+$0x0], $0xffff  }
0x46b: {  	v5 =	vor.u32 s6, v3;
	_ =	sdelay $0x3  }
0x46c: {  	[tilespmem:s0+$0x15220] =	vst v4  }
0x46d: {  	v4 =	vld.idx.msk [tilespmem:v5+s20+$0x0], $0xffff;
	_ =	sdelay $0x2  }
0x46e: {  	s8 =	sand.u32 $0x7F, s10  }
0x46f: {  	v5 =	vor.u32 s8, v0  }
0x470: {  	[tilespmem:s0+$0x15230] =	vst v4  }
0x471: {  	_ =	swait.ge [sflag:s24], $0x2000  }
0x472: {  	[sflag:s24] =	ssyncset.done $0x0  }
0x473: {  	[sflag:s24] =	ssyncadd.s32 $0xFFFFE000  }
0x474: {  	v4 =	vld.idx.msk [tilespmem:v5+s21+$0x0], $0xffff  }
0x475: {  	v5 =	vor.u32 s8, v1;
	_ =	sdelay $0x3  }
0x476: {  	[tilespmem:s0+$0x19200] =	vst v4  }
0x477: {  	v4 =	vld.idx.msk [tilespmem:v5+s21+$0x0], $0xffff  }
0x478: {  	v5 =	vor.u32 s8, v2;
	_ =	sdelay $0x3  }
0x479: {  	[tilespmem:s0+$0x19210] =	vst v4  }
0x47a: {  	v4 =	vld.idx.msk [tilespmem:v5+s21+$0x0], $0xffff  }
0x47b: {  	v5 =	vor.u32 s8, v3;
	_ =	sdelay $0x3  }
0x47c: {  	[tilespmem:s0+$0x19220] =	vst v4  }
0x47d: {  	v4 =	vld.idx.msk [tilespmem:v5+s21+$0x0], $0xffff;
	_ =	sdelay $0x2  }
0x47e: {  	s9 =	sand.u32 $0x7F, s28  }
0x47f: {  	v5 =	vor.u32 s9, v0  }
0x480: {  	[tilespmem:s0+$0x19230] =	vst v4  }
0x481: {  	_ =	swait.ge [sflag:s24], $0x2000  }
0x482: {  	[sflag:s24] =	ssyncset.done $0x0  }
0x483: {  	[sflag:s24] =	ssyncadd.s32 $0xFFFFE000  }
0x484: {  	v4 =	vld.idx.msk [tilespmem:v5+s22+$0x0], $0xffff  }
0x485: {  	v5 =	vor.u32 s9, v1;
	_ =	sdelay $0x3  }
0x486: {  	[tilespmem:s0+$0x15280] =	vst v4  }
0x487: {  	v4 =	vld.idx.msk [tilespmem:v5+s22+$0x0], $0xffff  }
0x488: {  	v5 =	vor.u32 s9, v2;
	_ =	sdelay $0x3  }
0x489: {  	[tilespmem:s0+$0x15290] =	vst v4  }
0x48a: {  	v4 =	vld.idx.msk [tilespmem:v5+s22+$0x0], $0xffff  }
0x48b: {  	v5 =	vor.u32 s9, v3;
	_ =	sdelay $0x3  }
0x48c: {  	[tilespmem:s0+$0x152A0] =	vst v4  }
0x48d: {  	v4 =	vld.idx.msk [tilespmem:v5+s22+$0x0], $0xffff;
	_ =	sdelay $0x2  }
0x48e: {  	s3 =	sand.u32 $0x7F, s3  }
0x48f: {  	v5 =	vor.u32 s3, v0  }
0x490: {  	[tilespmem:s0+$0x152B0] =	vst v4  }
0x491: {  	_ =	swait.ge [sflag:s24], $0x2000  }
0x492: {  	[sflag:s24] =	ssyncset.done $0x0  }
0x493: {  	[sflag:s24] =	ssyncadd.s32 $0xFFFFE000  }
0x494: {  	v4 =	vld.idx.msk [tilespmem:v5+s23+$0x0], $0xffff  }
0x495: {  	v5 =	vor.u32 s3, v1;
	_ =	sdelay $0x3  }
0x496: {  	[tilespmem:s0+$0x19280] =	vst v4  }
0x497: {  	v4 =	vld.idx.msk [tilespmem:v5+s23+$0x0], $0xffff  }
0x498: {  	v5 =	vor.u32 s3, v2;
	_ =	sdelay $0x3  }
0x499: {  	[tilespmem:s0+$0x19290] =	vst v4  }
0x49a: {  	v4 =	vld.idx.msk [tilespmem:v5+s23+$0x0], $0xffff  }
0x49b: {  	v5 =	vor.u32 s3, v3;
	_ =	sdelay $0x3  }
0x49c: {  	[tilespmem:s0+$0x192A0] =	vst v4  }
0x49d: {  	v4 =	vld.idx.msk [tilespmem:v5+s23+$0x0], $0xffff;
	_ =	sdelay $0x2  }
0x49e: {  	s10 =	sand.u32 $0x7F, s25  }
0x49f: {  	v5 =	vor.u32 s10, v0  }
0x4a0: {  	[tilespmem:s0+$0x192B0] =	vst v4  }
0x4a1: {  	_ =	swait.ge [sflag:s24], $0x2000  }
0x4a2: {  	[sflag:s24] =	ssyncset.done $0x0  }
0x4a3: {  	[sflag:s24] =	ssyncadd.s32 $0xFFFFE000  }
0x4a4: {  	v4 =	vld.idx.msk [tilespmem:v5+s14+$0x0], $0xffff  }
0x4a5: {  	v5 =	vor.u32 s10, v1;
	_ =	sdelay $0x3  }
0x4a6: {  	[tilespmem:s0+$0x15300] =	vst v4  }
0x4a7: {  	v4 =	vld.idx.msk [tilespmem:v5+s14+$0x0], $0xffff  }
0x4a8: {  	v5 =	vor.u32 s10, v2;
	_ =	sdelay $0x3  }
0x4a9: {  	[tilespmem:s0+$0x15310] =	vst v4  }
0x4aa: {  	v4 =	vld.idx.msk [tilespmem:v5+s14+$0x0], $0xffff  }
0x4ab: {  	v5 =	vor.u32 s10, v3;
	_ =	sdelay $0x3  }
0x4ac: {  	[tilespmem:s0+$0x15320] =	vst v4  }
0x4ad: {  	v4 =	vld.idx.msk [tilespmem:v5+s14+$0x0], $0xffff;
	_ =	sdelay $0x2  }
0x4ae: {  	s25 =	sand.u32 $0x7F, s12  }
0x4af: {  	v5 =	vor.u32 s25, v0  }
0x4b0: {  	[tilespmem:s0+$0x15330] =	vst v4  }
0x4b1: {  	_ =	swait.ge [sflag:s24], $0x2000  }
0x4b2: {  	[sflag:s24] =	ssyncset.done $0x0  }
0x4b3: {  	[sflag:s24] =	ssyncadd.s32 $0xFFFFE000  }
0x4b4: {  	v4 =	vld.idx.msk [tilespmem:v5+s15+$0x0], $0xffff  }
0x4b5: {  	v5 =	vor.u32 s25, v1;
	_ =	sdelay $0x3  }
0x4b6: {  	[tilespmem:s0+$0x19300] =	vst v4  }
0x4b7: {  	v4 =	vld.idx.msk [tilespmem:v5+s15+$0x0], $0xffff  }
0x4b8: {  	v5 =	vor.u32 s25, v2;
	_ =	sdelay $0x3  }
0x4b9: {  	[tilespmem:s0+$0x19310] =	vst v4  }
0x4ba: {  	v4 =	vld.idx.msk [tilespmem:v5+s15+$0x0], $0xffff  }
0x4bb: {  	v5 =	vor.u32 s25, v3;
	_ =	sdelay $0x3  }
0x4bc: {  	[tilespmem:s0+$0x19320] =	vst v4  }
0x4bd: {  	v4 =	vld.idx.msk [tilespmem:v5+s15+$0x0], $0xffff;
	_ =	sdelay $0x2  }
0x4be: {  	s26 =	sand.u32 $0x7F, s26  }
0x4bf: {  	v5 =	vor.u32 s26, v0  }
0x4c0: {  	[tilespmem:s0+$0x19330] =	vst v4  }
0x4c1: {  	_ =	swait.ge [sflag:s24], $0x2000  }
0x4c2: {  	[sflag:s24] =	ssyncset.done $0x0  }
0x4c3: {  	[sflag:s24] =	ssyncadd.s32 $0xFFFFE000  }
0x4c4: {  	v4 =	vld.idx.msk [tilespmem:v5+s16+$0x0], $0xffff  }
0x4c5: {  	v5 =	vor.u32 s26, v1;
	_ =	sdelay $0x3  }
0x4c6: {  	[tilespmem:s0+$0x15380] =	vst v4  }
0x4c7: {  	v4 =	vld.idx.msk [tilespmem:v5+s16+$0x0], $0xffff  }
0x4c8: {  	v5 =	vor.u32 s26, v2;
	_ =	sdelay $0x3  }
0x4c9: {  	[tilespmem:s0+$0x15390] =	vst v4  }
0x4ca: {  	v4 =	vld.idx.msk [tilespmem:v5+s16+$0x0], $0xffff  }
0x4cb: {  	v5 =	vor.u32 s26, v3;
	_ =	sdelay $0x3  }
0x4cc: {  	[tilespmem:s0+$0x153A0] =	vst v4  }
0x4cd: {  	v4 =	vld.idx.msk [tilespmem:v5+s16+$0x0], $0xffff;
	_ =	sdelay $0x2  }
0x4ce: {  	s28 =	sand.u32 $0x7F, s7  }
0x4cf: {  	v5 =	vor.u32 s28, v0  }
0x4d0: {  	[tilespmem:s0+$0x153B0] =	vst v4  }
0x4d1: {  	_ =	swait.ge [sflag:s24], $0x2000  }
0x4d2: {  	[sflag:s24] =	ssyncset.done $0x0  }
0x4d3: {  	[sflag:s24] =	ssyncadd.s32 $0xFFFFE000  }
0x4d4: {  	v4 =	vld.idx.msk [tilespmem:v5+s17+$0x0], $0xffff  }
0x4d5: {  	v5 =	vor.u32 s28, v1;
	_ =	sdelay $0x3  }
0x4d6: {  	[tilespmem:s0+$0x19380] =	vst v4  }
0x4d7: {  	v4 =	vld.idx.msk [tilespmem:v5+s17+$0x0], $0xffff  }
0x4d8: {  	v5 =	vor.u32 s28, v2;
	_ =	sdelay $0x3  }
0x4d9: {  	[tilespmem:s0+$0x19390] =	vst v4  }
0x4da: {  	v4 =	vld.idx.msk [tilespmem:v5+s17+$0x0], $0xffff  }
0x4db: {  	v5 =	vor.u32 s28, v3;
	_ =	sdelay $0x3  }
0x4dc: {  	[tilespmem:s0+$0x193A0] =	vst v4  }
0x4dd: {  	p0 =	sne.s32 s31, $0x3;
	v4 =	vld.idx.msk [tilespmem:v5+s17+$0x0], $0xffff  }
.Ltmp0:
0x4de: {  	_ = 	snop;
	(pc) =	sbr.rel @p0 .LBB2_3-.Ltmp0, $2  }
0x4df: {  	_ =	sdelay $0x2  }
0x4e0: {  	s31 =	sadd.s32 $0x1, s31;
	[tilespmem:s0+$0x193B0] =	vst v4  }
0x4e1: {  	s0 =	sshll.u32 s29, $0xB;
	s3 =	rddreg [dreg:$0xb]  }
0x4e2: {  	s28 =	rddreg [dreg:$0x7];
	s0 =	sadd.s32 s3, s0  }
0x4e3: {  	s5 =	simm.s32 $0x14400;
	s3 =	sadd.s32 s28, s0  }
0x4e4: {  	[hbm4b:s3+s4] =	stream.linear.scatter [tilespmem:s5], [sflag:$0x2], $0x4000, $0x38;
	[tilespmem:$0x1C400] =	vst v63  }
0x4e5: {  	s31 =	simm.s32 $0x18400;
	s29 =	sadd.s32 $0x1, s29;
	_ =	swait.ge [sflag:s11], $0x4000  }
0x4e6: {  	p0 =	sne.s32 s29, $0x4;
	[sflag:s11] =	ssyncset.done $0x0;
	s30 =	rddreg [dreg:$0x8]  }
.Ltmp1:
0x4e7: {  	[sflag:s11] =	ssyncadd.s32 $0xFFFFC000;
	s0 =	sadd.s32 s30, s0;
	(pc) =	sbr.rel @p0 .LBB2_2-.Ltmp1, $4  }
0x4e8: {  	[hbm4b:s0+s4] =	stream.linear.scatter [tilespmem:s31], [sflag:$0x2], $0x4000, $0x38;
	[tilespmem:$0x1C400] =	vst v63  }
0x4e9: {  	_ =	swait.ge [sflag:s11], $0x4000  }
0x4ea: {  	[sflag:s11] =	ssyncset.done $0x0  }
0x4eb: {  	[sflag:s11] =	ssyncadd.s32 $0xFFFFC000  }
0x4ec: {  	s3 =	rddreg [dreg:$0xd]  }
0x4ed: {  	s0 =	rddreg [dreg:$0xc];
	s3 =	sadd.s32 $0x1, s3  }
0x4ee: {  	p0 =	sne.s32 s3, s0  }
.Ltmp2:
0x4ef: {  	_ = 	snop;
	(pc) =	sbr.rel @p0 .LBB2_1-.Ltmp2, $1  }
0x4f0: {  	_ =	sdelay $0x3  }
0x4f1: {  	_ =	sfence.sel $0x180000  }
0x4f2: {  	[bflag:$0x0] =	sbarrier.arrive $0xFFFF  }
0x4f3: {  	_ =	strace $0x90000047  }
0x4f4: {  	s0 =	stileid.u32;
	[bflag:$0x2] =	sbarrier.arrive $0xFFFF  }
0x4f5: {  	p0 =	sne.s32 s0, $0x0;
	s0 =	rddreg [dreg:$0x5]  }
0x4f6: {  	s0 =	sadd.s32 @!p0 $0x100000, s0  }
0x4f7: {  	[sflag:s0] =	ssyncadd.tile.s32 @!p0 $0x1;
	_ =	shalt  }
.Lfunc_end2:
_tile_overlayer_lowered:
.L_overlay_start_2:
0x4f8: {  	(tag) =	ssettag $0x2  }
0x4f9: {  	s0 =	rddreg [dreg:$0x0];
	s2 =	stileid.u32  }
0x4fa: {  	s1 =	rddreg [dreg:$0x1];
	p0 =	sne.s32 s2, $0x0  }
0x4fb: {  	s3 =	rddreg [dreg:$0x2];
	[bflag:$0x3] =	sbarrier.arrive $0xFFFF;
	s2 =	simm.s32 @!p0 $0x1C02  }
0x4fc: {  	[timem:s3], [sflag:s2] =	dma.local @!p0 [hbm:s0], s1  }
0x4fd: {  	s0 =	simm.s32 @!p0 $0x2  }
0x4fe: {  	_ =	swait.ge @!p0 [sflag:s0], s1  }
0x4ff: {  	s1 =	ssub.s32 @!p0 $0x0, s1;
	[sflag:s0] =	ssyncset.done @!p0 $0x0  }
0x500: {  	[sflag:s0] =	ssyncadd.s32 @!p0 s1  }
0x501: {  	[bflag:$0x3] =	sbarrier.arrive $0xFFFF  }
0x502: {  	_ =	shalt  }

</sc_bundles>
